<compile_context>
chip_gen: v7x
topology: tpu7x:2x2x1
jax: 0.10.2.dev20260603
libtpu: 0.0.44.dev20260713+nightly
codegen_flags: <defaults>
</compile_context>

<pallas_src>
import functools

import jax
import jax.numpy as jnp
from jax import lax
from jax.experimental import pallas as pl
from jax.experimental.pallas import tpu as pltpu
from jax.experimental.pallas import tpu_sc as plsc

_VOCAB = 100000
_EMB = 64
_BATCH = 1024
_VB = 4096


def _make_sc_gather():
    info = plsc.get_sparse_core_info()
    nc, ns = info.num_cores, info.num_subcores
    nw = nc * ns
    bpw = _BATCH // nw
    mesh = plsc.VectorSubcoreMesh(core_axis_name="c", subcore_axis_name="s")

    nchunk = 4
    nbuf = 3

    @functools.partial(
        pl.kernel,
        out_type=jax.ShapeDtypeStruct((_BATCH, _EMB), jnp.float32),
        mesh=mesh,
        scratch_types=[
            pltpu.VMEM((bpw,), jnp.int32),
            pltpu.VMEM((nbuf, nchunk, _EMB, 128), jnp.float32),
            pltpu.VMEM((bpw, _EMB), jnp.float32),
            pltpu.SemaphoreType.DMA,
            pltpu.SemaphoreType.DMA,
        ],
        compiler_params=pltpu.CompilerParams(
            disable_bounds_checks=True, needs_layout_passes=False
        ),
    )
    def sc_gather(table_hbm, idx_hbm, out_hbm, idx_v, tiles_v, rows_v, gsem, osem):
        wid = lax.axis_index("s") * nc + lax.axis_index("c")
        base = wid * bpw
        nround = bpw // nchunk
        pltpu.sync_copy(idx_hbm.at[pl.ds(base, bpw)], idx_v)
        tiles_idx = []
        lanes = []
        for g in range(bpw // 16):
            xv = idx_v[pl.ds(g * 16, 16)]
            tiles_idx.append(lax.shift_right_logical(xv, 7))
            lanes.append(xv & 127)

        def fire(rnd):
            buf = rnd % nbuf
            cps = []
            for j in range(nchunk):
                c = rnd * nchunk + j
                st = pl.multiple_of(tiles_idx[c // 16][c % 16] * 128, 128)
                cps.append(
                    pltpu.async_copy(
                        table_hbm.at[:, pl.ds(st, 128)],
                        tiles_v.at[buf, j],
                        gsem,
                    )
                )
            return cps

        def extract(rnd):
            buf = rnd % nbuf
            bvec = jnp.full((16,), buf, jnp.int32)
            for j in range(nchunk):
                c = rnd * nchunk + j
                jvec = jnp.full((16,), j, jnp.int32)
                lvec = jnp.broadcast_to(lanes[c // 16][c % 16], (16,))
                cvec = jnp.full((16,), c, jnp.int32)
                for r in range(_EMB // 16):
                    rows = lax.iota(jnp.int32, 16) + r * 16
                    v = plsc.load_gather(tiles_v, [bvec, jvec, rows, lvec])
                    rows_v[c, pl.ds(r * 16, 16)] = v

        pending = [fire(0), fire(1)]
        for rnd in range(nround):
            nxt = fire(rnd + 2) if rnd + 2 < nround else []
            for cp in pending.pop(0):
                cp.wait()
            extract(rnd)
            if nxt:
                pending.append(nxt)
        pltpu.async_copy(rows_v, out_hbm.at[pl.ds(base, bpw)], osem).wait()

    return sc_gather


_sc_gather = _make_sc_gather()


def _matmul_body(wt_ref, h_ref, b_ref, out_ref):
    out_ref[...] = (
        lax.dot_general(
            wt_ref[...],
            h_ref[...],
            (((0,), (1,)), ((), ())),
            preferred_element_type=jnp.float32,
        )
        + b_ref[...][:, None]
    )


@jax.jit
def kernel(x, embed_table, W, b):
    tbl_t = embed_table.T
    wt = W.T
    h = _sc_gather(tbl_t, x.astype(jnp.int32))
    logits_t = pl.pallas_call(
        _matmul_body,
        grid=(pl.cdiv(_VOCAB, _VB),),
        in_specs=[
            pl.BlockSpec((_EMB, _VB), lambda i: (0, i)),
            pl.BlockSpec((_BATCH, _EMB), lambda i: (0, 0)),
            pl.BlockSpec((_VB,), lambda i: (i,)),
        ],
        out_specs=pl.BlockSpec((_VB, _BATCH), lambda i: (i, 0)),
        out_shape=jax.ShapeDtypeStruct((_VOCAB, _BATCH), jnp.float32),
        compiler_params=pltpu.CompilerParams(vmem_limit_bytes=100 * 1024 * 1024),
    )(wt, h, b)
    return logits_t.T

# --- scband reference (transcript-rebuilt; emitter-appended) ---
"""Pipeline reference for scband-mini-transformer-67903432950321 (READ-ONLY COPY).

The authoritative reference and input builder live on the scoring server;
editing this copy changes nothing except your own understanding.
"""

import jax, jax.numpy as jnp
import numpy as np

VOCAB = 100000
EMB = 64
BATCH = 1024


def setup_inputs(seed: int = 0) -> dict:
    key = jax.random.key(seed)
    k1, k2, k3, k4 = jax.random.split(key, 4)
    x = jax.random.randint(k1, (BATCH,), 0, VOCAB, dtype=jnp.int64 if jax.config.jax_enable_x64 else jnp.int32)
    embed_table = jax.random.normal(k2, (VOCAB, EMB), dtype=jnp.float32)
    # nn.Linear(emb_size, vocab_size): weight [vocab, emb], bias [vocab]
    W = jax.random.normal(k3, (VOCAB, EMB), dtype=jnp.float32) * (1.0 / np.sqrt(EMB))
    b = jax.random.uniform(k4, (VOCAB,), dtype=jnp.float32, minval=-1.0 / np.sqrt(EMB), maxval=1.0 / np.sqrt(EMB))
    return {"x": x, "embed_table": embed_table, "W": W, "b": b}


def reference(x, embed_table, W, b):
    # x = self.embed(x) -> gather rows of embedding table
    h = jnp.take(embed_table, x, axis=0)          # [B, EMB]
    # x = self.fc(x) -> Linear: h @ W.T + b
    logits = h @ W.T + b                           # [B, VOCAB]
    return logits

if __name__ == "__main__":
    import jax
    _d = setup_inputs()
    print(jax.jit(kernel)(*tuple(_d.values())))

</pallas_src>

<mosaic_0001>
#map = affine_map<(d0, d1) -> (0, 0)>
#map1 = affine_map<(d0, d1) -> (0)>
module attributes {stable_mosaic.version = 14 : i64} {
  func.func @sc_gather(%arg0: i32, %arg1: i32, %arg2: memref<64x100000xf32, #tpu.memory_space<hbm>>, %arg3: memref<1024xi32, #tpu.memory_space<hbm>>, %arg4: memref<1024x64xf32, #tpu.memory_space<hbm>>, %arg5: memref<32xi32, #tpu.memory_space<vmem>>, %arg6: memref<3x4x64x128xf32, #tpu.memory_space<vmem>>, %arg7: memref<32x64xf32, #tpu.memory_space<vmem>>, %arg8: memref<!tpu.dma_semaphore, #tpu.memory_space<semaphore_mem>>, %arg9: memref<!tpu.dma_semaphore, #tpu.memory_space<semaphore_mem>>) attributes {dimension_semantics = [#tpu.dimension_semantics<core_parallel>, #tpu.dimension_semantics<subcore_parallel>], iteration_bounds = array<i64: 2, 16>, scalar_prefetch = 0 : i64, scratch_operands = 5 : i64, tpu.core_type = #tpu.core_type<sc_vector_subcore>, window_params = [{transform_indices = #map}, {transform_indices = #map1}, {transform_indices = #map}]} {
    %mul3A = arith.constant 2 : i32
    %mul3A_0 = arith.muli %arg1, %mul3A : i32
    %add3A = arith.addi %mul3A_0, %arg0 : i32
    %mul3A_1 = arith.constant 32 : i32
    %mul3A_2 = arith.muli %add3A, %mul3A_1 : i32
    "tpu.region"() ({
      %run_scoped3A = tpu.sem_alloc : memref<!tpu.dma_semaphore, #tpu.memory_space<semaphore_mem>>
      %dma_start3A_2463 = tpu.memref_slice %arg3[%mul3A_2] : memref<1024xi32, #tpu.memory_space<hbm>> -> memref<32xi32, #tpu.memory_space<hbm>>
      %dma_start3A_2464 = tpu.memref_slice %arg3[%mul3A_2] : memref<1024xi32, #tpu.memory_space<hbm>> -> memref<32xi32, #tpu.memory_space<hbm>>
      tpu.enqueue_dma source(%dma_start3A_2464 : memref<32xi32, #tpu.memory_space<hbm>>) target(%arg5 : memref<32xi32, #tpu.memory_space<vmem>>) target_semaphore(%run_scoped3A : memref<!tpu.dma_semaphore, #tpu.memory_space<semaphore_mem>>)
      %dma_wait3A_2465 = tpu.memref_slice %arg3[%mul3A_2] : memref<1024xi32, #tpu.memory_space<hbm>> -> memref<32xi32, #tpu.memory_space<hbm>>
      %dma_wait3A_2466 = tpu.memref_slice %arg3[%mul3A_2] : memref<1024xi32, #tpu.memory_space<hbm>> -> memref<32xi32, #tpu.memory_space<hbm>>
      tpu.wait_dma2 semaphore(%run_scoped3A : memref<!tpu.dma_semaphore, #tpu.memory_space<semaphore_mem>>) src(%dma_wait3A_2466 : memref<32xi32, #tpu.memory_space<hbm>>) dst(%arg5 : memref<32xi32, #tpu.memory_space<vmem>>)
      tpu.yield
    }) : () -> ()
    %get3A = arith.constant 0 : index
    %get3A_3 = tpu.vector_load %arg5[%get3A] {strides = array<i32>} : memref<32xi32, #tpu.memory_space<vmem>>, vector<16xi32>,
    %shift_right_logical3A = arith.constant 7 : i32
    %shift_right_logical3A_4 = vector.broadcast %shift_right_logical3A : i32 to vector<16xi32>
    %shift_right_logical3A_5 = arith.shrui %get3A_3, %shift_right_logical3A_4 : vector<16xi32>
    %and3A = arith.constant 127 : i32
    %and3A_6 = vector.broadcast %and3A : i32 to vector<16xi32>
    %and3A_7 = arith.andi %get3A_3, %and3A_6 : vector<16xi32>
    %get3A_8 = arith.constant 16 : index
    %get3A_9 = tpu.vector_load %arg5[%get3A_8] {strides = array<i32>} : memref<32xi32, #tpu.memory_space<vmem>>, vector<16xi32>,
    %shift_right_logical3A_10 = arith.constant 7 : i32
    %shift_right_logical3A_11 = vector.broadcast %shift_right_logical3A_10 : i32 to vector<16xi32>
    %shift_right_logical3A_12 = arith.shrui %get3A_9, %shift_right_logical3A_11 : vector<16xi32>
    %and3A_13 = arith.constant 127 : i32
    %and3A_14 = vector.broadcast %and3A_13 : i32 to vector<16xi32>
    %and3A_15 = arith.andi %get3A_9, %and3A_14 : vector<16xi32>
    %slice3A = vector.extract_strided_slice %shift_right_logical3A_5 {offsets = [0], sizes = [1], strides = [1]} : vector<16xi32> to vector<1xi32>
    %squeeze3A = vector.extract %slice3A[0] : i32 from vector<1xi32>
    %mul3A_16 = arith.constant 128 : i32
    %mul3A_17 = arith.muli %squeeze3A, %mul3A_16 : i32
    %multiple_of3A = tpu.assume_multiple %mul3A_17, 128 : i32
    %dma_start3A = arith.constant 0 : i32
    %dma_start3A_18 = arith.constant 0 : i32
    %dma_start3A_19 = arith.constant 0 : i32
    %dma_start3A_20 = arith.constant 0 : i32
    %dma_start3A_21 = tpu.memref_slice %arg6[%dma_start3A, %dma_start3A_18, %dma_start3A_19, %dma_start3A_20] : memref<3x4x64x128xf32, #tpu.memory_space<vmem>> -> memref<1x1x64x128xf32, #tpu.memory_space<vmem>>
    %dma_start3A_22 = tpu.memref_squeeze %dma_start3A_21 : memref<1x1x64x128xf32, #tpu.memory_space<vmem>> -> memref<64x128xf32, #tpu.memory_space<vmem>>
    %dma_start3A_23 = arith.constant 0 : i32
    %dma_start3A_24 = tpu.memref_slice %arg2[%dma_start3A_23, %multiple_of3A] : memref<64x100000xf32, #tpu.memory_space<hbm>> -> memref<64x128xf32, #tpu.memory_space<hbm>>
    %dma_start3A_25 = arith.constant 0 : i32
    %dma_start3A_26 = arith.constant 0 : i32
    %dma_start3A_27 = tpu.memref_slice %arg6[%dma_start3A, %dma_start3A_18, %dma_start3A_25, %dma_start3A_26] : memref<3x4x64x128xf32, #tpu.memory_space<vmem>> -> memref<1x1x64x128xf32, #tpu.memory_space<vmem>>
    %dma_start3A_28 = tpu.memref_squeeze %dma_start3A_27 : memref<1x1x64x128xf32, #tpu.memory_space<vmem>> -> memref<64x128xf32, #tpu.memory_space<vmem>>
    %dma_start3A_29 = arith.constant 0 : i32
    %dma_start3A_30 = tpu.memref_slice %arg2[%dma_start3A_29, %multiple_of3A] : memref<64x100000xf32, #tpu.memory_space<hbm>> -> memref<64x128xf32, #tpu.memory_space<hbm>>
    tpu.enqueue_dma source(%dma_start3A_30 : memref<64x128xf32, #tpu.memory_space<hbm>>) target(%dma_start3A_28 : memref<64x128xf32, #tpu.memory_space<vmem>>) target_semaphore(%arg8 : memref<!tpu.dma_semaphore, #tpu.memory_space<semaphore_mem>>)
    %slice3A_31 = vector.extract_strided_slice %shift_right_logical3A_5 {offsets = [1], sizes = [1], strides = [1]} : vector<16xi32> to vector<1xi32>
    %squeeze3A_32 = vector.extract %slice3A_31[0] : i32 from vector<1xi32>
    %mul3A_33 = arith.constant 128 : i32
    %mul3A_34 = arith.muli %squeeze3A_32, %mul3A_33 : i32
    %multiple_of3A_35 = tpu.assume_multiple %mul3A_34, 128 : i32
    %dma_start3A_36 = arith.constant 0 : i32
    %dma_start3A_37 = arith.constant 1 : i32
    %dma_start3A_38 = arith.constant 0 : i32
    %dma_start3A_39 = arith.constant 0 : i32
    %dma_start3A_40 = tpu.memref_slice %arg6[%dma_start3A_36, %dma_start3A_37, %dma_start3A_38, %dma_start3A_39] : memref<3x4x64x128xf32, #tpu.memory_space<vmem>> -> memref<1x1x64x128xf32, #tpu.memory_space<vmem>>
    %dma_start3A_41 = tpu.memref_squeeze %dma_start3A_40 : memref<1x1x64x128xf32, #tpu.memory_space<vmem>> -> memref<64x128xf32, #tpu.memory_space<vmem>>
    %dma_start3A_42 = arith.constant 0 : i32
    %dma_start3A_43 = tpu.memref_slice %arg2[%dma_start3A_42, %multiple_of3A_35] : memref<64x100000xf32, #tpu.memory_space<hbm>> -> memref<64x128xf32, #tpu.memory_space<hbm>>
    %dma_start3A_44 = arith.constant 0 : i32
    %dma_start3A_45 = arith.constant 0 : i32
    %dma_start3A_46 = tpu.memref_slice %arg6[%dma_start3A_36, %dma_start3A_37, %dma_start3A_44, %dma_start3A_45] : memref<3x4x64x128xf32, #tpu.memory_space<vmem>> -> memref<1x1x64x128xf32, #tpu.memory_space<vmem>>
    %dma_start3A_47 = tpu.memref_squeeze %dma_start3A_46 : memref<1x1x64x128xf32, #tpu.memory_space<vmem>> -> memref<64x128xf32, #tpu.memory_space<vmem>>
    %dma_start3A_48 = arith.constant 0 : i32
    %dma_start3A_49 = tpu.memref_slice %arg2[%dma_start3A_48, %multiple_of3A_35] : memref<64x100000xf32, #tpu.memory_space<hbm>> -> memref<64x128xf32, #tpu.memory_space<hbm>>
    tpu.enqueue_dma source(%dma_start3A_49 : memref<64x128xf32, #tpu.memory_space<hbm>>) target(%dma_start3A_47 : memref<64x128xf32, #tpu.memory_space<vmem>>) target_semaphore(%arg8 : memref<!tpu.dma_semaphore, #tpu.memory_space<semaphore_mem>>)
    %slice3A_50 = vector.extract_strided_slice %shift_right_logical3A_5 {offsets = [2], sizes = [1], strides = [1]} : vector<16xi32> to vector<1xi32>
    %squeeze3A_51 = vector.extract %slice3A_50[0] : i32 from vector<1xi32>
    %mul3A_52 = arith.constant 128 : i32
    %mul3A_53 = arith.muli %squeeze3A_51, %mul3A_52 : i32
    %multiple_of3A_54 = tpu.assume_multiple %mul3A_53, 128 : i32
    %dma_start3A_55 = arith.constant 0 : i32
    %dma_start3A_56 = arith.constant 2 : i32
    %dma_start3A_57 = arith.constant 0 : i32
    %dma_start3A_58 = arith.constant 0 : i32
    %dma_start3A_59 = tpu.memref_slice %arg6[%dma_start3A_55, %dma_start3A_56, %dma_start3A_57, %dma_start3A_58] : memref<3x4x64x128xf32, #tpu.memory_space<vmem>> -> memref<1x1x64x128xf32, #tpu.memory_space<vmem>>
    %dma_start3A_60 = tpu.memref_squeeze %dma_start3A_59 : memref<1x1x64x128xf32, #tpu.memory_space<vmem>> -> memref<64x128xf32, #tpu.memory_space<vmem>>
    %dma_start3A_61 = arith.constant 0 : i32
    %dma_start3A_62 = tpu.memref_slice %arg2[%dma_start3A_61, %multiple_of3A_54] : memref<64x100000xf32, #tpu.memory_space<hbm>> -> memref<64x128xf32, #tpu.memory_space<hbm>>
    %dma_start3A_63 = arith.constant 0 : i32
    %dma_start3A_64 = arith.constant 0 : i32
    %dma_start3A_65 = tpu.memref_slice %arg6[%dma_start3A_55, %dma_start3A_56, %dma_start3A_63, %dma_start3A_64] : memref<3x4x64x128xf32, #tpu.memory_space<vmem>> -> memref<1x1x64x128xf32, #tpu.memory_space<vmem>>
    %dma_start3A_66 = tpu.memref_squeeze %dma_start3A_65 : memref<1x1x64x128xf32, #tpu.memory_space<vmem>> -> memref<64x128xf32, #tpu.memory_space<vmem>>
    %dma_start3A_67 = arith.constant 0 : i32
    %dma_start3A_68 = tpu.memref_slice %arg2[%dma_start3A_67, %multiple_of3A_54] : memref<64x100000xf32, #tpu.memory_space<hbm>> -> memref<64x128xf32, #tpu.memory_space<hbm>>
    tpu.enqueue_dma source(%dma_start3A_68 : memref<64x128xf32, #tpu.memory_space<hbm>>) target(%dma_start3A_66 : memref<64x128xf32, #tpu.memory_space<vmem>>) target_semaphore(%arg8 : memref<!tpu.dma_semaphore, #tpu.memory_space<semaphore_mem>>)
    %slice3A_69 = vector.extract_strided_slice %shift_right_logical3A_5 {offsets = [3], sizes = [1], strides = [1]} : vector<16xi32> to vector<1xi32>
    %squeeze3A_70 = vector.extract %slice3A_69[0] : i32 from vector<1xi32>
    %mul3A_71 = arith.constant 128 : i32
    %mul3A_72 = arith.muli %squeeze3A_70, %mul3A_71 : i32
    %multiple_of3A_73 = tpu.assume_multiple %mul3A_72, 128 : i32
    %dma_start3A_74 = arith.constant 0 : i32
    %dma_start3A_75 = arith.constant 3 : i32
    %dma_start3A_76 = arith.constant 0 : i32
    %dma_start3A_77 = arith.constant 0 : i32
    %dma_start3A_78 = tpu.memref_slice %arg6[%dma_start3A_74, %dma_start3A_75, %dma_start3A_76, %dma_start3A_77] : memref<3x4x64x128xf32, #tpu.memory_space<vmem>> -> memref<1x1x64x128xf32, #tpu.memory_space<vmem>>
    %dma_start3A_79 = tpu.memref_squeeze %dma_start3A_78 : memref<1x1x64x128xf32, #tpu.memory_space<vmem>> -> memref<64x128xf32, #tpu.memory_space<vmem>>
    %dma_start3A_80 = arith.constant 0 : i32
    %dma_start3A_81 = tpu.memref_slice %arg2[%dma_start3A_80, %multiple_of3A_73] : memref<64x100000xf32, #tpu.memory_space<hbm>> -> memref<64x128xf32, #tpu.memory_space<hbm>>
    %dma_start3A_82 = arith.constant 0 : i32
    %dma_start3A_83 = arith.constant 0 : i32
    %dma_start3A_84 = tpu.memref_slice %arg6[%dma_start3A_74, %dma_start3A_75, %dma_start3A_82, %dma_start3A_83] : memref<3x4x64x128xf32, #tpu.memory_space<vmem>> -> memref<1x1x64x128xf32, #tpu.memory_space<vmem>>
    %dma_start3A_85 = tpu.memref_squeeze %dma_start3A_84 : memref<1x1x64x128xf32, #tpu.memory_space<vmem>> -> memref<64x128xf32, #tpu.memory_space<vmem>>
    %dma_start3A_86 = arith.constant 0 : i32
    %dma_start3A_87 = tpu.memref_slice %arg2[%dma_start3A_86, %multiple_of3A_73] : memref<64x100000xf32, #tpu.memory_space<hbm>> -> memref<64x128xf32, #tpu.memory_space<hbm>>
    tpu.enqueue_dma source(%dma_start3A_87 : memref<64x128xf32, #tpu.memory_space<hbm>>) target(%dma_start3A_85 : memref<64x128xf32, #tpu.memory_space<vmem>>) target_semaphore(%arg8 : memref<!tpu.dma_semaphore, #tpu.memory_space<semaphore_mem>>)
    %slice3A_88 = vector.extract_strided_slice %shift_right_logical3A_5 {offsets = [4], sizes = [1], strides = [1]} : vector<16xi32> to vector<1xi32>
    %squeeze3A_89 = vector.extract %slice3A_88[0] : i32 from vector<1xi32>
    %mul3A_90 = arith.constant 128 : i32
    %mul3A_91 = arith.muli %squeeze3A_89, %mul3A_90 : i32
    %multiple_of3A_92 = tpu.assume_multiple %mul3A_91, 128 : i32
    %dma_start3A_93 = arith.constant 1 : i32
    %dma_start3A_94 = arith.constant 0 : i32
    %dma_start3A_95 = arith.constant 0 : i32
    %dma_start3A_96 = arith.constant 0 : i32
    %dma_start3A_97 = tpu.memref_slice %arg6[%dma_start3A_93, %dma_start3A_94, %dma_start3A_95, %dma_start3A_96] : memref<3x4x64x128xf32, #tpu.memory_space<vmem>> -> memref<1x1x64x128xf32, #tpu.memory_space<vmem>>
    %dma_start3A_98 = tpu.memref_squeeze %dma_start3A_97 : memref<1x1x64x128xf32, #tpu.memory_space<vmem>> -> memref<64x128xf32, #tpu.memory_space<vmem>>
    %dma_start3A_99 = arith.constant 0 : i32
    %dma_start3A_100 = tpu.memref_slice %arg2[%dma_start3A_99, %multiple_of3A_92] : memref<64x100000xf32, #tpu.memory_space<hbm>> -> memref<64x128xf32, #tpu.memory_space<hbm>>
    %dma_start3A_101 = arith.constant 0 : i32
    %dma_start3A_102 = arith.constant 0 : i32
    %dma_start3A_103 = tpu.memref_slice %arg6[%dma_start3A_93, %dma_start3A_94, %dma_start3A_101, %dma_start3A_102] : memref<3x4x64x128xf32, #tpu.memory_space<vmem>> -> memref<1x1x64x128xf32, #tpu.memory_space<vmem>>
    %dma_start3A_104 = tpu.memref_squeeze %dma_start3A_103 : memref<1x1x64x128xf32, #tpu.memory_space<vmem>> -> memref<64x128xf32, #tpu.memory_space<vmem>>
    %dma_start3A_105 = arith.constant 0 : i32
    %dma_start3A_106 = tpu.memref_slice %arg2[%dma_start3A_105, %multiple_of3A_92] : memref<64x100000xf32, #tpu.memory_space<hbm>> -> memref<64x128xf32, #tpu.memory_space<hbm>>
    tpu.enqueue_dma source(%dma_start3A_106 : memref<64x128xf32, #tpu.memory_space<hbm>>) target(%dma_start3A_104 : memref<64x128xf32, #tpu.memory_space<vmem>>) target_semaphore(%arg8 : memref<!tpu.dma_semaphore, #tpu.memory_space<semaphore_mem>>)
    %slice3A_107 = vector.extract_strided_slice %shift_right_logical3A_5 {offsets = [5], sizes = [1], strides = [1]} : vector<16xi32> to vector<1xi32>
    %squeeze3A_108 = vector.extract %slice3A_107[0] : i32 from vector<1xi32>
    %mul3A_109 = arith.constant 128 : i32
    %mul3A_110 = arith.muli %squeeze3A_108, %mul3A_109 : i32
    %multiple_of3A_111 = tpu.assume_multiple %mul3A_110, 128 : i32
    %dma_start3A_112 = arith.constant 1 : i32
    %dma_start3A_113 = arith.constant 1 : i32
    %dma_start3A_114 = arith.constant 0 : i32
    %dma_start3A_115 = arith.constant 0 : i32
    %dma_start3A_116 = tpu.memref_slice %arg6[%dma_start3A_112, %dma_start3A_113, %dma_start3A_114, %dma_start3A_115] : memref<3x4x64x128xf32, #tpu.memory_space<vmem>> -> memref<1x1x64x128xf32, #tpu.memory_space<vmem>>
    %dma_start3A_117 = tpu.memref_squeeze %dma_start3A_116 : memref<1x1x64x128xf32, #tpu.memory_space<vmem>> -> memref<64x128xf32, #tpu.memory_space<vmem>>
    %dma_start3A_118 = arith.constant 0 : i32
    %dma_start3A_119 = tpu.memref_slice %arg2[%dma_start3A_118, %multiple_of3A_111] : memref<64x100000xf32, #tpu.memory_space<hbm>> -> memref<64x128xf32, #tpu.memory_space<hbm>>
    %dma_start3A_120 = arith.constant 0 : i32
    %dma_start3A_121 = arith.constant 0 : i32
    %dma_start3A_122 = tpu.memref_slice %arg6[%dma_start3A_112, %dma_start3A_113, %dma_start3A_120, %dma_start3A_121] : memref<3x4x64x128xf32, #tpu.memory_space<vmem>> -> memref<1x1x64x128xf32, #tpu.memory_space<vmem>>
    %dma_start3A_123 = tpu.memref_squeeze %dma_start3A_122 : memref<1x1x64x128xf32, #tpu.memory_space<vmem>> -> memref<64x128xf32, #tpu.memory_space<vmem>>
    %dma_start3A_124 = arith.constant 0 : i32
    %dma_start3A_125 = tpu.memref_slice %arg2[%dma_start3A_124, %multiple_of3A_111] : memref<64x100000xf32, #tpu.memory_space<hbm>> -> memref<64x128xf32, #tpu.memory_space<hbm>>
    tpu.enqueue_dma source(%dma_start3A_125 : memref<64x128xf32, #tpu.memory_space<hbm>>) target(%dma_start3A_123 : memref<64x128xf32, #tpu.memory_space<vmem>>) target_semaphore(%arg8 : memref<!tpu.dma_semaphore, #tpu.memory_space<semaphore_mem>>)
    %slice3A_126 = vector.extract_strided_slice %shift_right_logical3A_5 {offsets = [6], sizes = [1], strides = [1]} : vector<16xi32> to vector<1xi32>
    %squeeze3A_127 = vector.extract %slice3A_126[0] : i32 from vector<1xi32>
    %mul3A_128 = arith.constant 128 : i32
    %mul3A_129 = arith.muli %squeeze3A_127, %mul3A_128 : i32
    %multiple_of3A_130 = tpu.assume_multiple %mul3A_129, 128 : i32
    %dma_start3A_131 = arith.constant 1 : i32
    %dma_start3A_132 = arith.constant 2 : i32
    %dma_start3A_133 = arith.constant 0 : i32
    %dma_start3A_134 = arith.constant 0 : i32
    %dma_start3A_135 = tpu.memref_slice %arg6[%dma_start3A_131, %dma_start3A_132, %dma_start3A_133, %dma_start3A_134] : memref<3x4x64x128xf32, #tpu.memory_space<vmem>> -> memref<1x1x64x128xf32, #tpu.memory_space<vmem>>
    %dma_start3A_136 = tpu.memref_squeeze %dma_start3A_135 : memref<1x1x64x128xf32, #tpu.memory_space<vmem>> -> memref<64x128xf32, #tpu.memory_space<vmem>>
    %dma_start3A_137 = arith.constant 0 : i32
    %dma_start3A_138 = tpu.memref_slice %arg2[%dma_start3A_137, %multiple_of3A_130] : memref<64x100000xf32, #tpu.memory_space<hbm>> -> memref<64x128xf32, #tpu.memory_space<hbm>>
    %dma_start3A_139 = arith.constant 0 : i32
    %dma_start3A_140 = arith.constant 0 : i32
    %dma_start3A_141 = tpu.memref_slice %arg6[%dma_start3A_131, %dma_start3A_132, %dma_start3A_139, %dma_start3A_140] : memref<3x4x64x128xf32, #tpu.memory_space<vmem>> -> memref<1x1x64x128xf32, #tpu.memory_space<vmem>>
    %dma_start3A_142 = tpu.memref_squeeze %dma_start3A_141 : memref<1x1x64x128xf32, #tpu.memory_space<vmem>> -> memref<64x128xf32, #tpu.memory_space<vmem>>
    %dma_start3A_143 = arith.constant 0 : i32
    %dma_start3A_144 = tpu.memref_slice %arg2[%dma_start3A_143, %multiple_of3A_130] : memref<64x100000xf32, #tpu.memory_space<hbm>> -> memref<64x128xf32, #tpu.memory_space<hbm>>
    tpu.enqueue_dma source(%dma_start3A_144 : memref<64x128xf32, #tpu.memory_space<hbm>>) target(%dma_start3A_142 : memref<64x128xf32, #tpu.memory_space<vmem>>) target_semaphore(%arg8 : memref<!tpu.dma_semaphore, #tpu.memory_space<semaphore_mem>>)
    %slice3A_145 = vector.extract_strided_slice %shift_right_logical3A_5 {offsets = [7], sizes = [1], strides = [1]} : vector<16xi32> to vector<1xi32>
    %squeeze3A_146 = vector.extract %slice3A_145[0] : i32 from vector<1xi32>
    %mul3A_147 = arith.constant 128 : i32
    %mul3A_148 = arith.muli %squeeze3A_146, %mul3A_147 : i32
    %multiple_of3A_149 = tpu.assume_multiple %mul3A_148, 128 : i32
    %dma_start3A_150 = arith.constant 1 : i32
    %dma_start3A_151 = arith.constant 3 : i32
    %dma_start3A_152 = arith.constant 0 : i32
    %dma_start3A_153 = arith.constant 0 : i32
    %dma_start3A_154 = tpu.memref_slice %arg6[%dma_start3A_150, %dma_start3A_151, %dma_start3A_152, %dma_start3A_153] : memref<3x4x64x128xf32, #tpu.memory_space<vmem>> -> memref<1x1x64x128xf32, #tpu.memory_space<vmem>>
    %dma_start3A_155 = tpu.memref_squeeze %dma_start3A_154 : memref<1x1x64x128xf32, #tpu.memory_space<vmem>> -> memref<64x128xf32, #tpu.memory_space<vmem>>
    %dma_start3A_156 = arith.constant 0 : i32
    %dma_start3A_157 = tpu.memref_slice %arg2[%dma_start3A_156, %multiple_of3A_149] : memref<64x100000xf32, #tpu.memory_space<hbm>> -> memref<64x128xf32, #tpu.memory_space<hbm>>
    %dma_start3A_158 = arith.constant 0 : i32
    %dma_start3A_159 = arith.constant 0 : i32
    %dma_start3A_160 = tpu.memref_slice %arg6[%dma_start3A_150, %dma_start3A_151, %dma_start3A_158, %dma_start3A_159] : memref<3x4x64x128xf32, #tpu.memory_space<vmem>> -> memref<1x1x64x128xf32, #tpu.memory_space<vmem>>
    %dma_start3A_161 = tpu.memref_squeeze %dma_start3A_160 : memref<1x1x64x128xf32, #tpu.memory_space<vmem>> -> memref<64x128xf32, #tpu.memory_space<vmem>>
    %dma_start3A_162 = arith.constant 0 : i32
    %dma_start3A_163 = tpu.memref_slice %arg2[%dma_start3A_162, %multiple_of3A_149] : memref<64x100000xf32, #tpu.memory_space<hbm>> -> memref<64x128xf32, #tpu.memory_space<hbm>>
    tpu.enqueue_dma source(%dma_start3A_163 : memref<64x128xf32, #tpu.memory_space<hbm>>) target(%dma_start3A_161 : memref<64x128xf32, #tpu.memory_space<vmem>>) target_semaphore(%arg8 : memref<!tpu.dma_semaphore, #tpu.memory_space<semaphore_mem>>)
    %slice3A_164 = vector.extract_strided_slice %shift_right_logical3A_5 {offsets = [8], sizes = [1], strides = [1]} : vector<16xi32> to vector<1xi32>
    %squeeze3A_165 = vector.extract %slice3A_164[0] : i32 from vector<1xi32>
    %mul3A_166 = arith.constant 128 : i32
    %mul3A_167 = arith.muli %squeeze3A_165, %mul3A_166 : i32
    %multiple_of3A_168 = tpu.assume_multiple %mul3A_167, 128 : i32
    %dma_start3A_169 = arith.constant 2 : i32
    %dma_start3A_170 = arith.constant 0 : i32
    %dma_start3A_171 = arith.constant 0 : i32
    %dma_start3A_172 = arith.constant 0 : i32
    %dma_start3A_173 = tpu.memref_slice %arg6[%dma_start3A_169, %dma_start3A_170, %dma_start3A_171, %dma_start3A_172] : memref<3x4x64x128xf32, #tpu.memory_space<vmem>> -> memref<1x1x64x128xf32, #tpu.memory_space<vmem>>
    %dma_start3A_174 = tpu.memref_squeeze %dma_start3A_173 : memref<1x1x64x128xf32, #tpu.memory_space<vmem>> -> memref<64x128xf32, #tpu.memory_space<vmem>>
    %dma_start3A_175 = arith.constant 0 : i32
    %dma_start3A_176 = tpu.memref_slice %arg2[%dma_start3A_175, %multiple_of3A_168] : memref<64x100000xf32, #tpu.memory_space<hbm>> -> memref<64x128xf32, #tpu.memory_space<hbm>>
    %dma_start3A_177 = arith.constant 0 : i32
    %dma_start3A_178 = arith.constant 0 : i32
    %dma_start3A_179 = tpu.memref_slice %arg6[%dma_start3A_169, %dma_start3A_170, %dma_start3A_177, %dma_start3A_178] : memref<3x4x64x128xf32, #tpu.memory_space<vmem>> -> memref<1x1x64x128xf32, #tpu.memory_space<vmem>>
    %dma_start3A_180 = tpu.memref_squeeze %dma_start3A_179 : memref<1x1x64x128xf32, #tpu.memory_space<vmem>> -> memref<64x128xf32, #tpu.memory_space<vmem>>
    %dma_start3A_181 = arith.constant 0 : i32
    %dma_start3A_182 = tpu.memref_slice %arg2[%dma_start3A_181, %multiple_of3A_168] : memref<64x100000xf32, #tpu.memory_space<hbm>> -> memref<64x128xf32, #tpu.memory_space<hbm>>
    tpu.enqueue_dma source(%dma_start3A_182 : memref<64x128xf32, #tpu.memory_space<hbm>>) target(%dma_start3A_180 : memref<64x128xf32, #tpu.memory_space<vmem>>) target_semaphore(%arg8 : memref<!tpu.dma_semaphore, #tpu.memory_space<semaphore_mem>>)
    %slice3A_183 = vector.extract_strided_slice %shift_right_logical3A_5 {offsets = [9], sizes = [1], strides = [1]} : vector<16xi32> to vector<1xi32>
    %squeeze3A_184 = vector.extract %slice3A_183[0] : i32 from vector<1xi32>
    %mul3A_185 = arith.constant 128 : i32
    %mul3A_186 = arith.muli %squeeze3A_184, %mul3A_185 : i32
    %multiple_of3A_187 = tpu.assume_multiple %mul3A_186, 128 : i32
    %dma_start3A_188 = arith.constant 2 : i32
    %dma_start3A_189 = arith.constant 1 : i32
    %dma_start3A_190 = arith.constant 0 : i32
    %dma_start3A_191 = arith.constant 0 : i32
    %dma_start3A_192 = tpu.memref_slice %arg6[%dma_start3A_188, %dma_start3A_189, %dma_start3A_190, %dma_start3A_191] : memref<3x4x64x128xf32, #tpu.memory_space<vmem>> -> memref<1x1x64x128xf32, #tpu.memory_space<vmem>>
    %dma_start3A_193 = tpu.memref_squeeze %dma_start3A_192 : memref<1x1x64x128xf32, #tpu.memory_space<vmem>> -> memref<64x128xf32, #tpu.memory_space<vmem>>
    %dma_start3A_194 = arith.constant 0 : i32
    %dma_start3A_195 = tpu.memref_slice %arg2[%dma_start3A_194, %multiple_of3A_187] : memref<64x100000xf32, #tpu.memory_space<hbm>> -> memref<64x128xf32, #tpu.memory_space<hbm>>
    %dma_start3A_196 = arith.constant 0 : i32
    %dma_start3A_197 = arith.constant 0 : i32
    %dma_start3A_198 = tpu.memref_slice %arg6[%dma_start3A_188, %dma_start3A_189, %dma_start3A_196, %dma_start3A_197] : memref<3x4x64x128xf32, #tpu.memory_space<vmem>> -> memref<1x1x64x128xf32, #tpu.memory_space<vmem>>
    %dma_start3A_199 = tpu.memref_squeeze %dma_start3A_198 : memref<1x1x64x128xf32, #tpu.memory_space<vmem>> -> memref<64x128xf32, #tpu.memory_space<vmem>>
    %dma_start3A_200 = arith.constant 0 : i32
    %dma_start3A_201 = tpu.memref_slice %arg2[%dma_start3A_200, %multiple_of3A_187] : memref<64x100000xf32, #tpu.memory_space<hbm>> -> memref<64x128xf32, #tpu.memory_space<hbm>>
    tpu.enqueue_dma source(%dma_start3A_201 : memref<64x128xf32, #tpu.memory_space<hbm>>) target(%dma_start3A_199 : memref<64x128xf32, #tpu.memory_space<vmem>>) target_semaphore(%arg8 : memref<!tpu.dma_semaphore, #tpu.memory_space<semaphore_mem>>)
    %slice3A_202 = vector.extract_strided_slice %shift_right_logical3A_5 {offsets = [10], sizes = [1], strides = [1]} : vector<16xi32> to vector<1xi32>
    %squeeze3A_203 = vector.extract %slice3A_202[0] : i32 from vector<1xi32>
    %mul3A_204 = arith.constant 128 : i32
    %mul3A_205 = arith.muli %squeeze3A_203, %mul3A_204 : i32
    %multiple_of3A_206 = tpu.assume_multiple %mul3A_205, 128 : i32
    %dma_start3A_207 = arith.constant 2 : i32
    %dma_start3A_208 = arith.constant 2 : i32
    %dma_start3A_209 = arith.constant 0 : i32
    %dma_start3A_210 = arith.constant 0 : i32
    %dma_start3A_211 = tpu.memref_slice %arg6[%dma_start3A_207, %dma_start3A_208, %dma_start3A_209, %dma_start3A_210] : memref<3x4x64x128xf32, #tpu.memory_space<vmem>> -> memref<1x1x64x128xf32, #tpu.memory_space<vmem>>
    %dma_start3A_212 = tpu.memref_squeeze %dma_start3A_211 : memref<1x1x64x128xf32, #tpu.memory_space<vmem>> -> memref<64x128xf32, #tpu.memory_space<vmem>>
    %dma_start3A_213 = arith.constant 0 : i32
    %dma_start3A_214 = tpu.memref_slice %arg2[%dma_start3A_213, %multiple_of3A_206] : memref<64x100000xf32, #tpu.memory_space<hbm>> -> memref<64x128xf32, #tpu.memory_space<hbm>>
    %dma_start3A_215 = arith.constant 0 : i32
    %dma_start3A_216 = arith.constant 0 : i32
    %dma_start3A_217 = tpu.memref_slice %arg6[%dma_start3A_207, %dma_start3A_208, %dma_start3A_215, %dma_start3A_216] : memref<3x4x64x128xf32, #tpu.memory_space<vmem>> -> memref<1x1x64x128xf32, #tpu.memory_space<vmem>>
    %dma_start3A_218 = tpu.memref_squeeze %dma_start3A_217 : memref<1x1x64x128xf32, #tpu.memory_space<vmem>> -> memref<64x128xf32, #tpu.memory_space<vmem>>
    %dma_start3A_219 = arith.constant 0 : i32
    %dma_start3A_220 = tpu.memref_slice %arg2[%dma_start3A_219, %multiple_of3A_206] : memref<64x100000xf32, #tpu.memory_space<hbm>> -> memref<64x128xf32, #tpu.memory_space<hbm>>
    tpu.enqueue_dma source(%dma_start3A_220 : memref<64x128xf32, #tpu.memory_space<hbm>>) target(%dma_start3A_218 : memref<64x128xf32, #tpu.memory_space<vmem>>) target_semaphore(%arg8 : memref<!tpu.dma_semaphore, #tpu.memory_space<semaphore_mem>>)
    %slice3A_221 = vector.extract_strided_slice %shift_right_logical3A_5 {offsets = [11], sizes = [1], strides = [1]} : vector<16xi32> to vector<1xi32>
    %squeeze3A_222 = vector.extract %slice3A_221[0] : i32 from vector<1xi32>
    %mul3A_223 = arith.constant 128 : i32
    %mul3A_224 = arith.muli %squeeze3A_222, %mul3A_223 : i32
    %multiple_of3A_225 = tpu.assume_multiple %mul3A_224, 128 : i32
    %dma_start3A_226 = arith.constant 2 : i32
    %dma_start3A_227 = arith.constant 3 : i32
    %dma_start3A_228 = arith.constant 0 : i32
    %dma_start3A_229 = arith.constant 0 : i32
    %dma_start3A_230 = tpu.memref_slice %arg6[%dma_start3A_226, %dma_start3A_227, %dma_start3A_228, %dma_start3A_229] : memref<3x4x64x128xf32, #tpu.memory_space<vmem>> -> memref<1x1x64x128xf32, #tpu.memory_space<vmem>>
    %dma_start3A_231 = tpu.memref_squeeze %dma_start3A_230 : memref<1x1x64x128xf32, #tpu.memory_space<vmem>> -> memref<64x128xf32, #tpu.memory_space<vmem>>
    %dma_start3A_232 = arith.constant 0 : i32
    %dma_start3A_233 = tpu.memref_slice %arg2[%dma_start3A_232, %multiple_of3A_225] : memref<64x100000xf32, #tpu.memory_space<hbm>> -> memref<64x128xf32, #tpu.memory_space<hbm>>
    %dma_start3A_234 = arith.constant 0 : i32
    %dma_start3A_235 = arith.constant 0 : i32
    %dma_start3A_236 = tpu.memref_slice %arg6[%dma_start3A_226, %dma_start3A_227, %dma_start3A_234, %dma_start3A_235] : memref<3x4x64x128xf32, #tpu.memory_space<vmem>> -> memref<1x1x64x128xf32, #tpu.memory_space<vmem>>
    %dma_start3A_237 = tpu.memref_squeeze %dma_start3A_236 : memref<1x1x64x128xf32, #tpu.memory_space<vmem>> -> memref<64x128xf32, #tpu.memory_space<vmem>>
    %dma_start3A_238 = arith.constant 0 : i32
    %dma_start3A_239 = tpu.memref_slice %arg2[%dma_start3A_238, %multiple_of3A_225] : memref<64x100000xf32, #tpu.memory_space<hbm>> -> memref<64x128xf32, #tpu.memory_space<hbm>>
    tpu.enqueue_dma source(%dma_start3A_239 : memref<64x128xf32, #tpu.memory_space<hbm>>) target(%dma_start3A_237 : memref<64x128xf32, #tpu.memory_space<vmem>>) target_semaphore(%arg8 : memref<!tpu.dma_semaphore, #tpu.memory_space<semaphore_mem>>)
    %dma_wait3A = arith.constant 0 : i32
    %dma_wait3A_240 = arith.constant 0 : i32
    %dma_wait3A_241 = arith.constant 0 : i32
    %dma_wait3A_242 = arith.constant 0 : i32
    %dma_wait3A_243 = tpu.memref_slice %arg6[%dma_wait3A, %dma_wait3A_240, %dma_wait3A_241, %dma_wait3A_242] : memref<3x4x64x128xf32, #tpu.memory_space<vmem>> -> memref<1x1x64x128xf32, #tpu.memory_space<vmem>>
    %dma_wait3A_244 = tpu.memref_squeeze %dma_wait3A_243 : memref<1x1x64x128xf32, #tpu.memory_space<vmem>> -> memref<64x128xf32, #tpu.memory_space<vmem>>
    %dma_wait3A_245 = arith.constant 0 : i32
    %dma_wait3A_246 = tpu.memref_slice %arg2[%dma_wait3A_245, %multiple_of3A] : memref<64x100000xf32, #tpu.memory_space<hbm>> -> memref<64x128xf32, #tpu.memory_space<hbm>>
    %dma_wait3A_247 = arith.constant 0 : i32
    %dma_wait3A_248 = arith.constant 0 : i32
    %dma_wait3A_249 = tpu.memref_slice %arg6[%dma_wait3A, %dma_wait3A_240, %dma_wait3A_247, %dma_wait3A_248] : memref<3x4x64x128xf32, #tpu.memory_space<vmem>> -> memref<1x1x64x128xf32, #tpu.memory_space<vmem>>
    %dma_wait3A_250 = tpu.memref_squeeze %dma_wait3A_249 : memref<1x1x64x128xf32, #tpu.memory_space<vmem>> -> memref<64x128xf32, #tpu.memory_space<vmem>>
    %dma_wait3A_251 = arith.constant 0 : i32
    %dma_wait3A_252 = tpu.memref_slice %arg2[%dma_wait3A_251, %multiple_of3A] : memref<64x100000xf32, #tpu.memory_space<hbm>> -> memref<64x128xf32, #tpu.memory_space<hbm>>
    tpu.wait_dma2 semaphore(%arg8 : memref<!tpu.dma_semaphore, #tpu.memory_space<semaphore_mem>>) src(%dma_wait3A_252 : memref<64x128xf32, #tpu.memory_space<hbm>>) dst(%dma_wait3A_250 : memref<64x128xf32, #tpu.memory_space<vmem>>)
    %dma_wait3A_253 = arith.constant 0 : i32
    %dma_wait3A_254 = arith.constant 1 : i32
    %dma_wait3A_255 = arith.constant 0 : i32
    %dma_wait3A_256 = arith.constant 0 : i32
    %dma_wait3A_257 = tpu.memref_slice %arg6[%dma_wait3A_253, %dma_wait3A_254, %dma_wait3A_255, %dma_wait3A_256] : memref<3x4x64x128xf32, #tpu.memory_space<vmem>> -> memref<1x1x64x128xf32, #tpu.memory_space<vmem>>
    %dma_wait3A_258 = tpu.memref_squeeze %dma_wait3A_257 : memref<1x1x64x128xf32, #tpu.memory_space<vmem>> -> memref<64x128xf32, #tpu.memory_space<vmem>>
    %dma_wait3A_259 = arith.constant 0 : i32
    %dma_wait3A_260 = tpu.memref_slice %arg2[%dma_wait3A_259, %multiple_of3A_35] : memref<64x100000xf32, #tpu.memory_space<hbm>> -> memref<64x128xf32, #tpu.memory_space<hbm>>
    %dma_wait3A_261 = arith.constant 0 : i32
    %dma_wait3A_262 = arith.constant 0 : i32
    %dma_wait3A_263 = tpu.memref_slice %arg6[%dma_wait3A_253, %dma_wait3A_254, %dma_wait3A_261, %dma_wait3A_262] : memref<3x4x64x128xf32, #tpu.memory_space<vmem>> -> memref<1x1x64x128xf32, #tpu.memory_space<vmem>>
    %dma_wait3A_264 = tpu.memref_squeeze %dma_wait3A_263 : memref<1x1x64x128xf32, #tpu.memory_space<vmem>> -> memref<64x128xf32, #tpu.memory_space<vmem>>
    %dma_wait3A_265 = arith.constant 0 : i32
    %dma_wait3A_266 = tpu.memref_slice %arg2[%dma_wait3A_265, %multiple_of3A_35] : memref<64x100000xf32, #tpu.memory_space<hbm>> -> memref<64x128xf32, #tpu.memory_space<hbm>>
    tpu.wait_dma2 semaphore(%arg8 : memref<!tpu.dma_semaphore, #tpu.memory_space<semaphore_mem>>) src(%dma_wait3A_266 : memref<64x128xf32, #tpu.memory_space<hbm>>) dst(%dma_wait3A_264 : memref<64x128xf32, #tpu.memory_space<vmem>>)
    %dma_wait3A_267 = arith.constant 0 : i32
    %dma_wait3A_268 = arith.constant 2 : i32
    %dma_wait3A_269 = arith.constant 0 : i32
    %dma_wait3A_270 = arith.constant 0 : i32
    %dma_wait3A_271 = tpu.memref_slice %arg6[%dma_wait3A_267, %dma_wait3A_268, %dma_wait3A_269, %dma_wait3A_270] : memref<3x4x64x128xf32, #tpu.memory_space<vmem>> -> memref<1x1x64x128xf32, #tpu.memory_space<vmem>>
    %dma_wait3A_272 = tpu.memref_squeeze %dma_wait3A_271 : memref<1x1x64x128xf32, #tpu.memory_space<vmem>> -> memref<64x128xf32, #tpu.memory_space<vmem>>
    %dma_wait3A_273 = arith.constant 0 : i32
    %dma_wait3A_274 = tpu.memref_slice %arg2[%dma_wait3A_273, %multiple_of3A_54] : memref<64x100000xf32, #tpu.memory_space<hbm>> -> memref<64x128xf32, #tpu.memory_space<hbm>>
    %dma_wait3A_275 = arith.constant 0 : i32
    %dma_wait3A_276 = arith.constant 0 : i32
    %dma_wait3A_277 = tpu.memref_slice %arg6[%dma_wait3A_267, %dma_wait3A_268, %dma_wait3A_275, %dma_wait3A_276] : memref<3x4x64x128xf32, #tpu.memory_space<vmem>> -> memref<1x1x64x128xf32, #tpu.memory_space<vmem>>
    %dma_wait3A_278 = tpu.memref_squeeze %dma_wait3A_277 : memref<1x1x64x128xf32, #tpu.memory_space<vmem>> -> memref<64x128xf32, #tpu.memory_space<vmem>>
    %dma_wait3A_279 = arith.constant 0 : i32
    %dma_wait3A_280 = tpu.memref_slice %arg2[%dma_wait3A_279, %multiple_of3A_54] : memref<64x100000xf32, #tpu.memory_space<hbm>> -> memref<64x128xf32, #tpu.memory_space<hbm>>
    tpu.wait_dma2 semaphore(%arg8 : memref<!tpu.dma_semaphore, #tpu.memory_space<semaphore_mem>>) src(%dma_wait3A_280 : memref<64x128xf32, #tpu.memory_space<hbm>>) dst(%dma_wait3A_278 : memref<64x128xf32, #tpu.memory_space<vmem>>)
    %dma_wait3A_281 = arith.constant 0 : i32
    %dma_wait3A_282 = arith.constant 3 : i32
    %dma_wait3A_283 = arith.constant 0 : i32
    %dma_wait3A_284 = arith.constant 0 : i32
    %dma_wait3A_285 = tpu.memref_slice %arg6[%dma_wait3A_281, %dma_wait3A_282, %dma_wait3A_283, %dma_wait3A_284] : memref<3x4x64x128xf32, #tpu.memory_space<vmem>> -> memref<1x1x64x128xf32, #tpu.memory_space<vmem>>
    %dma_wait3A_286 = tpu.memref_squeeze %dma_wait3A_285 : memref<1x1x64x128xf32, #tpu.memory_space<vmem>> -> memref<64x128xf32, #tpu.memory_space<vmem>>
    %dma_wait3A_287 = arith.constant 0 : i32
    %dma_wait3A_288 = tpu.memref_slice %arg2[%dma_wait3A_287, %multiple_of3A_73] : memref<64x100000xf32, #tpu.memory_space<hbm>> -> memref<64x128xf32, #tpu.memory_space<hbm>>
    %dma_wait3A_289 = arith.constant 0 : i32
    %dma_wait3A_290 = arith.constant 0 : i32
    %dma_wait3A_291 = tpu.memref_slice %arg6[%dma_wait3A_281, %dma_wait3A_282, %dma_wait3A_289, %dma_wait3A_290] : memref<3x4x64x128xf32, #tpu.memory_space<vmem>> -> memref<1x1x64x128xf32, #tpu.memory_space<vmem>>
    %dma_wait3A_292 = tpu.memref_squeeze %dma_wait3A_291 : memref<1x1x64x128xf32, #tpu.memory_space<vmem>> -> memref<64x128xf32, #tpu.memory_space<vmem>>
    %dma_wait3A_293 = arith.constant 0 : i32
    %dma_wait3A_294 = tpu.memref_slice %arg2[%dma_wait3A_293, %multiple_of3A_73] : memref<64x100000xf32, #tpu.memory_space<hbm>> -> memref<64x128xf32, #tpu.memory_space<hbm>>
    tpu.wait_dma2 semaphore(%arg8 : memref<!tpu.dma_semaphore, #tpu.memory_space<semaphore_mem>>) src(%dma_wait3A_294 : memref<64x128xf32, #tpu.memory_space<hbm>>) dst(%dma_wait3A_292 : memref<64x128xf32, #tpu.memory_space<vmem>>)
    %broadcast_in_dim3A = arith.constant 0 : i32
    %broadcast_in_dim3A_295 = vector.broadcast %broadcast_in_dim3A : i32 to vector<16xi32>
    %broadcast_in_dim3A_296 = arith.constant 0 : i32
    %broadcast_in_dim3A_297 = vector.broadcast %broadcast_in_dim3A_296 : i32 to vector<16xi32>
    %slice3A_298 = vector.extract_strided_slice %and3A_7 {offsets = [0], sizes = [1], strides = [1]} : vector<16xi32> to vector<1xi32>
    %squeeze3A_299 = vector.extract %slice3A_298[0] : i32 from vector<1xi32>
    %broadcast_in_dim3A_300 = vector.broadcast %squeeze3A_299 : i32 to vector<16xi32>
    %broadcast_in_dim3A_301 = arith.constant 0 : i32
    %broadcast_in_dim3A_302 = vector.broadcast %broadcast_in_dim3A_301 : i32 to vector<16xi32>
    %iota3A = tpu.iota {dimensions = array<i32: 0>} : vector<16xi32>
    %add3A_303 = arith.constant 0 : i32
    %add3A_304 = vector.broadcast %add3A_303 : i32 to vector<16xi32>
    %add3A_305 = arith.addi %iota3A, %add3A_304 : vector<16xi32>
    %gather3A = tpu.vector_load_idx %arg6[%broadcast_in_dim3A_295, %broadcast_in_dim3A_297, %add3A_305, %broadcast_in_dim3A_300] : memref<3x4x64x128xf32, #tpu.memory_space<vmem>>[vector<16xi32>, vector<16xi32>, vector<16xi32>, vector<16xi32>], vector<16xf32>,
    %swap3A = arith.constant 0 : i32
    %swap3A_306 = arith.index_cast %swap3A : i32 to index
    %swap3A_307 = arith.constant 0 : index
    %swap3A_308 = tpu.vector_load %arg7[%swap3A_306, %swap3A_307] {strides = array<i32>} : memref<32x64xf32, #tpu.memory_space<vmem>>, vector<16xf32>,
    tpu.vector_store %arg7[%swap3A_306, %swap3A_307], %gather3A {strides = array<i32>} : memref<32x64xf32, #tpu.memory_space<vmem>>, vector<16xf32>,
    %iota3A_309 = tpu.iota {dimensions = array<i32: 0>} : vector<16xi32>
    %add3A_310 = arith.constant 16 : i32
    %add3A_311 = vector.broadcast %add3A_310 : i32 to vector<16xi32>
    %add3A_312 = arith.addi %iota3A_309, %add3A_311 : vector<16xi32>
    %gather3A_313 = tpu.vector_load_idx %arg6[%broadcast_in_dim3A_295, %broadcast_in_dim3A_297, %add3A_312, %broadcast_in_dim3A_300] : memref<3x4x64x128xf32, #tpu.memory_space<vmem>>[vector<16xi32>, vector<16xi32>, vector<16xi32>, vector<16xi32>], vector<16xf32>,
    %swap3A_314 = arith.constant 0 : i32
    %swap3A_315 = arith.index_cast %swap3A_314 : i32 to index
    %swap3A_316 = arith.constant 16 : index
    %swap3A_317 = tpu.vector_load %arg7[%swap3A_315, %swap3A_316] {strides = array<i32>} : memref<32x64xf32, #tpu.memory_space<vmem>>, vector<16xf32>,
    tpu.vector_store %arg7[%swap3A_315, %swap3A_316], %gather3A_313 {strides = array<i32>} : memref<32x64xf32, #tpu.memory_space<vmem>>, vector<16xf32>,
    %iota3A_318 = tpu.iota {dimensions = array<i32: 0>} : vector<16xi32>
    %add3A_319 = arith.constant 32 : i32
    %add3A_320 = vector.broadcast %add3A_319 : i32 to vector<16xi32>
    %add3A_321 = arith.addi %iota3A_318, %add3A_320 : vector<16xi32>
    %gather3A_322 = tpu.vector_load_idx %arg6[%broadcast_in_dim3A_295, %broadcast_in_dim3A_297, %add3A_321, %broadcast_in_dim3A_300] : memref<3x4x64x128xf32, #tpu.memory_space<vmem>>[vector<16xi32>, vector<16xi32>, vector<16xi32>, vector<16xi32>], vector<16xf32>,
    %swap3A_323 = arith.constant 0 : i32
    %swap3A_324 = arith.index_cast %swap3A_323 : i32 to index
    %swap3A_325 = arith.constant 32 : index
    %swap3A_326 = tpu.vector_load %arg7[%swap3A_324, %swap3A_325] {strides = array<i32>} : memref<32x64xf32, #tpu.memory_space<vmem>>, vector<16xf32>,
    tpu.vector_store %arg7[%swap3A_324, %swap3A_325], %gather3A_322 {strides = array<i32>} : memref<32x64xf32, #tpu.memory_space<vmem>>, vector<16xf32>,
    %iota3A_327 = tpu.iota {dimensions = array<i32: 0>} : vector<16xi32>
    %add3A_328 = arith.constant 48 : i32
    %add3A_329 = vector.broadcast %add3A_328 : i32 to vector<16xi32>
    %add3A_330 = arith.addi %iota3A_327, %add3A_329 : vector<16xi32>
    %gather3A_331 = tpu.vector_load_idx %arg6[%broadcast_in_dim3A_295, %broadcast_in_dim3A_297, %add3A_330, %broadcast_in_dim3A_300] : memref<3x4x64x128xf32, #tpu.memory_space<vmem>>[vector<16xi32>, vector<16xi32>, vector<16xi32>, vector<16xi32>], vector<16xf32>,
    %swap3A_332 = arith.constant 0 : i32
    %swap3A_333 = arith.index_cast %swap3A_332 : i32 to index
    %swap3A_334 = arith.constant 48 : index
    %swap3A_335 = tpu.vector_load %arg7[%swap3A_333, %swap3A_334] {strides = array<i32>} : memref<32x64xf32, #tpu.memory_space<vmem>>, vector<16xf32>,
    tpu.vector_store %arg7[%swap3A_333, %swap3A_334], %gather3A_331 {strides = array<i32>} : memref<32x64xf32, #tpu.memory_space<vmem>>, vector<16xf32>,
    %broadcast_in_dim3A_336 = arith.constant 1 : i32
    %broadcast_in_dim3A_337 = vector.broadcast %broadcast_in_dim3A_336 : i32 to vector<16xi32>
    %slice3A_338 = vector.extract_strided_slice %and3A_7 {offsets = [1], sizes = [1], strides = [1]} : vector<16xi32> to vector<1xi32>
    %squeeze3A_339 = vector.extract %slice3A_338[0] : i32 from vector<1xi32>
    %broadcast_in_dim3A_340 = vector.broadcast %squeeze3A_339 : i32 to vector<16xi32>
    %broadcast_in_dim3A_341 = arith.constant 1 : i32
    %broadcast_in_dim3A_342 = vector.broadcast %broadcast_in_dim3A_341 : i32 to vector<16xi32>
    %iota3A_343 = tpu.iota {dimensions = array<i32: 0>} : vector<16xi32>
    %add3A_344 = arith.constant 0 : i32
    %add3A_345 = vector.broadcast %add3A_344 : i32 to vector<16xi32>
    %add3A_346 = arith.addi %iota3A_343, %add3A_345 : vector<16xi32>
    %gather3A_347 = tpu.vector_load_idx %arg6[%broadcast_in_dim3A_295, %broadcast_in_dim3A_337, %add3A_346, %broadcast_in_dim3A_340] : memref<3x4x64x128xf32, #tpu.memory_space<vmem>>[vector<16xi32>, vector<16xi32>, vector<16xi32>, vector<16xi32>], vector<16xf32>,
    %swap3A_348 = arith.constant 1 : i32
    %swap3A_349 = arith.index_cast %swap3A_348 : i32 to index
    %swap3A_350 = arith.constant 0 : index
    %swap3A_351 = tpu.vector_load %arg7[%swap3A_349, %swap3A_350] {strides = array<i32>} : memref<32x64xf32, #tpu.memory_space<vmem>>, vector<16xf32>,
    tpu.vector_store %arg7[%swap3A_349, %swap3A_350], %gather3A_347 {strides = array<i32>} : memref<32x64xf32, #tpu.memory_space<vmem>>, vector<16xf32>,
    %iota3A_352 = tpu.iota {dimensions = array<i32: 0>} : vector<16xi32>
    %add3A_353 = arith.constant 16 : i32
    %add3A_354 = vector.broadcast %add3A_353 : i32 to vector<16xi32>
    %add3A_355 = arith.addi %iota3A_352, %add3A_354 : vector<16xi32>
    %gather3A_356 = tpu.vector_load_idx %arg6[%broadcast_in_dim3A_295, %broadcast_in_dim3A_337, %add3A_355, %broadcast_in_dim3A_340] : memref<3x4x64x128xf32, #tpu.memory_space<vmem>>[vector<16xi32>, vector<16xi32>, vector<16xi32>, vector<16xi32>], vector<16xf32>,
    %swap3A_357 = arith.constant 1 : i32
    %swap3A_358 = arith.index_cast %swap3A_357 : i32 to index
    %swap3A_359 = arith.constant 16 : index
    %swap3A_360 = tpu.vector_load %arg7[%swap3A_358, %swap3A_359] {strides = array<i32>} : memref<32x64xf32, #tpu.memory_space<vmem>>, vector<16xf32>,
    tpu.vector_store %arg7[%swap3A_358, %swap3A_359], %gather3A_356 {strides = array<i32>} : memref<32x64xf32, #tpu.memory_space<vmem>>, vector<16xf32>,
    %iota3A_361 = tpu.iota {dimensions = array<i32: 0>} : vector<16xi32>
    %add3A_362 = arith.constant 32 : i32
    %add3A_363 = vector.broadcast %add3A_362 : i32 to vector<16xi32>
    %add3A_364 = arith.addi %iota3A_361, %add3A_363 : vector<16xi32>
    %gather3A_365 = tpu.vector_load_idx %arg6[%broadcast_in_dim3A_295, %broadcast_in_dim3A_337, %add3A_364, %broadcast_in_dim3A_340] : memref<3x4x64x128xf32, #tpu.memory_space<vmem>>[vector<16xi32>, vector<16xi32>, vector<16xi32>, vector<16xi32>], vector<16xf32>,
    %swap3A_366 = arith.constant 1 : i32
    %swap3A_367 = arith.index_cast %swap3A_366 : i32 to index
    %swap3A_368 = arith.constant 32 : index
    %swap3A_369 = tpu.vector_load %arg7[%swap3A_367, %swap3A_368] {strides = array<i32>} : memref<32x64xf32, #tpu.memory_space<vmem>>, vector<16xf32>,
    tpu.vector_store %arg7[%swap3A_367, %swap3A_368], %gather3A_365 {strides = array<i32>} : memref<32x64xf32, #tpu.memory_space<vmem>>, vector<16xf32>,
    %iota3A_370 = tpu.iota {dimensions = array<i32: 0>} : vector<16xi32>
    %add3A_371 = arith.constant 48 : i32
    %add3A_372 = vector.broadcast %add3A_371 : i32 to vector<16xi32>
    %add3A_373 = arith.addi %iota3A_370, %add3A_372 : vector<16xi32>
    %gather3A_374 = tpu.vector_load_idx %arg6[%broadcast_in_dim3A_295, %broadcast_in_dim3A_337, %add3A_373, %broadcast_in_dim3A_340] : memref<3x4x64x128xf32, #tpu.memory_space<vmem>>[vector<16xi32>, vector<16xi32>, vector<16xi32>, vector<16xi32>], vector<16xf32>,
    %swap3A_375 = arith.constant 1 : i32
    %swap3A_376 = arith.index_cast %swap3A_375 : i32 to index
    %swap3A_377 = arith.constant 48 : index
    %swap3A_378 = tpu.vector_load %arg7[%swap3A_376, %swap3A_377] {strides = array<i32>} : memref<32x64xf32, #tpu.memory_space<vmem>>, vector<16xf32>,
    tpu.vector_store %arg7[%swap3A_376, %swap3A_377], %gather3A_374 {strides = array<i32>} : memref<32x64xf32, #tpu.memory_space<vmem>>, vector<16xf32>,
    %broadcast_in_dim3A_379 = arith.constant 2 : i32
    %broadcast_in_dim3A_380 = vector.broadcast %broadcast_in_dim3A_379 : i32 to vector<16xi32>
    %slice3A_381 = vector.extract_strided_slice %and3A_7 {offsets = [2], sizes = [1], strides = [1]} : vector<16xi32> to vector<1xi32>
    %squeeze3A_382 = vector.extract %slice3A_381[0] : i32 from vector<1xi32>
    %broadcast_in_dim3A_383 = vector.broadcast %squeeze3A_382 : i32 to vector<16xi32>
    %broadcast_in_dim3A_384 = arith.constant 2 : i32
    %broadcast_in_dim3A_385 = vector.broadcast %broadcast_in_dim3A_384 : i32 to vector<16xi32>
    %iota3A_386 = tpu.iota {dimensions = array<i32: 0>} : vector<16xi32>
    %add3A_387 = arith.constant 0 : i32
    %add3A_388 = vector.broadcast %add3A_387 : i32 to vector<16xi32>
    %add3A_389 = arith.addi %iota3A_386, %add3A_388 : vector<16xi32>
    %gather3A_390 = tpu.vector_load_idx %arg6[%broadcast_in_dim3A_295, %broadcast_in_dim3A_380, %add3A_389, %broadcast_in_dim3A_383] : memref<3x4x64x128xf32, #tpu.memory_space<vmem>>[vector<16xi32>, vector<16xi32>, vector<16xi32>, vector<16xi32>], vector<16xf32>,
    %swap3A_391 = arith.constant 2 : i32
    %swap3A_392 = arith.index_cast %swap3A_391 : i32 to index
    %swap3A_393 = arith.constant 0 : index
    %swap3A_394 = tpu.vector_load %arg7[%swap3A_392, %swap3A_393] {strides = array<i32>} : memref<32x64xf32, #tpu.memory_space<vmem>>, vector<16xf32>,
    tpu.vector_store %arg7[%swap3A_392, %swap3A_393], %gather3A_390 {strides = array<i32>} : memref<32x64xf32, #tpu.memory_space<vmem>>, vector<16xf32>,
    %iota3A_395 = tpu.iota {dimensions = array<i32: 0>} : vector<16xi32>
    %add3A_396 = arith.constant 16 : i32
    %add3A_397 = vector.broadcast %add3A_396 : i32 to vector<16xi32>
    %add3A_398 = arith.addi %iota3A_395, %add3A_397 : vector<16xi32>
    %gather3A_399 = tpu.vector_load_idx %arg6[%broadcast_in_dim3A_295, %broadcast_in_dim3A_380, %add3A_398, %broadcast_in_dim3A_383] : memref<3x4x64x128xf32, #tpu.memory_space<vmem>>[vector<16xi32>, vector<16xi32>, vector<16xi32>, vector<16xi32>], vector<16xf32>,
    %swap3A_400 = arith.constant 2 : i32
    %swap3A_401 = arith.index_cast %swap3A_400 : i32 to index
    %swap3A_402 = arith.constant 16 : index
    %swap3A_403 = tpu.vector_load %arg7[%swap3A_401, %swap3A_402] {strides = array<i32>} : memref<32x64xf32, #tpu.memory_space<vmem>>, vector<16xf32>,
    tpu.vector_store %arg7[%swap3A_401, %swap3A_402], %gather3A_399 {strides = array<i32>} : memref<32x64xf32, #tpu.memory_space<vmem>>, vector<16xf32>,
    %iota3A_404 = tpu.iota {dimensions = array<i32: 0>} : vector<16xi32>
    %add3A_405 = arith.constant 32 : i32
    %add3A_406 = vector.broadcast %add3A_405 : i32 to vector<16xi32>
    %add3A_407 = arith.addi %iota3A_404, %add3A_406 : vector<16xi32>
    %gather3A_408 = tpu.vector_load_idx %arg6[%broadcast_in_dim3A_295, %broadcast_in_dim3A_380, %add3A_407, %broadcast_in_dim3A_383] : memref<3x4x64x128xf32, #tpu.memory_space<vmem>>[vector<16xi32>, vector<16xi32>, vector<16xi32>, vector<16xi32>], vector<16xf32>,
    %swap3A_409 = arith.constant 2 : i32
    %swap3A_410 = arith.index_cast %swap3A_409 : i32 to index
    %swap3A_411 = arith.constant 32 : index
    %swap3A_412 = tpu.vector_load %arg7[%swap3A_410, %swap3A_411] {strides = array<i32>} : memref<32x64xf32, #tpu.memory_space<vmem>>, vector<16xf32>,
    tpu.vector_store %arg7[%swap3A_410, %swap3A_411], %gather3A_408 {strides = array<i32>} : memref<32x64xf32, #tpu.memory_space<vmem>>, vector<16xf32>,
    %iota3A_413 = tpu.iota {dimensions = array<i32: 0>} : vector<16xi32>
    %add3A_414 = arith.constant 48 : i32
    %add3A_415 = vector.broadcast %add3A_414 : i32 to vector<16xi32>
    %add3A_416 = arith.addi %iota3A_413, %add3A_415 : vector<16xi32>
    %gather3A_417 = tpu.vector_load_idx %arg6[%broadcast_in_dim3A_295, %broadcast_in_dim3A_380, %add3A_416, %broadcast_in_dim3A_383] : memref<3x4x64x128xf32, #tpu.memory_space<vmem>>[vector<16xi32>, vector<16xi32>, vector<16xi32>, vector<16xi32>], vector<16xf32>,
    %swap3A_418 = arith.constant 2 : i32
    %swap3A_419 = arith.index_cast %swap3A_418 : i32 to index
    %swap3A_420 = arith.constant 48 : index
    %swap3A_421 = tpu.vector_load %arg7[%swap3A_419, %swap3A_420] {strides = array<i32>} : memref<32x64xf32, #tpu.memory_space<vmem>>, vector<16xf32>,
    tpu.vector_store %arg7[%swap3A_419, %swap3A_420], %gather3A_417 {strides = array<i32>} : memref<32x64xf32, #tpu.memory_space<vmem>>, vector<16xf32>,
    %broadcast_in_dim3A_422 = arith.constant 3 : i32
    %broadcast_in_dim3A_423 = vector.broadcast %broadcast_in_dim3A_422 : i32 to vector<16xi32>
    %slice3A_424 = vector.extract_strided_slice %and3A_7 {offsets = [3], sizes = [1], strides = [1]} : vector<16xi32> to vector<1xi32>
    %squeeze3A_425 = vector.extract %slice3A_424[0] : i32 from vector<1xi32>
    %broadcast_in_dim3A_426 = vector.broadcast %squeeze3A_425 : i32 to vector<16xi32>
    %broadcast_in_dim3A_427 = arith.constant 3 : i32
    %broadcast_in_dim3A_428 = vector.broadcast %broadcast_in_dim3A_427 : i32 to vector<16xi32>
    %iota3A_429 = tpu.iota {dimensions = array<i32: 0>} : vector<16xi32>
    %add3A_430 = arith.constant 0 : i32
    %add3A_431 = vector.broadcast %add3A_430 : i32 to vector<16xi32>
    %add3A_432 = arith.addi %iota3A_429, %add3A_431 : vector<16xi32>
    %gather3A_433 = tpu.vector_load_idx %arg6[%broadcast_in_dim3A_295, %broadcast_in_dim3A_423, %add3A_432, %broadcast_in_dim3A_426] : memref<3x4x64x128xf32, #tpu.memory_space<vmem>>[vector<16xi32>, vector<16xi32>, vector<16xi32>, vector<16xi32>], vector<16xf32>,
    %swap3A_434 = arith.constant 3 : i32
    %swap3A_435 = arith.index_cast %swap3A_434 : i32 to index
    %swap3A_436 = arith.constant 0 : index
    %swap3A_437 = tpu.vector_load %arg7[%swap3A_435, %swap3A_436] {strides = array<i32>} : memref<32x64xf32, #tpu.memory_space<vmem>>, vector<16xf32>,
    tpu.vector_store %arg7[%swap3A_435, %swap3A_436], %gather3A_433 {strides = array<i32>} : memref<32x64xf32, #tpu.memory_space<vmem>>, vector<16xf32>,
    %iota3A_438 = tpu.iota {dimensions = array<i32: 0>} : vector<16xi32>
    %add3A_439 = arith.constant 16 : i32
    %add3A_440 = vector.broadcast %add3A_439 : i32 to vector<16xi32>
    %add3A_441 = arith.addi %iota3A_438, %add3A_440 : vector<16xi32>
    %gather3A_442 = tpu.vector_load_idx %arg6[%broadcast_in_dim3A_295, %broadcast_in_dim3A_423, %add3A_441, %broadcast_in_dim3A_426] : memref<3x4x64x128xf32, #tpu.memory_space<vmem>>[vector<16xi32>, vector<16xi32>, vector<16xi32>, vector<16xi32>], vector<16xf32>,
    %swap3A_443 = arith.constant 3 : i32
    %swap3A_444 = arith.index_cast %swap3A_443 : i32 to index
    %swap3A_445 = arith.constant 16 : index
    %swap3A_446 = tpu.vector_load %arg7[%swap3A_444, %swap3A_445] {strides = array<i32>} : memref<32x64xf32, #tpu.memory_space<vmem>>, vector<16xf32>,
    tpu.vector_store %arg7[%swap3A_444, %swap3A_445], %gather3A_442 {strides = array<i32>} : memref<32x64xf32, #tpu.memory_space<vmem>>, vector<16xf32>,
    %iota3A_447 = tpu.iota {dimensions = array<i32: 0>} : vector<16xi32>
    %add3A_448 = arith.constant 32 : i32
    %add3A_449 = vector.broadcast %add3A_448 : i32 to vector<16xi32>
    %add3A_450 = arith.addi %iota3A_447, %add3A_449 : vector<16xi32>
    %gather3A_451 = tpu.vector_load_idx %arg6[%broadcast_in_dim3A_295, %broadcast_in_dim3A_423, %add3A_450, %broadcast_in_dim3A_426] : memref<3x4x64x128xf32, #tpu.memory_space<vmem>>[vector<16xi32>, vector<16xi32>, vector<16xi32>, vector<16xi32>], vector<16xf32>,
    %swap3A_452 = arith.constant 3 : i32
    %swap3A_453 = arith.index_cast %swap3A_452 : i32 to index
    %swap3A_454 = arith.constant 32 : index
    %swap3A_455 = tpu.vector_load %arg7[%swap3A_453, %swap3A_454] {strides = array<i32>} : memref<32x64xf32, #tpu.memory_space<vmem>>, vector<16xf32>,
    tpu.vector_store %arg7[%swap3A_453, %swap3A_454], %gather3A_451 {strides = array<i32>} : memref<32x64xf32, #tpu.memory_space<vmem>>, vector<16xf32>,
    %iota3A_456 = tpu.iota {dimensions = array<i32: 0>} : vector<16xi32>
    %add3A_457 = arith.constant 48 : i32
    %add3A_458 = vector.broadcast %add3A_457 : i32 to vector<16xi32>
    %add3A_459 = arith.addi %iota3A_456, %add3A_458 : vector<16xi32>
    %gather3A_460 = tpu.vector_load_idx %arg6[%broadcast_in_dim3A_295, %broadcast_in_dim3A_423, %add3A_459, %broadcast_in_dim3A_426] : memref<3x4x64x128xf32, #tpu.memory_space<vmem>>[vector<16xi32>, vector<16xi32>, vector<16xi32>, vector<16xi32>], vector<16xf32>,
    %swap3A_461 = arith.constant 3 : i32
    %swap3A_462 = arith.index_cast %swap3A_461 : i32 to index
    %swap3A_463 = arith.constant 48 : index
    %swap3A_464 = tpu.vector_load %arg7[%swap3A_462, %swap3A_463] {strides = array<i32>} : memref<32x64xf32, #tpu.memory_space<vmem>>, vector<16xf32>,
    tpu.vector_store %arg7[%swap3A_462, %swap3A_463], %gather3A_460 {strides = array<i32>} : memref<32x64xf32, #tpu.memory_space<vmem>>, vector<16xf32>,
    %slice3A_465 = vector.extract_strided_slice %shift_right_logical3A_5 {offsets = [12], sizes = [1], strides = [1]} : vector<16xi32> to vector<1xi32>
    %squeeze3A_466 = vector.extract %slice3A_465[0] : i32 from vector<1xi32>
    %mul3A_467 = arith.constant 128 : i32
    %mul3A_468 = arith.muli %squeeze3A_466, %mul3A_467 : i32
    %multiple_of3A_469 = tpu.assume_multiple %mul3A_468, 128 : i32
    %dma_start3A_470 = arith.constant 0 : i32
    %dma_start3A_471 = arith.constant 0 : i32
    %dma_start3A_472 = arith.constant 0 : i32
    %dma_start3A_473 = arith.constant 0 : i32
    %dma_start3A_474 = tpu.memref_slice %arg6[%dma_start3A_470, %dma_start3A_471, %dma_start3A_472, %dma_start3A_473] : memref<3x4x64x128xf32, #tpu.memory_space<vmem>> -> memref<1x1x64x128xf32, #tpu.memory_space<vmem>>
    %dma_start3A_475 = tpu.memref_squeeze %dma_start3A_474 : memref<1x1x64x128xf32, #tpu.memory_space<vmem>> -> memref<64x128xf32, #tpu.memory_space<vmem>>
    %dma_start3A_476 = arith.constant 0 : i32
    %dma_start3A_477 = tpu.memref_slice %arg2[%dma_start3A_476, %multiple_of3A_469] : memref<64x100000xf32, #tpu.memory_space<hbm>> -> memref<64x128xf32, #tpu.memory_space<hbm>>
    %dma_start3A_478 = arith.constant 0 : i32
    %dma_start3A_479 = arith.constant 0 : i32
    %dma_start3A_480 = tpu.memref_slice %arg6[%dma_start3A_470, %dma_start3A_471, %dma_start3A_478, %dma_start3A_479] : memref<3x4x64x128xf32, #tpu.memory_space<vmem>> -> memref<1x1x64x128xf32, #tpu.memory_space<vmem>>
    %dma_start3A_481 = tpu.memref_squeeze %dma_start3A_480 : memref<1x1x64x128xf32, #tpu.memory_space<vmem>> -> memref<64x128xf32, #tpu.memory_space<vmem>>
    %dma_start3A_482 = arith.constant 0 : i32
    %dma_start3A_483 = tpu.memref_slice %arg2[%dma_start3A_482, %multiple_of3A_469] : memref<64x100000xf32, #tpu.memory_space<hbm>> -> memref<64x128xf32, #tpu.memory_space<hbm>>
    tpu.enqueue_dma source(%dma_start3A_483 : memref<64x128xf32, #tpu.memory_space<hbm>>) target(%dma_start3A_481 : memref<64x128xf32, #tpu.memory_space<vmem>>) target_semaphore(%arg8 : memref<!tpu.dma_semaphore, #tpu.memory_space<semaphore_mem>>)
    %slice3A_484 = vector.extract_strided_slice %shift_right_logical3A_5 {offsets = [13], sizes = [1], strides = [1]} : vector<16xi32> to vector<1xi32>
    %squeeze3A_485 = vector.extract %slice3A_484[0] : i32 from vector<1xi32>
    %mul3A_486 = arith.constant 128 : i32
    %mul3A_487 = arith.muli %squeeze3A_485, %mul3A_486 : i32
    %multiple_of3A_488 = tpu.assume_multiple %mul3A_487, 128 : i32
    %dma_start3A_489 = arith.constant 0 : i32
    %dma_start3A_490 = arith.constant 1 : i32
    %dma_start3A_491 = arith.constant 0 : i32
    %dma_start3A_492 = arith.constant 0 : i32
    %dma_start3A_493 = tpu.memref_slice %arg6[%dma_start3A_489, %dma_start3A_490, %dma_start3A_491, %dma_start3A_492] : memref<3x4x64x128xf32, #tpu.memory_space<vmem>> -> memref<1x1x64x128xf32, #tpu.memory_space<vmem>>
    %dma_start3A_494 = tpu.memref_squeeze %dma_start3A_493 : memref<1x1x64x128xf32, #tpu.memory_space<vmem>> -> memref<64x128xf32, #tpu.memory_space<vmem>>
    %dma_start3A_495 = arith.constant 0 : i32
    %dma_start3A_496 = tpu.memref_slice %arg2[%dma_start3A_495, %multiple_of3A_488] : memref<64x100000xf32, #tpu.memory_space<hbm>> -> memref<64x128xf32, #tpu.memory_space<hbm>>
    %dma_start3A_497 = arith.constant 0 : i32
    %dma_start3A_498 = arith.constant 0 : i32
    %dma_start3A_499 = tpu.memref_slice %arg6[%dma_start3A_489, %dma_start3A_490, %dma_start3A_497, %dma_start3A_498] : memref<3x4x64x128xf32, #tpu.memory_space<vmem>> -> memref<1x1x64x128xf32, #tpu.memory_space<vmem>>
    %dma_start3A_500 = tpu.memref_squeeze %dma_start3A_499 : memref<1x1x64x128xf32, #tpu.memory_space<vmem>> -> memref<64x128xf32, #tpu.memory_space<vmem>>
    %dma_start3A_501 = arith.constant 0 : i32
    %dma_start3A_502 = tpu.memref_slice %arg2[%dma_start3A_501, %multiple_of3A_488] : memref<64x100000xf32, #tpu.memory_space<hbm>> -> memref<64x128xf32, #tpu.memory_space<hbm>>
    tpu.enqueue_dma source(%dma_start3A_502 : memref<64x128xf32, #tpu.memory_space<hbm>>) target(%dma_start3A_500 : memref<64x128xf32, #tpu.memory_space<vmem>>) target_semaphore(%arg8 : memref<!tpu.dma_semaphore, #tpu.memory_space<semaphore_mem>>)
    %slice3A_503 = vector.extract_strided_slice %shift_right_logical3A_5 {offsets = [14], sizes = [1], strides = [1]} : vector<16xi32> to vector<1xi32>
    %squeeze3A_504 = vector.extract %slice3A_503[0] : i32 from vector<1xi32>
    %mul3A_505 = arith.constant 128 : i32
    %mul3A_506 = arith.muli %squeeze3A_504, %mul3A_505 : i32
    %multiple_of3A_507 = tpu.assume_multiple %mul3A_506, 128 : i32
    %dma_start3A_508 = arith.constant 0 : i32
    %dma_start3A_509 = arith.constant 2 : i32
    %dma_start3A_510 = arith.constant 0 : i32
    %dma_start3A_511 = arith.constant 0 : i32
    %dma_start3A_512 = tpu.memref_slice %arg6[%dma_start3A_508, %dma_start3A_509, %dma_start3A_510, %dma_start3A_511] : memref<3x4x64x128xf32, #tpu.memory_space<vmem>> -> memref<1x1x64x128xf32, #tpu.memory_space<vmem>>
    %dma_start3A_513 = tpu.memref_squeeze %dma_start3A_512 : memref<1x1x64x128xf32, #tpu.memory_space<vmem>> -> memref<64x128xf32, #tpu.memory_space<vmem>>
    %dma_start3A_514 = arith.constant 0 : i32
    %dma_start3A_515 = tpu.memref_slice %arg2[%dma_start3A_514, %multiple_of3A_507] : memref<64x100000xf32, #tpu.memory_space<hbm>> -> memref<64x128xf32, #tpu.memory_space<hbm>>
    %dma_start3A_516 = arith.constant 0 : i32
    %dma_start3A_517 = arith.constant 0 : i32
    %dma_start3A_518 = tpu.memref_slice %arg6[%dma_start3A_508, %dma_start3A_509, %dma_start3A_516, %dma_start3A_517] : memref<3x4x64x128xf32, #tpu.memory_space<vmem>> -> memref<1x1x64x128xf32, #tpu.memory_space<vmem>>
    %dma_start3A_519 = tpu.memref_squeeze %dma_start3A_518 : memref<1x1x64x128xf32, #tpu.memory_space<vmem>> -> memref<64x128xf32, #tpu.memory_space<vmem>>
    %dma_start3A_520 = arith.constant 0 : i32
    %dma_start3A_521 = tpu.memref_slice %arg2[%dma_start3A_520, %multiple_of3A_507] : memref<64x100000xf32, #tpu.memory_space<hbm>> -> memref<64x128xf32, #tpu.memory_space<hbm>>
    tpu.enqueue_dma source(%dma_start3A_521 : memref<64x128xf32, #tpu.memory_space<hbm>>) target(%dma_start3A_519 : memref<64x128xf32, #tpu.memory_space<vmem>>) target_semaphore(%arg8 : memref<!tpu.dma_semaphore, #tpu.memory_space<semaphore_mem>>)
    %slice3A_522 = vector.extract_strided_slice %shift_right_logical3A_5 {offsets = [15], sizes = [1], strides = [1]} : vector<16xi32> to vector<1xi32>
    %squeeze3A_523 = vector.extract %slice3A_522[0] : i32 from vector<1xi32>
    %mul3A_524 = arith.constant 128 : i32
    %mul3A_525 = arith.muli %squeeze3A_523, %mul3A_524 : i32
    %multiple_of3A_526 = tpu.assume_multiple %mul3A_525, 128 : i32
    %dma_start3A_527 = arith.constant 0 : i32
    %dma_start3A_528 = arith.constant 3 : i32
    %dma_start3A_529 = arith.constant 0 : i32
    %dma_start3A_530 = arith.constant 0 : i32
    %dma_start3A_531 = tpu.memref_slice %arg6[%dma_start3A_527, %dma_start3A_528, %dma_start3A_529, %dma_start3A_530] : memref<3x4x64x128xf32, #tpu.memory_space<vmem>> -> memref<1x1x64x128xf32, #tpu.memory_space<vmem>>
    %dma_start3A_532 = tpu.memref_squeeze %dma_start3A_531 : memref<1x1x64x128xf32, #tpu.memory_space<vmem>> -> memref<64x128xf32, #tpu.memory_space<vmem>>
    %dma_start3A_533 = arith.constant 0 : i32
    %dma_start3A_534 = tpu.memref_slice %arg2[%dma_start3A_533, %multiple_of3A_526] : memref<64x100000xf32, #tpu.memory_space<hbm>> -> memref<64x128xf32, #tpu.memory_space<hbm>>
    %dma_start3A_535 = arith.constant 0 : i32
    %dma_start3A_536 = arith.constant 0 : i32
    %dma_start3A_537 = tpu.memref_slice %arg6[%dma_start3A_527, %dma_start3A_528, %dma_start3A_535, %dma_start3A_536] : memref<3x4x64x128xf32, #tpu.memory_space<vmem>> -> memref<1x1x64x128xf32, #tpu.memory_space<vmem>>
    %dma_start3A_538 = tpu.memref_squeeze %dma_start3A_537 : memref<1x1x64x128xf32, #tpu.memory_space<vmem>> -> memref<64x128xf32, #tpu.memory_space<vmem>>
    %dma_start3A_539 = arith.constant 0 : i32
    %dma_start3A_540 = tpu.memref_slice %arg2[%dma_start3A_539, %multiple_of3A_526] : memref<64x100000xf32, #tpu.memory_space<hbm>> -> memref<64x128xf32, #tpu.memory_space<hbm>>
    tpu.enqueue_dma source(%dma_start3A_540 : memref<64x128xf32, #tpu.memory_space<hbm>>) target(%dma_start3A_538 : memref<64x128xf32, #tpu.memory_space<vmem>>) target_semaphore(%arg8 : memref<!tpu.dma_semaphore, #tpu.memory_space<semaphore_mem>>)
    %dma_wait3A_541 = arith.constant 1 : i32
    %dma_wait3A_542 = arith.constant 0 : i32
    %dma_wait3A_543 = arith.constant 0 : i32
    %dma_wait3A_544 = arith.constant 0 : i32
    %dma_wait3A_545 = tpu.memref_slice %arg6[%dma_wait3A_541, %dma_wait3A_542, %dma_wait3A_543, %dma_wait3A_544] : memref<3x4x64x128xf32, #tpu.memory_space<vmem>> -> memref<1x1x64x128xf32, #tpu.memory_space<vmem>>
    %dma_wait3A_546 = tpu.memref_squeeze %dma_wait3A_545 : memref<1x1x64x128xf32, #tpu.memory_space<vmem>> -> memref<64x128xf32, #tpu.memory_space<vmem>>
    %dma_wait3A_547 = arith.constant 0 : i32
    %dma_wait3A_548 = tpu.memref_slice %arg2[%dma_wait3A_547, %multiple_of3A_92] : memref<64x100000xf32, #tpu.memory_space<hbm>> -> memref<64x128xf32, #tpu.memory_space<hbm>>
    %dma_wait3A_549 = arith.constant 0 : i32
    %dma_wait3A_550 = arith.constant 0 : i32
    %dma_wait3A_551 = tpu.memref_slice %arg6[%dma_wait3A_541, %dma_wait3A_542, %dma_wait3A_549, %dma_wait3A_550] : memref<3x4x64x128xf32, #tpu.memory_space<vmem>> -> memref<1x1x64x128xf32, #tpu.memory_space<vmem>>
    %dma_wait3A_552 = tpu.memref_squeeze %dma_wait3A_551 : memref<1x1x64x128xf32, #tpu.memory_space<vmem>> -> memref<64x128xf32, #tpu.memory_space<vmem>>
    %dma_wait3A_553 = arith.constant 0 : i32
    %dma_wait3A_554 = tpu.memref_slice %arg2[%dma_wait3A_553, %multiple_of3A_92] : memref<64x100000xf32, #tpu.memory_space<hbm>> -> memref<64x128xf32, #tpu.memory_space<hbm>>
    tpu.wait_dma2 semaphore(%arg8 : memref<!tpu.dma_semaphore, #tpu.memory_space<semaphore_mem>>) src(%dma_wait3A_554 : memref<64x128xf32, #tpu.memory_space<hbm>>) dst(%dma_wait3A_552 : memref<64x128xf32, #tpu.memory_space<vmem>>)
    %dma_wait3A_555 = arith.constant 1 : i32
    %dma_wait3A_556 = arith.constant 1 : i32
    %dma_wait3A_557 = arith.constant 0 : i32
    %dma_wait3A_558 = arith.constant 0 : i32
    %dma_wait3A_559 = tpu.memref_slice %arg6[%dma_wait3A_555, %dma_wait3A_556, %dma_wait3A_557, %dma_wait3A_558] : memref<3x4x64x128xf32, #tpu.memory_space<vmem>> -> memref<1x1x64x128xf32, #tpu.memory_space<vmem>>
    %dma_wait3A_560 = tpu.memref_squeeze %dma_wait3A_559 : memref<1x1x64x128xf32, #tpu.memory_space<vmem>> -> memref<64x128xf32, #tpu.memory_space<vmem>>
    %dma_wait3A_561 = arith.constant 0 : i32
    %dma_wait3A_562 = tpu.memref_slice %arg2[%dma_wait3A_561, %multiple_of3A_111] : memref<64x100000xf32, #tpu.memory_space<hbm>> -> memref<64x128xf32, #tpu.memory_space<hbm>>
    %dma_wait3A_563 = arith.constant 0 : i32
    %dma_wait3A_564 = arith.constant 0 : i32
    %dma_wait3A_565 = tpu.memref_slice %arg6[%dma_wait3A_555, %dma_wait3A_556, %dma_wait3A_563, %dma_wait3A_564] : memref<3x4x64x128xf32, #tpu.memory_space<vmem>> -> memref<1x1x64x128xf32, #tpu.memory_space<vmem>>
    %dma_wait3A_566 = tpu.memref_squeeze %dma_wait3A_565 : memref<1x1x64x128xf32, #tpu.memory_space<vmem>> -> memref<64x128xf32, #tpu.memory_space<vmem>>
    %dma_wait3A_567 = arith.constant 0 : i32
    %dma_wait3A_568 = tpu.memref_slice %arg2[%dma_wait3A_567, %multiple_of3A_111] : memref<64x100000xf32, #tpu.memory_space<hbm>> -> memref<64x128xf32, #tpu.memory_space<hbm>>
    tpu.wait_dma2 semaphore(%arg8 : memref<!tpu.dma_semaphore, #tpu.memory_space<semaphore_mem>>) src(%dma_wait3A_568 : memref<64x128xf32, #tpu.memory_space<hbm>>) dst(%dma_wait3A_566 : memref<64x128xf32, #tpu.memory_space<vmem>>)
    %dma_wait3A_569 = arith.constant 1 : i32
    %dma_wait3A_570 = arith.constant 2 : i32
    %dma_wait3A_571 = arith.constant 0 : i32
    %dma_wait3A_572 = arith.constant 0 : i32
    %dma_wait3A_573 = tpu.memref_slice %arg6[%dma_wait3A_569, %dma_wait3A_570, %dma_wait3A_571, %dma_wait3A_572] : memref<3x4x64x128xf32, #tpu.memory_space<vmem>> -> memref<1x1x64x128xf32, #tpu.memory_space<vmem>>
    %dma_wait3A_574 = tpu.memref_squeeze %dma_wait3A_573 : memref<1x1x64x128xf32, #tpu.memory_space<vmem>> -> memref<64x128xf32, #tpu.memory_space<vmem>>
    %dma_wait3A_575 = arith.constant 0 : i32
    %dma_wait3A_576 = tpu.memref_slice %arg2[%dma_wait3A_575, %multiple_of3A_130] : memref<64x100000xf32, #tpu.memory_space<hbm>> -> memref<64x128xf32, #tpu.memory_space<hbm>>
    %dma_wait3A_577 = arith.constant 0 : i32
    %dma_wait3A_578 = arith.constant 0 : i32
    %dma_wait3A_579 = tpu.memref_slice %arg6[%dma_wait3A_569, %dma_wait3A_570, %dma_wait3A_577, %dma_wait3A_578] : memref<3x4x64x128xf32, #tpu.memory_space<vmem>> -> memref<1x1x64x128xf32, #tpu.memory_space<vmem>>
    %dma_wait3A_580 = tpu.memref_squeeze %dma_wait3A_579 : memref<1x1x64x128xf32, #tpu.memory_space<vmem>> -> memref<64x128xf32, #tpu.memory_space<vmem>>
    %dma_wait3A_581 = arith.constant 0 : i32
    %dma_wait3A_582 = tpu.memref_slice %arg2[%dma_wait3A_581, %multiple_of3A_130] : memref<64x100000xf32, #tpu.memory_space<hbm>> -> memref<64x128xf32, #tpu.memory_space<hbm>>
    tpu.wait_dma2 semaphore(%arg8 : memref<!tpu.dma_semaphore, #tpu.memory_space<semaphore_mem>>) src(%dma_wait3A_582 : memref<64x128xf32, #tpu.memory_space<hbm>>) dst(%dma_wait3A_580 : memref<64x128xf32, #tpu.memory_space<vmem>>)
    %dma_wait3A_583 = arith.constant 1 : i32
    %dma_wait3A_584 = arith.constant 3 : i32
    %dma_wait3A_585 = arith.constant 0 : i32
    %dma_wait3A_586 = arith.constant 0 : i32
    %dma_wait3A_587 = tpu.memref_slice %arg6[%dma_wait3A_583, %dma_wait3A_584, %dma_wait3A_585, %dma_wait3A_586] : memref<3x4x64x128xf32, #tpu.memory_space<vmem>> -> memref<1x1x64x128xf32, #tpu.memory_space<vmem>>
    %dma_wait3A_588 = tpu.memref_squeeze %dma_wait3A_587 : memref<1x1x64x128xf32, #tpu.memory_space<vmem>> -> memref<64x128xf32, #tpu.memory_space<vmem>>
    %dma_wait3A_589 = arith.constant 0 : i32
    %dma_wait3A_590 = tpu.memref_slice %arg2[%dma_wait3A_589, %multiple_of3A_149] : memref<64x100000xf32, #tpu.memory_space<hbm>> -> memref<64x128xf32, #tpu.memory_space<hbm>>
    %dma_wait3A_591 = arith.constant 0 : i32
    %dma_wait3A_592 = arith.constant 0 : i32
    %dma_wait3A_593 = tpu.memref_slice %arg6[%dma_wait3A_583, %dma_wait3A_584, %dma_wait3A_591, %dma_wait3A_592] : memref<3x4x64x128xf32, #tpu.memory_space<vmem>> -> memref<1x1x64x128xf32, #tpu.memory_space<vmem>>
    %dma_wait3A_594 = tpu.memref_squeeze %dma_wait3A_593 : memref<1x1x64x128xf32, #tpu.memory_space<vmem>> -> memref<64x128xf32, #tpu.memory_space<vmem>>
    %dma_wait3A_595 = arith.constant 0 : i32
    %dma_wait3A_596 = tpu.memref_slice %arg2[%dma_wait3A_595, %multiple_of3A_149] : memref<64x100000xf32, #tpu.memory_space<hbm>> -> memref<64x128xf32, #tpu.memory_space<hbm>>
    tpu.wait_dma2 semaphore(%arg8 : memref<!tpu.dma_semaphore, #tpu.memory_space<semaphore_mem>>) src(%dma_wait3A_596 : memref<64x128xf32, #tpu.memory_space<hbm>>) dst(%dma_wait3A_594 : memref<64x128xf32, #tpu.memory_space<vmem>>)
    %broadcast_in_dim3A_597 = arith.constant 1 : i32
    %broadcast_in_dim3A_598 = vector.broadcast %broadcast_in_dim3A_597 : i32 to vector<16xi32>
    %broadcast_in_dim3A_599 = arith.constant 0 : i32
    %broadcast_in_dim3A_600 = vector.broadcast %broadcast_in_dim3A_599 : i32 to vector<16xi32>
    %slice3A_601 = vector.extract_strided_slice %and3A_7 {offsets = [4], sizes = [1], strides = [1]} : vector<16xi32> to vector<1xi32>
    %squeeze3A_602 = vector.extract %slice3A_601[0] : i32 from vector<1xi32>
    %broadcast_in_dim3A_603 = vector.broadcast %squeeze3A_602 : i32 to vector<16xi32>
    %broadcast_in_dim3A_604 = arith.constant 4 : i32
    %broadcast_in_dim3A_605 = vector.broadcast %broadcast_in_dim3A_604 : i32 to vector<16xi32>
    %iota3A_606 = tpu.iota {dimensions = array<i32: 0>} : vector<16xi32>
    %add3A_607 = arith.constant 0 : i32
    %add3A_608 = vector.broadcast %add3A_607 : i32 to vector<16xi32>
    %add3A_609 = arith.addi %iota3A_606, %add3A_608 : vector<16xi32>
    %gather3A_610 = tpu.vector_load_idx %arg6[%broadcast_in_dim3A_598, %broadcast_in_dim3A_600, %add3A_609, %broadcast_in_dim3A_603] : memref<3x4x64x128xf32, #tpu.memory_space<vmem>>[vector<16xi32>, vector<16xi32>, vector<16xi32>, vector<16xi32>], vector<16xf32>,
    %swap3A_611 = arith.constant 4 : i32
    %swap3A_612 = arith.index_cast %swap3A_611 : i32 to index
    %swap3A_613 = arith.constant 0 : index
    %swap3A_614 = tpu.vector_load %arg7[%swap3A_612, %swap3A_613] {strides = array<i32>} : memref<32x64xf32, #tpu.memory_space<vmem>>, vector<16xf32>,
    tpu.vector_store %arg7[%swap3A_612, %swap3A_613], %gather3A_610 {strides = array<i32>} : memref<32x64xf32, #tpu.memory_space<vmem>>, vector<16xf32>,
    %iota3A_615 = tpu.iota {dimensions = array<i32: 0>} : vector<16xi32>
    %add3A_616 = arith.constant 16 : i32
    %add3A_617 = vector.broadcast %add3A_616 : i32 to vector<16xi32>
    %add3A_618 = arith.addi %iota3A_615, %add3A_617 : vector<16xi32>
    %gather3A_619 = tpu.vector_load_idx %arg6[%broadcast_in_dim3A_598, %broadcast_in_dim3A_600, %add3A_618, %broadcast_in_dim3A_603] : memref<3x4x64x128xf32, #tpu.memory_space<vmem>>[vector<16xi32>, vector<16xi32>, vector<16xi32>, vector<16xi32>], vector<16xf32>,
    %swap3A_620 = arith.constant 4 : i32
    %swap3A_621 = arith.index_cast %swap3A_620 : i32 to index
    %swap3A_622 = arith.constant 16 : index
    %swap3A_623 = tpu.vector_load %arg7[%swap3A_621, %swap3A_622] {strides = array<i32>} : memref<32x64xf32, #tpu.memory_space<vmem>>, vector<16xf32>,
    tpu.vector_store %arg7[%swap3A_621, %swap3A_622], %gather3A_619 {strides = array<i32>} : memref<32x64xf32, #tpu.memory_space<vmem>>, vector<16xf32>,
    %iota3A_624 = tpu.iota {dimensions = array<i32: 0>} : vector<16xi32>
    %add3A_625 = arith.constant 32 : i32
    %add3A_626 = vector.broadcast %add3A_625 : i32 to vector<16xi32>
    %add3A_627 = arith.addi %iota3A_624, %add3A_626 : vector<16xi32>
    %gather3A_628 = tpu.vector_load_idx %arg6[%broadcast_in_dim3A_598, %broadcast_in_dim3A_600, %add3A_627, %broadcast_in_dim3A_603] : memref<3x4x64x128xf32, #tpu.memory_space<vmem>>[vector<16xi32>, vector<16xi32>, vector<16xi32>, vector<16xi32>], vector<16xf32>,
    %swap3A_629 = arith.constant 4 : i32
    %swap3A_630 = arith.index_cast %swap3A_629 : i32 to index
    %swap3A_631 = arith.constant 32 : index
    %swap3A_632 = tpu.vector_load %arg7[%swap3A_630, %swap3A_631] {strides = array<i32>} : memref<32x64xf32, #tpu.memory_space<vmem>>, vector<16xf32>,
    tpu.vector_store %arg7[%swap3A_630, %swap3A_631], %gather3A_628 {strides = array<i32>} : memref<32x64xf32, #tpu.memory_space<vmem>>, vector<16xf32>,
    %iota3A_633 = tpu.iota {dimensions = array<i32: 0>} : vector<16xi32>
    %add3A_634 = arith.constant 48 : i32
    %add3A_635 = vector.broadcast %add3A_634 : i32 to vector<16xi32>
    %add3A_636 = arith.addi %iota3A_633, %add3A_635 : vector<16xi32>
    %gather3A_637 = tpu.vector_load_idx %arg6[%broadcast_in_dim3A_598, %broadcast_in_dim3A_600, %add3A_636, %broadcast_in_dim3A_603] : memref<3x4x64x128xf32, #tpu.memory_space<vmem>>[vector<16xi32>, vector<16xi32>, vector<16xi32>, vector<16xi32>], vector<16xf32>,
    %swap3A_638 = arith.constant 4 : i32
    %swap3A_639 = arith.index_cast %swap3A_638 : i32 to index
    %swap3A_640 = arith.constant 48 : index
    %swap3A_641 = tpu.vector_load %arg7[%swap3A_639, %swap3A_640] {strides = array<i32>} : memref<32x64xf32, #tpu.memory_space<vmem>>, vector<16xf32>,
    tpu.vector_store %arg7[%swap3A_639, %swap3A_640], %gather3A_637 {strides = array<i32>} : memref<32x64xf32, #tpu.memory_space<vmem>>, vector<16xf32>,
    %broadcast_in_dim3A_642 = arith.constant 1 : i32
    %broadcast_in_dim3A_643 = vector.broadcast %broadcast_in_dim3A_642 : i32 to vector<16xi32>
    %slice3A_644 = vector.extract_strided_slice %and3A_7 {offsets = [5], sizes = [1], strides = [1]} : vector<16xi32> to vector<1xi32>
    %squeeze3A_645 = vector.extract %slice3A_644[0] : i32 from vector<1xi32>
    %broadcast_in_dim3A_646 = vector.broadcast %squeeze3A_645 : i32 to vector<16xi32>
    %broadcast_in_dim3A_647 = arith.constant 5 : i32
    %broadcast_in_dim3A_648 = vector.broadcast %broadcast_in_dim3A_647 : i32 to vector<16xi32>
    %iota3A_649 = tpu.iota {dimensions = array<i32: 0>} : vector<16xi32>
    %add3A_650 = arith.constant 0 : i32
    %add3A_651 = vector.broadcast %add3A_650 : i32 to vector<16xi32>
    %add3A_652 = arith.addi %iota3A_649, %add3A_651 : vector<16xi32>
    %gather3A_653 = tpu.vector_load_idx %arg6[%broadcast_in_dim3A_598, %broadcast_in_dim3A_643, %add3A_652, %broadcast_in_dim3A_646] : memref<3x4x64x128xf32, #tpu.memory_space<vmem>>[vector<16xi32>, vector<16xi32>, vector<16xi32>, vector<16xi32>], vector<16xf32>,
    %swap3A_654 = arith.constant 5 : i32
    %swap3A_655 = arith.index_cast %swap3A_654 : i32 to index
    %swap3A_656 = arith.constant 0 : index
    %swap3A_657 = tpu.vector_load %arg7[%swap3A_655, %swap3A_656] {strides = array<i32>} : memref<32x64xf32, #tpu.memory_space<vmem>>, vector<16xf32>,
    tpu.vector_store %arg7[%swap3A_655, %swap3A_656], %gather3A_653 {strides = array<i32>} : memref<32x64xf32, #tpu.memory_space<vmem>>, vector<16xf32>,
    %iota3A_658 = tpu.iota {dimensions = array<i32: 0>} : vector<16xi32>
    %add3A_659 = arith.constant 16 : i32
    %add3A_660 = vector.broadcast %add3A_659 : i32 to vector<16xi32>
    %add3A_661 = arith.addi %iota3A_658, %add3A_660 : vector<16xi32>
    %gather3A_662 = tpu.vector_load_idx %arg6[%broadcast_in_dim3A_598, %broadcast_in_dim3A_643, %add3A_661, %broadcast_in_dim3A_646] : memref<3x4x64x128xf32, #tpu.memory_space<vmem>>[vector<16xi32>, vector<16xi32>, vector<16xi32>, vector<16xi32>], vector<16xf32>,
    %swap3A_663 = arith.constant 5 : i32
    %swap3A_664 = arith.index_cast %swap3A_663 : i32 to index
    %swap3A_665 = arith.constant 16 : index
    %swap3A_666 = tpu.vector_load %arg7[%swap3A_664, %swap3A_665] {strides = array<i32>} : memref<32x64xf32, #tpu.memory_space<vmem>>, vector<16xf32>,
    tpu.vector_store %arg7[%swap3A_664, %swap3A_665], %gather3A_662 {strides = array<i32>} : memref<32x64xf32, #tpu.memory_space<vmem>>, vector<16xf32>,
    %iota3A_667 = tpu.iota {dimensions = array<i32: 0>} : vector<16xi32>
    %add3A_668 = arith.constant 32 : i32
    %add3A_669 = vector.broadcast %add3A_668 : i32 to vector<16xi32>
    %add3A_670 = arith.addi %iota3A_667, %add3A_669 : vector<16xi32>
    %gather3A_671 = tpu.vector_load_idx %arg6[%broadcast_in_dim3A_598, %broadcast_in_dim3A_643, %add3A_670, %broadcast_in_dim3A_646] : memref<3x4x64x128xf32, #tpu.memory_space<vmem>>[vector<16xi32>, vector<16xi32>, vector<16xi32>, vector<16xi32>], vector<16xf32>,
    %swap3A_672 = arith.constant 5 : i32
    %swap3A_673 = arith.index_cast %swap3A_672 : i32 to index
    %swap3A_674 = arith.constant 32 : index
    %swap3A_675 = tpu.vector_load %arg7[%swap3A_673, %swap3A_674] {strides = array<i32>} : memref<32x64xf32, #tpu.memory_space<vmem>>, vector<16xf32>,
    tpu.vector_store %arg7[%swap3A_673, %swap3A_674], %gather3A_671 {strides = array<i32>} : memref<32x64xf32, #tpu.memory_space<vmem>>, vector<16xf32>,
    %iota3A_676 = tpu.iota {dimensions = array<i32: 0>} : vector<16xi32>
    %add3A_677 = arith.constant 48 : i32
    %add3A_678 = vector.broadcast %add3A_677 : i32 to vector<16xi32>
    %add3A_679 = arith.addi %iota3A_676, %add3A_678 : vector<16xi32>
    %gather3A_680 = tpu.vector_load_idx %arg6[%broadcast_in_dim3A_598, %broadcast_in_dim3A_643, %add3A_679, %broadcast_in_dim3A_646] : memref<3x4x64x128xf32, #tpu.memory_space<vmem>>[vector<16xi32>, vector<16xi32>, vector<16xi32>, vector<16xi32>], vector<16xf32>,
    %swap3A_681 = arith.constant 5 : i32
    %swap3A_682 = arith.index_cast %swap3A_681 : i32 to index
    %swap3A_683 = arith.constant 48 : index
    %swap3A_684 = tpu.vector_load %arg7[%swap3A_682, %swap3A_683] {strides = array<i32>} : memref<32x64xf32, #tpu.memory_space<vmem>>, vector<16xf32>,
    tpu.vector_store %arg7[%swap3A_682, %swap3A_683], %gather3A_680 {strides = array<i32>} : memref<32x64xf32, #tpu.memory_space<vmem>>, vector<16xf32>,
    %broadcast_in_dim3A_685 = arith.constant 2 : i32
    %broadcast_in_dim3A_686 = vector.broadcast %broadcast_in_dim3A_685 : i32 to vector<16xi32>
    %slice3A_687 = vector.extract_strided_slice %and3A_7 {offsets = [6], sizes = [1], strides = [1]} : vector<16xi32> to vector<1xi32>
    %squeeze3A_688 = vector.extract %slice3A_687[0] : i32 from vector<1xi32>
    %broadcast_in_dim3A_689 = vector.broadcast %squeeze3A_688 : i32 to vector<16xi32>
    %broadcast_in_dim3A_690 = arith.constant 6 : i32
    %broadcast_in_dim3A_691 = vector.broadcast %broadcast_in_dim3A_690 : i32 to vector<16xi32>
    %iota3A_692 = tpu.iota {dimensions = array<i32: 0>} : vector<16xi32>
    %add3A_693 = arith.constant 0 : i32
    %add3A_694 = vector.broadcast %add3A_693 : i32 to vector<16xi32>
    %add3A_695 = arith.addi %iota3A_692, %add3A_694 : vector<16xi32>
    %gather3A_696 = tpu.vector_load_idx %arg6[%broadcast_in_dim3A_598, %broadcast_in_dim3A_686, %add3A_695, %broadcast_in_dim3A_689] : memref<3x4x64x128xf32, #tpu.memory_space<vmem>>[vector<16xi32>, vector<16xi32>, vector<16xi32>, vector<16xi32>], vector<16xf32>,
    %swap3A_697 = arith.constant 6 : i32
    %swap3A_698 = arith.index_cast %swap3A_697 : i32 to index
    %swap3A_699 = arith.constant 0 : index
    %swap3A_700 = tpu.vector_load %arg7[%swap3A_698, %swap3A_699] {strides = array<i32>} : memref<32x64xf32, #tpu.memory_space<vmem>>, vector<16xf32>,
    tpu.vector_store %arg7[%swap3A_698, %swap3A_699], %gather3A_696 {strides = array<i32>} : memref<32x64xf32, #tpu.memory_space<vmem>>, vector<16xf32>,
    %iota3A_701 = tpu.iota {dimensions = array<i32: 0>} : vector<16xi32>
    %add3A_702 = arith.constant 16 : i32
    %add3A_703 = vector.broadcast %add3A_702 : i32 to vector<16xi32>
    %add3A_704 = arith.addi %iota3A_701, %add3A_703 : vector<16xi32>
    %gather3A_705 = tpu.vector_load_idx %arg6[%broadcast_in_dim3A_598, %broadcast_in_dim3A_686, %add3A_704, %broadcast_in_dim3A_689] : memref<3x4x64x128xf32, #tpu.memory_space<vmem>>[vector<16xi32>, vector<16xi32>, vector<16xi32>, vector<16xi32>], vector<16xf32>,
    %swap3A_706 = arith.constant 6 : i32
    %swap3A_707 = arith.index_cast %swap3A_706 : i32 to index
    %swap3A_708 = arith.constant 16 : index
    %swap3A_709 = tpu.vector_load %arg7[%swap3A_707, %swap3A_708] {strides = array<i32>} : memref<32x64xf32, #tpu.memory_space<vmem>>, vector<16xf32>,
    tpu.vector_store %arg7[%swap3A_707, %swap3A_708], %gather3A_705 {strides = array<i32>} : memref<32x64xf32, #tpu.memory_space<vmem>>, vector<16xf32>,
    %iota3A_710 = tpu.iota {dimensions = array<i32: 0>} : vector<16xi32>
    %add3A_711 = arith.constant 32 : i32
    %add3A_712 = vector.broadcast %add3A_711 : i32 to vector<16xi32>
    %add3A_713 = arith.addi %iota3A_710, %add3A_712 : vector<16xi32>
    %gather3A_714 = tpu.vector_load_idx %arg6[%broadcast_in_dim3A_598, %broadcast_in_dim3A_686, %add3A_713, %broadcast_in_dim3A_689] : memref<3x4x64x128xf32, #tpu.memory_space<vmem>>[vector<16xi32>, vector<16xi32>, vector<16xi32>, vector<16xi32>], vector<16xf32>,
    %swap3A_715 = arith.constant 6 : i32
    %swap3A_716 = arith.index_cast %swap3A_715 : i32 to index
    %swap3A_717 = arith.constant 32 : index
    %swap3A_718 = tpu.vector_load %arg7[%swap3A_716, %swap3A_717] {strides = array<i32>} : memref<32x64xf32, #tpu.memory_space<vmem>>, vector<16xf32>,
    tpu.vector_store %arg7[%swap3A_716, %swap3A_717], %gather3A_714 {strides = array<i32>} : memref<32x64xf32, #tpu.memory_space<vmem>>, vector<16xf32>,
    %iota3A_719 = tpu.iota {dimensions = array<i32: 0>} : vector<16xi32>
    %add3A_720 = arith.constant 48 : i32
    %add3A_721 = vector.broadcast %add3A_720 : i32 to vector<16xi32>
    %add3A_722 = arith.addi %iota3A_719, %add3A_721 : vector<16xi32>
    %gather3A_723 = tpu.vector_load_idx %arg6[%broadcast_in_dim3A_598, %broadcast_in_dim3A_686, %add3A_722, %broadcast_in_dim3A_689] : memref<3x4x64x128xf32, #tpu.memory_space<vmem>>[vector<16xi32>, vector<16xi32>, vector<16xi32>, vector<16xi32>], vector<16xf32>,
    %swap3A_724 = arith.constant 6 : i32
    %swap3A_725 = arith.index_cast %swap3A_724 : i32 to index
    %swap3A_726 = arith.constant 48 : index
    %swap3A_727 = tpu.vector_load %arg7[%swap3A_725, %swap3A_726] {strides = array<i32>} : memref<32x64xf32, #tpu.memory_space<vmem>>, vector<16xf32>,
    tpu.vector_store %arg7[%swap3A_725, %swap3A_726], %gather3A_723 {strides = array<i32>} : memref<32x64xf32, #tpu.memory_space<vmem>>, vector<16xf32>,
    %broadcast_in_dim3A_728 = arith.constant 3 : i32
    %broadcast_in_dim3A_729 = vector.broadcast %broadcast_in_dim3A_728 : i32 to vector<16xi32>
    %slice3A_730 = vector.extract_strided_slice %and3A_7 {offsets = [7], sizes = [1], strides = [1]} : vector<16xi32> to vector<1xi32>
    %squeeze3A_731 = vector.extract %slice3A_730[0] : i32 from vector<1xi32>
    %broadcast_in_dim3A_732 = vector.broadcast %squeeze3A_731 : i32 to vector<16xi32>
    %broadcast_in_dim3A_733 = arith.constant 7 : i32
    %broadcast_in_dim3A_734 = vector.broadcast %broadcast_in_dim3A_733 : i32 to vector<16xi32>
    %iota3A_735 = tpu.iota {dimensions = array<i32: 0>} : vector<16xi32>
    %add3A_736 = arith.constant 0 : i32
    %add3A_737 = vector.broadcast %add3A_736 : i32 to vector<16xi32>
    %add3A_738 = arith.addi %iota3A_735, %add3A_737 : vector<16xi32>
    %gather3A_739 = tpu.vector_load_idx %arg6[%broadcast_in_dim3A_598, %broadcast_in_dim3A_729, %add3A_738, %broadcast_in_dim3A_732] : memref<3x4x64x128xf32, #tpu.memory_space<vmem>>[vector<16xi32>, vector<16xi32>, vector<16xi32>, vector<16xi32>], vector<16xf32>,
    %swap3A_740 = arith.constant 7 : i32
    %swap3A_741 = arith.index_cast %swap3A_740 : i32 to index
    %swap3A_742 = arith.constant 0 : index
    %swap3A_743 = tpu.vector_load %arg7[%swap3A_741, %swap3A_742] {strides = array<i32>} : memref<32x64xf32, #tpu.memory_space<vmem>>, vector<16xf32>,
    tpu.vector_store %arg7[%swap3A_741, %swap3A_742], %gather3A_739 {strides = array<i32>} : memref<32x64xf32, #tpu.memory_space<vmem>>, vector<16xf32>,
    %iota3A_744 = tpu.iota {dimensions = array<i32: 0>} : vector<16xi32>
    %add3A_745 = arith.constant 16 : i32
    %add3A_746 = vector.broadcast %add3A_745 : i32 to vector<16xi32>
    %add3A_747 = arith.addi %iota3A_744, %add3A_746 : vector<16xi32>
    %gather3A_748 = tpu.vector_load_idx %arg6[%broadcast_in_dim3A_598, %broadcast_in_dim3A_729, %add3A_747, %broadcast_in_dim3A_732] : memref<3x4x64x128xf32, #tpu.memory_space<vmem>>[vector<16xi32>, vector<16xi32>, vector<16xi32>, vector<16xi32>], vector<16xf32>,
    %swap3A_749 = arith.constant 7 : i32
    %swap3A_750 = arith.index_cast %swap3A_749 : i32 to index
    %swap3A_751 = arith.constant 16 : index
    %swap3A_752 = tpu.vector_load %arg7[%swap3A_750, %swap3A_751] {strides = array<i32>} : memref<32x64xf32, #tpu.memory_space<vmem>>, vector<16xf32>,
    tpu.vector_store %arg7[%swap3A_750, %swap3A_751], %gather3A_748 {strides = array<i32>} : memref<32x64xf32, #tpu.memory_space<vmem>>, vector<16xf32>,
    %iota3A_753 = tpu.iota {dimensions = array<i32: 0>} : vector<16xi32>
    %add3A_754 = arith.constant 32 : i32
    %add3A_755 = vector.broadcast %add3A_754 : i32 to vector<16xi32>
    %add3A_756 = arith.addi %iota3A_753, %add3A_755 : vector<16xi32>
    %gather3A_757 = tpu.vector_load_idx %arg6[%broadcast_in_dim3A_598, %broadcast_in_dim3A_729, %add3A_756, %broadcast_in_dim3A_732] : memref<3x4x64x128xf32, #tpu.memory_space<vmem>>[vector<16xi32>, vector<16xi32>, vector<16xi32>, vector<16xi32>], vector<16xf32>,
    %swap3A_758 = arith.constant 7 : i32
    %swap3A_759 = arith.index_cast %swap3A_758 : i32 to index
    %swap3A_760 = arith.constant 32 : index
    %swap3A_761 = tpu.vector_load %arg7[%swap3A_759, %swap3A_760] {strides = array<i32>} : memref<32x64xf32, #tpu.memory_space<vmem>>, vector<16xf32>,
    tpu.vector_store %arg7[%swap3A_759, %swap3A_760], %gather3A_757 {strides = array<i32>} : memref<32x64xf32, #tpu.memory_space<vmem>>, vector<16xf32>,
    %iota3A_762 = tpu.iota {dimensions = array<i32: 0>} : vector<16xi32>
    %add3A_763 = arith.constant 48 : i32
    %add3A_764 = vector.broadcast %add3A_763 : i32 to vector<16xi32>
    %add3A_765 = arith.addi %iota3A_762, %add3A_764 : vector<16xi32>
    %gather3A_766 = tpu.vector_load_idx %arg6[%broadcast_in_dim3A_598, %broadcast_in_dim3A_729, %add3A_765, %broadcast_in_dim3A_732] : memref<3x4x64x128xf32, #tpu.memory_space<vmem>>[vector<16xi32>, vector<16xi32>, vector<16xi32>, vector<16xi32>], vector<16xf32>,
    %swap3A_767 = arith.constant 7 : i32
    %swap3A_768 = arith.index_cast %swap3A_767 : i32 to index
    %swap3A_769 = arith.constant 48 : index
    %swap3A_770 = tpu.vector_load %arg7[%swap3A_768, %swap3A_769] {strides = array<i32>} : memref<32x64xf32, #tpu.memory_space<vmem>>, vector<16xf32>,
    tpu.vector_store %arg7[%swap3A_768, %swap3A_769], %gather3A_766 {strides = array<i32>} : memref<32x64xf32, #tpu.memory_space<vmem>>, vector<16xf32>,
    %slice3A_771 = vector.extract_strided_slice %shift_right_logical3A_12 {offsets = [0], sizes = [1], strides = [1]} : vector<16xi32> to vector<1xi32>
    %squeeze3A_772 = vector.extract %slice3A_771[0] : i32 from vector<1xi32>
    %mul3A_773 = arith.constant 128 : i32
    %mul3A_774 = arith.muli %squeeze3A_772, %mul3A_773 : i32
    %multiple_of3A_775 = tpu.assume_multiple %mul3A_774, 128 : i32
    %dma_start3A_776 = arith.constant 1 : i32
    %dma_start3A_777 = arith.constant 0 : i32
    %dma_start3A_778 = arith.constant 0 : i32
    %dma_start3A_779 = arith.constant 0 : i32
    %dma_start3A_780 = tpu.memref_slice %arg6[%dma_start3A_776, %dma_start3A_777, %dma_start3A_778, %dma_start3A_779] : memref<3x4x64x128xf32, #tpu.memory_space<vmem>> -> memref<1x1x64x128xf32, #tpu.memory_space<vmem>>
    %dma_start3A_781 = tpu.memref_squeeze %dma_start3A_780 : memref<1x1x64x128xf32, #tpu.memory_space<vmem>> -> memref<64x128xf32, #tpu.memory_space<vmem>>
    %dma_start3A_782 = arith.constant 0 : i32
    %dma_start3A_783 = tpu.memref_slice %arg2[%dma_start3A_782, %multiple_of3A_775] : memref<64x100000xf32, #tpu.memory_space<hbm>> -> memref<64x128xf32, #tpu.memory_space<hbm>>
    %dma_start3A_784 = arith.constant 0 : i32
    %dma_start3A_785 = arith.constant 0 : i32
    %dma_start3A_786 = tpu.memref_slice %arg6[%dma_start3A_776, %dma_start3A_777, %dma_start3A_784, %dma_start3A_785] : memref<3x4x64x128xf32, #tpu.memory_space<vmem>> -> memref<1x1x64x128xf32, #tpu.memory_space<vmem>>
    %dma_start3A_787 = tpu.memref_squeeze %dma_start3A_786 : memref<1x1x64x128xf32, #tpu.memory_space<vmem>> -> memref<64x128xf32, #tpu.memory_space<vmem>>
    %dma_start3A_788 = arith.constant 0 : i32
    %dma_start3A_789 = tpu.memref_slice %arg2[%dma_start3A_788, %multiple_of3A_775] : memref<64x100000xf32, #tpu.memory_space<hbm>> -> memref<64x128xf32, #tpu.memory_space<hbm>>
    tpu.enqueue_dma source(%dma_start3A_789 : memref<64x128xf32, #tpu.memory_space<hbm>>) target(%dma_start3A_787 : memref<64x128xf32, #tpu.memory_space<vmem>>) target_semaphore(%arg8 : memref<!tpu.dma_semaphore, #tpu.memory_space<semaphore_mem>>)
    %slice3A_790 = vector.extract_strided_slice %shift_right_logical3A_12 {offsets = [1], sizes = [1], strides = [1]} : vector<16xi32> to vector<1xi32>
    %squeeze3A_791 = vector.extract %slice3A_790[0] : i32 from vector<1xi32>
    %mul3A_792 = arith.constant 128 : i32
    %mul3A_793 = arith.muli %squeeze3A_791, %mul3A_792 : i32
    %multiple_of3A_794 = tpu.assume_multiple %mul3A_793, 128 : i32
    %dma_start3A_795 = arith.constant 1 : i32
    %dma_start3A_796 = arith.constant 1 : i32
    %dma_start3A_797 = arith.constant 0 : i32
    %dma_start3A_798 = arith.constant 0 : i32
    %dma_start3A_799 = tpu.memref_slice %arg6[%dma_start3A_795, %dma_start3A_796, %dma_start3A_797, %dma_start3A_798] : memref<3x4x64x128xf32, #tpu.memory_space<vmem>> -> memref<1x1x64x128xf32, #tpu.memory_space<vmem>>
    %dma_start3A_800 = tpu.memref_squeeze %dma_start3A_799 : memref<1x1x64x128xf32, #tpu.memory_space<vmem>> -> memref<64x128xf32, #tpu.memory_space<vmem>>
    %dma_start3A_801 = arith.constant 0 : i32
    %dma_start3A_802 = tpu.memref_slice %arg2[%dma_start3A_801, %multiple_of3A_794] : memref<64x100000xf32, #tpu.memory_space<hbm>> -> memref<64x128xf32, #tpu.memory_space<hbm>>
    %dma_start3A_803 = arith.constant 0 : i32
    %dma_start3A_804 = arith.constant 0 : i32
    %dma_start3A_805 = tpu.memref_slice %arg6[%dma_start3A_795, %dma_start3A_796, %dma_start3A_803, %dma_start3A_804] : memref<3x4x64x128xf32, #tpu.memory_space<vmem>> -> memref<1x1x64x128xf32, #tpu.memory_space<vmem>>
    %dma_start3A_806 = tpu.memref_squeeze %dma_start3A_805 : memref<1x1x64x128xf32, #tpu.memory_space<vmem>> -> memref<64x128xf32, #tpu.memory_space<vmem>>
    %dma_start3A_807 = arith.constant 0 : i32
    %dma_start3A_808 = tpu.memref_slice %arg2[%dma_start3A_807, %multiple_of3A_794] : memref<64x100000xf32, #tpu.memory_space<hbm>> -> memref<64x128xf32, #tpu.memory_space<hbm>>
    tpu.enqueue_dma source(%dma_start3A_808 : memref<64x128xf32, #tpu.memory_space<hbm>>) target(%dma_start3A_806 : memref<64x128xf32, #tpu.memory_space<vmem>>) target_semaphore(%arg8 : memref<!tpu.dma_semaphore, #tpu.memory_space<semaphore_mem>>)
    %slice3A_809 = vector.extract_strided_slice %shift_right_logical3A_12 {offsets = [2], sizes = [1], strides = [1]} : vector<16xi32> to vector<1xi32>
    %squeeze3A_810 = vector.extract %slice3A_809[0] : i32 from vector<1xi32>
    %mul3A_811 = arith.constant 128 : i32
    %mul3A_812 = arith.muli %squeeze3A_810, %mul3A_811 : i32
    %multiple_of3A_813 = tpu.assume_multiple %mul3A_812, 128 : i32
    %dma_start3A_814 = arith.constant 1 : i32
    %dma_start3A_815 = arith.constant 2 : i32
    %dma_start3A_816 = arith.constant 0 : i32
    %dma_start3A_817 = arith.constant 0 : i32
    %dma_start3A_818 = tpu.memref_slice %arg6[%dma_start3A_814, %dma_start3A_815, %dma_start3A_816, %dma_start3A_817] : memref<3x4x64x128xf32, #tpu.memory_space<vmem>> -> memref<1x1x64x128xf32, #tpu.memory_space<vmem>>
    %dma_start3A_819 = tpu.memref_squeeze %dma_start3A_818 : memref<1x1x64x128xf32, #tpu.memory_space<vmem>> -> memref<64x128xf32, #tpu.memory_space<vmem>>
    %dma_start3A_820 = arith.constant 0 : i32
    %dma_start3A_821 = tpu.memref_slice %arg2[%dma_start3A_820, %multiple_of3A_813] : memref<64x100000xf32, #tpu.memory_space<hbm>> -> memref<64x128xf32, #tpu.memory_space<hbm>>
    %dma_start3A_822 = arith.constant 0 : i32
    %dma_start3A_823 = arith.constant 0 : i32
    %dma_start3A_824 = tpu.memref_slice %arg6[%dma_start3A_814, %dma_start3A_815, %dma_start3A_822, %dma_start3A_823] : memref<3x4x64x128xf32, #tpu.memory_space<vmem>> -> memref<1x1x64x128xf32, #tpu.memory_space<vmem>>
    %dma_start3A_825 = tpu.memref_squeeze %dma_start3A_824 : memref<1x1x64x128xf32, #tpu.memory_space<vmem>> -> memref<64x128xf32, #tpu.memory_space<vmem>>
    %dma_start3A_826 = arith.constant 0 : i32
    %dma_start3A_827 = tpu.memref_slice %arg2[%dma_start3A_826, %multiple_of3A_813] : memref<64x100000xf32, #tpu.memory_space<hbm>> -> memref<64x128xf32, #tpu.memory_space<hbm>>
    tpu.enqueue_dma source(%dma_start3A_827 : memref<64x128xf32, #tpu.memory_space<hbm>>) target(%dma_start3A_825 : memref<64x128xf32, #tpu.memory_space<vmem>>) target_semaphore(%arg8 : memref<!tpu.dma_semaphore, #tpu.memory_space<semaphore_mem>>)
    %slice3A_828 = vector.extract_strided_slice %shift_right_logical3A_12 {offsets = [3], sizes = [1], strides = [1]} : vector<16xi32> to vector<1xi32>
    %squeeze3A_829 = vector.extract %slice3A_828[0] : i32 from vector<1xi32>
    %mul3A_830 = arith.constant 128 : i32
    %mul3A_831 = arith.muli %squeeze3A_829, %mul3A_830 : i32
    %multiple_of3A_832 = tpu.assume_multiple %mul3A_831, 128 : i32
    %dma_start3A_833 = arith.constant 1 : i32
    %dma_start3A_834 = arith.constant 3 : i32
    %dma_start3A_835 = arith.constant 0 : i32
    %dma_start3A_836 = arith.constant 0 : i32
    %dma_start3A_837 = tpu.memref_slice %arg6[%dma_start3A_833, %dma_start3A_834, %dma_start3A_835, %dma_start3A_836] : memref<3x4x64x128xf32, #tpu.memory_space<vmem>> -> memref<1x1x64x128xf32, #tpu.memory_space<vmem>>
    %dma_start3A_838 = tpu.memref_squeeze %dma_start3A_837 : memref<1x1x64x128xf32, #tpu.memory_space<vmem>> -> memref<64x128xf32, #tpu.memory_space<vmem>>
    %dma_start3A_839 = arith.constant 0 : i32
    %dma_start3A_840 = tpu.memref_slice %arg2[%dma_start3A_839, %multiple_of3A_832] : memref<64x100000xf32, #tpu.memory_space<hbm>> -> memref<64x128xf32, #tpu.memory_space<hbm>>
    %dma_start3A_841 = arith.constant 0 : i32
    %dma_start3A_842 = arith.constant 0 : i32
    %dma_start3A_843 = tpu.memref_slice %arg6[%dma_start3A_833, %dma_start3A_834, %dma_start3A_841, %dma_start3A_842] : memref<3x4x64x128xf32, #tpu.memory_space<vmem>> -> memref<1x1x64x128xf32, #tpu.memory_space<vmem>>
    %dma_start3A_844 = tpu.memref_squeeze %dma_start3A_843 : memref<1x1x64x128xf32, #tpu.memory_space<vmem>> -> memref<64x128xf32, #tpu.memory_space<vmem>>
    %dma_start3A_845 = arith.constant 0 : i32
    %dma_start3A_846 = tpu.memref_slice %arg2[%dma_start3A_845, %multiple_of3A_832] : memref<64x100000xf32, #tpu.memory_space<hbm>> -> memref<64x128xf32, #tpu.memory_space<hbm>>
    tpu.enqueue_dma source(%dma_start3A_846 : memref<64x128xf32, #tpu.memory_space<hbm>>) target(%dma_start3A_844 : memref<64x128xf32, #tpu.memory_space<vmem>>) target_semaphore(%arg8 : memref<!tpu.dma_semaphore, #tpu.memory_space<semaphore_mem>>)
    %dma_wait3A_847 = arith.constant 2 : i32
    %dma_wait3A_848 = arith.constant 0 : i32
    %dma_wait3A_849 = arith.constant 0 : i32
    %dma_wait3A_850 = arith.constant 0 : i32
    %dma_wait3A_851 = tpu.memref_slice %arg6[%dma_wait3A_847, %dma_wait3A_848, %dma_wait3A_849, %dma_wait3A_850] : memref<3x4x64x128xf32, #tpu.memory_space<vmem>> -> memref<1x1x64x128xf32, #tpu.memory_space<vmem>>
    %dma_wait3A_852 = tpu.memref_squeeze %dma_wait3A_851 : memref<1x1x64x128xf32, #tpu.memory_space<vmem>> -> memref<64x128xf32, #tpu.memory_space<vmem>>
    %dma_wait3A_853 = arith.constant 0 : i32
    %dma_wait3A_854 = tpu.memref_slice %arg2[%dma_wait3A_853, %multiple_of3A_168] : memref<64x100000xf32, #tpu.memory_space<hbm>> -> memref<64x128xf32, #tpu.memory_space<hbm>>
    %dma_wait3A_855 = arith.constant 0 : i32
    %dma_wait3A_856 = arith.constant 0 : i32
    %dma_wait3A_857 = tpu.memref_slice %arg6[%dma_wait3A_847, %dma_wait3A_848, %dma_wait3A_855, %dma_wait3A_856] : memref<3x4x64x128xf32, #tpu.memory_space<vmem>> -> memref<1x1x64x128xf32, #tpu.memory_space<vmem>>
    %dma_wait3A_858 = tpu.memref_squeeze %dma_wait3A_857 : memref<1x1x64x128xf32, #tpu.memory_space<vmem>> -> memref<64x128xf32, #tpu.memory_space<vmem>>
    %dma_wait3A_859 = arith.constant 0 : i32
    %dma_wait3A_860 = tpu.memref_slice %arg2[%dma_wait3A_859, %multiple_of3A_168] : memref<64x100000xf32, #tpu.memory_space<hbm>> -> memref<64x128xf32, #tpu.memory_space<hbm>>
    tpu.wait_dma2 semaphore(%arg8 : memref<!tpu.dma_semaphore, #tpu.memory_space<semaphore_mem>>) src(%dma_wait3A_860 : memref<64x128xf32, #tpu.memory_space<hbm>>) dst(%dma_wait3A_858 : memref<64x128xf32, #tpu.memory_space<vmem>>)
    %dma_wait3A_861 = arith.constant 2 : i32
    %dma_wait3A_862 = arith.constant 1 : i32
    %dma_wait3A_863 = arith.constant 0 : i32
    %dma_wait3A_864 = arith.constant 0 : i32
    %dma_wait3A_865 = tpu.memref_slice %arg6[%dma_wait3A_861, %dma_wait3A_862, %dma_wait3A_863, %dma_wait3A_864] : memref<3x4x64x128xf32, #tpu.memory_space<vmem>> -> memref<1x1x64x128xf32, #tpu.memory_space<vmem>>
    %dma_wait3A_866 = tpu.memref_squeeze %dma_wait3A_865 : memref<1x1x64x128xf32, #tpu.memory_space<vmem>> -> memref<64x128xf32, #tpu.memory_space<vmem>>
    %dma_wait3A_867 = arith.constant 0 : i32
    %dma_wait3A_868 = tpu.memref_slice %arg2[%dma_wait3A_867, %multiple_of3A_187] : memref<64x100000xf32, #tpu.memory_space<hbm>> -> memref<64x128xf32, #tpu.memory_space<hbm>>
    %dma_wait3A_869 = arith.constant 0 : i32
    %dma_wait3A_870 = arith.constant 0 : i32
    %dma_wait3A_871 = tpu.memref_slice %arg6[%dma_wait3A_861, %dma_wait3A_862, %dma_wait3A_869, %dma_wait3A_870] : memref<3x4x64x128xf32, #tpu.memory_space<vmem>> -> memref<1x1x64x128xf32, #tpu.memory_space<vmem>>
    %dma_wait3A_872 = tpu.memref_squeeze %dma_wait3A_871 : memref<1x1x64x128xf32, #tpu.memory_space<vmem>> -> memref<64x128xf32, #tpu.memory_space<vmem>>
    %dma_wait3A_873 = arith.constant 0 : i32
    %dma_wait3A_874 = tpu.memref_slice %arg2[%dma_wait3A_873, %multiple_of3A_187] : memref<64x100000xf32, #tpu.memory_space<hbm>> -> memref<64x128xf32, #tpu.memory_space<hbm>>
    tpu.wait_dma2 semaphore(%arg8 : memref<!tpu.dma_semaphore, #tpu.memory_space<semaphore_mem>>) src(%dma_wait3A_874 : memref<64x128xf32, #tpu.memory_space<hbm>>) dst(%dma_wait3A_872 : memref<64x128xf32, #tpu.memory_space<vmem>>)
    %dma_wait3A_875 = arith.constant 2 : i32
    %dma_wait3A_876 = arith.constant 2 : i32
    %dma_wait3A_877 = arith.constant 0 : i32
    %dma_wait3A_878 = arith.constant 0 : i32
    %dma_wait3A_879 = tpu.memref_slice %arg6[%dma_wait3A_875, %dma_wait3A_876, %dma_wait3A_877, %dma_wait3A_878] : memref<3x4x64x128xf32, #tpu.memory_space<vmem>> -> memref<1x1x64x128xf32, #tpu.memory_space<vmem>>
    %dma_wait3A_880 = tpu.memref_squeeze %dma_wait3A_879 : memref<1x1x64x128xf32, #tpu.memory_space<vmem>> -> memref<64x128xf32, #tpu.memory_space<vmem>>
    %dma_wait3A_881 = arith.constant 0 : i32
    %dma_wait3A_882 = tpu.memref_slice %arg2[%dma_wait3A_881, %multiple_of3A_206] : memref<64x100000xf32, #tpu.memory_space<hbm>> -> memref<64x128xf32, #tpu.memory_space<hbm>>
    %dma_wait3A_883 = arith.constant 0 : i32
    %dma_wait3A_884 = arith.constant 0 : i32
    %dma_wait3A_885 = tpu.memref_slice %arg6[%dma_wait3A_875, %dma_wait3A_876, %dma_wait3A_883, %dma_wait3A_884] : memref<3x4x64x128xf32, #tpu.memory_space<vmem>> -> memref<1x1x64x128xf32, #tpu.memory_space<vmem>>
    %dma_wait3A_886 = tpu.memref_squeeze %dma_wait3A_885 : memref<1x1x64x128xf32, #tpu.memory_space<vmem>> -> memref<64x128xf32, #tpu.memory_space<vmem>>
    %dma_wait3A_887 = arith.constant 0 : i32
    %dma_wait3A_888 = tpu.memref_slice %arg2[%dma_wait3A_887, %multiple_of3A_206] : memref<64x100000xf32, #tpu.memory_space<hbm>> -> memref<64x128xf32, #tpu.memory_space<hbm>>
    tpu.wait_dma2 semaphore(%arg8 : memref<!tpu.dma_semaphore, #tpu.memory_space<semaphore_mem>>) src(%dma_wait3A_888 : memref<64x128xf32, #tpu.memory_space<hbm>>) dst(%dma_wait3A_886 : memref<64x128xf32, #tpu.memory_space<vmem>>)
    %dma_wait3A_889 = arith.constant 2 : i32
    %dma_wait3A_890 = arith.constant 3 : i32
    %dma_wait3A_891 = arith.constant 0 : i32
    %dma_wait3A_892 = arith.constant 0 : i32
    %dma_wait3A_893 = tpu.memref_slice %arg6[%dma_wait3A_889, %dma_wait3A_890, %dma_wait3A_891, %dma_wait3A_892] : memref<3x4x64x128xf32, #tpu.memory_space<vmem>> -> memref<1x1x64x128xf32, #tpu.memory_space<vmem>>
    %dma_wait3A_894 = tpu.memref_squeeze %dma_wait3A_893 : memref<1x1x64x128xf32, #tpu.memory_space<vmem>> -> memref<64x128xf32, #tpu.memory_space<vmem>>
    %dma_wait3A_895 = arith.constant 0 : i32
    %dma_wait3A_896 = tpu.memref_slice %arg2[%dma_wait3A_895, %multiple_of3A_225] : memref<64x100000xf32, #tpu.memory_space<hbm>> -> memref<64x128xf32, #tpu.memory_space<hbm>>
    %dma_wait3A_897 = arith.constant 0 : i32
    %dma_wait3A_898 = arith.constant 0 : i32
    %dma_wait3A_899 = tpu.memref_slice %arg6[%dma_wait3A_889, %dma_wait3A_890, %dma_wait3A_897, %dma_wait3A_898] : memref<3x4x64x128xf32, #tpu.memory_space<vmem>> -> memref<1x1x64x128xf32, #tpu.memory_space<vmem>>
    %dma_wait3A_900 = tpu.memref_squeeze %dma_wait3A_899 : memref<1x1x64x128xf32, #tpu.memory_space<vmem>> -> memref<64x128xf32, #tpu.memory_space<vmem>>
    %dma_wait3A_901 = arith.constant 0 : i32
    %dma_wait3A_902 = tpu.memref_slice %arg2[%dma_wait3A_901, %multiple_of3A_225] : memref<64x100000xf32, #tpu.memory_space<hbm>> -> memref<64x128xf32, #tpu.memory_space<hbm>>
    tpu.wait_dma2 semaphore(%arg8 : memref<!tpu.dma_semaphore, #tpu.memory_space<semaphore_mem>>) src(%dma_wait3A_902 : memref<64x128xf32, #tpu.memory_space<hbm>>) dst(%dma_wait3A_900 : memref<64x128xf32, #tpu.memory_space<vmem>>)
    %broadcast_in_dim3A_903 = arith.constant 2 : i32
    %broadcast_in_dim3A_904 = vector.broadcast %broadcast_in_dim3A_903 : i32 to vector<16xi32>
    %broadcast_in_dim3A_905 = arith.constant 0 : i32
    %broadcast_in_dim3A_906 = vector.broadcast %broadcast_in_dim3A_905 : i32 to vector<16xi32>
    %slice3A_907 = vector.extract_strided_slice %and3A_7 {offsets = [8], sizes = [1], strides = [1]} : vector<16xi32> to vector<1xi32>
    %squeeze3A_908 = vector.extract %slice3A_907[0] : i32 from vector<1xi32>
    %broadcast_in_dim3A_909 = vector.broadcast %squeeze3A_908 : i32 to vector<16xi32>
    %broadcast_in_dim3A_910 = arith.constant 8 : i32
    %broadcast_in_dim3A_911 = vector.broadcast %broadcast_in_dim3A_910 : i32 to vector<16xi32>
    %iota3A_912 = tpu.iota {dimensions = array<i32: 0>} : vector<16xi32>
    %add3A_913 = arith.constant 0 : i32
    %add3A_914 = vector.broadcast %add3A_913 : i32 to vector<16xi32>
    %add3A_915 = arith.addi %iota3A_912, %add3A_914 : vector<16xi32>
    %gather3A_916 = tpu.vector_load_idx %arg6[%broadcast_in_dim3A_904, %broadcast_in_dim3A_906, %add3A_915, %broadcast_in_dim3A_909] : memref<3x4x64x128xf32, #tpu.memory_space<vmem>>[vector<16xi32>, vector<16xi32>, vector<16xi32>, vector<16xi32>], vector<16xf32>,
    %swap3A_917 = arith.constant 8 : i32
    %swap3A_918 = arith.index_cast %swap3A_917 : i32 to index
    %swap3A_919 = arith.constant 0 : index
    %swap3A_920 = tpu.vector_load %arg7[%swap3A_918, %swap3A_919] {strides = array<i32>} : memref<32x64xf32, #tpu.memory_space<vmem>>, vector<16xf32>,
    tpu.vector_store %arg7[%swap3A_918, %swap3A_919], %gather3A_916 {strides = array<i32>} : memref<32x64xf32, #tpu.memory_space<vmem>>, vector<16xf32>,
    %iota3A_921 = tpu.iota {dimensions = array<i32: 0>} : vector<16xi32>
    %add3A_922 = arith.constant 16 : i32
    %add3A_923 = vector.broadcast %add3A_922 : i32 to vector<16xi32>
    %add3A_924 = arith.addi %iota3A_921, %add3A_923 : vector<16xi32>
    %gather3A_925 = tpu.vector_load_idx %arg6[%broadcast_in_dim3A_904, %broadcast_in_dim3A_906, %add3A_924, %broadcast_in_dim3A_909] : memref<3x4x64x128xf32, #tpu.memory_space<vmem>>[vector<16xi32>, vector<16xi32>, vector<16xi32>, vector<16xi32>], vector<16xf32>,
    %swap3A_926 = arith.constant 8 : i32
    %swap3A_927 = arith.index_cast %swap3A_926 : i32 to index
    %swap3A_928 = arith.constant 16 : index
    %swap3A_929 = tpu.vector_load %arg7[%swap3A_927, %swap3A_928] {strides = array<i32>} : memref<32x64xf32, #tpu.memory_space<vmem>>, vector<16xf32>,
    tpu.vector_store %arg7[%swap3A_927, %swap3A_928], %gather3A_925 {strides = array<i32>} : memref<32x64xf32, #tpu.memory_space<vmem>>, vector<16xf32>,
    %iota3A_930 = tpu.iota {dimensions = array<i32: 0>} : vector<16xi32>
    %add3A_931 = arith.constant 32 : i32
    %add3A_932 = vector.broadcast %add3A_931 : i32 to vector<16xi32>
    %add3A_933 = arith.addi %iota3A_930, %add3A_932 : vector<16xi32>
    %gather3A_934 = tpu.vector_load_idx %arg6[%broadcast_in_dim3A_904, %broadcast_in_dim3A_906, %add3A_933, %broadcast_in_dim3A_909] : memref<3x4x64x128xf32, #tpu.memory_space<vmem>>[vector<16xi32>, vector<16xi32>, vector<16xi32>, vector<16xi32>], vector<16xf32>,
    %swap3A_935 = arith.constant 8 : i32
    %swap3A_936 = arith.index_cast %swap3A_935 : i32 to index
    %swap3A_937 = arith.constant 32 : index
    %swap3A_938 = tpu.vector_load %arg7[%swap3A_936, %swap3A_937] {strides = array<i32>} : memref<32x64xf32, #tpu.memory_space<vmem>>, vector<16xf32>,
    tpu.vector_store %arg7[%swap3A_936, %swap3A_937], %gather3A_934 {strides = array<i32>} : memref<32x64xf32, #tpu.memory_space<vmem>>, vector<16xf32>,
    %iota3A_939 = tpu.iota {dimensions = array<i32: 0>} : vector<16xi32>
    %add3A_940 = arith.constant 48 : i32
    %add3A_941 = vector.broadcast %add3A_940 : i32 to vector<16xi32>
    %add3A_942 = arith.addi %iota3A_939, %add3A_941 : vector<16xi32>
    %gather3A_943 = tpu.vector_load_idx %arg6[%broadcast_in_dim3A_904, %broadcast_in_dim3A_906, %add3A_942, %broadcast_in_dim3A_909] : memref<3x4x64x128xf32, #tpu.memory_space<vmem>>[vector<16xi32>, vector<16xi32>, vector<16xi32>, vector<16xi32>], vector<16xf32>,
    %swap3A_944 = arith.constant 8 : i32
    %swap3A_945 = arith.index_cast %swap3A_944 : i32 to index
    %swap3A_946 = arith.constant 48 : index
    %swap3A_947 = tpu.vector_load %arg7[%swap3A_945, %swap3A_946] {strides = array<i32>} : memref<32x64xf32, #tpu.memory_space<vmem>>, vector<16xf32>,
    tpu.vector_store %arg7[%swap3A_945, %swap3A_946], %gather3A_943 {strides = array<i32>} : memref<32x64xf32, #tpu.memory_space<vmem>>, vector<16xf32>,
    %broadcast_in_dim3A_948 = arith.constant 1 : i32
    %broadcast_in_dim3A_949 = vector.broadcast %broadcast_in_dim3A_948 : i32 to vector<16xi32>
    %slice3A_950 = vector.extract_strided_slice %and3A_7 {offsets = [9], sizes = [1], strides = [1]} : vector<16xi32> to vector<1xi32>
    %squeeze3A_951 = vector.extract %slice3A_950[0] : i32 from vector<1xi32>
    %broadcast_in_dim3A_952 = vector.broadcast %squeeze3A_951 : i32 to vector<16xi32>
    %broadcast_in_dim3A_953 = arith.constant 9 : i32
    %broadcast_in_dim3A_954 = vector.broadcast %broadcast_in_dim3A_953 : i32 to vector<16xi32>
    %iota3A_955 = tpu.iota {dimensions = array<i32: 0>} : vector<16xi32>
    %add3A_956 = arith.constant 0 : i32
    %add3A_957 = vector.broadcast %add3A_956 : i32 to vector<16xi32>
    %add3A_958 = arith.addi %iota3A_955, %add3A_957 : vector<16xi32>
    %gather3A_959 = tpu.vector_load_idx %arg6[%broadcast_in_dim3A_904, %broadcast_in_dim3A_949, %add3A_958, %broadcast_in_dim3A_952] : memref<3x4x64x128xf32, #tpu.memory_space<vmem>>[vector<16xi32>, vector<16xi32>, vector<16xi32>, vector<16xi32>], vector<16xf32>,
    %swap3A_960 = arith.constant 9 : i32
    %swap3A_961 = arith.index_cast %swap3A_960 : i32 to index
    %swap3A_962 = arith.constant 0 : index
    %swap3A_963 = tpu.vector_load %arg7[%swap3A_961, %swap3A_962] {strides = array<i32>} : memref<32x64xf32, #tpu.memory_space<vmem>>, vector<16xf32>,
    tpu.vector_store %arg7[%swap3A_961, %swap3A_962], %gather3A_959 {strides = array<i32>} : memref<32x64xf32, #tpu.memory_space<vmem>>, vector<16xf32>,
    %iota3A_964 = tpu.iota {dimensions = array<i32: 0>} : vector<16xi32>
    %add3A_965 = arith.constant 16 : i32
    %add3A_966 = vector.broadcast %add3A_965 : i32 to vector<16xi32>
    %add3A_967 = arith.addi %iota3A_964, %add3A_966 : vector<16xi32>
    %gather3A_968 = tpu.vector_load_idx %arg6[%broadcast_in_dim3A_904, %broadcast_in_dim3A_949, %add3A_967, %broadcast_in_dim3A_952] : memref<3x4x64x128xf32, #tpu.memory_space<vmem>>[vector<16xi32>, vector<16xi32>, vector<16xi32>, vector<16xi32>], vector<16xf32>,
    %swap3A_969 = arith.constant 9 : i32
    %swap3A_970 = arith.index_cast %swap3A_969 : i32 to index
    %swap3A_971 = arith.constant 16 : index
    %swap3A_972 = tpu.vector_load %arg7[%swap3A_970, %swap3A_971] {strides = array<i32>} : memref<32x64xf32, #tpu.memory_space<vmem>>, vector<16xf32>,
    tpu.vector_store %arg7[%swap3A_970, %swap3A_971], %gather3A_968 {strides = array<i32>} : memref<32x64xf32, #tpu.memory_space<vmem>>, vector<16xf32>,
    %iota3A_973 = tpu.iota {dimensions = array<i32: 0>} : vector<16xi32>
    %add3A_974 = arith.constant 32 : i32
    %add3A_975 = vector.broadcast %add3A_974 : i32 to vector<16xi32>
    %add3A_976 = arith.addi %iota3A_973, %add3A_975 : vector<16xi32>
    %gather3A_977 = tpu.vector_load_idx %arg6[%broadcast_in_dim3A_904, %broadcast_in_dim3A_949, %add3A_976, %broadcast_in_dim3A_952] : memref<3x4x64x128xf32, #tpu.memory_space<vmem>>[vector<16xi32>, vector<16xi32>, vector<16xi32>, vector<16xi32>], vector<16xf32>,
    %swap3A_978 = arith.constant 9 : i32
    %swap3A_979 = arith.index_cast %swap3A_978 : i32 to index
    %swap3A_980 = arith.constant 32 : index
    %swap3A_981 = tpu.vector_load %arg7[%swap3A_979, %swap3A_980] {strides = array<i32>} : memref<32x64xf32, #tpu.memory_space<vmem>>, vector<16xf32>,
    tpu.vector_store %arg7[%swap3A_979, %swap3A_980], %gather3A_977 {strides = array<i32>} : memref<32x64xf32, #tpu.memory_space<vmem>>, vector<16xf32>,
    %iota3A_982 = tpu.iota {dimensions = array<i32: 0>} : vector<16xi32>
    %add3A_983 = arith.constant 48 : i32
    %add3A_984 = vector.broadcast %add3A_983 : i32 to vector<16xi32>
    %add3A_985 = arith.addi %iota3A_982, %add3A_984 : vector<16xi32>
    %gather3A_986 = tpu.vector_load_idx %arg6[%broadcast_in_dim3A_904, %broadcast_in_dim3A_949, %add3A_985, %broadcast_in_dim3A_952] : memref<3x4x64x128xf32, #tpu.memory_space<vmem>>[vector<16xi32>, vector<16xi32>, vector<16xi32>, vector<16xi32>], vector<16xf32>,
    %swap3A_987 = arith.constant 9 : i32
    %swap3A_988 = arith.index_cast %swap3A_987 : i32 to index
    %swap3A_989 = arith.constant 48 : index
    %swap3A_990 = tpu.vector_load %arg7[%swap3A_988, %swap3A_989] {strides = array<i32>} : memref<32x64xf32, #tpu.memory_space<vmem>>, vector<16xf32>,
    tpu.vector_store %arg7[%swap3A_988, %swap3A_989], %gather3A_986 {strides = array<i32>} : memref<32x64xf32, #tpu.memory_space<vmem>>, vector<16xf32>,
    %broadcast_in_dim3A_991 = arith.constant 2 : i32
    %broadcast_in_dim3A_992 = vector.broadcast %broadcast_in_dim3A_991 : i32 to vector<16xi32>
    %slice3A_993 = vector.extract_strided_slice %and3A_7 {offsets = [10], sizes = [1], strides = [1]} : vector<16xi32> to vector<1xi32>
    %squeeze3A_994 = vector.extract %slice3A_993[0] : i32 from vector<1xi32>
    %broadcast_in_dim3A_995 = vector.broadcast %squeeze3A_994 : i32 to vector<16xi32>
    %broadcast_in_dim3A_996 = arith.constant 10 : i32
    %broadcast_in_dim3A_997 = vector.broadcast %broadcast_in_dim3A_996 : i32 to vector<16xi32>
    %iota3A_998 = tpu.iota {dimensions = array<i32: 0>} : vector<16xi32>
    %add3A_999 = arith.constant 0 : i32
    %add3A_1000 = vector.broadcast %add3A_999 : i32 to vector<16xi32>
    %add3A_1001 = arith.addi %iota3A_998, %add3A_1000 : vector<16xi32>
    %gather3A_1002 = tpu.vector_load_idx %arg6[%broadcast_in_dim3A_904, %broadcast_in_dim3A_992, %add3A_1001, %broadcast_in_dim3A_995] : memref<3x4x64x128xf32, #tpu.memory_space<vmem>>[vector<16xi32>, vector<16xi32>, vector<16xi32>, vector<16xi32>], vector<16xf32>,
    %swap3A_1003 = arith.constant 10 : i32
    %swap3A_1004 = arith.index_cast %swap3A_1003 : i32 to index
    %swap3A_1005 = arith.constant 0 : index
    %swap3A_1006 = tpu.vector_load %arg7[%swap3A_1004, %swap3A_1005] {strides = array<i32>} : memref<32x64xf32, #tpu.memory_space<vmem>>, vector<16xf32>,
    tpu.vector_store %arg7[%swap3A_1004, %swap3A_1005], %gather3A_1002 {strides = array<i32>} : memref<32x64xf32, #tpu.memory_space<vmem>>, vector<16xf32>,
    %iota3A_1007 = tpu.iota {dimensions = array<i32: 0>} : vector<16xi32>
    %add3A_1008 = arith.constant 16 : i32
    %add3A_1009 = vector.broadcast %add3A_1008 : i32 to vector<16xi32>
    %add3A_1010 = arith.addi %iota3A_1007, %add3A_1009 : vector<16xi32>
    %gather3A_1011 = tpu.vector_load_idx %arg6[%broadcast_in_dim3A_904, %broadcast_in_dim3A_992, %add3A_1010, %broadcast_in_dim3A_995] : memref<3x4x64x128xf32, #tpu.memory_space<vmem>>[vector<16xi32>, vector<16xi32>, vector<16xi32>, vector<16xi32>], vector<16xf32>,
    %swap3A_1012 = arith.constant 10 : i32
    %swap3A_1013 = arith.index_cast %swap3A_1012 : i32 to index
    %swap3A_1014 = arith.constant 16 : index
    %swap3A_1015 = tpu.vector_load %arg7[%swap3A_1013, %swap3A_1014] {strides = array<i32>} : memref<32x64xf32, #tpu.memory_space<vmem>>, vector<16xf32>,
    tpu.vector_store %arg7[%swap3A_1013, %swap3A_1014], %gather3A_1011 {strides = array<i32>} : memref<32x64xf32, #tpu.memory_space<vmem>>, vector<16xf32>,
    %iota3A_1016 = tpu.iota {dimensions = array<i32: 0>} : vector<16xi32>
    %add3A_1017 = arith.constant 32 : i32
    %add3A_1018 = vector.broadcast %add3A_1017 : i32 to vector<16xi32>
    %add3A_1019 = arith.addi %iota3A_1016, %add3A_1018 : vector<16xi32>
    %gather3A_1020 = tpu.vector_load_idx %arg6[%broadcast_in_dim3A_904, %broadcast_in_dim3A_992, %add3A_1019, %broadcast_in_dim3A_995] : memref<3x4x64x128xf32, #tpu.memory_space<vmem>>[vector<16xi32>, vector<16xi32>, vector<16xi32>, vector<16xi32>], vector<16xf32>,
    %swap3A_1021 = arith.constant 10 : i32
    %swap3A_1022 = arith.index_cast %swap3A_1021 : i32 to index
    %swap3A_1023 = arith.constant 32 : index
    %swap3A_1024 = tpu.vector_load %arg7[%swap3A_1022, %swap3A_1023] {strides = array<i32>} : memref<32x64xf32, #tpu.memory_space<vmem>>, vector<16xf32>,
    tpu.vector_store %arg7[%swap3A_1022, %swap3A_1023], %gather3A_1020 {strides = array<i32>} : memref<32x64xf32, #tpu.memory_space<vmem>>, vector<16xf32>,
    %iota3A_1025 = tpu.iota {dimensions = array<i32: 0>} : vector<16xi32>
    %add3A_1026 = arith.constant 48 : i32
    %add3A_1027 = vector.broadcast %add3A_1026 : i32 to vector<16xi32>
    %add3A_1028 = arith.addi %iota3A_1025, %add3A_1027 : vector<16xi32>
    %gather3A_1029 = tpu.vector_load_idx %arg6[%broadcast_in_dim3A_904, %broadcast_in_dim3A_992, %add3A_1028, %broadcast_in_dim3A_995] : memref<3x4x64x128xf32, #tpu.memory_space<vmem>>[vector<16xi32>, vector<16xi32>, vector<16xi32>, vector<16xi32>], vector<16xf32>,
    %swap3A_1030 = arith.constant 10 : i32
    %swap3A_1031 = arith.index_cast %swap3A_1030 : i32 to index
    %swap3A_1032 = arith.constant 48 : index
    %swap3A_1033 = tpu.vector_load %arg7[%swap3A_1031, %swap3A_1032] {strides = array<i32>} : memref<32x64xf32, #tpu.memory_space<vmem>>, vector<16xf32>,
    tpu.vector_store %arg7[%swap3A_1031, %swap3A_1032], %gather3A_1029 {strides = array<i32>} : memref<32x64xf32, #tpu.memory_space<vmem>>, vector<16xf32>,
    %broadcast_in_dim3A_1034 = arith.constant 3 : i32
    %broadcast_in_dim3A_1035 = vector.broadcast %broadcast_in_dim3A_1034 : i32 to vector<16xi32>
    %slice3A_1036 = vector.extract_strided_slice %and3A_7 {offsets = [11], sizes = [1], strides = [1]} : vector<16xi32> to vector<1xi32>
    %squeeze3A_1037 = vector.extract %slice3A_1036[0] : i32 from vector<1xi32>
    %broadcast_in_dim3A_1038 = vector.broadcast %squeeze3A_1037 : i32 to vector<16xi32>
    %broadcast_in_dim3A_1039 = arith.constant 11 : i32
    %broadcast_in_dim3A_1040 = vector.broadcast %broadcast_in_dim3A_1039 : i32 to vector<16xi32>
    %iota3A_1041 = tpu.iota {dimensions = array<i32: 0>} : vector<16xi32>
    %add3A_1042 = arith.constant 0 : i32
    %add3A_1043 = vector.broadcast %add3A_1042 : i32 to vector<16xi32>
    %add3A_1044 = arith.addi %iota3A_1041, %add3A_1043 : vector<16xi32>
    %gather3A_1045 = tpu.vector_load_idx %arg6[%broadcast_in_dim3A_904, %broadcast_in_dim3A_1035, %add3A_1044, %broadcast_in_dim3A_1038] : memref<3x4x64x128xf32, #tpu.memory_space<vmem>>[vector<16xi32>, vector<16xi32>, vector<16xi32>, vector<16xi32>], vector<16xf32>,
    %swap3A_1046 = arith.constant 11 : i32
    %swap3A_1047 = arith.index_cast %swap3A_1046 : i32 to index
    %swap3A_1048 = arith.constant 0 : index
    %swap3A_1049 = tpu.vector_load %arg7[%swap3A_1047, %swap3A_1048] {strides = array<i32>} : memref<32x64xf32, #tpu.memory_space<vmem>>, vector<16xf32>,
    tpu.vector_store %arg7[%swap3A_1047, %swap3A_1048], %gather3A_1045 {strides = array<i32>} : memref<32x64xf32, #tpu.memory_space<vmem>>, vector<16xf32>,
    %iota3A_1050 = tpu.iota {dimensions = array<i32: 0>} : vector<16xi32>
    %add3A_1051 = arith.constant 16 : i32
    %add3A_1052 = vector.broadcast %add3A_1051 : i32 to vector<16xi32>
    %add3A_1053 = arith.addi %iota3A_1050, %add3A_1052 : vector<16xi32>
    %gather3A_1054 = tpu.vector_load_idx %arg6[%broadcast_in_dim3A_904, %broadcast_in_dim3A_1035, %add3A_1053, %broadcast_in_dim3A_1038] : memref<3x4x64x128xf32, #tpu.memory_space<vmem>>[vector<16xi32>, vector<16xi32>, vector<16xi32>, vector<16xi32>], vector<16xf32>,
    %swap3A_1055 = arith.constant 11 : i32
    %swap3A_1056 = arith.index_cast %swap3A_1055 : i32 to index
    %swap3A_1057 = arith.constant 16 : index
    %swap3A_1058 = tpu.vector_load %arg7[%swap3A_1056, %swap3A_1057] {strides = array<i32>} : memref<32x64xf32, #tpu.memory_space<vmem>>, vector<16xf32>,
    tpu.vector_store %arg7[%swap3A_1056, %swap3A_1057], %gather3A_1054 {strides = array<i32>} : memref<32x64xf32, #tpu.memory_space<vmem>>, vector<16xf32>,
    %iota3A_1059 = tpu.iota {dimensions = array<i32: 0>} : vector<16xi32>
    %add3A_1060 = arith.constant 32 : i32
    %add3A_1061 = vector.broadcast %add3A_1060 : i32 to vector<16xi32>
    %add3A_1062 = arith.addi %iota3A_1059, %add3A_1061 : vector<16xi32>
    %gather3A_1063 = tpu.vector_load_idx %arg6[%broadcast_in_dim3A_904, %broadcast_in_dim3A_1035, %add3A_1062, %broadcast_in_dim3A_1038] : memref<3x4x64x128xf32, #tpu.memory_space<vmem>>[vector<16xi32>, vector<16xi32>, vector<16xi32>, vector<16xi32>], vector<16xf32>,
    %swap3A_1064 = arith.constant 11 : i32
    %swap3A_1065 = arith.index_cast %swap3A_1064 : i32 to index
    %swap3A_1066 = arith.constant 32 : index
    %swap3A_1067 = tpu.vector_load %arg7[%swap3A_1065, %swap3A_1066] {strides = array<i32>} : memref<32x64xf32, #tpu.memory_space<vmem>>, vector<16xf32>,
    tpu.vector_store %arg7[%swap3A_1065, %swap3A_1066], %gather3A_1063 {strides = array<i32>} : memref<32x64xf32, #tpu.memory_space<vmem>>, vector<16xf32>,
    %iota3A_1068 = tpu.iota {dimensions = array<i32: 0>} : vector<16xi32>
    %add3A_1069 = arith.constant 48 : i32
    %add3A_1070 = vector.broadcast %add3A_1069 : i32 to vector<16xi32>
    %add3A_1071 = arith.addi %iota3A_1068, %add3A_1070 : vector<16xi32>
    %gather3A_1072 = tpu.vector_load_idx %arg6[%broadcast_in_dim3A_904, %broadcast_in_dim3A_1035, %add3A_1071, %broadcast_in_dim3A_1038] : memref<3x4x64x128xf32, #tpu.memory_space<vmem>>[vector<16xi32>, vector<16xi32>, vector<16xi32>, vector<16xi32>], vector<16xf32>,
    %swap3A_1073 = arith.constant 11 : i32
    %swap3A_1074 = arith.index_cast %swap3A_1073 : i32 to index
    %swap3A_1075 = arith.constant 48 : index
    %swap3A_1076 = tpu.vector_load %arg7[%swap3A_1074, %swap3A_1075] {strides = array<i32>} : memref<32x64xf32, #tpu.memory_space<vmem>>, vector<16xf32>,
    tpu.vector_store %arg7[%swap3A_1074, %swap3A_1075], %gather3A_1072 {strides = array<i32>} : memref<32x64xf32, #tpu.memory_space<vmem>>, vector<16xf32>,
    %slice3A_1077 = vector.extract_strided_slice %shift_right_logical3A_12 {offsets = [4], sizes = [1], strides = [1]} : vector<16xi32> to vector<1xi32>
    %squeeze3A_1078 = vector.extract %slice3A_1077[0] : i32 from vector<1xi32>
    %mul3A_1079 = arith.constant 128 : i32
    %mul3A_1080 = arith.muli %squeeze3A_1078, %mul3A_1079 : i32
    %multiple_of3A_1081 = tpu.assume_multiple %mul3A_1080, 128 : i32
    %dma_start3A_1082 = arith.constant 2 : i32
    %dma_start3A_1083 = arith.constant 0 : i32
    %dma_start3A_1084 = arith.constant 0 : i32
    %dma_start3A_1085 = arith.constant 0 : i32
    %dma_start3A_1086 = tpu.memref_slice %arg6[%dma_start3A_1082, %dma_start3A_1083, %dma_start3A_1084, %dma_start3A_1085] : memref<3x4x64x128xf32, #tpu.memory_space<vmem>> -> memref<1x1x64x128xf32, #tpu.memory_space<vmem>>
    %dma_start3A_1087 = tpu.memref_squeeze %dma_start3A_1086 : memref<1x1x64x128xf32, #tpu.memory_space<vmem>> -> memref<64x128xf32, #tpu.memory_space<vmem>>
    %dma_start3A_1088 = arith.constant 0 : i32
    %dma_start3A_1089 = tpu.memref_slice %arg2[%dma_start3A_1088, %multiple_of3A_1081] : memref<64x100000xf32, #tpu.memory_space<hbm>> -> memref<64x128xf32, #tpu.memory_space<hbm>>
    %dma_start3A_1090 = arith.constant 0 : i32
    %dma_start3A_1091 = arith.constant 0 : i32
    %dma_start3A_1092 = tpu.memref_slice %arg6[%dma_start3A_1082, %dma_start3A_1083, %dma_start3A_1090, %dma_start3A_1091] : memref<3x4x64x128xf32, #tpu.memory_space<vmem>> -> memref<1x1x64x128xf32, #tpu.memory_space<vmem>>
    %dma_start3A_1093 = tpu.memref_squeeze %dma_start3A_1092 : memref<1x1x64x128xf32, #tpu.memory_space<vmem>> -> memref<64x128xf32, #tpu.memory_space<vmem>>
    %dma_start3A_1094 = arith.constant 0 : i32
    %dma_start3A_1095 = tpu.memref_slice %arg2[%dma_start3A_1094, %multiple_of3A_1081] : memref<64x100000xf32, #tpu.memory_space<hbm>> -> memref<64x128xf32, #tpu.memory_space<hbm>>
    tpu.enqueue_dma source(%dma_start3A_1095 : memref<64x128xf32, #tpu.memory_space<hbm>>) target(%dma_start3A_1093 : memref<64x128xf32, #tpu.memory_space<vmem>>) target_semaphore(%arg8 : memref<!tpu.dma_semaphore, #tpu.memory_space<semaphore_mem>>)
    %slice3A_1096 = vector.extract_strided_slice %shift_right_logical3A_12 {offsets = [5], sizes = [1], strides = [1]} : vector<16xi32> to vector<1xi32>
    %squeeze3A_1097 = vector.extract %slice3A_1096[0] : i32 from vector<1xi32>
    %mul3A_1098 = arith.constant 128 : i32
    %mul3A_1099 = arith.muli %squeeze3A_1097, %mul3A_1098 : i32
    %multiple_of3A_1100 = tpu.assume_multiple %mul3A_1099, 128 : i32
    %dma_start3A_1101 = arith.constant 2 : i32
    %dma_start3A_1102 = arith.constant 1 : i32
    %dma_start3A_1103 = arith.constant 0 : i32
    %dma_start3A_1104 = arith.constant 0 : i32
    %dma_start3A_1105 = tpu.memref_slice %arg6[%dma_start3A_1101, %dma_start3A_1102, %dma_start3A_1103, %dma_start3A_1104] : memref<3x4x64x128xf32, #tpu.memory_space<vmem>> -> memref<1x1x64x128xf32, #tpu.memory_space<vmem>>
    %dma_start3A_1106 = tpu.memref_squeeze %dma_start3A_1105 : memref<1x1x64x128xf32, #tpu.memory_space<vmem>> -> memref<64x128xf32, #tpu.memory_space<vmem>>
    %dma_start3A_1107 = arith.constant 0 : i32
    %dma_start3A_1108 = tpu.memref_slice %arg2[%dma_start3A_1107, %multiple_of3A_1100] : memref<64x100000xf32, #tpu.memory_space<hbm>> -> memref<64x128xf32, #tpu.memory_space<hbm>>
    %dma_start3A_1109 = arith.constant 0 : i32
    %dma_start3A_1110 = arith.constant 0 : i32
    %dma_start3A_1111 = tpu.memref_slice %arg6[%dma_start3A_1101, %dma_start3A_1102, %dma_start3A_1109, %dma_start3A_1110] : memref<3x4x64x128xf32, #tpu.memory_space<vmem>> -> memref<1x1x64x128xf32, #tpu.memory_space<vmem>>
    %dma_start3A_1112 = tpu.memref_squeeze %dma_start3A_1111 : memref<1x1x64x128xf32, #tpu.memory_space<vmem>> -> memref<64x128xf32, #tpu.memory_space<vmem>>
    %dma_start3A_1113 = arith.constant 0 : i32
    %dma_start3A_1114 = tpu.memref_slice %arg2[%dma_start3A_1113, %multiple_of3A_1100] : memref<64x100000xf32, #tpu.memory_space<hbm>> -> memref<64x128xf32, #tpu.memory_space<hbm>>
    tpu.enqueue_dma source(%dma_start3A_1114 : memref<64x128xf32, #tpu.memory_space<hbm>>) target(%dma_start3A_1112 : memref<64x128xf32, #tpu.memory_space<vmem>>) target_semaphore(%arg8 : memref<!tpu.dma_semaphore, #tpu.memory_space<semaphore_mem>>)
    %slice3A_1115 = vector.extract_strided_slice %shift_right_logical3A_12 {offsets = [6], sizes = [1], strides = [1]} : vector<16xi32> to vector<1xi32>
    %squeeze3A_1116 = vector.extract %slice3A_1115[0] : i32 from vector<1xi32>
    %mul3A_1117 = arith.constant 128 : i32
    %mul3A_1118 = arith.muli %squeeze3A_1116, %mul3A_1117 : i32
    %multiple_of3A_1119 = tpu.assume_multiple %mul3A_1118, 128 : i32
    %dma_start3A_1120 = arith.constant 2 : i32
    %dma_start3A_1121 = arith.constant 2 : i32
    %dma_start3A_1122 = arith.constant 0 : i32
    %dma_start3A_1123 = arith.constant 0 : i32
    %dma_start3A_1124 = tpu.memref_slice %arg6[%dma_start3A_1120, %dma_start3A_1121, %dma_start3A_1122, %dma_start3A_1123] : memref<3x4x64x128xf32, #tpu.memory_space<vmem>> -> memref<1x1x64x128xf32, #tpu.memory_space<vmem>>
    %dma_start3A_1125 = tpu.memref_squeeze %dma_start3A_1124 : memref<1x1x64x128xf32, #tpu.memory_space<vmem>> -> memref<64x128xf32, #tpu.memory_space<vmem>>
    %dma_start3A_1126 = arith.constant 0 : i32
    %dma_start3A_1127 = tpu.memref_slice %arg2[%dma_start3A_1126, %multiple_of3A_1119] : memref<64x100000xf32, #tpu.memory_space<hbm>> -> memref<64x128xf32, #tpu.memory_space<hbm>>
    %dma_start3A_1128 = arith.constant 0 : i32
    %dma_start3A_1129 = arith.constant 0 : i32
    %dma_start3A_1130 = tpu.memref_slice %arg6[%dma_start3A_1120, %dma_start3A_1121, %dma_start3A_1128, %dma_start3A_1129] : memref<3x4x64x128xf32, #tpu.memory_space<vmem>> -> memref<1x1x64x128xf32, #tpu.memory_space<vmem>>
    %dma_start3A_1131 = tpu.memref_squeeze %dma_start3A_1130 : memref<1x1x64x128xf32, #tpu.memory_space<vmem>> -> memref<64x128xf32, #tpu.memory_space<vmem>>
    %dma_start3A_1132 = arith.constant 0 : i32
    %dma_start3A_1133 = tpu.memref_slice %arg2[%dma_start3A_1132, %multiple_of3A_1119] : memref<64x100000xf32, #tpu.memory_space<hbm>> -> memref<64x128xf32, #tpu.memory_space<hbm>>
    tpu.enqueue_dma source(%dma_start3A_1133 : memref<64x128xf32, #tpu.memory_space<hbm>>) target(%dma_start3A_1131 : memref<64x128xf32, #tpu.memory_space<vmem>>) target_semaphore(%arg8 : memref<!tpu.dma_semaphore, #tpu.memory_space<semaphore_mem>>)
    %slice3A_1134 = vector.extract_strided_slice %shift_right_logical3A_12 {offsets = [7], sizes = [1], strides = [1]} : vector<16xi32> to vector<1xi32>
    %squeeze3A_1135 = vector.extract %slice3A_1134[0] : i32 from vector<1xi32>
    %mul3A_1136 = arith.constant 128 : i32
    %mul3A_1137 = arith.muli %squeeze3A_1135, %mul3A_1136 : i32
    %multiple_of3A_1138 = tpu.assume_multiple %mul3A_1137, 128 : i32
    %dma_start3A_1139 = arith.constant 2 : i32
    %dma_start3A_1140 = arith.constant 3 : i32
    %dma_start3A_1141 = arith.constant 0 : i32
    %dma_start3A_1142 = arith.constant 0 : i32
    %dma_start3A_1143 = tpu.memref_slice %arg6[%dma_start3A_1139, %dma_start3A_1140, %dma_start3A_1141, %dma_start3A_1142] : memref<3x4x64x128xf32, #tpu.memory_space<vmem>> -> memref<1x1x64x128xf32, #tpu.memory_space<vmem>>
    %dma_start3A_1144 = tpu.memref_squeeze %dma_start3A_1143 : memref<1x1x64x128xf32, #tpu.memory_space<vmem>> -> memref<64x128xf32, #tpu.memory_space<vmem>>
    %dma_start3A_1145 = arith.constant 0 : i32
    %dma_start3A_1146 = tpu.memref_slice %arg2[%dma_start3A_1145, %multiple_of3A_1138] : memref<64x100000xf32, #tpu.memory_space<hbm>> -> memref<64x128xf32, #tpu.memory_space<hbm>>
    %dma_start3A_1147 = arith.constant 0 : i32
    %dma_start3A_1148 = arith.constant 0 : i32
    %dma_start3A_1149 = tpu.memref_slice %arg6[%dma_start3A_1139, %dma_start3A_1140, %dma_start3A_1147, %dma_start3A_1148] : memref<3x4x64x128xf32, #tpu.memory_space<vmem>> -> memref<1x1x64x128xf32, #tpu.memory_space<vmem>>
    %dma_start3A_1150 = tpu.memref_squeeze %dma_start3A_1149 : memref<1x1x64x128xf32, #tpu.memory_space<vmem>> -> memref<64x128xf32, #tpu.memory_space<vmem>>
    %dma_start3A_1151 = arith.constant 0 : i32
    %dma_start3A_1152 = tpu.memref_slice %arg2[%dma_start3A_1151, %multiple_of3A_1138] : memref<64x100000xf32, #tpu.memory_space<hbm>> -> memref<64x128xf32, #tpu.memory_space<hbm>>
    tpu.enqueue_dma source(%dma_start3A_1152 : memref<64x128xf32, #tpu.memory_space<hbm>>) target(%dma_start3A_1150 : memref<64x128xf32, #tpu.memory_space<vmem>>) target_semaphore(%arg8 : memref<!tpu.dma_semaphore, #tpu.memory_space<semaphore_mem>>)
    %dma_wait3A_1153 = arith.constant 0 : i32
    %dma_wait3A_1154 = arith.constant 0 : i32
    %dma_wait3A_1155 = arith.constant 0 : i32
    %dma_wait3A_1156 = arith.constant 0 : i32
    %dma_wait3A_1157 = tpu.memref_slice %arg6[%dma_wait3A_1153, %dma_wait3A_1154, %dma_wait3A_1155, %dma_wait3A_1156] : memref<3x4x64x128xf32, #tpu.memory_space<vmem>> -> memref<1x1x64x128xf32, #tpu.memory_space<vmem>>
    %dma_wait3A_1158 = tpu.memref_squeeze %dma_wait3A_1157 : memref<1x1x64x128xf32, #tpu.memory_space<vmem>> -> memref<64x128xf32, #tpu.memory_space<vmem>>
    %dma_wait3A_1159 = arith.constant 0 : i32
    %dma_wait3A_1160 = tpu.memref_slice %arg2[%dma_wait3A_1159, %multiple_of3A_469] : memref<64x100000xf32, #tpu.memory_space<hbm>> -> memref<64x128xf32, #tpu.memory_space<hbm>>
    %dma_wait3A_1161 = arith.constant 0 : i32
    %dma_wait3A_1162 = arith.constant 0 : i32
    %dma_wait3A_1163 = tpu.memref_slice %arg6[%dma_wait3A_1153, %dma_wait3A_1154, %dma_wait3A_1161, %dma_wait3A_1162] : memref<3x4x64x128xf32, #tpu.memory_space<vmem>> -> memref<1x1x64x128xf32, #tpu.memory_space<vmem>>
    %dma_wait3A_1164 = tpu.memref_squeeze %dma_wait3A_1163 : memref<1x1x64x128xf32, #tpu.memory_space<vmem>> -> memref<64x128xf32, #tpu.memory_space<vmem>>
    %dma_wait3A_1165 = arith.constant 0 : i32
    %dma_wait3A_1166 = tpu.memref_slice %arg2[%dma_wait3A_1165, %multiple_of3A_469] : memref<64x100000xf32, #tpu.memory_space<hbm>> -> memref<64x128xf32, #tpu.memory_space<hbm>>
    tpu.wait_dma2 semaphore(%arg8 : memref<!tpu.dma_semaphore, #tpu.memory_space<semaphore_mem>>) src(%dma_wait3A_1166 : memref<64x128xf32, #tpu.memory_space<hbm>>) dst(%dma_wait3A_1164 : memref<64x128xf32, #tpu.memory_space<vmem>>)
    %dma_wait3A_1167 = arith.constant 0 : i32
    %dma_wait3A_1168 = arith.constant 1 : i32
    %dma_wait3A_1169 = arith.constant 0 : i32
    %dma_wait3A_1170 = arith.constant 0 : i32
    %dma_wait3A_1171 = tpu.memref_slice %arg6[%dma_wait3A_1167, %dma_wait3A_1168, %dma_wait3A_1169, %dma_wait3A_1170] : memref<3x4x64x128xf32, #tpu.memory_space<vmem>> -> memref<1x1x64x128xf32, #tpu.memory_space<vmem>>
    %dma_wait3A_1172 = tpu.memref_squeeze %dma_wait3A_1171 : memref<1x1x64x128xf32, #tpu.memory_space<vmem>> -> memref<64x128xf32, #tpu.memory_space<vmem>>
    %dma_wait3A_1173 = arith.constant 0 : i32
    %dma_wait3A_1174 = tpu.memref_slice %arg2[%dma_wait3A_1173, %multiple_of3A_488] : memref<64x100000xf32, #tpu.memory_space<hbm>> -> memref<64x128xf32, #tpu.memory_space<hbm>>
    %dma_wait3A_1175 = arith.constant 0 : i32
    %dma_wait3A_1176 = arith.constant 0 : i32
    %dma_wait3A_1177 = tpu.memref_slice %arg6[%dma_wait3A_1167, %dma_wait3A_1168, %dma_wait3A_1175, %dma_wait3A_1176] : memref<3x4x64x128xf32, #tpu.memory_space<vmem>> -> memref<1x1x64x128xf32, #tpu.memory_space<vmem>>
    %dma_wait3A_1178 = tpu.memref_squeeze %dma_wait3A_1177 : memref<1x1x64x128xf32, #tpu.memory_space<vmem>> -> memref<64x128xf32, #tpu.memory_space<vmem>>
    %dma_wait3A_1179 = arith.constant 0 : i32
    %dma_wait3A_1180 = tpu.memref_slice %arg2[%dma_wait3A_1179, %multiple_of3A_488] : memref<64x100000xf32, #tpu.memory_space<hbm>> -> memref<64x128xf32, #tpu.memory_space<hbm>>
    tpu.wait_dma2 semaphore(%arg8 : memref<!tpu.dma_semaphore, #tpu.memory_space<semaphore_mem>>) src(%dma_wait3A_1180 : memref<64x128xf32, #tpu.memory_space<hbm>>) dst(%dma_wait3A_1178 : memref<64x128xf32, #tpu.memory_space<vmem>>)
    %dma_wait3A_1181 = arith.constant 0 : i32
    %dma_wait3A_1182 = arith.constant 2 : i32
    %dma_wait3A_1183 = arith.constant 0 : i32
    %dma_wait3A_1184 = arith.constant 0 : i32
    %dma_wait3A_1185 = tpu.memref_slice %arg6[%dma_wait3A_1181, %dma_wait3A_1182, %dma_wait3A_1183, %dma_wait3A_1184] : memref<3x4x64x128xf32, #tpu.memory_space<vmem>> -> memref<1x1x64x128xf32, #tpu.memory_space<vmem>>
    %dma_wait3A_1186 = tpu.memref_squeeze %dma_wait3A_1185 : memref<1x1x64x128xf32, #tpu.memory_space<vmem>> -> memref<64x128xf32, #tpu.memory_space<vmem>>
    %dma_wait3A_1187 = arith.constant 0 : i32
    %dma_wait3A_1188 = tpu.memref_slice %arg2[%dma_wait3A_1187, %multiple_of3A_507] : memref<64x100000xf32, #tpu.memory_space<hbm>> -> memref<64x128xf32, #tpu.memory_space<hbm>>
    %dma_wait3A_1189 = arith.constant 0 : i32
    %dma_wait3A_1190 = arith.constant 0 : i32
    %dma_wait3A_1191 = tpu.memref_slice %arg6[%dma_wait3A_1181, %dma_wait3A_1182, %dma_wait3A_1189, %dma_wait3A_1190] : memref<3x4x64x128xf32, #tpu.memory_space<vmem>> -> memref<1x1x64x128xf32, #tpu.memory_space<vmem>>
    %dma_wait3A_1192 = tpu.memref_squeeze %dma_wait3A_1191 : memref<1x1x64x128xf32, #tpu.memory_space<vmem>> -> memref<64x128xf32, #tpu.memory_space<vmem>>
    %dma_wait3A_1193 = arith.constant 0 : i32
    %dma_wait3A_1194 = tpu.memref_slice %arg2[%dma_wait3A_1193, %multiple_of3A_507] : memref<64x100000xf32, #tpu.memory_space<hbm>> -> memref<64x128xf32, #tpu.memory_space<hbm>>
    tpu.wait_dma2 semaphore(%arg8 : memref<!tpu.dma_semaphore, #tpu.memory_space<semaphore_mem>>) src(%dma_wait3A_1194 : memref<64x128xf32, #tpu.memory_space<hbm>>) dst(%dma_wait3A_1192 : memref<64x128xf32, #tpu.memory_space<vmem>>)
    %dma_wait3A_1195 = arith.constant 0 : i32
    %dma_wait3A_1196 = arith.constant 3 : i32
    %dma_wait3A_1197 = arith.constant 0 : i32
    %dma_wait3A_1198 = arith.constant 0 : i32
    %dma_wait3A_1199 = tpu.memref_slice %arg6[%dma_wait3A_1195, %dma_wait3A_1196, %dma_wait3A_1197, %dma_wait3A_1198] : memref<3x4x64x128xf32, #tpu.memory_space<vmem>> -> memref<1x1x64x128xf32, #tpu.memory_space<vmem>>
    %dma_wait3A_1200 = tpu.memref_squeeze %dma_wait3A_1199 : memref<1x1x64x128xf32, #tpu.memory_space<vmem>> -> memref<64x128xf32, #tpu.memory_space<vmem>>
    %dma_wait3A_1201 = arith.constant 0 : i32
    %dma_wait3A_1202 = tpu.memref_slice %arg2[%dma_wait3A_1201, %multiple_of3A_526] : memref<64x100000xf32, #tpu.memory_space<hbm>> -> memref<64x128xf32, #tpu.memory_space<hbm>>
    %dma_wait3A_1203 = arith.constant 0 : i32
    %dma_wait3A_1204 = arith.constant 0 : i32
    %dma_wait3A_1205 = tpu.memref_slice %arg6[%dma_wait3A_1195, %dma_wait3A_1196, %dma_wait3A_1203, %dma_wait3A_1204] : memref<3x4x64x128xf32, #tpu.memory_space<vmem>> -> memref<1x1x64x128xf32, #tpu.memory_space<vmem>>
    %dma_wait3A_1206 = tpu.memref_squeeze %dma_wait3A_1205 : memref<1x1x64x128xf32, #tpu.memory_space<vmem>> -> memref<64x128xf32, #tpu.memory_space<vmem>>
    %dma_wait3A_1207 = arith.constant 0 : i32
    %dma_wait3A_1208 = tpu.memref_slice %arg2[%dma_wait3A_1207, %multiple_of3A_526] : memref<64x100000xf32, #tpu.memory_space<hbm>> -> memref<64x128xf32, #tpu.memory_space<hbm>>
    tpu.wait_dma2 semaphore(%arg8 : memref<!tpu.dma_semaphore, #tpu.memory_space<semaphore_mem>>) src(%dma_wait3A_1208 : memref<64x128xf32, #tpu.memory_space<hbm>>) dst(%dma_wait3A_1206 : memref<64x128xf32, #tpu.memory_space<vmem>>)
    %broadcast_in_dim3A_1209 = arith.constant 0 : i32
    %broadcast_in_dim3A_1210 = vector.broadcast %broadcast_in_dim3A_1209 : i32 to vector<16xi32>
    %broadcast_in_dim3A_1211 = arith.constant 0 : i32
    %broadcast_in_dim3A_1212 = vector.broadcast %broadcast_in_dim3A_1211 : i32 to vector<16xi32>
    %slice3A_1213 = vector.extract_strided_slice %and3A_7 {offsets = [12], sizes = [1], strides = [1]} : vector<16xi32> to vector<1xi32>
    %squeeze3A_1214 = vector.extract %slice3A_1213[0] : i32 from vector<1xi32>
    %broadcast_in_dim3A_1215 = vector.broadcast %squeeze3A_1214 : i32 to vector<16xi32>
    %broadcast_in_dim3A_1216 = arith.constant 12 : i32
    %broadcast_in_dim3A_1217 = vector.broadcast %broadcast_in_dim3A_1216 : i32 to vector<16xi32>
    %iota3A_1218 = tpu.iota {dimensions = array<i32: 0>} : vector<16xi32>
    %add3A_1219 = arith.constant 0 : i32
    %add3A_1220 = vector.broadcast %add3A_1219 : i32 to vector<16xi32>
    %add3A_1221 = arith.addi %iota3A_1218, %add3A_1220 : vector<16xi32>
    %gather3A_1222 = tpu.vector_load_idx %arg6[%broadcast_in_dim3A_1210, %broadcast_in_dim3A_1212, %add3A_1221, %broadcast_in_dim3A_1215] : memref<3x4x64x128xf32, #tpu.memory_space<vmem>>[vector<16xi32>, vector<16xi32>, vector<16xi32>, vector<16xi32>], vector<16xf32>,
    %swap3A_1223 = arith.constant 12 : i32
    %swap3A_1224 = arith.index_cast %swap3A_1223 : i32 to index
    %swap3A_1225 = arith.constant 0 : index
    %swap3A_1226 = tpu.vector_load %arg7[%swap3A_1224, %swap3A_1225] {strides = array<i32>} : memref<32x64xf32, #tpu.memory_space<vmem>>, vector<16xf32>,
    tpu.vector_store %arg7[%swap3A_1224, %swap3A_1225], %gather3A_1222 {strides = array<i32>} : memref<32x64xf32, #tpu.memory_space<vmem>>, vector<16xf32>,
    %iota3A_1227 = tpu.iota {dimensions = array<i32: 0>} : vector<16xi32>
    %add3A_1228 = arith.constant 16 : i32
    %add3A_1229 = vector.broadcast %add3A_1228 : i32 to vector<16xi32>
    %add3A_1230 = arith.addi %iota3A_1227, %add3A_1229 : vector<16xi32>
    %gather3A_1231 = tpu.vector_load_idx %arg6[%broadcast_in_dim3A_1210, %broadcast_in_dim3A_1212, %add3A_1230, %broadcast_in_dim3A_1215] : memref<3x4x64x128xf32, #tpu.memory_space<vmem>>[vector<16xi32>, vector<16xi32>, vector<16xi32>, vector<16xi32>], vector<16xf32>,
    %swap3A_1232 = arith.constant 12 : i32
    %swap3A_1233 = arith.index_cast %swap3A_1232 : i32 to index
    %swap3A_1234 = arith.constant 16 : index
    %swap3A_1235 = tpu.vector_load %arg7[%swap3A_1233, %swap3A_1234] {strides = array<i32>} : memref<32x64xf32, #tpu.memory_space<vmem>>, vector<16xf32>,
    tpu.vector_store %arg7[%swap3A_1233, %swap3A_1234], %gather3A_1231 {strides = array<i32>} : memref<32x64xf32, #tpu.memory_space<vmem>>, vector<16xf32>,
    %iota3A_1236 = tpu.iota {dimensions = array<i32: 0>} : vector<16xi32>
    %add3A_1237 = arith.constant 32 : i32
    %add3A_1238 = vector.broadcast %add3A_1237 : i32 to vector<16xi32>
    %add3A_1239 = arith.addi %iota3A_1236, %add3A_1238 : vector<16xi32>
    %gather3A_1240 = tpu.vector_load_idx %arg6[%broadcast_in_dim3A_1210, %broadcast_in_dim3A_1212, %add3A_1239, %broadcast_in_dim3A_1215] : memref<3x4x64x128xf32, #tpu.memory_space<vmem>>[vector<16xi32>, vector<16xi32>, vector<16xi32>, vector<16xi32>], vector<16xf32>,
    %swap3A_1241 = arith.constant 12 : i32
    %swap3A_1242 = arith.index_cast %swap3A_1241 : i32 to index
    %swap3A_1243 = arith.constant 32 : index
    %swap3A_1244 = tpu.vector_load %arg7[%swap3A_1242, %swap3A_1243] {strides = array<i32>} : memref<32x64xf32, #tpu.memory_space<vmem>>, vector<16xf32>,
    tpu.vector_store %arg7[%swap3A_1242, %swap3A_1243], %gather3A_1240 {strides = array<i32>} : memref<32x64xf32, #tpu.memory_space<vmem>>, vector<16xf32>,
    %iota3A_1245 = tpu.iota {dimensions = array<i32: 0>} : vector<16xi32>
    %add3A_1246 = arith.constant 48 : i32
    %add3A_1247 = vector.broadcast %add3A_1246 : i32 to vector<16xi32>
    %add3A_1248 = arith.addi %iota3A_1245, %add3A_1247 : vector<16xi32>
    %gather3A_1249 = tpu.vector_load_idx %arg6[%broadcast_in_dim3A_1210, %broadcast_in_dim3A_1212, %add3A_1248, %broadcast_in_dim3A_1215] : memref<3x4x64x128xf32, #tpu.memory_space<vmem>>[vector<16xi32>, vector<16xi32>, vector<16xi32>, vector<16xi32>], vector<16xf32>,
    %swap3A_1250 = arith.constant 12 : i32
    %swap3A_1251 = arith.index_cast %swap3A_1250 : i32 to index
    %swap3A_1252 = arith.constant 48 : index
    %swap3A_1253 = tpu.vector_load %arg7[%swap3A_1251, %swap3A_1252] {strides = array<i32>} : memref<32x64xf32, #tpu.memory_space<vmem>>, vector<16xf32>,
    tpu.vector_store %arg7[%swap3A_1251, %swap3A_1252], %gather3A_1249 {strides = array<i32>} : memref<32x64xf32, #tpu.memory_space<vmem>>, vector<16xf32>,
    %broadcast_in_dim3A_1254 = arith.constant 1 : i32
    %broadcast_in_dim3A_1255 = vector.broadcast %broadcast_in_dim3A_1254 : i32 to vector<16xi32>
    %slice3A_1256 = vector.extract_strided_slice %and3A_7 {offsets = [13], sizes = [1], strides = [1]} : vector<16xi32> to vector<1xi32>
    %squeeze3A_1257 = vector.extract %slice3A_1256[0] : i32 from vector<1xi32>
    %broadcast_in_dim3A_1258 = vector.broadcast %squeeze3A_1257 : i32 to vector<16xi32>
    %broadcast_in_dim3A_1259 = arith.constant 13 : i32
    %broadcast_in_dim3A_1260 = vector.broadcast %broadcast_in_dim3A_1259 : i32 to vector<16xi32>
    %iota3A_1261 = tpu.iota {dimensions = array<i32: 0>} : vector<16xi32>
    %add3A_1262 = arith.constant 0 : i32
    %add3A_1263 = vector.broadcast %add3A_1262 : i32 to vector<16xi32>
    %add3A_1264 = arith.addi %iota3A_1261, %add3A_1263 : vector<16xi32>
    %gather3A_1265 = tpu.vector_load_idx %arg6[%broadcast_in_dim3A_1210, %broadcast_in_dim3A_1255, %add3A_1264, %broadcast_in_dim3A_1258] : memref<3x4x64x128xf32, #tpu.memory_space<vmem>>[vector<16xi32>, vector<16xi32>, vector<16xi32>, vector<16xi32>], vector<16xf32>,
    %swap3A_1266 = arith.constant 13 : i32
    %swap3A_1267 = arith.index_cast %swap3A_1266 : i32 to index
    %swap3A_1268 = arith.constant 0 : index
    %swap3A_1269 = tpu.vector_load %arg7[%swap3A_1267, %swap3A_1268] {strides = array<i32>} : memref<32x64xf32, #tpu.memory_space<vmem>>, vector<16xf32>,
    tpu.vector_store %arg7[%swap3A_1267, %swap3A_1268], %gather3A_1265 {strides = array<i32>} : memref<32x64xf32, #tpu.memory_space<vmem>>, vector<16xf32>,
    %iota3A_1270 = tpu.iota {dimensions = array<i32: 0>} : vector<16xi32>
    %add3A_1271 = arith.constant 16 : i32
    %add3A_1272 = vector.broadcast %add3A_1271 : i32 to vector<16xi32>
    %add3A_1273 = arith.addi %iota3A_1270, %add3A_1272 : vector<16xi32>
    %gather3A_1274 = tpu.vector_load_idx %arg6[%broadcast_in_dim3A_1210, %broadcast_in_dim3A_1255, %add3A_1273, %broadcast_in_dim3A_1258] : memref<3x4x64x128xf32, #tpu.memory_space<vmem>>[vector<16xi32>, vector<16xi32>, vector<16xi32>, vector<16xi32>], vector<16xf32>,
    %swap3A_1275 = arith.constant 13 : i32
    %swap3A_1276 = arith.index_cast %swap3A_1275 : i32 to index
    %swap3A_1277 = arith.constant 16 : index
    %swap3A_1278 = tpu.vector_load %arg7[%swap3A_1276, %swap3A_1277] {strides = array<i32>} : memref<32x64xf32, #tpu.memory_space<vmem>>, vector<16xf32>,
    tpu.vector_store %arg7[%swap3A_1276, %swap3A_1277], %gather3A_1274 {strides = array<i32>} : memref<32x64xf32, #tpu.memory_space<vmem>>, vector<16xf32>,
    %iota3A_1279 = tpu.iota {dimensions = array<i32: 0>} : vector<16xi32>
    %add3A_1280 = arith.constant 32 : i32
    %add3A_1281 = vector.broadcast %add3A_1280 : i32 to vector<16xi32>
    %add3A_1282 = arith.addi %iota3A_1279, %add3A_1281 : vector<16xi32>
    %gather3A_1283 = tpu.vector_load_idx %arg6[%broadcast_in_dim3A_1210, %broadcast_in_dim3A_1255, %add3A_1282, %broadcast_in_dim3A_1258] : memref<3x4x64x128xf32, #tpu.memory_space<vmem>>[vector<16xi32>, vector<16xi32>, vector<16xi32>, vector<16xi32>], vector<16xf32>,
    %swap3A_1284 = arith.constant 13 : i32
    %swap3A_1285 = arith.index_cast %swap3A_1284 : i32 to index
    %swap3A_1286 = arith.constant 32 : index
    %swap3A_1287 = tpu.vector_load %arg7[%swap3A_1285, %swap3A_1286] {strides = array<i32>} : memref<32x64xf32, #tpu.memory_space<vmem>>, vector<16xf32>,
    tpu.vector_store %arg7[%swap3A_1285, %swap3A_1286], %gather3A_1283 {strides = array<i32>} : memref<32x64xf32, #tpu.memory_space<vmem>>, vector<16xf32>,
    %iota3A_1288 = tpu.iota {dimensions = array<i32: 0>} : vector<16xi32>
    %add3A_1289 = arith.constant 48 : i32
    %add3A_1290 = vector.broadcast %add3A_1289 : i32 to vector<16xi32>
    %add3A_1291 = arith.addi %iota3A_1288, %add3A_1290 : vector<16xi32>
    %gather3A_1292 = tpu.vector_load_idx %arg6[%broadcast_in_dim3A_1210, %broadcast_in_dim3A_1255, %add3A_1291, %broadcast_in_dim3A_1258] : memref<3x4x64x128xf32, #tpu.memory_space<vmem>>[vector<16xi32>, vector<16xi32>, vector<16xi32>, vector<16xi32>], vector<16xf32>,
    %swap3A_1293 = arith.constant 13 : i32
    %swap3A_1294 = arith.index_cast %swap3A_1293 : i32 to index
    %swap3A_1295 = arith.constant 48 : index
    %swap3A_1296 = tpu.vector_load %arg7[%swap3A_1294, %swap3A_1295] {strides = array<i32>} : memref<32x64xf32, #tpu.memory_space<vmem>>, vector<16xf32>,
    tpu.vector_store %arg7[%swap3A_1294, %swap3A_1295], %gather3A_1292 {strides = array<i32>} : memref<32x64xf32, #tpu.memory_space<vmem>>, vector<16xf32>,
    %broadcast_in_dim3A_1297 = arith.constant 2 : i32
    %broadcast_in_dim3A_1298 = vector.broadcast %broadcast_in_dim3A_1297 : i32 to vector<16xi32>
    %slice3A_1299 = vector.extract_strided_slice %and3A_7 {offsets = [14], sizes = [1], strides = [1]} : vector<16xi32> to vector<1xi32>
    %squeeze3A_1300 = vector.extract %slice3A_1299[0] : i32 from vector<1xi32>
    %broadcast_in_dim3A_1301 = vector.broadcast %squeeze3A_1300 : i32 to vector<16xi32>
    %broadcast_in_dim3A_1302 = arith.constant 14 : i32
    %broadcast_in_dim3A_1303 = vector.broadcast %broadcast_in_dim3A_1302 : i32 to vector<16xi32>
    %iota3A_1304 = tpu.iota {dimensions = array<i32: 0>} : vector<16xi32>
    %add3A_1305 = arith.constant 0 : i32
    %add3A_1306 = vector.broadcast %add3A_1305 : i32 to vector<16xi32>
    %add3A_1307 = arith.addi %iota3A_1304, %add3A_1306 : vector<16xi32>
    %gather3A_1308 = tpu.vector_load_idx %arg6[%broadcast_in_dim3A_1210, %broadcast_in_dim3A_1298, %add3A_1307, %broadcast_in_dim3A_1301] : memref<3x4x64x128xf32, #tpu.memory_space<vmem>>[vector<16xi32>, vector<16xi32>, vector<16xi32>, vector<16xi32>], vector<16xf32>,
    %swap3A_1309 = arith.constant 14 : i32
    %swap3A_1310 = arith.index_cast %swap3A_1309 : i32 to index
    %swap3A_1311 = arith.constant 0 : index
    %swap3A_1312 = tpu.vector_load %arg7[%swap3A_1310, %swap3A_1311] {strides = array<i32>} : memref<32x64xf32, #tpu.memory_space<vmem>>, vector<16xf32>,
    tpu.vector_store %arg7[%swap3A_1310, %swap3A_1311], %gather3A_1308 {strides = array<i32>} : memref<32x64xf32, #tpu.memory_space<vmem>>, vector<16xf32>,
    %iota3A_1313 = tpu.iota {dimensions = array<i32: 0>} : vector<16xi32>
    %add3A_1314 = arith.constant 16 : i32
    %add3A_1315 = vector.broadcast %add3A_1314 : i32 to vector<16xi32>
    %add3A_1316 = arith.addi %iota3A_1313, %add3A_1315 : vector<16xi32>
    %gather3A_1317 = tpu.vector_load_idx %arg6[%broadcast_in_dim3A_1210, %broadcast_in_dim3A_1298, %add3A_1316, %broadcast_in_dim3A_1301] : memref<3x4x64x128xf32, #tpu.memory_space<vmem>>[vector<16xi32>, vector<16xi32>, vector<16xi32>, vector<16xi32>], vector<16xf32>,
    %swap3A_1318 = arith.constant 14 : i32
    %swap3A_1319 = arith.index_cast %swap3A_1318 : i32 to index
    %swap3A_1320 = arith.constant 16 : index
    %swap3A_1321 = tpu.vector_load %arg7[%swap3A_1319, %swap3A_1320] {strides = array<i32>} : memref<32x64xf32, #tpu.memory_space<vmem>>, vector<16xf32>,
    tpu.vector_store %arg7[%swap3A_1319, %swap3A_1320], %gather3A_1317 {strides = array<i32>} : memref<32x64xf32, #tpu.memory_space<vmem>>, vector<16xf32>,
    %iota3A_1322 = tpu.iota {dimensions = array<i32: 0>} : vector<16xi32>
    %add3A_1323 = arith.constant 32 : i32
    %add3A_1324 = vector.broadcast %add3A_1323 : i32 to vector<16xi32>
    %add3A_1325 = arith.addi %iota3A_1322, %add3A_1324 : vector<16xi32>
    %gather3A_1326 = tpu.vector_load_idx %arg6[%broadcast_in_dim3A_1210, %broadcast_in_dim3A_1298, %add3A_1325, %broadcast_in_dim3A_1301] : memref<3x4x64x128xf32, #tpu.memory_space<vmem>>[vector<16xi32>, vector<16xi32>, vector<16xi32>, vector<16xi32>], vector<16xf32>,
    %swap3A_1327 = arith.constant 14 : i32
    %swap3A_1328 = arith.index_cast %swap3A_1327 : i32 to index
    %swap3A_1329 = arith.constant 32 : index
    %swap3A_1330 = tpu.vector_load %arg7[%swap3A_1328, %swap3A_1329] {strides = array<i32>} : memref<32x64xf32, #tpu.memory_space<vmem>>, vector<16xf32>,
    tpu.vector_store %arg7[%swap3A_1328, %swap3A_1329], %gather3A_1326 {strides = array<i32>} : memref<32x64xf32, #tpu.memory_space<vmem>>, vector<16xf32>,
    %iota3A_1331 = tpu.iota {dimensions = array<i32: 0>} : vector<16xi32>
    %add3A_1332 = arith.constant 48 : i32
    %add3A_1333 = vector.broadcast %add3A_1332 : i32 to vector<16xi32>
    %add3A_1334 = arith.addi %iota3A_1331, %add3A_1333 : vector<16xi32>
    %gather3A_1335 = tpu.vector_load_idx %arg6[%broadcast_in_dim3A_1210, %broadcast_in_dim3A_1298, %add3A_1334, %broadcast_in_dim3A_1301] : memref<3x4x64x128xf32, #tpu.memory_space<vmem>>[vector<16xi32>, vector<16xi32>, vector<16xi32>, vector<16xi32>], vector<16xf32>,
    %swap3A_1336 = arith.constant 14 : i32
    %swap3A_1337 = arith.index_cast %swap3A_1336 : i32 to index
    %swap3A_1338 = arith.constant 48 : index
    %swap3A_1339 = tpu.vector_load %arg7[%swap3A_1337, %swap3A_1338] {strides = array<i32>} : memref<32x64xf32, #tpu.memory_space<vmem>>, vector<16xf32>,
    tpu.vector_store %arg7[%swap3A_1337, %swap3A_1338], %gather3A_1335 {strides = array<i32>} : memref<32x64xf32, #tpu.memory_space<vmem>>, vector<16xf32>,
    %broadcast_in_dim3A_1340 = arith.constant 3 : i32
    %broadcast_in_dim3A_1341 = vector.broadcast %broadcast_in_dim3A_1340 : i32 to vector<16xi32>
    %slice3A_1342 = vector.extract_strided_slice %and3A_7 {offsets = [15], sizes = [1], strides = [1]} : vector<16xi32> to vector<1xi32>
    %squeeze3A_1343 = vector.extract %slice3A_1342[0] : i32 from vector<1xi32>
    %broadcast_in_dim3A_1344 = vector.broadcast %squeeze3A_1343 : i32 to vector<16xi32>
    %broadcast_in_dim3A_1345 = arith.constant 15 : i32
    %broadcast_in_dim3A_1346 = vector.broadcast %broadcast_in_dim3A_1345 : i32 to vector<16xi32>
    %iota3A_1347 = tpu.iota {dimensions = array<i32: 0>} : vector<16xi32>
    %add3A_1348 = arith.constant 0 : i32
    %add3A_1349 = vector.broadcast %add3A_1348 : i32 to vector<16xi32>
    %add3A_1350 = arith.addi %iota3A_1347, %add3A_1349 : vector<16xi32>
    %gather3A_1351 = tpu.vector_load_idx %arg6[%broadcast_in_dim3A_1210, %broadcast_in_dim3A_1341, %add3A_1350, %broadcast_in_dim3A_1344] : memref<3x4x64x128xf32, #tpu.memory_space<vmem>>[vector<16xi32>, vector<16xi32>, vector<16xi32>, vector<16xi32>], vector<16xf32>,
    %swap3A_1352 = arith.constant 15 : i32
    %swap3A_1353 = arith.index_cast %swap3A_1352 : i32 to index
    %swap3A_1354 = arith.constant 0 : index
    %swap3A_1355 = tpu.vector_load %arg7[%swap3A_1353, %swap3A_1354] {strides = array<i32>} : memref<32x64xf32, #tpu.memory_space<vmem>>, vector<16xf32>,
    tpu.vector_store %arg7[%swap3A_1353, %swap3A_1354], %gather3A_1351 {strides = array<i32>} : memref<32x64xf32, #tpu.memory_space<vmem>>, vector<16xf32>,
    %iota3A_1356 = tpu.iota {dimensions = array<i32: 0>} : vector<16xi32>
    %add3A_1357 = arith.constant 16 : i32
    %add3A_1358 = vector.broadcast %add3A_1357 : i32 to vector<16xi32>
    %add3A_1359 = arith.addi %iota3A_1356, %add3A_1358 : vector<16xi32>
    %gather3A_1360 = tpu.vector_load_idx %arg6[%broadcast_in_dim3A_1210, %broadcast_in_dim3A_1341, %add3A_1359, %broadcast_in_dim3A_1344] : memref<3x4x64x128xf32, #tpu.memory_space<vmem>>[vector<16xi32>, vector<16xi32>, vector<16xi32>, vector<16xi32>], vector<16xf32>,
    %swap3A_1361 = arith.constant 15 : i32
    %swap3A_1362 = arith.index_cast %swap3A_1361 : i32 to index
    %swap3A_1363 = arith.constant 16 : index
    %swap3A_1364 = tpu.vector_load %arg7[%swap3A_1362, %swap3A_1363] {strides = array<i32>} : memref<32x64xf32, #tpu.memory_space<vmem>>, vector<16xf32>,
    tpu.vector_store %arg7[%swap3A_1362, %swap3A_1363], %gather3A_1360 {strides = array<i32>} : memref<32x64xf32, #tpu.memory_space<vmem>>, vector<16xf32>,
    %iota3A_1365 = tpu.iota {dimensions = array<i32: 0>} : vector<16xi32>
    %add3A_1366 = arith.constant 32 : i32
    %add3A_1367 = vector.broadcast %add3A_1366 : i32 to vector<16xi32>
    %add3A_1368 = arith.addi %iota3A_1365, %add3A_1367 : vector<16xi32>
    %gather3A_1369 = tpu.vector_load_idx %arg6[%broadcast_in_dim3A_1210, %broadcast_in_dim3A_1341, %add3A_1368, %broadcast_in_dim3A_1344] : memref<3x4x64x128xf32, #tpu.memory_space<vmem>>[vector<16xi32>, vector<16xi32>, vector<16xi32>, vector<16xi32>], vector<16xf32>,
    %swap3A_1370 = arith.constant 15 : i32
    %swap3A_1371 = arith.index_cast %swap3A_1370 : i32 to index
    %swap3A_1372 = arith.constant 32 : index
    %swap3A_1373 = tpu.vector_load %arg7[%swap3A_1371, %swap3A_1372] {strides = array<i32>} : memref<32x64xf32, #tpu.memory_space<vmem>>, vector<16xf32>,
    tpu.vector_store %arg7[%swap3A_1371, %swap3A_1372], %gather3A_1369 {strides = array<i32>} : memref<32x64xf32, #tpu.memory_space<vmem>>, vector<16xf32>,
    %iota3A_1374 = tpu.iota {dimensions = array<i32: 0>} : vector<16xi32>
    %add3A_1375 = arith.constant 48 : i32
    %add3A_1376 = vector.broadcast %add3A_1375 : i32 to vector<16xi32>
    %add3A_1377 = arith.addi %iota3A_1374, %add3A_1376 : vector<16xi32>
    %gather3A_1378 = tpu.vector_load_idx %arg6[%broadcast_in_dim3A_1210, %broadcast_in_dim3A_1341, %add3A_1377, %broadcast_in_dim3A_1344] : memref<3x4x64x128xf32, #tpu.memory_space<vmem>>[vector<16xi32>, vector<16xi32>, vector<16xi32>, vector<16xi32>], vector<16xf32>,
    %swap3A_1379 = arith.constant 15 : i32
    %swap3A_1380 = arith.index_cast %swap3A_1379 : i32 to index
    %swap3A_1381 = arith.constant 48 : index
    %swap3A_1382 = tpu.vector_load %arg7[%swap3A_1380, %swap3A_1381] {strides = array<i32>} : memref<32x64xf32, #tpu.memory_space<vmem>>, vector<16xf32>,
    tpu.vector_store %arg7[%swap3A_1380, %swap3A_1381], %gather3A_1378 {strides = array<i32>} : memref<32x64xf32, #tpu.memory_space<vmem>>, vector<16xf32>,
    %slice3A_1383 = vector.extract_strided_slice %shift_right_logical3A_12 {offsets = [8], sizes = [1], strides = [1]} : vector<16xi32> to vector<1xi32>
    %squeeze3A_1384 = vector.extract %slice3A_1383[0] : i32 from vector<1xi32>
    %mul3A_1385 = arith.constant 128 : i32
    %mul3A_1386 = arith.muli %squeeze3A_1384, %mul3A_1385 : i32
    %multiple_of3A_1387 = tpu.assume_multiple %mul3A_1386, 128 : i32
    %dma_start3A_1388 = arith.constant 0 : i32
    %dma_start3A_1389 = arith.constant 0 : i32
    %dma_start3A_1390 = arith.constant 0 : i32
    %dma_start3A_1391 = arith.constant 0 : i32
    %dma_start3A_1392 = tpu.memref_slice %arg6[%dma_start3A_1388, %dma_start3A_1389, %dma_start3A_1390, %dma_start3A_1391] : memref<3x4x64x128xf32, #tpu.memory_space<vmem>> -> memref<1x1x64x128xf32, #tpu.memory_space<vmem>>
    %dma_start3A_1393 = tpu.memref_squeeze %dma_start3A_1392 : memref<1x1x64x128xf32, #tpu.memory_space<vmem>> -> memref<64x128xf32, #tpu.memory_space<vmem>>
    %dma_start3A_1394 = arith.constant 0 : i32
    %dma_start3A_1395 = tpu.memref_slice %arg2[%dma_start3A_1394, %multiple_of3A_1387] : memref<64x100000xf32, #tpu.memory_space<hbm>> -> memref<64x128xf32, #tpu.memory_space<hbm>>
    %dma_start3A_1396 = arith.constant 0 : i32
    %dma_start3A_1397 = arith.constant 0 : i32
    %dma_start3A_1398 = tpu.memref_slice %arg6[%dma_start3A_1388, %dma_start3A_1389, %dma_start3A_1396, %dma_start3A_1397] : memref<3x4x64x128xf32, #tpu.memory_space<vmem>> -> memref<1x1x64x128xf32, #tpu.memory_space<vmem>>
    %dma_start3A_1399 = tpu.memref_squeeze %dma_start3A_1398 : memref<1x1x64x128xf32, #tpu.memory_space<vmem>> -> memref<64x128xf32, #tpu.memory_space<vmem>>
    %dma_start3A_1400 = arith.constant 0 : i32
    %dma_start3A_1401 = tpu.memref_slice %arg2[%dma_start3A_1400, %multiple_of3A_1387] : memref<64x100000xf32, #tpu.memory_space<hbm>> -> memref<64x128xf32, #tpu.memory_space<hbm>>
    tpu.enqueue_dma source(%dma_start3A_1401 : memref<64x128xf32, #tpu.memory_space<hbm>>) target(%dma_start3A_1399 : memref<64x128xf32, #tpu.memory_space<vmem>>) target_semaphore(%arg8 : memref<!tpu.dma_semaphore, #tpu.memory_space<semaphore_mem>>)
    %slice3A_1402 = vector.extract_strided_slice %shift_right_logical3A_12 {offsets = [9], sizes = [1], strides = [1]} : vector<16xi32> to vector<1xi32>
    %squeeze3A_1403 = vector.extract %slice3A_1402[0] : i32 from vector<1xi32>
    %mul3A_1404 = arith.constant 128 : i32
    %mul3A_1405 = arith.muli %squeeze3A_1403, %mul3A_1404 : i32
    %multiple_of3A_1406 = tpu.assume_multiple %mul3A_1405, 128 : i32
    %dma_start3A_1407 = arith.constant 0 : i32
    %dma_start3A_1408 = arith.constant 1 : i32
    %dma_start3A_1409 = arith.constant 0 : i32
    %dma_start3A_1410 = arith.constant 0 : i32
    %dma_start3A_1411 = tpu.memref_slice %arg6[%dma_start3A_1407, %dma_start3A_1408, %dma_start3A_1409, %dma_start3A_1410] : memref<3x4x64x128xf32, #tpu.memory_space<vmem>> -> memref<1x1x64x128xf32, #tpu.memory_space<vmem>>
    %dma_start3A_1412 = tpu.memref_squeeze %dma_start3A_1411 : memref<1x1x64x128xf32, #tpu.memory_space<vmem>> -> memref<64x128xf32, #tpu.memory_space<vmem>>
    %dma_start3A_1413 = arith.constant 0 : i32
    %dma_start3A_1414 = tpu.memref_slice %arg2[%dma_start3A_1413, %multiple_of3A_1406] : memref<64x100000xf32, #tpu.memory_space<hbm>> -> memref<64x128xf32, #tpu.memory_space<hbm>>
    %dma_start3A_1415 = arith.constant 0 : i32
    %dma_start3A_1416 = arith.constant 0 : i32
    %dma_start3A_1417 = tpu.memref_slice %arg6[%dma_start3A_1407, %dma_start3A_1408, %dma_start3A_1415, %dma_start3A_1416] : memref<3x4x64x128xf32, #tpu.memory_space<vmem>> -> memref<1x1x64x128xf32, #tpu.memory_space<vmem>>
    %dma_start3A_1418 = tpu.memref_squeeze %dma_start3A_1417 : memref<1x1x64x128xf32, #tpu.memory_space<vmem>> -> memref<64x128xf32, #tpu.memory_space<vmem>>
    %dma_start3A_1419 = arith.constant 0 : i32
    %dma_start3A_1420 = tpu.memref_slice %arg2[%dma_start3A_1419, %multiple_of3A_1406] : memref<64x100000xf32, #tpu.memory_space<hbm>> -> memref<64x128xf32, #tpu.memory_space<hbm>>
    tpu.enqueue_dma source(%dma_start3A_1420 : memref<64x128xf32, #tpu.memory_space<hbm>>) target(%dma_start3A_1418 : memref<64x128xf32, #tpu.memory_space<vmem>>) target_semaphore(%arg8 : memref<!tpu.dma_semaphore, #tpu.memory_space<semaphore_mem>>)
    %slice3A_1421 = vector.extract_strided_slice %shift_right_logical3A_12 {offsets = [10], sizes = [1], strides = [1]} : vector<16xi32> to vector<1xi32>
    %squeeze3A_1422 = vector.extract %slice3A_1421[0] : i32 from vector<1xi32>
    %mul3A_1423 = arith.constant 128 : i32
    %mul3A_1424 = arith.muli %squeeze3A_1422, %mul3A_1423 : i32
    %multiple_of3A_1425 = tpu.assume_multiple %mul3A_1424, 128 : i32
    %dma_start3A_1426 = arith.constant 0 : i32
    %dma_start3A_1427 = arith.constant 2 : i32
    %dma_start3A_1428 = arith.constant 0 : i32
    %dma_start3A_1429 = arith.constant 0 : i32
    %dma_start3A_1430 = tpu.memref_slice %arg6[%dma_start3A_1426, %dma_start3A_1427, %dma_start3A_1428, %dma_start3A_1429] : memref<3x4x64x128xf32, #tpu.memory_space<vmem>> -> memref<1x1x64x128xf32, #tpu.memory_space<vmem>>
    %dma_start3A_1431 = tpu.memref_squeeze %dma_start3A_1430 : memref<1x1x64x128xf32, #tpu.memory_space<vmem>> -> memref<64x128xf32, #tpu.memory_space<vmem>>
    %dma_start3A_1432 = arith.constant 0 : i32
    %dma_start3A_1433 = tpu.memref_slice %arg2[%dma_start3A_1432, %multiple_of3A_1425] : memref<64x100000xf32, #tpu.memory_space<hbm>> -> memref<64x128xf32, #tpu.memory_space<hbm>>
    %dma_start3A_1434 = arith.constant 0 : i32
    %dma_start3A_1435 = arith.constant 0 : i32
    %dma_start3A_1436 = tpu.memref_slice %arg6[%dma_start3A_1426, %dma_start3A_1427, %dma_start3A_1434, %dma_start3A_1435] : memref<3x4x64x128xf32, #tpu.memory_space<vmem>> -> memref<1x1x64x128xf32, #tpu.memory_space<vmem>>
    %dma_start3A_1437 = tpu.memref_squeeze %dma_start3A_1436 : memref<1x1x64x128xf32, #tpu.memory_space<vmem>> -> memref<64x128xf32, #tpu.memory_space<vmem>>
    %dma_start3A_1438 = arith.constant 0 : i32
    %dma_start3A_1439 = tpu.memref_slice %arg2[%dma_start3A_1438, %multiple_of3A_1425] : memref<64x100000xf32, #tpu.memory_space<hbm>> -> memref<64x128xf32, #tpu.memory_space<hbm>>
    tpu.enqueue_dma source(%dma_start3A_1439 : memref<64x128xf32, #tpu.memory_space<hbm>>) target(%dma_start3A_1437 : memref<64x128xf32, #tpu.memory_space<vmem>>) target_semaphore(%arg8 : memref<!tpu.dma_semaphore, #tpu.memory_space<semaphore_mem>>)
    %slice3A_1440 = vector.extract_strided_slice %shift_right_logical3A_12 {offsets = [11], sizes = [1], strides = [1]} : vector<16xi32> to vector<1xi32>
    %squeeze3A_1441 = vector.extract %slice3A_1440[0] : i32 from vector<1xi32>
    %mul3A_1442 = arith.constant 128 : i32
    %mul3A_1443 = arith.muli %squeeze3A_1441, %mul3A_1442 : i32
    %multiple_of3A_1444 = tpu.assume_multiple %mul3A_1443, 128 : i32
    %dma_start3A_1445 = arith.constant 0 : i32
    %dma_start3A_1446 = arith.constant 3 : i32
    %dma_start3A_1447 = arith.constant 0 : i32
    %dma_start3A_1448 = arith.constant 0 : i32
    %dma_start3A_1449 = tpu.memref_slice %arg6[%dma_start3A_1445, %dma_start3A_1446, %dma_start3A_1447, %dma_start3A_1448] : memref<3x4x64x128xf32, #tpu.memory_space<vmem>> -> memref<1x1x64x128xf32, #tpu.memory_space<vmem>>
    %dma_start3A_1450 = tpu.memref_squeeze %dma_start3A_1449 : memref<1x1x64x128xf32, #tpu.memory_space<vmem>> -> memref<64x128xf32, #tpu.memory_space<vmem>>
    %dma_start3A_1451 = arith.constant 0 : i32
    %dma_start3A_1452 = tpu.memref_slice %arg2[%dma_start3A_1451, %multiple_of3A_1444] : memref<64x100000xf32, #tpu.memory_space<hbm>> -> memref<64x128xf32, #tpu.memory_space<hbm>>
    %dma_start3A_1453 = arith.constant 0 : i32
    %dma_start3A_1454 = arith.constant 0 : i32
    %dma_start3A_1455 = tpu.memref_slice %arg6[%dma_start3A_1445, %dma_start3A_1446, %dma_start3A_1453, %dma_start3A_1454] : memref<3x4x64x128xf32, #tpu.memory_space<vmem>> -> memref<1x1x64x128xf32, #tpu.memory_space<vmem>>
    %dma_start3A_1456 = tpu.memref_squeeze %dma_start3A_1455 : memref<1x1x64x128xf32, #tpu.memory_space<vmem>> -> memref<64x128xf32, #tpu.memory_space<vmem>>
    %dma_start3A_1457 = arith.constant 0 : i32
    %dma_start3A_1458 = tpu.memref_slice %arg2[%dma_start3A_1457, %multiple_of3A_1444] : memref<64x100000xf32, #tpu.memory_space<hbm>> -> memref<64x128xf32, #tpu.memory_space<hbm>>
    tpu.enqueue_dma source(%dma_start3A_1458 : memref<64x128xf32, #tpu.memory_space<hbm>>) target(%dma_start3A_1456 : memref<64x128xf32, #tpu.memory_space<vmem>>) target_semaphore(%arg8 : memref<!tpu.dma_semaphore, #tpu.memory_space<semaphore_mem>>)
    %dma_wait3A_1459 = arith.constant 1 : i32
    %dma_wait3A_1460 = arith.constant 0 : i32
    %dma_wait3A_1461 = arith.constant 0 : i32
    %dma_wait3A_1462 = arith.constant 0 : i32
    %dma_wait3A_1463 = tpu.memref_slice %arg6[%dma_wait3A_1459, %dma_wait3A_1460, %dma_wait3A_1461, %dma_wait3A_1462] : memref<3x4x64x128xf32, #tpu.memory_space<vmem>> -> memref<1x1x64x128xf32, #tpu.memory_space<vmem>>
    %dma_wait3A_1464 = tpu.memref_squeeze %dma_wait3A_1463 : memref<1x1x64x128xf32, #tpu.memory_space<vmem>> -> memref<64x128xf32, #tpu.memory_space<vmem>>
    %dma_wait3A_1465 = arith.constant 0 : i32
    %dma_wait3A_1466 = tpu.memref_slice %arg2[%dma_wait3A_1465, %multiple_of3A_775] : memref<64x100000xf32, #tpu.memory_space<hbm>> -> memref<64x128xf32, #tpu.memory_space<hbm>>
    %dma_wait3A_1467 = arith.constant 0 : i32
    %dma_wait3A_1468 = arith.constant 0 : i32
    %dma_wait3A_1469 = tpu.memref_slice %arg6[%dma_wait3A_1459, %dma_wait3A_1460, %dma_wait3A_1467, %dma_wait3A_1468] : memref<3x4x64x128xf32, #tpu.memory_space<vmem>> -> memref<1x1x64x128xf32, #tpu.memory_space<vmem>>
    %dma_wait3A_1470 = tpu.memref_squeeze %dma_wait3A_1469 : memref<1x1x64x128xf32, #tpu.memory_space<vmem>> -> memref<64x128xf32, #tpu.memory_space<vmem>>
    %dma_wait3A_1471 = arith.constant 0 : i32
    %dma_wait3A_1472 = tpu.memref_slice %arg2[%dma_wait3A_1471, %multiple_of3A_775] : memref<64x100000xf32, #tpu.memory_space<hbm>> -> memref<64x128xf32, #tpu.memory_space<hbm>>
    tpu.wait_dma2 semaphore(%arg8 : memref<!tpu.dma_semaphore, #tpu.memory_space<semaphore_mem>>) src(%dma_wait3A_1472 : memref<64x128xf32, #tpu.memory_space<hbm>>) dst(%dma_wait3A_1470 : memref<64x128xf32, #tpu.memory_space<vmem>>)
    %dma_wait3A_1473 = arith.constant 1 : i32
    %dma_wait3A_1474 = arith.constant 1 : i32
    %dma_wait3A_1475 = arith.constant 0 : i32
    %dma_wait3A_1476 = arith.constant 0 : i32
    %dma_wait3A_1477 = tpu.memref_slice %arg6[%dma_wait3A_1473, %dma_wait3A_1474, %dma_wait3A_1475, %dma_wait3A_1476] : memref<3x4x64x128xf32, #tpu.memory_space<vmem>> -> memref<1x1x64x128xf32, #tpu.memory_space<vmem>>
    %dma_wait3A_1478 = tpu.memref_squeeze %dma_wait3A_1477 : memref<1x1x64x128xf32, #tpu.memory_space<vmem>> -> memref<64x128xf32, #tpu.memory_space<vmem>>
    %dma_wait3A_1479 = arith.constant 0 : i32
    %dma_wait3A_1480 = tpu.memref_slice %arg2[%dma_wait3A_1479, %multiple_of3A_794] : memref<64x100000xf32, #tpu.memory_space<hbm>> -> memref<64x128xf32, #tpu.memory_space<hbm>>
    %dma_wait3A_1481 = arith.constant 0 : i32
    %dma_wait3A_1482 = arith.constant 0 : i32
    %dma_wait3A_1483 = tpu.memref_slice %arg6[%dma_wait3A_1473, %dma_wait3A_1474, %dma_wait3A_1481, %dma_wait3A_1482] : memref<3x4x64x128xf32, #tpu.memory_space<vmem>> -> memref<1x1x64x128xf32, #tpu.memory_space<vmem>>
    %dma_wait3A_1484 = tpu.memref_squeeze %dma_wait3A_1483 : memref<1x1x64x128xf32, #tpu.memory_space<vmem>> -> memref<64x128xf32, #tpu.memory_space<vmem>>
    %dma_wait3A_1485 = arith.constant 0 : i32
    %dma_wait3A_1486 = tpu.memref_slice %arg2[%dma_wait3A_1485, %multiple_of3A_794] : memref<64x100000xf32, #tpu.memory_space<hbm>> -> memref<64x128xf32, #tpu.memory_space<hbm>>
    tpu.wait_dma2 semaphore(%arg8 : memref<!tpu.dma_semaphore, #tpu.memory_space<semaphore_mem>>) src(%dma_wait3A_1486 : memref<64x128xf32, #tpu.memory_space<hbm>>) dst(%dma_wait3A_1484 : memref<64x128xf32, #tpu.memory_space<vmem>>)
    %dma_wait3A_1487 = arith.constant 1 : i32
    %dma_wait3A_1488 = arith.constant 2 : i32
    %dma_wait3A_1489 = arith.constant 0 : i32
    %dma_wait3A_1490 = arith.constant 0 : i32
    %dma_wait3A_1491 = tpu.memref_slice %arg6[%dma_wait3A_1487, %dma_wait3A_1488, %dma_wait3A_1489, %dma_wait3A_1490] : memref<3x4x64x128xf32, #tpu.memory_space<vmem>> -> memref<1x1x64x128xf32, #tpu.memory_space<vmem>>
    %dma_wait3A_1492 = tpu.memref_squeeze %dma_wait3A_1491 : memref<1x1x64x128xf32, #tpu.memory_space<vmem>> -> memref<64x128xf32, #tpu.memory_space<vmem>>
    %dma_wait3A_1493 = arith.constant 0 : i32
    %dma_wait3A_1494 = tpu.memref_slice %arg2[%dma_wait3A_1493, %multiple_of3A_813] : memref<64x100000xf32, #tpu.memory_space<hbm>> -> memref<64x128xf32, #tpu.memory_space<hbm>>
    %dma_wait3A_1495 = arith.constant 0 : i32
    %dma_wait3A_1496 = arith.constant 0 : i32
    %dma_wait3A_1497 = tpu.memref_slice %arg6[%dma_wait3A_1487, %dma_wait3A_1488, %dma_wait3A_1495, %dma_wait3A_1496] : memref<3x4x64x128xf32, #tpu.memory_space<vmem>> -> memref<1x1x64x128xf32, #tpu.memory_space<vmem>>
    %dma_wait3A_1498 = tpu.memref_squeeze %dma_wait3A_1497 : memref<1x1x64x128xf32, #tpu.memory_space<vmem>> -> memref<64x128xf32, #tpu.memory_space<vmem>>
    %dma_wait3A_1499 = arith.constant 0 : i32
    %dma_wait3A_1500 = tpu.memref_slice %arg2[%dma_wait3A_1499, %multiple_of3A_813] : memref<64x100000xf32, #tpu.memory_space<hbm>> -> memref<64x128xf32, #tpu.memory_space<hbm>>
    tpu.wait_dma2 semaphore(%arg8 : memref<!tpu.dma_semaphore, #tpu.memory_space<semaphore_mem>>) src(%dma_wait3A_1500 : memref<64x128xf32, #tpu.memory_space<hbm>>) dst(%dma_wait3A_1498 : memref<64x128xf32, #tpu.memory_space<vmem>>)
    %dma_wait3A_1501 = arith.constant 1 : i32
    %dma_wait3A_1502 = arith.constant 3 : i32
    %dma_wait3A_1503 = arith.constant 0 : i32
    %dma_wait3A_1504 = arith.constant 0 : i32
    %dma_wait3A_1505 = tpu.memref_slice %arg6[%dma_wait3A_1501, %dma_wait3A_1502, %dma_wait3A_1503, %dma_wait3A_1504] : memref<3x4x64x128xf32, #tpu.memory_space<vmem>> -> memref<1x1x64x128xf32, #tpu.memory_space<vmem>>
    %dma_wait3A_1506 = tpu.memref_squeeze %dma_wait3A_1505 : memref<1x1x64x128xf32, #tpu.memory_space<vmem>> -> memref<64x128xf32, #tpu.memory_space<vmem>>
    %dma_wait3A_1507 = arith.constant 0 : i32
    %dma_wait3A_1508 = tpu.memref_slice %arg2[%dma_wait3A_1507, %multiple_of3A_832] : memref<64x100000xf32, #tpu.memory_space<hbm>> -> memref<64x128xf32, #tpu.memory_space<hbm>>
    %dma_wait3A_1509 = arith.constant 0 : i32
    %dma_wait3A_1510 = arith.constant 0 : i32
    %dma_wait3A_1511 = tpu.memref_slice %arg6[%dma_wait3A_1501, %dma_wait3A_1502, %dma_wait3A_1509, %dma_wait3A_1510] : memref<3x4x64x128xf32, #tpu.memory_space<vmem>> -> memref<1x1x64x128xf32, #tpu.memory_space<vmem>>
    %dma_wait3A_1512 = tpu.memref_squeeze %dma_wait3A_1511 : memref<1x1x64x128xf32, #tpu.memory_space<vmem>> -> memref<64x128xf32, #tpu.memory_space<vmem>>
    %dma_wait3A_1513 = arith.constant 0 : i32
    %dma_wait3A_1514 = tpu.memref_slice %arg2[%dma_wait3A_1513, %multiple_of3A_832] : memref<64x100000xf32, #tpu.memory_space<hbm>> -> memref<64x128xf32, #tpu.memory_space<hbm>>
    tpu.wait_dma2 semaphore(%arg8 : memref<!tpu.dma_semaphore, #tpu.memory_space<semaphore_mem>>) src(%dma_wait3A_1514 : memref<64x128xf32, #tpu.memory_space<hbm>>) dst(%dma_wait3A_1512 : memref<64x128xf32, #tpu.memory_space<vmem>>)
    %broadcast_in_dim3A_1515 = arith.constant 1 : i32
    %broadcast_in_dim3A_1516 = vector.broadcast %broadcast_in_dim3A_1515 : i32 to vector<16xi32>
    %broadcast_in_dim3A_1517 = arith.constant 0 : i32
    %broadcast_in_dim3A_1518 = vector.broadcast %broadcast_in_dim3A_1517 : i32 to vector<16xi32>
    %slice3A_1519 = vector.extract_strided_slice %and3A_15 {offsets = [0], sizes = [1], strides = [1]} : vector<16xi32> to vector<1xi32>
    %squeeze3A_1520 = vector.extract %slice3A_1519[0] : i32 from vector<1xi32>
    %broadcast_in_dim3A_1521 = vector.broadcast %squeeze3A_1520 : i32 to vector<16xi32>
    %broadcast_in_dim3A_1522 = arith.constant 16 : i32
    %broadcast_in_dim3A_1523 = vector.broadcast %broadcast_in_dim3A_1522 : i32 to vector<16xi32>
    %iota3A_1524 = tpu.iota {dimensions = array<i32: 0>} : vector<16xi32>
    %add3A_1525 = arith.constant 0 : i32
    %add3A_1526 = vector.broadcast %add3A_1525 : i32 to vector<16xi32>
    %add3A_1527 = arith.addi %iota3A_1524, %add3A_1526 : vector<16xi32>
    %gather3A_1528 = tpu.vector_load_idx %arg6[%broadcast_in_dim3A_1516, %broadcast_in_dim3A_1518, %add3A_1527, %broadcast_in_dim3A_1521] : memref<3x4x64x128xf32, #tpu.memory_space<vmem>>[vector<16xi32>, vector<16xi32>, vector<16xi32>, vector<16xi32>], vector<16xf32>,
    %swap3A_1529 = arith.constant 16 : i32
    %swap3A_1530 = arith.index_cast %swap3A_1529 : i32 to index
    %swap3A_1531 = arith.constant 0 : index
    %swap3A_1532 = tpu.vector_load %arg7[%swap3A_1530, %swap3A_1531] {strides = array<i32>} : memref<32x64xf32, #tpu.memory_space<vmem>>, vector<16xf32>,
    tpu.vector_store %arg7[%swap3A_1530, %swap3A_1531], %gather3A_1528 {strides = array<i32>} : memref<32x64xf32, #tpu.memory_space<vmem>>, vector<16xf32>,
    %iota3A_1533 = tpu.iota {dimensions = array<i32: 0>} : vector<16xi32>
    %add3A_1534 = arith.constant 16 : i32
    %add3A_1535 = vector.broadcast %add3A_1534 : i32 to vector<16xi32>
    %add3A_1536 = arith.addi %iota3A_1533, %add3A_1535 : vector<16xi32>
    %gather3A_1537 = tpu.vector_load_idx %arg6[%broadcast_in_dim3A_1516, %broadcast_in_dim3A_1518, %add3A_1536, %broadcast_in_dim3A_1521] : memref<3x4x64x128xf32, #tpu.memory_space<vmem>>[vector<16xi32>, vector<16xi32>, vector<16xi32>, vector<16xi32>], vector<16xf32>,
    %swap3A_1538 = arith.constant 16 : i32
    %swap3A_1539 = arith.index_cast %swap3A_1538 : i32 to index
    %swap3A_1540 = arith.constant 16 : index
    %swap3A_1541 = tpu.vector_load %arg7[%swap3A_1539, %swap3A_1540] {strides = array<i32>} : memref<32x64xf32, #tpu.memory_space<vmem>>, vector<16xf32>,
    tpu.vector_store %arg7[%swap3A_1539, %swap3A_1540], %gather3A_1537 {strides = array<i32>} : memref<32x64xf32, #tpu.memory_space<vmem>>, vector<16xf32>,
    %iota3A_1542 = tpu.iota {dimensions = array<i32: 0>} : vector<16xi32>
    %add3A_1543 = arith.constant 32 : i32
    %add3A_1544 = vector.broadcast %add3A_1543 : i32 to vector<16xi32>
    %add3A_1545 = arith.addi %iota3A_1542, %add3A_1544 : vector<16xi32>
    %gather3A_1546 = tpu.vector_load_idx %arg6[%broadcast_in_dim3A_1516, %broadcast_in_dim3A_1518, %add3A_1545, %broadcast_in_dim3A_1521] : memref<3x4x64x128xf32, #tpu.memory_space<vmem>>[vector<16xi32>, vector<16xi32>, vector<16xi32>, vector<16xi32>], vector<16xf32>,
    %swap3A_1547 = arith.constant 16 : i32
    %swap3A_1548 = arith.index_cast %swap3A_1547 : i32 to index
    %swap3A_1549 = arith.constant 32 : index
    %swap3A_1550 = tpu.vector_load %arg7[%swap3A_1548, %swap3A_1549] {strides = array<i32>} : memref<32x64xf32, #tpu.memory_space<vmem>>, vector<16xf32>,
    tpu.vector_store %arg7[%swap3A_1548, %swap3A_1549], %gather3A_1546 {strides = array<i32>} : memref<32x64xf32, #tpu.memory_space<vmem>>, vector<16xf32>,
    %iota3A_1551 = tpu.iota {dimensions = array<i32: 0>} : vector<16xi32>
    %add3A_1552 = arith.constant 48 : i32
    %add3A_1553 = vector.broadcast %add3A_1552 : i32 to vector<16xi32>
    %add3A_1554 = arith.addi %iota3A_1551, %add3A_1553 : vector<16xi32>
    %gather3A_1555 = tpu.vector_load_idx %arg6[%broadcast_in_dim3A_1516, %broadcast_in_dim3A_1518, %add3A_1554, %broadcast_in_dim3A_1521] : memref<3x4x64x128xf32, #tpu.memory_space<vmem>>[vector<16xi32>, vector<16xi32>, vector<16xi32>, vector<16xi32>], vector<16xf32>,
    %swap3A_1556 = arith.constant 16 : i32
    %swap3A_1557 = arith.index_cast %swap3A_1556 : i32 to index
    %swap3A_1558 = arith.constant 48 : index
    %swap3A_1559 = tpu.vector_load %arg7[%swap3A_1557, %swap3A_1558] {strides = array<i32>} : memref<32x64xf32, #tpu.memory_space<vmem>>, vector<16xf32>,
    tpu.vector_store %arg7[%swap3A_1557, %swap3A_1558], %gather3A_1555 {strides = array<i32>} : memref<32x64xf32, #tpu.memory_space<vmem>>, vector<16xf32>,
    %broadcast_in_dim3A_1560 = arith.constant 1 : i32
    %broadcast_in_dim3A_1561 = vector.broadcast %broadcast_in_dim3A_1560 : i32 to vector<16xi32>
    %slice3A_1562 = vector.extract_strided_slice %and3A_15 {offsets = [1], sizes = [1], strides = [1]} : vector<16xi32> to vector<1xi32>
    %squeeze3A_1563 = vector.extract %slice3A_1562[0] : i32 from vector<1xi32>
    %broadcast_in_dim3A_1564 = vector.broadcast %squeeze3A_1563 : i32 to vector<16xi32>
    %broadcast_in_dim3A_1565 = arith.constant 17 : i32
    %broadcast_in_dim3A_1566 = vector.broadcast %broadcast_in_dim3A_1565 : i32 to vector<16xi32>
    %iota3A_1567 = tpu.iota {dimensions = array<i32: 0>} : vector<16xi32>
    %add3A_1568 = arith.constant 0 : i32
    %add3A_1569 = vector.broadcast %add3A_1568 : i32 to vector<16xi32>
    %add3A_1570 = arith.addi %iota3A_1567, %add3A_1569 : vector<16xi32>
    %gather3A_1571 = tpu.vector_load_idx %arg6[%broadcast_in_dim3A_1516, %broadcast_in_dim3A_1561, %add3A_1570, %broadcast_in_dim3A_1564] : memref<3x4x64x128xf32, #tpu.memory_space<vmem>>[vector<16xi32>, vector<16xi32>, vector<16xi32>, vector<16xi32>], vector<16xf32>,
    %swap3A_1572 = arith.constant 17 : i32
    %swap3A_1573 = arith.index_cast %swap3A_1572 : i32 to index
    %swap3A_1574 = arith.constant 0 : index
    %swap3A_1575 = tpu.vector_load %arg7[%swap3A_1573, %swap3A_1574] {strides = array<i32>} : memref<32x64xf32, #tpu.memory_space<vmem>>, vector<16xf32>,
    tpu.vector_store %arg7[%swap3A_1573, %swap3A_1574], %gather3A_1571 {strides = array<i32>} : memref<32x64xf32, #tpu.memory_space<vmem>>, vector<16xf32>,
    %iota3A_1576 = tpu.iota {dimensions = array<i32: 0>} : vector<16xi32>
    %add3A_1577 = arith.constant 16 : i32
    %add3A_1578 = vector.broadcast %add3A_1577 : i32 to vector<16xi32>
    %add3A_1579 = arith.addi %iota3A_1576, %add3A_1578 : vector<16xi32>
    %gather3A_1580 = tpu.vector_load_idx %arg6[%broadcast_in_dim3A_1516, %broadcast_in_dim3A_1561, %add3A_1579, %broadcast_in_dim3A_1564] : memref<3x4x64x128xf32, #tpu.memory_space<vmem>>[vector<16xi32>, vector<16xi32>, vector<16xi32>, vector<16xi32>], vector<16xf32>,
    %swap3A_1581 = arith.constant 17 : i32
    %swap3A_1582 = arith.index_cast %swap3A_1581 : i32 to index
    %swap3A_1583 = arith.constant 16 : index
    %swap3A_1584 = tpu.vector_load %arg7[%swap3A_1582, %swap3A_1583] {strides = array<i32>} : memref<32x64xf32, #tpu.memory_space<vmem>>, vector<16xf32>,
    tpu.vector_store %arg7[%swap3A_1582, %swap3A_1583], %gather3A_1580 {strides = array<i32>} : memref<32x64xf32, #tpu.memory_space<vmem>>, vector<16xf32>,
    %iota3A_1585 = tpu.iota {dimensions = array<i32: 0>} : vector<16xi32>
    %add3A_1586 = arith.constant 32 : i32
    %add3A_1587 = vector.broadcast %add3A_1586 : i32 to vector<16xi32>
    %add3A_1588 = arith.addi %iota3A_1585, %add3A_1587 : vector<16xi32>
    %gather3A_1589 = tpu.vector_load_idx %arg6[%broadcast_in_dim3A_1516, %broadcast_in_dim3A_1561, %add3A_1588, %broadcast_in_dim3A_1564] : memref<3x4x64x128xf32, #tpu.memory_space<vmem>>[vector<16xi32>, vector<16xi32>, vector<16xi32>, vector<16xi32>], vector<16xf32>,
    %swap3A_1590 = arith.constant 17 : i32
    %swap3A_1591 = arith.index_cast %swap3A_1590 : i32 to index
    %swap3A_1592 = arith.constant 32 : index
    %swap3A_1593 = tpu.vector_load %arg7[%swap3A_1591, %swap3A_1592] {strides = array<i32>} : memref<32x64xf32, #tpu.memory_space<vmem>>, vector<16xf32>,
    tpu.vector_store %arg7[%swap3A_1591, %swap3A_1592], %gather3A_1589 {strides = array<i32>} : memref<32x64xf32, #tpu.memory_space<vmem>>, vector<16xf32>,
    %iota3A_1594 = tpu.iota {dimensions = array<i32: 0>} : vector<16xi32>
    %add3A_1595 = arith.constant 48 : i32
    %add3A_1596 = vector.broadcast %add3A_1595 : i32 to vector<16xi32>
    %add3A_1597 = arith.addi %iota3A_1594, %add3A_1596 : vector<16xi32>
    %gather3A_1598 = tpu.vector_load_idx %arg6[%broadcast_in_dim3A_1516, %broadcast_in_dim3A_1561, %add3A_1597, %broadcast_in_dim3A_1564] : memref<3x4x64x128xf32, #tpu.memory_space<vmem>>[vector<16xi32>, vector<16xi32>, vector<16xi32>, vector<16xi32>], vector<16xf32>,
    %swap3A_1599 = arith.constant 17 : i32
    %swap3A_1600 = arith.index_cast %swap3A_1599 : i32 to index
    %swap3A_1601 = arith.constant 48 : index
    %swap3A_1602 = tpu.vector_load %arg7[%swap3A_1600, %swap3A_1601] {strides = array<i32>} : memref<32x64xf32, #tpu.memory_space<vmem>>, vector<16xf32>,
    tpu.vector_store %arg7[%swap3A_1600, %swap3A_1601], %gather3A_1598 {strides = array<i32>} : memref<32x64xf32, #tpu.memory_space<vmem>>, vector<16xf32>,
    %broadcast_in_dim3A_1603 = arith.constant 2 : i32
    %broadcast_in_dim3A_1604 = vector.broadcast %broadcast_in_dim3A_1603 : i32 to vector<16xi32>
    %slice3A_1605 = vector.extract_strided_slice %and3A_15 {offsets = [2], sizes = [1], strides = [1]} : vector<16xi32> to vector<1xi32>
    %squeeze3A_1606 = vector.extract %slice3A_1605[0] : i32 from vector<1xi32>
    %broadcast_in_dim3A_1607 = vector.broadcast %squeeze3A_1606 : i32 to vector<16xi32>
    %broadcast_in_dim3A_1608 = arith.constant 18 : i32
    %broadcast_in_dim3A_1609 = vector.broadcast %broadcast_in_dim3A_1608 : i32 to vector<16xi32>
    %iota3A_1610 = tpu.iota {dimensions = array<i32: 0>} : vector<16xi32>
    %add3A_1611 = arith.constant 0 : i32
    %add3A_1612 = vector.broadcast %add3A_1611 : i32 to vector<16xi32>
    %add3A_1613 = arith.addi %iota3A_1610, %add3A_1612 : vector<16xi32>
    %gather3A_1614 = tpu.vector_load_idx %arg6[%broadcast_in_dim3A_1516, %broadcast_in_dim3A_1604, %add3A_1613, %broadcast_in_dim3A_1607] : memref<3x4x64x128xf32, #tpu.memory_space<vmem>>[vector<16xi32>, vector<16xi32>, vector<16xi32>, vector<16xi32>], vector<16xf32>,
    %swap3A_1615 = arith.constant 18 : i32
    %swap3A_1616 = arith.index_cast %swap3A_1615 : i32 to index
    %swap3A_1617 = arith.constant 0 : index
    %swap3A_1618 = tpu.vector_load %arg7[%swap3A_1616, %swap3A_1617] {strides = array<i32>} : memref<32x64xf32, #tpu.memory_space<vmem>>, vector<16xf32>,
    tpu.vector_store %arg7[%swap3A_1616, %swap3A_1617], %gather3A_1614 {strides = array<i32>} : memref<32x64xf32, #tpu.memory_space<vmem>>, vector<16xf32>,
    %iota3A_1619 = tpu.iota {dimensions = array<i32: 0>} : vector<16xi32>
    %add3A_1620 = arith.constant 16 : i32
    %add3A_1621 = vector.broadcast %add3A_1620 : i32 to vector<16xi32>
    %add3A_1622 = arith.addi %iota3A_1619, %add3A_1621 : vector<16xi32>
    %gather3A_1623 = tpu.vector_load_idx %arg6[%broadcast_in_dim3A_1516, %broadcast_in_dim3A_1604, %add3A_1622, %broadcast_in_dim3A_1607] : memref<3x4x64x128xf32, #tpu.memory_space<vmem>>[vector<16xi32>, vector<16xi32>, vector<16xi32>, vector<16xi32>], vector<16xf32>,
    %swap3A_1624 = arith.constant 18 : i32
    %swap3A_1625 = arith.index_cast %swap3A_1624 : i32 to index
    %swap3A_1626 = arith.constant 16 : index
    %swap3A_1627 = tpu.vector_load %arg7[%swap3A_1625, %swap3A_1626] {strides = array<i32>} : memref<32x64xf32, #tpu.memory_space<vmem>>, vector<16xf32>,
    tpu.vector_store %arg7[%swap3A_1625, %swap3A_1626], %gather3A_1623 {strides = array<i32>} : memref<32x64xf32, #tpu.memory_space<vmem>>, vector<16xf32>,
    %iota3A_1628 = tpu.iota {dimensions = array<i32: 0>} : vector<16xi32>
    %add3A_1629 = arith.constant 32 : i32
    %add3A_1630 = vector.broadcast %add3A_1629 : i32 to vector<16xi32>
    %add3A_1631 = arith.addi %iota3A_1628, %add3A_1630 : vector<16xi32>
    %gather3A_1632 = tpu.vector_load_idx %arg6[%broadcast_in_dim3A_1516, %broadcast_in_dim3A_1604, %add3A_1631, %broadcast_in_dim3A_1607] : memref<3x4x64x128xf32, #tpu.memory_space<vmem>>[vector<16xi32>, vector<16xi32>, vector<16xi32>, vector<16xi32>], vector<16xf32>,
    %swap3A_1633 = arith.constant 18 : i32
    %swap3A_1634 = arith.index_cast %swap3A_1633 : i32 to index
    %swap3A_1635 = arith.constant 32 : index
    %swap3A_1636 = tpu.vector_load %arg7[%swap3A_1634, %swap3A_1635] {strides = array<i32>} : memref<32x64xf32, #tpu.memory_space<vmem>>, vector<16xf32>,
    tpu.vector_store %arg7[%swap3A_1634, %swap3A_1635], %gather3A_1632 {strides = array<i32>} : memref<32x64xf32, #tpu.memory_space<vmem>>, vector<16xf32>,
    %iota3A_1637 = tpu.iota {dimensions = array<i32: 0>} : vector<16xi32>
    %add3A_1638 = arith.constant 48 : i32
    %add3A_1639 = vector.broadcast %add3A_1638 : i32 to vector<16xi32>
    %add3A_1640 = arith.addi %iota3A_1637, %add3A_1639 : vector<16xi32>
    %gather3A_1641 = tpu.vector_load_idx %arg6[%broadcast_in_dim3A_1516, %broadcast_in_dim3A_1604, %add3A_1640, %broadcast_in_dim3A_1607] : memref<3x4x64x128xf32, #tpu.memory_space<vmem>>[vector<16xi32>, vector<16xi32>, vector<16xi32>, vector<16xi32>], vector<16xf32>,
    %swap3A_1642 = arith.constant 18 : i32
    %swap3A_1643 = arith.index_cast %swap3A_1642 : i32 to index
    %swap3A_1644 = arith.constant 48 : index
    %swap3A_1645 = tpu.vector_load %arg7[%swap3A_1643, %swap3A_1644] {strides = array<i32>} : memref<32x64xf32, #tpu.memory_space<vmem>>, vector<16xf32>,
    tpu.vector_store %arg7[%swap3A_1643, %swap3A_1644], %gather3A_1641 {strides = array<i32>} : memref<32x64xf32, #tpu.memory_space<vmem>>, vector<16xf32>,
    %broadcast_in_dim3A_1646 = arith.constant 3 : i32
    %broadcast_in_dim3A_1647 = vector.broadcast %broadcast_in_dim3A_1646 : i32 to vector<16xi32>
    %slice3A_1648 = vector.extract_strided_slice %and3A_15 {offsets = [3], sizes = [1], strides = [1]} : vector<16xi32> to vector<1xi32>
    %squeeze3A_1649 = vector.extract %slice3A_1648[0] : i32 from vector<1xi32>
    %broadcast_in_dim3A_1650 = vector.broadcast %squeeze3A_1649 : i32 to vector<16xi32>
    %broadcast_in_dim3A_1651 = arith.constant 19 : i32
    %broadcast_in_dim3A_1652 = vector.broadcast %broadcast_in_dim3A_1651 : i32 to vector<16xi32>
    %iota3A_1653 = tpu.iota {dimensions = array<i32: 0>} : vector<16xi32>
    %add3A_1654 = arith.constant 0 : i32
    %add3A_1655 = vector.broadcast %add3A_1654 : i32 to vector<16xi32>
    %add3A_1656 = arith.addi %iota3A_1653, %add3A_1655 : vector<16xi32>
    %gather3A_1657 = tpu.vector_load_idx %arg6[%broadcast_in_dim3A_1516, %broadcast_in_dim3A_1647, %add3A_1656, %broadcast_in_dim3A_1650] : memref<3x4x64x128xf32, #tpu.memory_space<vmem>>[vector<16xi32>, vector<16xi32>, vector<16xi32>, vector<16xi32>], vector<16xf32>,
    %swap3A_1658 = arith.constant 19 : i32
    %swap3A_1659 = arith.index_cast %swap3A_1658 : i32 to index
    %swap3A_1660 = arith.constant 0 : index
    %swap3A_1661 = tpu.vector_load %arg7[%swap3A_1659, %swap3A_1660] {strides = array<i32>} : memref<32x64xf32, #tpu.memory_space<vmem>>, vector<16xf32>,
    tpu.vector_store %arg7[%swap3A_1659, %swap3A_1660], %gather3A_1657 {strides = array<i32>} : memref<32x64xf32, #tpu.memory_space<vmem>>, vector<16xf32>,
    %iota3A_1662 = tpu.iota {dimensions = array<i32: 0>} : vector<16xi32>
    %add3A_1663 = arith.constant 16 : i32
    %add3A_1664 = vector.broadcast %add3A_1663 : i32 to vector<16xi32>
    %add3A_1665 = arith.addi %iota3A_1662, %add3A_1664 : vector<16xi32>
    %gather3A_1666 = tpu.vector_load_idx %arg6[%broadcast_in_dim3A_1516, %broadcast_in_dim3A_1647, %add3A_1665, %broadcast_in_dim3A_1650] : memref<3x4x64x128xf32, #tpu.memory_space<vmem>>[vector<16xi32>, vector<16xi32>, vector<16xi32>, vector<16xi32>], vector<16xf32>,
    %swap3A_1667 = arith.constant 19 : i32
    %swap3A_1668 = arith.index_cast %swap3A_1667 : i32 to index
    %swap3A_1669 = arith.constant 16 : index
    %swap3A_1670 = tpu.vector_load %arg7[%swap3A_1668, %swap3A_1669] {strides = array<i32>} : memref<32x64xf32, #tpu.memory_space<vmem>>, vector<16xf32>,
    tpu.vector_store %arg7[%swap3A_1668, %swap3A_1669], %gather3A_1666 {strides = array<i32>} : memref<32x64xf32, #tpu.memory_space<vmem>>, vector<16xf32>,
    %iota3A_1671 = tpu.iota {dimensions = array<i32: 0>} : vector<16xi32>
    %add3A_1672 = arith.constant 32 : i32
    %add3A_1673 = vector.broadcast %add3A_1672 : i32 to vector<16xi32>
    %add3A_1674 = arith.addi %iota3A_1671, %add3A_1673 : vector<16xi32>
    %gather3A_1675 = tpu.vector_load_idx %arg6[%broadcast_in_dim3A_1516, %broadcast_in_dim3A_1647, %add3A_1674, %broadcast_in_dim3A_1650] : memref<3x4x64x128xf32, #tpu.memory_space<vmem>>[vector<16xi32>, vector<16xi32>, vector<16xi32>, vector<16xi32>], vector<16xf32>,
    %swap3A_1676 = arith.constant 19 : i32
    %swap3A_1677 = arith.index_cast %swap3A_1676 : i32 to index
    %swap3A_1678 = arith.constant 32 : index
    %swap3A_1679 = tpu.vector_load %arg7[%swap3A_1677, %swap3A_1678] {strides = array<i32>} : memref<32x64xf32, #tpu.memory_space<vmem>>, vector<16xf32>,
    tpu.vector_store %arg7[%swap3A_1677, %swap3A_1678], %gather3A_1675 {strides = array<i32>} : memref<32x64xf32, #tpu.memory_space<vmem>>, vector<16xf32>,
    %iota3A_1680 = tpu.iota {dimensions = array<i32: 0>} : vector<16xi32>
    %add3A_1681 = arith.constant 48 : i32
    %add3A_1682 = vector.broadcast %add3A_1681 : i32 to vector<16xi32>
    %add3A_1683 = arith.addi %iota3A_1680, %add3A_1682 : vector<16xi32>
    %gather3A_1684 = tpu.vector_load_idx %arg6[%broadcast_in_dim3A_1516, %broadcast_in_dim3A_1647, %add3A_1683, %broadcast_in_dim3A_1650] : memref<3x4x64x128xf32, #tpu.memory_space<vmem>>[vector<16xi32>, vector<16xi32>, vector<16xi32>, vector<16xi32>], vector<16xf32>,
    %swap3A_1685 = arith.constant 19 : i32
    %swap3A_1686 = arith.index_cast %swap3A_1685 : i32 to index
    %swap3A_1687 = arith.constant 48 : index
    %swap3A_1688 = tpu.vector_load %arg7[%swap3A_1686, %swap3A_1687] {strides = array<i32>} : memref<32x64xf32, #tpu.memory_space<vmem>>, vector<16xf32>,
    tpu.vector_store %arg7[%swap3A_1686, %swap3A_1687], %gather3A_1684 {strides = array<i32>} : memref<32x64xf32, #tpu.memory_space<vmem>>, vector<16xf32>,
    %slice3A_1689 = vector.extract_strided_slice %shift_right_logical3A_12 {offsets = [12], sizes = [1], strides = [1]} : vector<16xi32> to vector<1xi32>
    %squeeze3A_1690 = vector.extract %slice3A_1689[0] : i32 from vector<1xi32>
    %mul3A_1691 = arith.constant 128 : i32
    %mul3A_1692 = arith.muli %squeeze3A_1690, %mul3A_1691 : i32
    %multiple_of3A_1693 = tpu.assume_multiple %mul3A_1692, 128 : i32
    %dma_start3A_1694 = arith.constant 1 : i32
    %dma_start3A_1695 = arith.constant 0 : i32
    %dma_start3A_1696 = arith.constant 0 : i32
    %dma_start3A_1697 = arith.constant 0 : i32
    %dma_start3A_1698 = tpu.memref_slice %arg6[%dma_start3A_1694, %dma_start3A_1695, %dma_start3A_1696, %dma_start3A_1697] : memref<3x4x64x128xf32, #tpu.memory_space<vmem>> -> memref<1x1x64x128xf32, #tpu.memory_space<vmem>>
    %dma_start3A_1699 = tpu.memref_squeeze %dma_start3A_1698 : memref<1x1x64x128xf32, #tpu.memory_space<vmem>> -> memref<64x128xf32, #tpu.memory_space<vmem>>
    %dma_start3A_1700 = arith.constant 0 : i32
    %dma_start3A_1701 = tpu.memref_slice %arg2[%dma_start3A_1700, %multiple_of3A_1693] : memref<64x100000xf32, #tpu.memory_space<hbm>> -> memref<64x128xf32, #tpu.memory_space<hbm>>
    %dma_start3A_1702 = arith.constant 0 : i32
    %dma_start3A_1703 = arith.constant 0 : i32
    %dma_start3A_1704 = tpu.memref_slice %arg6[%dma_start3A_1694, %dma_start3A_1695, %dma_start3A_1702, %dma_start3A_1703] : memref<3x4x64x128xf32, #tpu.memory_space<vmem>> -> memref<1x1x64x128xf32, #tpu.memory_space<vmem>>
    %dma_start3A_1705 = tpu.memref_squeeze %dma_start3A_1704 : memref<1x1x64x128xf32, #tpu.memory_space<vmem>> -> memref<64x128xf32, #tpu.memory_space<vmem>>
    %dma_start3A_1706 = arith.constant 0 : i32
    %dma_start3A_1707 = tpu.memref_slice %arg2[%dma_start3A_1706, %multiple_of3A_1693] : memref<64x100000xf32, #tpu.memory_space<hbm>> -> memref<64x128xf32, #tpu.memory_space<hbm>>
    tpu.enqueue_dma source(%dma_start3A_1707 : memref<64x128xf32, #tpu.memory_space<hbm>>) target(%dma_start3A_1705 : memref<64x128xf32, #tpu.memory_space<vmem>>) target_semaphore(%arg8 : memref<!tpu.dma_semaphore, #tpu.memory_space<semaphore_mem>>)
    %slice3A_1708 = vector.extract_strided_slice %shift_right_logical3A_12 {offsets = [13], sizes = [1], strides = [1]} : vector<16xi32> to vector<1xi32>
    %squeeze3A_1709 = vector.extract %slice3A_1708[0] : i32 from vector<1xi32>
    %mul3A_1710 = arith.constant 128 : i32
    %mul3A_1711 = arith.muli %squeeze3A_1709, %mul3A_1710 : i32
    %multiple_of3A_1712 = tpu.assume_multiple %mul3A_1711, 128 : i32
    %dma_start3A_1713 = arith.constant 1 : i32
    %dma_start3A_1714 = arith.constant 1 : i32
    %dma_start3A_1715 = arith.constant 0 : i32
    %dma_start3A_1716 = arith.constant 0 : i32
    %dma_start3A_1717 = tpu.memref_slice %arg6[%dma_start3A_1713, %dma_start3A_1714, %dma_start3A_1715, %dma_start3A_1716] : memref<3x4x64x128xf32, #tpu.memory_space<vmem>> -> memref<1x1x64x128xf32, #tpu.memory_space<vmem>>
    %dma_start3A_1718 = tpu.memref_squeeze %dma_start3A_1717 : memref<1x1x64x128xf32, #tpu.memory_space<vmem>> -> memref<64x128xf32, #tpu.memory_space<vmem>>
    %dma_start3A_1719 = arith.constant 0 : i32
    %dma_start3A_1720 = tpu.memref_slice %arg2[%dma_start3A_1719, %multiple_of3A_1712] : memref<64x100000xf32, #tpu.memory_space<hbm>> -> memref<64x128xf32, #tpu.memory_space<hbm>>
    %dma_start3A_1721 = arith.constant 0 : i32
    %dma_start3A_1722 = arith.constant 0 : i32
    %dma_start3A_1723 = tpu.memref_slice %arg6[%dma_start3A_1713, %dma_start3A_1714, %dma_start3A_1721, %dma_start3A_1722] : memref<3x4x64x128xf32, #tpu.memory_space<vmem>> -> memref<1x1x64x128xf32, #tpu.memory_space<vmem>>
    %dma_start3A_1724 = tpu.memref_squeeze %dma_start3A_1723 : memref<1x1x64x128xf32, #tpu.memory_space<vmem>> -> memref<64x128xf32, #tpu.memory_space<vmem>>
    %dma_start3A_1725 = arith.constant 0 : i32
    %dma_start3A_1726 = tpu.memref_slice %arg2[%dma_start3A_1725, %multiple_of3A_1712] : memref<64x100000xf32, #tpu.memory_space<hbm>> -> memref<64x128xf32, #tpu.memory_space<hbm>>
    tpu.enqueue_dma source(%dma_start3A_1726 : memref<64x128xf32, #tpu.memory_space<hbm>>) target(%dma_start3A_1724 : memref<64x128xf32, #tpu.memory_space<vmem>>) target_semaphore(%arg8 : memref<!tpu.dma_semaphore, #tpu.memory_space<semaphore_mem>>)
    %slice3A_1727 = vector.extract_strided_slice %shift_right_logical3A_12 {offsets = [14], sizes = [1], strides = [1]} : vector<16xi32> to vector<1xi32>
    %squeeze3A_1728 = vector.extract %slice3A_1727[0] : i32 from vector<1xi32>
    %mul3A_1729 = arith.constant 128 : i32
    %mul3A_1730 = arith.muli %squeeze3A_1728, %mul3A_1729 : i32
    %multiple_of3A_1731 = tpu.assume_multiple %mul3A_1730, 128 : i32
    %dma_start3A_1732 = arith.constant 1 : i32
    %dma_start3A_1733 = arith.constant 2 : i32
    %dma_start3A_1734 = arith.constant 0 : i32
    %dma_start3A_1735 = arith.constant 0 : i32
    %dma_start3A_1736 = tpu.memref_slice %arg6[%dma_start3A_1732, %dma_start3A_1733, %dma_start3A_1734, %dma_start3A_1735] : memref<3x4x64x128xf32, #tpu.memory_space<vmem>> -> memref<1x1x64x128xf32, #tpu.memory_space<vmem>>
    %dma_start3A_1737 = tpu.memref_squeeze %dma_start3A_1736 : memref<1x1x64x128xf32, #tpu.memory_space<vmem>> -> memref<64x128xf32, #tpu.memory_space<vmem>>
    %dma_start3A_1738 = arith.constant 0 : i32
    %dma_start3A_1739 = tpu.memref_slice %arg2[%dma_start3A_1738, %multiple_of3A_1731] : memref<64x100000xf32, #tpu.memory_space<hbm>> -> memref<64x128xf32, #tpu.memory_space<hbm>>
    %dma_start3A_1740 = arith.constant 0 : i32
    %dma_start3A_1741 = arith.constant 0 : i32
    %dma_start3A_1742 = tpu.memref_slice %arg6[%dma_start3A_1732, %dma_start3A_1733, %dma_start3A_1740, %dma_start3A_1741] : memref<3x4x64x128xf32, #tpu.memory_space<vmem>> -> memref<1x1x64x128xf32, #tpu.memory_space<vmem>>
    %dma_start3A_1743 = tpu.memref_squeeze %dma_start3A_1742 : memref<1x1x64x128xf32, #tpu.memory_space<vmem>> -> memref<64x128xf32, #tpu.memory_space<vmem>>
    %dma_start3A_1744 = arith.constant 0 : i32
    %dma_start3A_1745 = tpu.memref_slice %arg2[%dma_start3A_1744, %multiple_of3A_1731] : memref<64x100000xf32, #tpu.memory_space<hbm>> -> memref<64x128xf32, #tpu.memory_space<hbm>>
    tpu.enqueue_dma source(%dma_start3A_1745 : memref<64x128xf32, #tpu.memory_space<hbm>>) target(%dma_start3A_1743 : memref<64x128xf32, #tpu.memory_space<vmem>>) target_semaphore(%arg8 : memref<!tpu.dma_semaphore, #tpu.memory_space<semaphore_mem>>)
    %slice3A_1746 = vector.extract_strided_slice %shift_right_logical3A_12 {offsets = [15], sizes = [1], strides = [1]} : vector<16xi32> to vector<1xi32>
    %squeeze3A_1747 = vector.extract %slice3A_1746[0] : i32 from vector<1xi32>
    %mul3A_1748 = arith.constant 128 : i32
    %mul3A_1749 = arith.muli %squeeze3A_1747, %mul3A_1748 : i32
    %multiple_of3A_1750 = tpu.assume_multiple %mul3A_1749, 128 : i32
    %dma_start3A_1751 = arith.constant 1 : i32
    %dma_start3A_1752 = arith.constant 3 : i32
    %dma_start3A_1753 = arith.constant 0 : i32
    %dma_start3A_1754 = arith.constant 0 : i32
    %dma_start3A_1755 = tpu.memref_slice %arg6[%dma_start3A_1751, %dma_start3A_1752, %dma_start3A_1753, %dma_start3A_1754] : memref<3x4x64x128xf32, #tpu.memory_space<vmem>> -> memref<1x1x64x128xf32, #tpu.memory_space<vmem>>
    %dma_start3A_1756 = tpu.memref_squeeze %dma_start3A_1755 : memref<1x1x64x128xf32, #tpu.memory_space<vmem>> -> memref<64x128xf32, #tpu.memory_space<vmem>>
    %dma_start3A_1757 = arith.constant 0 : i32
    %dma_start3A_1758 = tpu.memref_slice %arg2[%dma_start3A_1757, %multiple_of3A_1750] : memref<64x100000xf32, #tpu.memory_space<hbm>> -> memref<64x128xf32, #tpu.memory_space<hbm>>
    %dma_start3A_1759 = arith.constant 0 : i32
    %dma_start3A_1760 = arith.constant 0 : i32
    %dma_start3A_1761 = tpu.memref_slice %arg6[%dma_start3A_1751, %dma_start3A_1752, %dma_start3A_1759, %dma_start3A_1760] : memref<3x4x64x128xf32, #tpu.memory_space<vmem>> -> memref<1x1x64x128xf32, #tpu.memory_space<vmem>>
    %dma_start3A_1762 = tpu.memref_squeeze %dma_start3A_1761 : memref<1x1x64x128xf32, #tpu.memory_space<vmem>> -> memref<64x128xf32, #tpu.memory_space<vmem>>
    %dma_start3A_1763 = arith.constant 0 : i32
    %dma_start3A_1764 = tpu.memref_slice %arg2[%dma_start3A_1763, %multiple_of3A_1750] : memref<64x100000xf32, #tpu.memory_space<hbm>> -> memref<64x128xf32, #tpu.memory_space<hbm>>
    tpu.enqueue_dma source(%dma_start3A_1764 : memref<64x128xf32, #tpu.memory_space<hbm>>) target(%dma_start3A_1762 : memref<64x128xf32, #tpu.memory_space<vmem>>) target_semaphore(%arg8 : memref<!tpu.dma_semaphore, #tpu.memory_space<semaphore_mem>>)
    %dma_wait3A_1765 = arith.constant 2 : i32
    %dma_wait3A_1766 = arith.constant 0 : i32
    %dma_wait3A_1767 = arith.constant 0 : i32
    %dma_wait3A_1768 = arith.constant 0 : i32
    %dma_wait3A_1769 = tpu.memref_slice %arg6[%dma_wait3A_1765, %dma_wait3A_1766, %dma_wait3A_1767, %dma_wait3A_1768] : memref<3x4x64x128xf32, #tpu.memory_space<vmem>> -> memref<1x1x64x128xf32, #tpu.memory_space<vmem>>
    %dma_wait3A_1770 = tpu.memref_squeeze %dma_wait3A_1769 : memref<1x1x64x128xf32, #tpu.memory_space<vmem>> -> memref<64x128xf32, #tpu.memory_space<vmem>>
    %dma_wait3A_1771 = arith.constant 0 : i32
    %dma_wait3A_1772 = tpu.memref_slice %arg2[%dma_wait3A_1771, %multiple_of3A_1081] : memref<64x100000xf32, #tpu.memory_space<hbm>> -> memref<64x128xf32, #tpu.memory_space<hbm>>
    %dma_wait3A_1773 = arith.constant 0 : i32
    %dma_wait3A_1774 = arith.constant 0 : i32
    %dma_wait3A_1775 = tpu.memref_slice %arg6[%dma_wait3A_1765, %dma_wait3A_1766, %dma_wait3A_1773, %dma_wait3A_1774] : memref<3x4x64x128xf32, #tpu.memory_space<vmem>> -> memref<1x1x64x128xf32, #tpu.memory_space<vmem>>
    %dma_wait3A_1776 = tpu.memref_squeeze %dma_wait3A_1775 : memref<1x1x64x128xf32, #tpu.memory_space<vmem>> -> memref<64x128xf32, #tpu.memory_space<vmem>>
    %dma_wait3A_1777 = arith.constant 0 : i32
    %dma_wait3A_1778 = tpu.memref_slice %arg2[%dma_wait3A_1777, %multiple_of3A_1081] : memref<64x100000xf32, #tpu.memory_space<hbm>> -> memref<64x128xf32, #tpu.memory_space<hbm>>
    tpu.wait_dma2 semaphore(%arg8 : memref<!tpu.dma_semaphore, #tpu.memory_space<semaphore_mem>>) src(%dma_wait3A_1778 : memref<64x128xf32, #tpu.memory_space<hbm>>) dst(%dma_wait3A_1776 : memref<64x128xf32, #tpu.memory_space<vmem>>)
    %dma_wait3A_1779 = arith.constant 2 : i32
    %dma_wait3A_1780 = arith.constant 1 : i32
    %dma_wait3A_1781 = arith.constant 0 : i32
    %dma_wait3A_1782 = arith.constant 0 : i32
    %dma_wait3A_1783 = tpu.memref_slice %arg6[%dma_wait3A_1779, %dma_wait3A_1780, %dma_wait3A_1781, %dma_wait3A_1782] : memref<3x4x64x128xf32, #tpu.memory_space<vmem>> -> memref<1x1x64x128xf32, #tpu.memory_space<vmem>>
    %dma_wait3A_1784 = tpu.memref_squeeze %dma_wait3A_1783 : memref<1x1x64x128xf32, #tpu.memory_space<vmem>> -> memref<64x128xf32, #tpu.memory_space<vmem>>
    %dma_wait3A_1785 = arith.constant 0 : i32
    %dma_wait3A_1786 = tpu.memref_slice %arg2[%dma_wait3A_1785, %multiple_of3A_1100] : memref<64x100000xf32, #tpu.memory_space<hbm>> -> memref<64x128xf32, #tpu.memory_space<hbm>>
    %dma_wait3A_1787 = arith.constant 0 : i32
    %dma_wait3A_1788 = arith.constant 0 : i32
    %dma_wait3A_1789 = tpu.memref_slice %arg6[%dma_wait3A_1779, %dma_wait3A_1780, %dma_wait3A_1787, %dma_wait3A_1788] : memref<3x4x64x128xf32, #tpu.memory_space<vmem>> -> memref<1x1x64x128xf32, #tpu.memory_space<vmem>>
    %dma_wait3A_1790 = tpu.memref_squeeze %dma_wait3A_1789 : memref<1x1x64x128xf32, #tpu.memory_space<vmem>> -> memref<64x128xf32, #tpu.memory_space<vmem>>
    %dma_wait3A_1791 = arith.constant 0 : i32
    %dma_wait3A_1792 = tpu.memref_slice %arg2[%dma_wait3A_1791, %multiple_of3A_1100] : memref<64x100000xf32, #tpu.memory_space<hbm>> -> memref<64x128xf32, #tpu.memory_space<hbm>>
    tpu.wait_dma2 semaphore(%arg8 : memref<!tpu.dma_semaphore, #tpu.memory_space<semaphore_mem>>) src(%dma_wait3A_1792 : memref<64x128xf32, #tpu.memory_space<hbm>>) dst(%dma_wait3A_1790 : memref<64x128xf32, #tpu.memory_space<vmem>>)
    %dma_wait3A_1793 = arith.constant 2 : i32
    %dma_wait3A_1794 = arith.constant 2 : i32
    %dma_wait3A_1795 = arith.constant 0 : i32
    %dma_wait3A_1796 = arith.constant 0 : i32
    %dma_wait3A_1797 = tpu.memref_slice %arg6[%dma_wait3A_1793, %dma_wait3A_1794, %dma_wait3A_1795, %dma_wait3A_1796] : memref<3x4x64x128xf32, #tpu.memory_space<vmem>> -> memref<1x1x64x128xf32, #tpu.memory_space<vmem>>
    %dma_wait3A_1798 = tpu.memref_squeeze %dma_wait3A_1797 : memref<1x1x64x128xf32, #tpu.memory_space<vmem>> -> memref<64x128xf32, #tpu.memory_space<vmem>>
    %dma_wait3A_1799 = arith.constant 0 : i32
    %dma_wait3A_1800 = tpu.memref_slice %arg2[%dma_wait3A_1799, %multiple_of3A_1119] : memref<64x100000xf32, #tpu.memory_space<hbm>> -> memref<64x128xf32, #tpu.memory_space<hbm>>
    %dma_wait3A_1801 = arith.constant 0 : i32
    %dma_wait3A_1802 = arith.constant 0 : i32
    %dma_wait3A_1803 = tpu.memref_slice %arg6[%dma_wait3A_1793, %dma_wait3A_1794, %dma_wait3A_1801, %dma_wait3A_1802] : memref<3x4x64x128xf32, #tpu.memory_space<vmem>> -> memref<1x1x64x128xf32, #tpu.memory_space<vmem>>
    %dma_wait3A_1804 = tpu.memref_squeeze %dma_wait3A_1803 : memref<1x1x64x128xf32, #tpu.memory_space<vmem>> -> memref<64x128xf32, #tpu.memory_space<vmem>>
    %dma_wait3A_1805 = arith.constant 0 : i32
    %dma_wait3A_1806 = tpu.memref_slice %arg2[%dma_wait3A_1805, %multiple_of3A_1119] : memref<64x100000xf32, #tpu.memory_space<hbm>> -> memref<64x128xf32, #tpu.memory_space<hbm>>
    tpu.wait_dma2 semaphore(%arg8 : memref<!tpu.dma_semaphore, #tpu.memory_space<semaphore_mem>>) src(%dma_wait3A_1806 : memref<64x128xf32, #tpu.memory_space<hbm>>) dst(%dma_wait3A_1804 : memref<64x128xf32, #tpu.memory_space<vmem>>)
    %dma_wait3A_1807 = arith.constant 2 : i32
    %dma_wait3A_1808 = arith.constant 3 : i32
    %dma_wait3A_1809 = arith.constant 0 : i32
    %dma_wait3A_1810 = arith.constant 0 : i32
    %dma_wait3A_1811 = tpu.memref_slice %arg6[%dma_wait3A_1807, %dma_wait3A_1808, %dma_wait3A_1809, %dma_wait3A_1810] : memref<3x4x64x128xf32, #tpu.memory_space<vmem>> -> memref<1x1x64x128xf32, #tpu.memory_space<vmem>>
    %dma_wait3A_1812 = tpu.memref_squeeze %dma_wait3A_1811 : memref<1x1x64x128xf32, #tpu.memory_space<vmem>> -> memref<64x128xf32, #tpu.memory_space<vmem>>
    %dma_wait3A_1813 = arith.constant 0 : i32
    %dma_wait3A_1814 = tpu.memref_slice %arg2[%dma_wait3A_1813, %multiple_of3A_1138] : memref<64x100000xf32, #tpu.memory_space<hbm>> -> memref<64x128xf32, #tpu.memory_space<hbm>>
    %dma_wait3A_1815 = arith.constant 0 : i32
    %dma_wait3A_1816 = arith.constant 0 : i32
    %dma_wait3A_1817 = tpu.memref_slice %arg6[%dma_wait3A_1807, %dma_wait3A_1808, %dma_wait3A_1815, %dma_wait3A_1816] : memref<3x4x64x128xf32, #tpu.memory_space<vmem>> -> memref<1x1x64x128xf32, #tpu.memory_space<vmem>>
    %dma_wait3A_1818 = tpu.memref_squeeze %dma_wait3A_1817 : memref<1x1x64x128xf32, #tpu.memory_space<vmem>> -> memref<64x128xf32, #tpu.memory_space<vmem>>
    %dma_wait3A_1819 = arith.constant 0 : i32
    %dma_wait3A_1820 = tpu.memref_slice %arg2[%dma_wait3A_1819, %multiple_of3A_1138] : memref<64x100000xf32, #tpu.memory_space<hbm>> -> memref<64x128xf32, #tpu.memory_space<hbm>>
    tpu.wait_dma2 semaphore(%arg8 : memref<!tpu.dma_semaphore, #tpu.memory_space<semaphore_mem>>) src(%dma_wait3A_1820 : memref<64x128xf32, #tpu.memory_space<hbm>>) dst(%dma_wait3A_1818 : memref<64x128xf32, #tpu.memory_space<vmem>>)
    %broadcast_in_dim3A_1821 = arith.constant 2 : i32
    %broadcast_in_dim3A_1822 = vector.broadcast %broadcast_in_dim3A_1821 : i32 to vector<16xi32>
    %broadcast_in_dim3A_1823 = arith.constant 0 : i32
    %broadcast_in_dim3A_1824 = vector.broadcast %broadcast_in_dim3A_1823 : i32 to vector<16xi32>
    %slice3A_1825 = vector.extract_strided_slice %and3A_15 {offsets = [4], sizes = [1], strides = [1]} : vector<16xi32> to vector<1xi32>
    %squeeze3A_1826 = vector.extract %slice3A_1825[0] : i32 from vector<1xi32>
    %broadcast_in_dim3A_1827 = vector.broadcast %squeeze3A_1826 : i32 to vector<16xi32>
    %broadcast_in_dim3A_1828 = arith.constant 20 : i32
    %broadcast_in_dim3A_1829 = vector.broadcast %broadcast_in_dim3A_1828 : i32 to vector<16xi32>
    %iota3A_1830 = tpu.iota {dimensions = array<i32: 0>} : vector<16xi32>
    %add3A_1831 = arith.constant 0 : i32
    %add3A_1832 = vector.broadcast %add3A_1831 : i32 to vector<16xi32>
    %add3A_1833 = arith.addi %iota3A_1830, %add3A_1832 : vector<16xi32>
    %gather3A_1834 = tpu.vector_load_idx %arg6[%broadcast_in_dim3A_1822, %broadcast_in_dim3A_1824, %add3A_1833, %broadcast_in_dim3A_1827] : memref<3x4x64x128xf32, #tpu.memory_space<vmem>>[vector<16xi32>, vector<16xi32>, vector<16xi32>, vector<16xi32>], vector<16xf32>,
    %swap3A_1835 = arith.constant 20 : i32
    %swap3A_1836 = arith.index_cast %swap3A_1835 : i32 to index
    %swap3A_1837 = arith.constant 0 : index
    %swap3A_1838 = tpu.vector_load %arg7[%swap3A_1836, %swap3A_1837] {strides = array<i32>} : memref<32x64xf32, #tpu.memory_space<vmem>>, vector<16xf32>,
    tpu.vector_store %arg7[%swap3A_1836, %swap3A_1837], %gather3A_1834 {strides = array<i32>} : memref<32x64xf32, #tpu.memory_space<vmem>>, vector<16xf32>,
    %iota3A_1839 = tpu.iota {dimensions = array<i32: 0>} : vector<16xi32>
    %add3A_1840 = arith.constant 16 : i32
    %add3A_1841 = vector.broadcast %add3A_1840 : i32 to vector<16xi32>
    %add3A_1842 = arith.addi %iota3A_1839, %add3A_1841 : vector<16xi32>
    %gather3A_1843 = tpu.vector_load_idx %arg6[%broadcast_in_dim3A_1822, %broadcast_in_dim3A_1824, %add3A_1842, %broadcast_in_dim3A_1827] : memref<3x4x64x128xf32, #tpu.memory_space<vmem>>[vector<16xi32>, vector<16xi32>, vector<16xi32>, vector<16xi32>], vector<16xf32>,
    %swap3A_1844 = arith.constant 20 : i32
    %swap3A_1845 = arith.index_cast %swap3A_1844 : i32 to index
    %swap3A_1846 = arith.constant 16 : index
    %swap3A_1847 = tpu.vector_load %arg7[%swap3A_1845, %swap3A_1846] {strides = array<i32>} : memref<32x64xf32, #tpu.memory_space<vmem>>, vector<16xf32>,
    tpu.vector_store %arg7[%swap3A_1845, %swap3A_1846], %gather3A_1843 {strides = array<i32>} : memref<32x64xf32, #tpu.memory_space<vmem>>, vector<16xf32>,
    %iota3A_1848 = tpu.iota {dimensions = array<i32: 0>} : vector<16xi32>
    %add3A_1849 = arith.constant 32 : i32
    %add3A_1850 = vector.broadcast %add3A_1849 : i32 to vector<16xi32>
    %add3A_1851 = arith.addi %iota3A_1848, %add3A_1850 : vector<16xi32>
    %gather3A_1852 = tpu.vector_load_idx %arg6[%broadcast_in_dim3A_1822, %broadcast_in_dim3A_1824, %add3A_1851, %broadcast_in_dim3A_1827] : memref<3x4x64x128xf32, #tpu.memory_space<vmem>>[vector<16xi32>, vector<16xi32>, vector<16xi32>, vector<16xi32>], vector<16xf32>,
    %swap3A_1853 = arith.constant 20 : i32
    %swap3A_1854 = arith.index_cast %swap3A_1853 : i32 to index
    %swap3A_1855 = arith.constant 32 : index
    %swap3A_1856 = tpu.vector_load %arg7[%swap3A_1854, %swap3A_1855] {strides = array<i32>} : memref<32x64xf32, #tpu.memory_space<vmem>>, vector<16xf32>,
    tpu.vector_store %arg7[%swap3A_1854, %swap3A_1855], %gather3A_1852 {strides = array<i32>} : memref<32x64xf32, #tpu.memory_space<vmem>>, vector<16xf32>,
    %iota3A_1857 = tpu.iota {dimensions = array<i32: 0>} : vector<16xi32>
    %add3A_1858 = arith.constant 48 : i32
    %add3A_1859 = vector.broadcast %add3A_1858 : i32 to vector<16xi32>
    %add3A_1860 = arith.addi %iota3A_1857, %add3A_1859 : vector<16xi32>
    %gather3A_1861 = tpu.vector_load_idx %arg6[%broadcast_in_dim3A_1822, %broadcast_in_dim3A_1824, %add3A_1860, %broadcast_in_dim3A_1827] : memref<3x4x64x128xf32, #tpu.memory_space<vmem>>[vector<16xi32>, vector<16xi32>, vector<16xi32>, vector<16xi32>], vector<16xf32>,
    %swap3A_1862 = arith.constant 20 : i32
    %swap3A_1863 = arith.index_cast %swap3A_1862 : i32 to index
    %swap3A_1864 = arith.constant 48 : index
    %swap3A_1865 = tpu.vector_load %arg7[%swap3A_1863, %swap3A_1864] {strides = array<i32>} : memref<32x64xf32, #tpu.memory_space<vmem>>, vector<16xf32>,
    tpu.vector_store %arg7[%swap3A_1863, %swap3A_1864], %gather3A_1861 {strides = array<i32>} : memref<32x64xf32, #tpu.memory_space<vmem>>, vector<16xf32>,
    %broadcast_in_dim3A_1866 = arith.constant 1 : i32
    %broadcast_in_dim3A_1867 = vector.broadcast %broadcast_in_dim3A_1866 : i32 to vector<16xi32>
    %slice3A_1868 = vector.extract_strided_slice %and3A_15 {offsets = [5], sizes = [1], strides = [1]} : vector<16xi32> to vector<1xi32>
    %squeeze3A_1869 = vector.extract %slice3A_1868[0] : i32 from vector<1xi32>
    %broadcast_in_dim3A_1870 = vector.broadcast %squeeze3A_1869 : i32 to vector<16xi32>
    %broadcast_in_dim3A_1871 = arith.constant 21 : i32
    %broadcast_in_dim3A_1872 = vector.broadcast %broadcast_in_dim3A_1871 : i32 to vector<16xi32>
    %iota3A_1873 = tpu.iota {dimensions = array<i32: 0>} : vector<16xi32>
    %add3A_1874 = arith.constant 0 : i32
    %add3A_1875 = vector.broadcast %add3A_1874 : i32 to vector<16xi32>
    %add3A_1876 = arith.addi %iota3A_1873, %add3A_1875 : vector<16xi32>
    %gather3A_1877 = tpu.vector_load_idx %arg6[%broadcast_in_dim3A_1822, %broadcast_in_dim3A_1867, %add3A_1876, %broadcast_in_dim3A_1870] : memref<3x4x64x128xf32, #tpu.memory_space<vmem>>[vector<16xi32>, vector<16xi32>, vector<16xi32>, vector<16xi32>], vector<16xf32>,
    %swap3A_1878 = arith.constant 21 : i32
    %swap3A_1879 = arith.index_cast %swap3A_1878 : i32 to index
    %swap3A_1880 = arith.constant 0 : index
    %swap3A_1881 = tpu.vector_load %arg7[%swap3A_1879, %swap3A_1880] {strides = array<i32>} : memref<32x64xf32, #tpu.memory_space<vmem>>, vector<16xf32>,
    tpu.vector_store %arg7[%swap3A_1879, %swap3A_1880], %gather3A_1877 {strides = array<i32>} : memref<32x64xf32, #tpu.memory_space<vmem>>, vector<16xf32>,
    %iota3A_1882 = tpu.iota {dimensions = array<i32: 0>} : vector<16xi32>
    %add3A_1883 = arith.constant 16 : i32
    %add3A_1884 = vector.broadcast %add3A_1883 : i32 to vector<16xi32>
    %add3A_1885 = arith.addi %iota3A_1882, %add3A_1884 : vector<16xi32>
    %gather3A_1886 = tpu.vector_load_idx %arg6[%broadcast_in_dim3A_1822, %broadcast_in_dim3A_1867, %add3A_1885, %broadcast_in_dim3A_1870] : memref<3x4x64x128xf32, #tpu.memory_space<vmem>>[vector<16xi32>, vector<16xi32>, vector<16xi32>, vector<16xi32>], vector<16xf32>,
    %swap3A_1887 = arith.constant 21 : i32
    %swap3A_1888 = arith.index_cast %swap3A_1887 : i32 to index
    %swap3A_1889 = arith.constant 16 : index
    %swap3A_1890 = tpu.vector_load %arg7[%swap3A_1888, %swap3A_1889] {strides = array<i32>} : memref<32x64xf32, #tpu.memory_space<vmem>>, vector<16xf32>,
    tpu.vector_store %arg7[%swap3A_1888, %swap3A_1889], %gather3A_1886 {strides = array<i32>} : memref<32x64xf32, #tpu.memory_space<vmem>>, vector<16xf32>,
    %iota3A_1891 = tpu.iota {dimensions = array<i32: 0>} : vector<16xi32>
    %add3A_1892 = arith.constant 32 : i32
    %add3A_1893 = vector.broadcast %add3A_1892 : i32 to vector<16xi32>
    %add3A_1894 = arith.addi %iota3A_1891, %add3A_1893 : vector<16xi32>
    %gather3A_1895 = tpu.vector_load_idx %arg6[%broadcast_in_dim3A_1822, %broadcast_in_dim3A_1867, %add3A_1894, %broadcast_in_dim3A_1870] : memref<3x4x64x128xf32, #tpu.memory_space<vmem>>[vector<16xi32>, vector<16xi32>, vector<16xi32>, vector<16xi32>], vector<16xf32>,
    %swap3A_1896 = arith.constant 21 : i32
    %swap3A_1897 = arith.index_cast %swap3A_1896 : i32 to index
    %swap3A_1898 = arith.constant 32 : index
    %swap3A_1899 = tpu.vector_load %arg7[%swap3A_1897, %swap3A_1898] {strides = array<i32>} : memref<32x64xf32, #tpu.memory_space<vmem>>, vector<16xf32>,
    tpu.vector_store %arg7[%swap3A_1897, %swap3A_1898], %gather3A_1895 {strides = array<i32>} : memref<32x64xf32, #tpu.memory_space<vmem>>, vector<16xf32>,
    %iota3A_1900 = tpu.iota {dimensions = array<i32: 0>} : vector<16xi32>
    %add3A_1901 = arith.constant 48 : i32
    %add3A_1902 = vector.broadcast %add3A_1901 : i32 to vector<16xi32>
    %add3A_1903 = arith.addi %iota3A_1900, %add3A_1902 : vector<16xi32>
    %gather3A_1904 = tpu.vector_load_idx %arg6[%broadcast_in_dim3A_1822, %broadcast_in_dim3A_1867, %add3A_1903, %broadcast_in_dim3A_1870] : memref<3x4x64x128xf32, #tpu.memory_space<vmem>>[vector<16xi32>, vector<16xi32>, vector<16xi32>, vector<16xi32>], vector<16xf32>,
    %swap3A_1905 = arith.constant 21 : i32
    %swap3A_1906 = arith.index_cast %swap3A_1905 : i32 to index
    %swap3A_1907 = arith.constant 48 : index
    %swap3A_1908 = tpu.vector_load %arg7[%swap3A_1906, %swap3A_1907] {strides = array<i32>} : memref<32x64xf32, #tpu.memory_space<vmem>>, vector<16xf32>,
    tpu.vector_store %arg7[%swap3A_1906, %swap3A_1907], %gather3A_1904 {strides = array<i32>} : memref<32x64xf32, #tpu.memory_space<vmem>>, vector<16xf32>,
    %broadcast_in_dim3A_1909 = arith.constant 2 : i32
    %broadcast_in_dim3A_1910 = vector.broadcast %broadcast_in_dim3A_1909 : i32 to vector<16xi32>
    %slice3A_1911 = vector.extract_strided_slice %and3A_15 {offsets = [6], sizes = [1], strides = [1]} : vector<16xi32> to vector<1xi32>
    %squeeze3A_1912 = vector.extract %slice3A_1911[0] : i32 from vector<1xi32>
    %broadcast_in_dim3A_1913 = vector.broadcast %squeeze3A_1912 : i32 to vector<16xi32>
    %broadcast_in_dim3A_1914 = arith.constant 22 : i32
    %broadcast_in_dim3A_1915 = vector.broadcast %broadcast_in_dim3A_1914 : i32 to vector<16xi32>
    %iota3A_1916 = tpu.iota {dimensions = array<i32: 0>} : vector<16xi32>
    %add3A_1917 = arith.constant 0 : i32
    %add3A_1918 = vector.broadcast %add3A_1917 : i32 to vector<16xi32>
    %add3A_1919 = arith.addi %iota3A_1916, %add3A_1918 : vector<16xi32>
    %gather3A_1920 = tpu.vector_load_idx %arg6[%broadcast_in_dim3A_1822, %broadcast_in_dim3A_1910, %add3A_1919, %broadcast_in_dim3A_1913] : memref<3x4x64x128xf32, #tpu.memory_space<vmem>>[vector<16xi32>, vector<16xi32>, vector<16xi32>, vector<16xi32>], vector<16xf32>,
    %swap3A_1921 = arith.constant 22 : i32
    %swap3A_1922 = arith.index_cast %swap3A_1921 : i32 to index
    %swap3A_1923 = arith.constant 0 : index
    %swap3A_1924 = tpu.vector_load %arg7[%swap3A_1922, %swap3A_1923] {strides = array<i32>} : memref<32x64xf32, #tpu.memory_space<vmem>>, vector<16xf32>,
    tpu.vector_store %arg7[%swap3A_1922, %swap3A_1923], %gather3A_1920 {strides = array<i32>} : memref<32x64xf32, #tpu.memory_space<vmem>>, vector<16xf32>,
    %iota3A_1925 = tpu.iota {dimensions = array<i32: 0>} : vector<16xi32>
    %add3A_1926 = arith.constant 16 : i32
    %add3A_1927 = vector.broadcast %add3A_1926 : i32 to vector<16xi32>
    %add3A_1928 = arith.addi %iota3A_1925, %add3A_1927 : vector<16xi32>
    %gather3A_1929 = tpu.vector_load_idx %arg6[%broadcast_in_dim3A_1822, %broadcast_in_dim3A_1910, %add3A_1928, %broadcast_in_dim3A_1913] : memref<3x4x64x128xf32, #tpu.memory_space<vmem>>[vector<16xi32>, vector<16xi32>, vector<16xi32>, vector<16xi32>], vector<16xf32>,
    %swap3A_1930 = arith.constant 22 : i32
    %swap3A_1931 = arith.index_cast %swap3A_1930 : i32 to index
    %swap3A_1932 = arith.constant 16 : index
    %swap3A_1933 = tpu.vector_load %arg7[%swap3A_1931, %swap3A_1932] {strides = array<i32>} : memref<32x64xf32, #tpu.memory_space<vmem>>, vector<16xf32>,
    tpu.vector_store %arg7[%swap3A_1931, %swap3A_1932], %gather3A_1929 {strides = array<i32>} : memref<32x64xf32, #tpu.memory_space<vmem>>, vector<16xf32>,
    %iota3A_1934 = tpu.iota {dimensions = array<i32: 0>} : vector<16xi32>
    %add3A_1935 = arith.constant 32 : i32
    %add3A_1936 = vector.broadcast %add3A_1935 : i32 to vector<16xi32>
    %add3A_1937 = arith.addi %iota3A_1934, %add3A_1936 : vector<16xi32>
    %gather3A_1938 = tpu.vector_load_idx %arg6[%broadcast_in_dim3A_1822, %broadcast_in_dim3A_1910, %add3A_1937, %broadcast_in_dim3A_1913] : memref<3x4x64x128xf32, #tpu.memory_space<vmem>>[vector<16xi32>, vector<16xi32>, vector<16xi32>, vector<16xi32>], vector<16xf32>,
    %swap3A_1939 = arith.constant 22 : i32
    %swap3A_1940 = arith.index_cast %swap3A_1939 : i32 to index
    %swap3A_1941 = arith.constant 32 : index
    %swap3A_1942 = tpu.vector_load %arg7[%swap3A_1940, %swap3A_1941] {strides = array<i32>} : memref<32x64xf32, #tpu.memory_space<vmem>>, vector<16xf32>,
    tpu.vector_store %arg7[%swap3A_1940, %swap3A_1941], %gather3A_1938 {strides = array<i32>} : memref<32x64xf32, #tpu.memory_space<vmem>>, vector<16xf32>,
    %iota3A_1943 = tpu.iota {dimensions = array<i32: 0>} : vector<16xi32>
    %add3A_1944 = arith.constant 48 : i32
    %add3A_1945 = vector.broadcast %add3A_1944 : i32 to vector<16xi32>
    %add3A_1946 = arith.addi %iota3A_1943, %add3A_1945 : vector<16xi32>
    %gather3A_1947 = tpu.vector_load_idx %arg6[%broadcast_in_dim3A_1822, %broadcast_in_dim3A_1910, %add3A_1946, %broadcast_in_dim3A_1913] : memref<3x4x64x128xf32, #tpu.memory_space<vmem>>[vector<16xi32>, vector<16xi32>, vector<16xi32>, vector<16xi32>], vector<16xf32>,
    %swap3A_1948 = arith.constant 22 : i32
    %swap3A_1949 = arith.index_cast %swap3A_1948 : i32 to index
    %swap3A_1950 = arith.constant 48 : index
    %swap3A_1951 = tpu.vector_load %arg7[%swap3A_1949, %swap3A_1950] {strides = array<i32>} : memref<32x64xf32, #tpu.memory_space<vmem>>, vector<16xf32>,
    tpu.vector_store %arg7[%swap3A_1949, %swap3A_1950], %gather3A_1947 {strides = array<i32>} : memref<32x64xf32, #tpu.memory_space<vmem>>, vector<16xf32>,
    %broadcast_in_dim3A_1952 = arith.constant 3 : i32
    %broadcast_in_dim3A_1953 = vector.broadcast %broadcast_in_dim3A_1952 : i32 to vector<16xi32>
    %slice3A_1954 = vector.extract_strided_slice %and3A_15 {offsets = [7], sizes = [1], strides = [1]} : vector<16xi32> to vector<1xi32>
    %squeeze3A_1955 = vector.extract %slice3A_1954[0] : i32 from vector<1xi32>
    %broadcast_in_dim3A_1956 = vector.broadcast %squeeze3A_1955 : i32 to vector<16xi32>
    %broadcast_in_dim3A_1957 = arith.constant 23 : i32
    %broadcast_in_dim3A_1958 = vector.broadcast %broadcast_in_dim3A_1957 : i32 to vector<16xi32>
    %iota3A_1959 = tpu.iota {dimensions = array<i32: 0>} : vector<16xi32>
    %add3A_1960 = arith.constant 0 : i32
    %add3A_1961 = vector.broadcast %add3A_1960 : i32 to vector<16xi32>
    %add3A_1962 = arith.addi %iota3A_1959, %add3A_1961 : vector<16xi32>
    %gather3A_1963 = tpu.vector_load_idx %arg6[%broadcast_in_dim3A_1822, %broadcast_in_dim3A_1953, %add3A_1962, %broadcast_in_dim3A_1956] : memref<3x4x64x128xf32, #tpu.memory_space<vmem>>[vector<16xi32>, vector<16xi32>, vector<16xi32>, vector<16xi32>], vector<16xf32>,
    %swap3A_1964 = arith.constant 23 : i32
    %swap3A_1965 = arith.index_cast %swap3A_1964 : i32 to index
    %swap3A_1966 = arith.constant 0 : index
    %swap3A_1967 = tpu.vector_load %arg7[%swap3A_1965, %swap3A_1966] {strides = array<i32>} : memref<32x64xf32, #tpu.memory_space<vmem>>, vector<16xf32>,
    tpu.vector_store %arg7[%swap3A_1965, %swap3A_1966], %gather3A_1963 {strides = array<i32>} : memref<32x64xf32, #tpu.memory_space<vmem>>, vector<16xf32>,
    %iota3A_1968 = tpu.iota {dimensions = array<i32: 0>} : vector<16xi32>
    %add3A_1969 = arith.constant 16 : i32
    %add3A_1970 = vector.broadcast %add3A_1969 : i32 to vector<16xi32>
    %add3A_1971 = arith.addi %iota3A_1968, %add3A_1970 : vector<16xi32>
    %gather3A_1972 = tpu.vector_load_idx %arg6[%broadcast_in_dim3A_1822, %broadcast_in_dim3A_1953, %add3A_1971, %broadcast_in_dim3A_1956] : memref<3x4x64x128xf32, #tpu.memory_space<vmem>>[vector<16xi32>, vector<16xi32>, vector<16xi32>, vector<16xi32>], vector<16xf32>,
    %swap3A_1973 = arith.constant 23 : i32
    %swap3A_1974 = arith.index_cast %swap3A_1973 : i32 to index
    %swap3A_1975 = arith.constant 16 : index
    %swap3A_1976 = tpu.vector_load %arg7[%swap3A_1974, %swap3A_1975] {strides = array<i32>} : memref<32x64xf32, #tpu.memory_space<vmem>>, vector<16xf32>,
    tpu.vector_store %arg7[%swap3A_1974, %swap3A_1975], %gather3A_1972 {strides = array<i32>} : memref<32x64xf32, #tpu.memory_space<vmem>>, vector<16xf32>,
    %iota3A_1977 = tpu.iota {dimensions = array<i32: 0>} : vector<16xi32>
    %add3A_1978 = arith.constant 32 : i32
    %add3A_1979 = vector.broadcast %add3A_1978 : i32 to vector<16xi32>
    %add3A_1980 = arith.addi %iota3A_1977, %add3A_1979 : vector<16xi32>
    %gather3A_1981 = tpu.vector_load_idx %arg6[%broadcast_in_dim3A_1822, %broadcast_in_dim3A_1953, %add3A_1980, %broadcast_in_dim3A_1956] : memref<3x4x64x128xf32, #tpu.memory_space<vmem>>[vector<16xi32>, vector<16xi32>, vector<16xi32>, vector<16xi32>], vector<16xf32>,
    %swap3A_1982 = arith.constant 23 : i32
    %swap3A_1983 = arith.index_cast %swap3A_1982 : i32 to index
    %swap3A_1984 = arith.constant 32 : index
    %swap3A_1985 = tpu.vector_load %arg7[%swap3A_1983, %swap3A_1984] {strides = array<i32>} : memref<32x64xf32, #tpu.memory_space<vmem>>, vector<16xf32>,
    tpu.vector_store %arg7[%swap3A_1983, %swap3A_1984], %gather3A_1981 {strides = array<i32>} : memref<32x64xf32, #tpu.memory_space<vmem>>, vector<16xf32>,
    %iota3A_1986 = tpu.iota {dimensions = array<i32: 0>} : vector<16xi32>
    %add3A_1987 = arith.constant 48 : i32
    %add3A_1988 = vector.broadcast %add3A_1987 : i32 to vector<16xi32>
    %add3A_1989 = arith.addi %iota3A_1986, %add3A_1988 : vector<16xi32>
    %gather3A_1990 = tpu.vector_load_idx %arg6[%broadcast_in_dim3A_1822, %broadcast_in_dim3A_1953, %add3A_1989, %broadcast_in_dim3A_1956] : memref<3x4x64x128xf32, #tpu.memory_space<vmem>>[vector<16xi32>, vector<16xi32>, vector<16xi32>, vector<16xi32>], vector<16xf32>,
    %swap3A_1991 = arith.constant 23 : i32
    %swap3A_1992 = arith.index_cast %swap3A_1991 : i32 to index
    %swap3A_1993 = arith.constant 48 : index
    %swap3A_1994 = tpu.vector_load %arg7[%swap3A_1992, %swap3A_1993] {strides = array<i32>} : memref<32x64xf32, #tpu.memory_space<vmem>>, vector<16xf32>,
    tpu.vector_store %arg7[%swap3A_1992, %swap3A_1993], %gather3A_1990 {strides = array<i32>} : memref<32x64xf32, #tpu.memory_space<vmem>>, vector<16xf32>,
    %dma_wait3A_1995 = arith.constant 0 : i32
    %dma_wait3A_1996 = arith.constant 0 : i32
    %dma_wait3A_1997 = arith.constant 0 : i32
    %dma_wait3A_1998 = arith.constant 0 : i32
    %dma_wait3A_1999 = tpu.memref_slice %arg6[%dma_wait3A_1995, %dma_wait3A_1996, %dma_wait3A_1997, %dma_wait3A_1998] : memref<3x4x64x128xf32, #tpu.memory_space<vmem>> -> memref<1x1x64x128xf32, #tpu.memory_space<vmem>>
    %dma_wait3A_2000 = tpu.memref_squeeze %dma_wait3A_1999 : memref<1x1x64x128xf32, #tpu.memory_space<vmem>> -> memref<64x128xf32, #tpu.memory_space<vmem>>
    %dma_wait3A_2001 = arith.constant 0 : i32
    %dma_wait3A_2002 = tpu.memref_slice %arg2[%dma_wait3A_2001, %multiple_of3A_1387] : memref<64x100000xf32, #tpu.memory_space<hbm>> -> memref<64x128xf32, #tpu.memory_space<hbm>>
    %dma_wait3A_2003 = arith.constant 0 : i32
    %dma_wait3A_2004 = arith.constant 0 : i32
    %dma_wait3A_2005 = tpu.memref_slice %arg6[%dma_wait3A_1995, %dma_wait3A_1996, %dma_wait3A_2003, %dma_wait3A_2004] : memref<3x4x64x128xf32, #tpu.memory_space<vmem>> -> memref<1x1x64x128xf32, #tpu.memory_space<vmem>>
    %dma_wait3A_2006 = tpu.memref_squeeze %dma_wait3A_2005 : memref<1x1x64x128xf32, #tpu.memory_space<vmem>> -> memref<64x128xf32, #tpu.memory_space<vmem>>
    %dma_wait3A_2007 = arith.constant 0 : i32
    %dma_wait3A_2008 = tpu.memref_slice %arg2[%dma_wait3A_2007, %multiple_of3A_1387] : memref<64x100000xf32, #tpu.memory_space<hbm>> -> memref<64x128xf32, #tpu.memory_space<hbm>>
    tpu.wait_dma2 semaphore(%arg8 : memref<!tpu.dma_semaphore, #tpu.memory_space<semaphore_mem>>) src(%dma_wait3A_2008 : memref<64x128xf32, #tpu.memory_space<hbm>>) dst(%dma_wait3A_2006 : memref<64x128xf32, #tpu.memory_space<vmem>>)
    %dma_wait3A_2009 = arith.constant 0 : i32
    %dma_wait3A_2010 = arith.constant 1 : i32
    %dma_wait3A_2011 = arith.constant 0 : i32
    %dma_wait3A_2012 = arith.constant 0 : i32
    %dma_wait3A_2013 = tpu.memref_slice %arg6[%dma_wait3A_2009, %dma_wait3A_2010, %dma_wait3A_2011, %dma_wait3A_2012] : memref<3x4x64x128xf32, #tpu.memory_space<vmem>> -> memref<1x1x64x128xf32, #tpu.memory_space<vmem>>
    %dma_wait3A_2014 = tpu.memref_squeeze %dma_wait3A_2013 : memref<1x1x64x128xf32, #tpu.memory_space<vmem>> -> memref<64x128xf32, #tpu.memory_space<vmem>>
    %dma_wait3A_2015 = arith.constant 0 : i32
    %dma_wait3A_2016 = tpu.memref_slice %arg2[%dma_wait3A_2015, %multiple_of3A_1406] : memref<64x100000xf32, #tpu.memory_space<hbm>> -> memref<64x128xf32, #tpu.memory_space<hbm>>
    %dma_wait3A_2017 = arith.constant 0 : i32
    %dma_wait3A_2018 = arith.constant 0 : i32
    %dma_wait3A_2019 = tpu.memref_slice %arg6[%dma_wait3A_2009, %dma_wait3A_2010, %dma_wait3A_2017, %dma_wait3A_2018] : memref<3x4x64x128xf32, #tpu.memory_space<vmem>> -> memref<1x1x64x128xf32, #tpu.memory_space<vmem>>
    %dma_wait3A_2020 = tpu.memref_squeeze %dma_wait3A_2019 : memref<1x1x64x128xf32, #tpu.memory_space<vmem>> -> memref<64x128xf32, #tpu.memory_space<vmem>>
    %dma_wait3A_2021 = arith.constant 0 : i32
    %dma_wait3A_2022 = tpu.memref_slice %arg2[%dma_wait3A_2021, %multiple_of3A_1406] : memref<64x100000xf32, #tpu.memory_space<hbm>> -> memref<64x128xf32, #tpu.memory_space<hbm>>
    tpu.wait_dma2 semaphore(%arg8 : memref<!tpu.dma_semaphore, #tpu.memory_space<semaphore_mem>>) src(%dma_wait3A_2022 : memref<64x128xf32, #tpu.memory_space<hbm>>) dst(%dma_wait3A_2020 : memref<64x128xf32, #tpu.memory_space<vmem>>)
    %dma_wait3A_2023 = arith.constant 0 : i32
    %dma_wait3A_2024 = arith.constant 2 : i32
    %dma_wait3A_2025 = arith.constant 0 : i32
    %dma_wait3A_2026 = arith.constant 0 : i32
    %dma_wait3A_2027 = tpu.memref_slice %arg6[%dma_wait3A_2023, %dma_wait3A_2024, %dma_wait3A_2025, %dma_wait3A_2026] : memref<3x4x64x128xf32, #tpu.memory_space<vmem>> -> memref<1x1x64x128xf32, #tpu.memory_space<vmem>>
    %dma_wait3A_2028 = tpu.memref_squeeze %dma_wait3A_2027 : memref<1x1x64x128xf32, #tpu.memory_space<vmem>> -> memref<64x128xf32, #tpu.memory_space<vmem>>
    %dma_wait3A_2029 = arith.constant 0 : i32
    %dma_wait3A_2030 = tpu.memref_slice %arg2[%dma_wait3A_2029, %multiple_of3A_1425] : memref<64x100000xf32, #tpu.memory_space<hbm>> -> memref<64x128xf32, #tpu.memory_space<hbm>>
    %dma_wait3A_2031 = arith.constant 0 : i32
    %dma_wait3A_2032 = arith.constant 0 : i32
    %dma_wait3A_2033 = tpu.memref_slice %arg6[%dma_wait3A_2023, %dma_wait3A_2024, %dma_wait3A_2031, %dma_wait3A_2032] : memref<3x4x64x128xf32, #tpu.memory_space<vmem>> -> memref<1x1x64x128xf32, #tpu.memory_space<vmem>>
    %dma_wait3A_2034 = tpu.memref_squeeze %dma_wait3A_2033 : memref<1x1x64x128xf32, #tpu.memory_space<vmem>> -> memref<64x128xf32, #tpu.memory_space<vmem>>
    %dma_wait3A_2035 = arith.constant 0 : i32
    %dma_wait3A_2036 = tpu.memref_slice %arg2[%dma_wait3A_2035, %multiple_of3A_1425] : memref<64x100000xf32, #tpu.memory_space<hbm>> -> memref<64x128xf32, #tpu.memory_space<hbm>>
    tpu.wait_dma2 semaphore(%arg8 : memref<!tpu.dma_semaphore, #tpu.memory_space<semaphore_mem>>) src(%dma_wait3A_2036 : memref<64x128xf32, #tpu.memory_space<hbm>>) dst(%dma_wait3A_2034 : memref<64x128xf32, #tpu.memory_space<vmem>>)
    %dma_wait3A_2037 = arith.constant 0 : i32
    %dma_wait3A_2038 = arith.constant 3 : i32
    %dma_wait3A_2039 = arith.constant 0 : i32
    %dma_wait3A_2040 = arith.constant 0 : i32
    %dma_wait3A_2041 = tpu.memref_slice %arg6[%dma_wait3A_2037, %dma_wait3A_2038, %dma_wait3A_2039, %dma_wait3A_2040] : memref<3x4x64x128xf32, #tpu.memory_space<vmem>> -> memref<1x1x64x128xf32, #tpu.memory_space<vmem>>
    %dma_wait3A_2042 = tpu.memref_squeeze %dma_wait3A_2041 : memref<1x1x64x128xf32, #tpu.memory_space<vmem>> -> memref<64x128xf32, #tpu.memory_space<vmem>>
    %dma_wait3A_2043 = arith.constant 0 : i32
    %dma_wait3A_2044 = tpu.memref_slice %arg2[%dma_wait3A_2043, %multiple_of3A_1444] : memref<64x100000xf32, #tpu.memory_space<hbm>> -> memref<64x128xf32, #tpu.memory_space<hbm>>
    %dma_wait3A_2045 = arith.constant 0 : i32
    %dma_wait3A_2046 = arith.constant 0 : i32
    %dma_wait3A_2047 = tpu.memref_slice %arg6[%dma_wait3A_2037, %dma_wait3A_2038, %dma_wait3A_2045, %dma_wait3A_2046] : memref<3x4x64x128xf32, #tpu.memory_space<vmem>> -> memref<1x1x64x128xf32, #tpu.memory_space<vmem>>
    %dma_wait3A_2048 = tpu.memref_squeeze %dma_wait3A_2047 : memref<1x1x64x128xf32, #tpu.memory_space<vmem>> -> memref<64x128xf32, #tpu.memory_space<vmem>>
    %dma_wait3A_2049 = arith.constant 0 : i32
    %dma_wait3A_2050 = tpu.memref_slice %arg2[%dma_wait3A_2049, %multiple_of3A_1444] : memref<64x100000xf32, #tpu.memory_space<hbm>> -> memref<64x128xf32, #tpu.memory_space<hbm>>
    tpu.wait_dma2 semaphore(%arg8 : memref<!tpu.dma_semaphore, #tpu.memory_space<semaphore_mem>>) src(%dma_wait3A_2050 : memref<64x128xf32, #tpu.memory_space<hbm>>) dst(%dma_wait3A_2048 : memref<64x128xf32, #tpu.memory_space<vmem>>)
    %broadcast_in_dim3A_2051 = arith.constant 0 : i32
    %broadcast_in_dim3A_2052 = vector.broadcast %broadcast_in_dim3A_2051 : i32 to vector<16xi32>
    %broadcast_in_dim3A_2053 = arith.constant 0 : i32
    %broadcast_in_dim3A_2054 = vector.broadcast %broadcast_in_dim3A_2053 : i32 to vector<16xi32>
    %slice3A_2055 = vector.extract_strided_slice %and3A_15 {offsets = [8], sizes = [1], strides = [1]} : vector<16xi32> to vector<1xi32>
    %squeeze3A_2056 = vector.extract %slice3A_2055[0] : i32 from vector<1xi32>
    %broadcast_in_dim3A_2057 = vector.broadcast %squeeze3A_2056 : i32 to vector<16xi32>
    %broadcast_in_dim3A_2058 = arith.constant 24 : i32
    %broadcast_in_dim3A_2059 = vector.broadcast %broadcast_in_dim3A_2058 : i32 to vector<16xi32>
    %iota3A_2060 = tpu.iota {dimensions = array<i32: 0>} : vector<16xi32>
    %add3A_2061 = arith.constant 0 : i32
    %add3A_2062 = vector.broadcast %add3A_2061 : i32 to vector<16xi32>
    %add3A_2063 = arith.addi %iota3A_2060, %add3A_2062 : vector<16xi32>
    %gather3A_2064 = tpu.vector_load_idx %arg6[%broadcast_in_dim3A_2052, %broadcast_in_dim3A_2054, %add3A_2063, %broadcast_in_dim3A_2057] : memref<3x4x64x128xf32, #tpu.memory_space<vmem>>[vector<16xi32>, vector<16xi32>, vector<16xi32>, vector<16xi32>], vector<16xf32>,
    %swap3A_2065 = arith.constant 24 : i32
    %swap3A_2066 = arith.index_cast %swap3A_2065 : i32 to index
    %swap3A_2067 = arith.constant 0 : index
    %swap3A_2068 = tpu.vector_load %arg7[%swap3A_2066, %swap3A_2067] {strides = array<i32>} : memref<32x64xf32, #tpu.memory_space<vmem>>, vector<16xf32>,
    tpu.vector_store %arg7[%swap3A_2066, %swap3A_2067], %gather3A_2064 {strides = array<i32>} : memref<32x64xf32, #tpu.memory_space<vmem>>, vector<16xf32>,
    %iota3A_2069 = tpu.iota {dimensions = array<i32: 0>} : vector<16xi32>
    %add3A_2070 = arith.constant 16 : i32
    %add3A_2071 = vector.broadcast %add3A_2070 : i32 to vector<16xi32>
    %add3A_2072 = arith.addi %iota3A_2069, %add3A_2071 : vector<16xi32>
    %gather3A_2073 = tpu.vector_load_idx %arg6[%broadcast_in_dim3A_2052, %broadcast_in_dim3A_2054, %add3A_2072, %broadcast_in_dim3A_2057] : memref<3x4x64x128xf32, #tpu.memory_space<vmem>>[vector<16xi32>, vector<16xi32>, vector<16xi32>, vector<16xi32>], vector<16xf32>,
    %swap3A_2074 = arith.constant 24 : i32
    %swap3A_2075 = arith.index_cast %swap3A_2074 : i32 to index
    %swap3A_2076 = arith.constant 16 : index
    %swap3A_2077 = tpu.vector_load %arg7[%swap3A_2075, %swap3A_2076] {strides = array<i32>} : memref<32x64xf32, #tpu.memory_space<vmem>>, vector<16xf32>,
    tpu.vector_store %arg7[%swap3A_2075, %swap3A_2076], %gather3A_2073 {strides = array<i32>} : memref<32x64xf32, #tpu.memory_space<vmem>>, vector<16xf32>,
    %iota3A_2078 = tpu.iota {dimensions = array<i32: 0>} : vector<16xi32>
    %add3A_2079 = arith.constant 32 : i32
    %add3A_2080 = vector.broadcast %add3A_2079 : i32 to vector<16xi32>
    %add3A_2081 = arith.addi %iota3A_2078, %add3A_2080 : vector<16xi32>
    %gather3A_2082 = tpu.vector_load_idx %arg6[%broadcast_in_dim3A_2052, %broadcast_in_dim3A_2054, %add3A_2081, %broadcast_in_dim3A_2057] : memref<3x4x64x128xf32, #tpu.memory_space<vmem>>[vector<16xi32>, vector<16xi32>, vector<16xi32>, vector<16xi32>], vector<16xf32>,
    %swap3A_2083 = arith.constant 24 : i32
    %swap3A_2084 = arith.index_cast %swap3A_2083 : i32 to index
    %swap3A_2085 = arith.constant 32 : index
    %swap3A_2086 = tpu.vector_load %arg7[%swap3A_2084, %swap3A_2085] {strides = array<i32>} : memref<32x64xf32, #tpu.memory_space<vmem>>, vector<16xf32>,
    tpu.vector_store %arg7[%swap3A_2084, %swap3A_2085], %gather3A_2082 {strides = array<i32>} : memref<32x64xf32, #tpu.memory_space<vmem>>, vector<16xf32>,
    %iota3A_2087 = tpu.iota {dimensions = array<i32: 0>} : vector<16xi32>
    %add3A_2088 = arith.constant 48 : i32
    %add3A_2089 = vector.broadcast %add3A_2088 : i32 to vector<16xi32>
    %add3A_2090 = arith.addi %iota3A_2087, %add3A_2089 : vector<16xi32>
    %gather3A_2091 = tpu.vector_load_idx %arg6[%broadcast_in_dim3A_2052, %broadcast_in_dim3A_2054, %add3A_2090, %broadcast_in_dim3A_2057] : memref<3x4x64x128xf32, #tpu.memory_space<vmem>>[vector<16xi32>, vector<16xi32>, vector<16xi32>, vector<16xi32>], vector<16xf32>,
    %swap3A_2092 = arith.constant 24 : i32
    %swap3A_2093 = arith.index_cast %swap3A_2092 : i32 to index
    %swap3A_2094 = arith.constant 48 : index
    %swap3A_2095 = tpu.vector_load %arg7[%swap3A_2093, %swap3A_2094] {strides = array<i32>} : memref<32x64xf32, #tpu.memory_space<vmem>>, vector<16xf32>,
    tpu.vector_store %arg7[%swap3A_2093, %swap3A_2094], %gather3A_2091 {strides = array<i32>} : memref<32x64xf32, #tpu.memory_space<vmem>>, vector<16xf32>,
    %broadcast_in_dim3A_2096 = arith.constant 1 : i32
    %broadcast_in_dim3A_2097 = vector.broadcast %broadcast_in_dim3A_2096 : i32 to vector<16xi32>
    %slice3A_2098 = vector.extract_strided_slice %and3A_15 {offsets = [9], sizes = [1], strides = [1]} : vector<16xi32> to vector<1xi32>
    %squeeze3A_2099 = vector.extract %slice3A_2098[0] : i32 from vector<1xi32>
    %broadcast_in_dim3A_2100 = vector.broadcast %squeeze3A_2099 : i32 to vector<16xi32>
    %broadcast_in_dim3A_2101 = arith.constant 25 : i32
    %broadcast_in_dim3A_2102 = vector.broadcast %broadcast_in_dim3A_2101 : i32 to vector<16xi32>
    %iota3A_2103 = tpu.iota {dimensions = array<i32: 0>} : vector<16xi32>
    %add3A_2104 = arith.constant 0 : i32
    %add3A_2105 = vector.broadcast %add3A_2104 : i32 to vector<16xi32>
    %add3A_2106 = arith.addi %iota3A_2103, %add3A_2105 : vector<16xi32>
    %gather3A_2107 = tpu.vector_load_idx %arg6[%broadcast_in_dim3A_2052, %broadcast_in_dim3A_2097, %add3A_2106, %broadcast_in_dim3A_2100] : memref<3x4x64x128xf32, #tpu.memory_space<vmem>>[vector<16xi32>, vector<16xi32>, vector<16xi32>, vector<16xi32>], vector<16xf32>,
    %swap3A_2108 = arith.constant 25 : i32
    %swap3A_2109 = arith.index_cast %swap3A_2108 : i32 to index
    %swap3A_2110 = arith.constant 0 : index
    %swap3A_2111 = tpu.vector_load %arg7[%swap3A_2109, %swap3A_2110] {strides = array<i32>} : memref<32x64xf32, #tpu.memory_space<vmem>>, vector<16xf32>,
    tpu.vector_store %arg7[%swap3A_2109, %swap3A_2110], %gather3A_2107 {strides = array<i32>} : memref<32x64xf32, #tpu.memory_space<vmem>>, vector<16xf32>,
    %iota3A_2112 = tpu.iota {dimensions = array<i32: 0>} : vector<16xi32>
    %add3A_2113 = arith.constant 16 : i32
    %add3A_2114 = vector.broadcast %add3A_2113 : i32 to vector<16xi32>
    %add3A_2115 = arith.addi %iota3A_2112, %add3A_2114 : vector<16xi32>
    %gather3A_2116 = tpu.vector_load_idx %arg6[%broadcast_in_dim3A_2052, %broadcast_in_dim3A_2097, %add3A_2115, %broadcast_in_dim3A_2100] : memref<3x4x64x128xf32, #tpu.memory_space<vmem>>[vector<16xi32>, vector<16xi32>, vector<16xi32>, vector<16xi32>], vector<16xf32>,
    %swap3A_2117 = arith.constant 25 : i32
    %swap3A_2118 = arith.index_cast %swap3A_2117 : i32 to index
    %swap3A_2119 = arith.constant 16 : index
    %swap3A_2120 = tpu.vector_load %arg7[%swap3A_2118, %swap3A_2119] {strides = array<i32>} : memref<32x64xf32, #tpu.memory_space<vmem>>, vector<16xf32>,
    tpu.vector_store %arg7[%swap3A_2118, %swap3A_2119], %gather3A_2116 {strides = array<i32>} : memref<32x64xf32, #tpu.memory_space<vmem>>, vector<16xf32>,
    %iota3A_2121 = tpu.iota {dimensions = array<i32: 0>} : vector<16xi32>
    %add3A_2122 = arith.constant 32 : i32
    %add3A_2123 = vector.broadcast %add3A_2122 : i32 to vector<16xi32>
    %add3A_2124 = arith.addi %iota3A_2121, %add3A_2123 : vector<16xi32>
    %gather3A_2125 = tpu.vector_load_idx %arg6[%broadcast_in_dim3A_2052, %broadcast_in_dim3A_2097, %add3A_2124, %broadcast_in_dim3A_2100] : memref<3x4x64x128xf32, #tpu.memory_space<vmem>>[vector<16xi32>, vector<16xi32>, vector<16xi32>, vector<16xi32>], vector<16xf32>,
    %swap3A_2126 = arith.constant 25 : i32
    %swap3A_2127 = arith.index_cast %swap3A_2126 : i32 to index
    %swap3A_2128 = arith.constant 32 : index
    %swap3A_2129 = tpu.vector_load %arg7[%swap3A_2127, %swap3A_2128] {strides = array<i32>} : memref<32x64xf32, #tpu.memory_space<vmem>>, vector<16xf32>,
    tpu.vector_store %arg7[%swap3A_2127, %swap3A_2128], %gather3A_2125 {strides = array<i32>} : memref<32x64xf32, #tpu.memory_space<vmem>>, vector<16xf32>,
    %iota3A_2130 = tpu.iota {dimensions = array<i32: 0>} : vector<16xi32>
    %add3A_2131 = arith.constant 48 : i32
    %add3A_2132 = vector.broadcast %add3A_2131 : i32 to vector<16xi32>
    %add3A_2133 = arith.addi %iota3A_2130, %add3A_2132 : vector<16xi32>
    %gather3A_2134 = tpu.vector_load_idx %arg6[%broadcast_in_dim3A_2052, %broadcast_in_dim3A_2097, %add3A_2133, %broadcast_in_dim3A_2100] : memref<3x4x64x128xf32, #tpu.memory_space<vmem>>[vector<16xi32>, vector<16xi32>, vector<16xi32>, vector<16xi32>], vector<16xf32>,
    %swap3A_2135 = arith.constant 25 : i32
    %swap3A_2136 = arith.index_cast %swap3A_2135 : i32 to index
    %swap3A_2137 = arith.constant 48 : index
    %swap3A_2138 = tpu.vector_load %arg7[%swap3A_2136, %swap3A_2137] {strides = array<i32>} : memref<32x64xf32, #tpu.memory_space<vmem>>, vector<16xf32>,
    tpu.vector_store %arg7[%swap3A_2136, %swap3A_2137], %gather3A_2134 {strides = array<i32>} : memref<32x64xf32, #tpu.memory_space<vmem>>, vector<16xf32>,
    %broadcast_in_dim3A_2139 = arith.constant 2 : i32
    %broadcast_in_dim3A_2140 = vector.broadcast %broadcast_in_dim3A_2139 : i32 to vector<16xi32>
    %slice3A_2141 = vector.extract_strided_slice %and3A_15 {offsets = [10], sizes = [1], strides = [1]} : vector<16xi32> to vector<1xi32>
    %squeeze3A_2142 = vector.extract %slice3A_2141[0] : i32 from vector<1xi32>
    %broadcast_in_dim3A_2143 = vector.broadcast %squeeze3A_2142 : i32 to vector<16xi32>
    %broadcast_in_dim3A_2144 = arith.constant 26 : i32
    %broadcast_in_dim3A_2145 = vector.broadcast %broadcast_in_dim3A_2144 : i32 to vector<16xi32>
    %iota3A_2146 = tpu.iota {dimensions = array<i32: 0>} : vector<16xi32>
    %add3A_2147 = arith.constant 0 : i32
    %add3A_2148 = vector.broadcast %add3A_2147 : i32 to vector<16xi32>
    %add3A_2149 = arith.addi %iota3A_2146, %add3A_2148 : vector<16xi32>
    %gather3A_2150 = tpu.vector_load_idx %arg6[%broadcast_in_dim3A_2052, %broadcast_in_dim3A_2140, %add3A_2149, %broadcast_in_dim3A_2143] : memref<3x4x64x128xf32, #tpu.memory_space<vmem>>[vector<16xi32>, vector<16xi32>, vector<16xi32>, vector<16xi32>], vector<16xf32>,
    %swap3A_2151 = arith.constant 26 : i32
    %swap3A_2152 = arith.index_cast %swap3A_2151 : i32 to index
    %swap3A_2153 = arith.constant 0 : index
    %swap3A_2154 = tpu.vector_load %arg7[%swap3A_2152, %swap3A_2153] {strides = array<i32>} : memref<32x64xf32, #tpu.memory_space<vmem>>, vector<16xf32>,
    tpu.vector_store %arg7[%swap3A_2152, %swap3A_2153], %gather3A_2150 {strides = array<i32>} : memref<32x64xf32, #tpu.memory_space<vmem>>, vector<16xf32>,
    %iota3A_2155 = tpu.iota {dimensions = array<i32: 0>} : vector<16xi32>
    %add3A_2156 = arith.constant 16 : i32
    %add3A_2157 = vector.broadcast %add3A_2156 : i32 to vector<16xi32>
    %add3A_2158 = arith.addi %iota3A_2155, %add3A_2157 : vector<16xi32>
    %gather3A_2159 = tpu.vector_load_idx %arg6[%broadcast_in_dim3A_2052, %broadcast_in_dim3A_2140, %add3A_2158, %broadcast_in_dim3A_2143] : memref<3x4x64x128xf32, #tpu.memory_space<vmem>>[vector<16xi32>, vector<16xi32>, vector<16xi32>, vector<16xi32>], vector<16xf32>,
    %swap3A_2160 = arith.constant 26 : i32
    %swap3A_2161 = arith.index_cast %swap3A_2160 : i32 to index
    %swap3A_2162 = arith.constant 16 : index
    %swap3A_2163 = tpu.vector_load %arg7[%swap3A_2161, %swap3A_2162] {strides = array<i32>} : memref<32x64xf32, #tpu.memory_space<vmem>>, vector<16xf32>,
    tpu.vector_store %arg7[%swap3A_2161, %swap3A_2162], %gather3A_2159 {strides = array<i32>} : memref<32x64xf32, #tpu.memory_space<vmem>>, vector<16xf32>,
    %iota3A_2164 = tpu.iota {dimensions = array<i32: 0>} : vector<16xi32>
    %add3A_2165 = arith.constant 32 : i32
    %add3A_2166 = vector.broadcast %add3A_2165 : i32 to vector<16xi32>
    %add3A_2167 = arith.addi %iota3A_2164, %add3A_2166 : vector<16xi32>
    %gather3A_2168 = tpu.vector_load_idx %arg6[%broadcast_in_dim3A_2052, %broadcast_in_dim3A_2140, %add3A_2167, %broadcast_in_dim3A_2143] : memref<3x4x64x128xf32, #tpu.memory_space<vmem>>[vector<16xi32>, vector<16xi32>, vector<16xi32>, vector<16xi32>], vector<16xf32>,
    %swap3A_2169 = arith.constant 26 : i32
    %swap3A_2170 = arith.index_cast %swap3A_2169 : i32 to index
    %swap3A_2171 = arith.constant 32 : index
    %swap3A_2172 = tpu.vector_load %arg7[%swap3A_2170, %swap3A_2171] {strides = array<i32>} : memref<32x64xf32, #tpu.memory_space<vmem>>, vector<16xf32>,
    tpu.vector_store %arg7[%swap3A_2170, %swap3A_2171], %gather3A_2168 {strides = array<i32>} : memref<32x64xf32, #tpu.memory_space<vmem>>, vector<16xf32>,
    %iota3A_2173 = tpu.iota {dimensions = array<i32: 0>} : vector<16xi32>
    %add3A_2174 = arith.constant 48 : i32
    %add3A_2175 = vector.broadcast %add3A_2174 : i32 to vector<16xi32>
    %add3A_2176 = arith.addi %iota3A_2173, %add3A_2175 : vector<16xi32>
    %gather3A_2177 = tpu.vector_load_idx %arg6[%broadcast_in_dim3A_2052, %broadcast_in_dim3A_2140, %add3A_2176, %broadcast_in_dim3A_2143] : memref<3x4x64x128xf32, #tpu.memory_space<vmem>>[vector<16xi32>, vector<16xi32>, vector<16xi32>, vector<16xi32>], vector<16xf32>,
    %swap3A_2178 = arith.constant 26 : i32
    %swap3A_2179 = arith.index_cast %swap3A_2178 : i32 to index
    %swap3A_2180 = arith.constant 48 : index
    %swap3A_2181 = tpu.vector_load %arg7[%swap3A_2179, %swap3A_2180] {strides = array<i32>} : memref<32x64xf32, #tpu.memory_space<vmem>>, vector<16xf32>,
    tpu.vector_store %arg7[%swap3A_2179, %swap3A_2180], %gather3A_2177 {strides = array<i32>} : memref<32x64xf32, #tpu.memory_space<vmem>>, vector<16xf32>,
    %broadcast_in_dim3A_2182 = arith.constant 3 : i32
    %broadcast_in_dim3A_2183 = vector.broadcast %broadcast_in_dim3A_2182 : i32 to vector<16xi32>
    %slice3A_2184 = vector.extract_strided_slice %and3A_15 {offsets = [11], sizes = [1], strides = [1]} : vector<16xi32> to vector<1xi32>
    %squeeze3A_2185 = vector.extract %slice3A_2184[0] : i32 from vector<1xi32>
    %broadcast_in_dim3A_2186 = vector.broadcast %squeeze3A_2185 : i32 to vector<16xi32>
    %broadcast_in_dim3A_2187 = arith.constant 27 : i32
    %broadcast_in_dim3A_2188 = vector.broadcast %broadcast_in_dim3A_2187 : i32 to vector<16xi32>
    %iota3A_2189 = tpu.iota {dimensions = array<i32: 0>} : vector<16xi32>
    %add3A_2190 = arith.constant 0 : i32
    %add3A_2191 = vector.broadcast %add3A_2190 : i32 to vector<16xi32>
    %add3A_2192 = arith.addi %iota3A_2189, %add3A_2191 : vector<16xi32>
    %gather3A_2193 = tpu.vector_load_idx %arg6[%broadcast_in_dim3A_2052, %broadcast_in_dim3A_2183, %add3A_2192, %broadcast_in_dim3A_2186] : memref<3x4x64x128xf32, #tpu.memory_space<vmem>>[vector<16xi32>, vector<16xi32>, vector<16xi32>, vector<16xi32>], vector<16xf32>,
    %swap3A_2194 = arith.constant 27 : i32
    %swap3A_2195 = arith.index_cast %swap3A_2194 : i32 to index
    %swap3A_2196 = arith.constant 0 : index
    %swap3A_2197 = tpu.vector_load %arg7[%swap3A_2195, %swap3A_2196] {strides = array<i32>} : memref<32x64xf32, #tpu.memory_space<vmem>>, vector<16xf32>,
    tpu.vector_store %arg7[%swap3A_2195, %swap3A_2196], %gather3A_2193 {strides = array<i32>} : memref<32x64xf32, #tpu.memory_space<vmem>>, vector<16xf32>,
    %iota3A_2198 = tpu.iota {dimensions = array<i32: 0>} : vector<16xi32>
    %add3A_2199 = arith.constant 16 : i32
    %add3A_2200 = vector.broadcast %add3A_2199 : i32 to vector<16xi32>
    %add3A_2201 = arith.addi %iota3A_2198, %add3A_2200 : vector<16xi32>
    %gather3A_2202 = tpu.vector_load_idx %arg6[%broadcast_in_dim3A_2052, %broadcast_in_dim3A_2183, %add3A_2201, %broadcast_in_dim3A_2186] : memref<3x4x64x128xf32, #tpu.memory_space<vmem>>[vector<16xi32>, vector<16xi32>, vector<16xi32>, vector<16xi32>], vector<16xf32>,
    %swap3A_2203 = arith.constant 27 : i32
    %swap3A_2204 = arith.index_cast %swap3A_2203 : i32 to index
    %swap3A_2205 = arith.constant 16 : index
    %swap3A_2206 = tpu.vector_load %arg7[%swap3A_2204, %swap3A_2205] {strides = array<i32>} : memref<32x64xf32, #tpu.memory_space<vmem>>, vector<16xf32>,
    tpu.vector_store %arg7[%swap3A_2204, %swap3A_2205], %gather3A_2202 {strides = array<i32>} : memref<32x64xf32, #tpu.memory_space<vmem>>, vector<16xf32>,
    %iota3A_2207 = tpu.iota {dimensions = array<i32: 0>} : vector<16xi32>
    %add3A_2208 = arith.constant 32 : i32
    %add3A_2209 = vector.broadcast %add3A_2208 : i32 to vector<16xi32>
    %add3A_2210 = arith.addi %iota3A_2207, %add3A_2209 : vector<16xi32>
    %gather3A_2211 = tpu.vector_load_idx %arg6[%broadcast_in_dim3A_2052, %broadcast_in_dim3A_2183, %add3A_2210, %broadcast_in_dim3A_2186] : memref<3x4x64x128xf32, #tpu.memory_space<vmem>>[vector<16xi32>, vector<16xi32>, vector<16xi32>, vector<16xi32>], vector<16xf32>,
    %swap3A_2212 = arith.constant 27 : i32
    %swap3A_2213 = arith.index_cast %swap3A_2212 : i32 to index
    %swap3A_2214 = arith.constant 32 : index
    %swap3A_2215 = tpu.vector_load %arg7[%swap3A_2213, %swap3A_2214] {strides = array<i32>} : memref<32x64xf32, #tpu.memory_space<vmem>>, vector<16xf32>,
    tpu.vector_store %arg7[%swap3A_2213, %swap3A_2214], %gather3A_2211 {strides = array<i32>} : memref<32x64xf32, #tpu.memory_space<vmem>>, vector<16xf32>,
    %iota3A_2216 = tpu.iota {dimensions = array<i32: 0>} : vector<16xi32>
    %add3A_2217 = arith.constant 48 : i32
    %add3A_2218 = vector.broadcast %add3A_2217 : i32 to vector<16xi32>
    %add3A_2219 = arith.addi %iota3A_2216, %add3A_2218 : vector<16xi32>
    %gather3A_2220 = tpu.vector_load_idx %arg6[%broadcast_in_dim3A_2052, %broadcast_in_dim3A_2183, %add3A_2219, %broadcast_in_dim3A_2186] : memref<3x4x64x128xf32, #tpu.memory_space<vmem>>[vector<16xi32>, vector<16xi32>, vector<16xi32>, vector<16xi32>], vector<16xf32>,
    %swap3A_2221 = arith.constant 27 : i32
    %swap3A_2222 = arith.index_cast %swap3A_2221 : i32 to index
    %swap3A_2223 = arith.constant 48 : index
    %swap3A_2224 = tpu.vector_load %arg7[%swap3A_2222, %swap3A_2223] {strides = array<i32>} : memref<32x64xf32, #tpu.memory_space<vmem>>, vector<16xf32>,
    tpu.vector_store %arg7[%swap3A_2222, %swap3A_2223], %gather3A_2220 {strides = array<i32>} : memref<32x64xf32, #tpu.memory_space<vmem>>, vector<16xf32>,
    %dma_wait3A_2225 = arith.constant 1 : i32
    %dma_wait3A_2226 = arith.constant 0 : i32
    %dma_wait3A_2227 = arith.constant 0 : i32
    %dma_wait3A_2228 = arith.constant 0 : i32
    %dma_wait3A_2229 = tpu.memref_slice %arg6[%dma_wait3A_2225, %dma_wait3A_2226, %dma_wait3A_2227, %dma_wait3A_2228] : memref<3x4x64x128xf32, #tpu.memory_space<vmem>> -> memref<1x1x64x128xf32, #tpu.memory_space<vmem>>
    %dma_wait3A_2230 = tpu.memref_squeeze %dma_wait3A_2229 : memref<1x1x64x128xf32, #tpu.memory_space<vmem>> -> memref<64x128xf32, #tpu.memory_space<vmem>>
    %dma_wait3A_2231 = arith.constant 0 : i32
    %dma_wait3A_2232 = tpu.memref_slice %arg2[%dma_wait3A_2231, %multiple_of3A_1693] : memref<64x100000xf32, #tpu.memory_space<hbm>> -> memref<64x128xf32, #tpu.memory_space<hbm>>
    %dma_wait3A_2233 = arith.constant 0 : i32
    %dma_wait3A_2234 = arith.constant 0 : i32
    %dma_wait3A_2235 = tpu.memref_slice %arg6[%dma_wait3A_2225, %dma_wait3A_2226, %dma_wait3A_2233, %dma_wait3A_2234] : memref<3x4x64x128xf32, #tpu.memory_space<vmem>> -> memref<1x1x64x128xf32, #tpu.memory_space<vmem>>
    %dma_wait3A_2236 = tpu.memref_squeeze %dma_wait3A_2235 : memref<1x1x64x128xf32, #tpu.memory_space<vmem>> -> memref<64x128xf32, #tpu.memory_space<vmem>>
    %dma_wait3A_2237 = arith.constant 0 : i32
    %dma_wait3A_2238 = tpu.memref_slice %arg2[%dma_wait3A_2237, %multiple_of3A_1693] : memref<64x100000xf32, #tpu.memory_space<hbm>> -> memref<64x128xf32, #tpu.memory_space<hbm>>
    tpu.wait_dma2 semaphore(%arg8 : memref<!tpu.dma_semaphore, #tpu.memory_space<semaphore_mem>>) src(%dma_wait3A_2238 : memref<64x128xf32, #tpu.memory_space<hbm>>) dst(%dma_wait3A_2236 : memref<64x128xf32, #tpu.memory_space<vmem>>)
    %dma_wait3A_2239 = arith.constant 1 : i32
    %dma_wait3A_2240 = arith.constant 1 : i32
    %dma_wait3A_2241 = arith.constant 0 : i32
    %dma_wait3A_2242 = arith.constant 0 : i32
    %dma_wait3A_2243 = tpu.memref_slice %arg6[%dma_wait3A_2239, %dma_wait3A_2240, %dma_wait3A_2241, %dma_wait3A_2242] : memref<3x4x64x128xf32, #tpu.memory_space<vmem>> -> memref<1x1x64x128xf32, #tpu.memory_space<vmem>>
    %dma_wait3A_2244 = tpu.memref_squeeze %dma_wait3A_2243 : memref<1x1x64x128xf32, #tpu.memory_space<vmem>> -> memref<64x128xf32, #tpu.memory_space<vmem>>
    %dma_wait3A_2245 = arith.constant 0 : i32
    %dma_wait3A_2246 = tpu.memref_slice %arg2[%dma_wait3A_2245, %multiple_of3A_1712] : memref<64x100000xf32, #tpu.memory_space<hbm>> -> memref<64x128xf32, #tpu.memory_space<hbm>>
    %dma_wait3A_2247 = arith.constant 0 : i32
    %dma_wait3A_2248 = arith.constant 0 : i32
    %dma_wait3A_2249 = tpu.memref_slice %arg6[%dma_wait3A_2239, %dma_wait3A_2240, %dma_wait3A_2247, %dma_wait3A_2248] : memref<3x4x64x128xf32, #tpu.memory_space<vmem>> -> memref<1x1x64x128xf32, #tpu.memory_space<vmem>>
    %dma_wait3A_2250 = tpu.memref_squeeze %dma_wait3A_2249 : memref<1x1x64x128xf32, #tpu.memory_space<vmem>> -> memref<64x128xf32, #tpu.memory_space<vmem>>
    %dma_wait3A_2251 = arith.constant 0 : i32
    %dma_wait3A_2252 = tpu.memref_slice %arg2[%dma_wait3A_2251, %multiple_of3A_1712] : memref<64x100000xf32, #tpu.memory_space<hbm>> -> memref<64x128xf32, #tpu.memory_space<hbm>>
    tpu.wait_dma2 semaphore(%arg8 : memref<!tpu.dma_semaphore, #tpu.memory_space<semaphore_mem>>) src(%dma_wait3A_2252 : memref<64x128xf32, #tpu.memory_space<hbm>>) dst(%dma_wait3A_2250 : memref<64x128xf32, #tpu.memory_space<vmem>>)
    %dma_wait3A_2253 = arith.constant 1 : i32
    %dma_wait3A_2254 = arith.constant 2 : i32
    %dma_wait3A_2255 = arith.constant 0 : i32
    %dma_wait3A_2256 = arith.constant 0 : i32
    %dma_wait3A_2257 = tpu.memref_slice %arg6[%dma_wait3A_2253, %dma_wait3A_2254, %dma_wait3A_2255, %dma_wait3A_2256] : memref<3x4x64x128xf32, #tpu.memory_space<vmem>> -> memref<1x1x64x128xf32, #tpu.memory_space<vmem>>
    %dma_wait3A_2258 = tpu.memref_squeeze %dma_wait3A_2257 : memref<1x1x64x128xf32, #tpu.memory_space<vmem>> -> memref<64x128xf32, #tpu.memory_space<vmem>>
    %dma_wait3A_2259 = arith.constant 0 : i32
    %dma_wait3A_2260 = tpu.memref_slice %arg2[%dma_wait3A_2259, %multiple_of3A_1731] : memref<64x100000xf32, #tpu.memory_space<hbm>> -> memref<64x128xf32, #tpu.memory_space<hbm>>
    %dma_wait3A_2261 = arith.constant 0 : i32
    %dma_wait3A_2262 = arith.constant 0 : i32
    %dma_wait3A_2263 = tpu.memref_slice %arg6[%dma_wait3A_2253, %dma_wait3A_2254, %dma_wait3A_2261, %dma_wait3A_2262] : memref<3x4x64x128xf32, #tpu.memory_space<vmem>> -> memref<1x1x64x128xf32, #tpu.memory_space<vmem>>
    %dma_wait3A_2264 = tpu.memref_squeeze %dma_wait3A_2263 : memref<1x1x64x128xf32, #tpu.memory_space<vmem>> -> memref<64x128xf32, #tpu.memory_space<vmem>>
    %dma_wait3A_2265 = arith.constant 0 : i32
    %dma_wait3A_2266 = tpu.memref_slice %arg2[%dma_wait3A_2265, %multiple_of3A_1731] : memref<64x100000xf32, #tpu.memory_space<hbm>> -> memref<64x128xf32, #tpu.memory_space<hbm>>
    tpu.wait_dma2 semaphore(%arg8 : memref<!tpu.dma_semaphore, #tpu.memory_space<semaphore_mem>>) src(%dma_wait3A_2266 : memref<64x128xf32, #tpu.memory_space<hbm>>) dst(%dma_wait3A_2264 : memref<64x128xf32, #tpu.memory_space<vmem>>)
    %dma_wait3A_2267 = arith.constant 1 : i32
    %dma_wait3A_2268 = arith.constant 3 : i32
    %dma_wait3A_2269 = arith.constant 0 : i32
    %dma_wait3A_2270 = arith.constant 0 : i32
    %dma_wait3A_2271 = tpu.memref_slice %arg6[%dma_wait3A_2267, %dma_wait3A_2268, %dma_wait3A_2269, %dma_wait3A_2270] : memref<3x4x64x128xf32, #tpu.memory_space<vmem>> -> memref<1x1x64x128xf32, #tpu.memory_space<vmem>>
    %dma_wait3A_2272 = tpu.memref_squeeze %dma_wait3A_2271 : memref<1x1x64x128xf32, #tpu.memory_space<vmem>> -> memref<64x128xf32, #tpu.memory_space<vmem>>
    %dma_wait3A_2273 = arith.constant 0 : i32
    %dma_wait3A_2274 = tpu.memref_slice %arg2[%dma_wait3A_2273, %multiple_of3A_1750] : memref<64x100000xf32, #tpu.memory_space<hbm>> -> memref<64x128xf32, #tpu.memory_space<hbm>>
    %dma_wait3A_2275 = arith.constant 0 : i32
    %dma_wait3A_2276 = arith.constant 0 : i32
    %dma_wait3A_2277 = tpu.memref_slice %arg6[%dma_wait3A_2267, %dma_wait3A_2268, %dma_wait3A_2275, %dma_wait3A_2276] : memref<3x4x64x128xf32, #tpu.memory_space<vmem>> -> memref<1x1x64x128xf32, #tpu.memory_space<vmem>>
    %dma_wait3A_2278 = tpu.memref_squeeze %dma_wait3A_2277 : memref<1x1x64x128xf32, #tpu.memory_space<vmem>> -> memref<64x128xf32, #tpu.memory_space<vmem>>
    %dma_wait3A_2279 = arith.constant 0 : i32
    %dma_wait3A_2280 = tpu.memref_slice %arg2[%dma_wait3A_2279, %multiple_of3A_1750] : memref<64x100000xf32, #tpu.memory_space<hbm>> -> memref<64x128xf32, #tpu.memory_space<hbm>>
    tpu.wait_dma2 semaphore(%arg8 : memref<!tpu.dma_semaphore, #tpu.memory_space<semaphore_mem>>) src(%dma_wait3A_2280 : memref<64x128xf32, #tpu.memory_space<hbm>>) dst(%dma_wait3A_2278 : memref<64x128xf32, #tpu.memory_space<vmem>>)
    %broadcast_in_dim3A_2281 = arith.constant 1 : i32
    %broadcast_in_dim3A_2282 = vector.broadcast %broadcast_in_dim3A_2281 : i32 to vector<16xi32>
    %broadcast_in_dim3A_2283 = arith.constant 0 : i32
    %broadcast_in_dim3A_2284 = vector.broadcast %broadcast_in_dim3A_2283 : i32 to vector<16xi32>
    %slice3A_2285 = vector.extract_strided_slice %and3A_15 {offsets = [12], sizes = [1], strides = [1]} : vector<16xi32> to vector<1xi32>
    %squeeze3A_2286 = vector.extract %slice3A_2285[0] : i32 from vector<1xi32>
    %broadcast_in_dim3A_2287 = vector.broadcast %squeeze3A_2286 : i32 to vector<16xi32>
    %broadcast_in_dim3A_2288 = arith.constant 28 : i32
    %broadcast_in_dim3A_2289 = vector.broadcast %broadcast_in_dim3A_2288 : i32 to vector<16xi32>
    %iota3A_2290 = tpu.iota {dimensions = array<i32: 0>} : vector<16xi32>
    %add3A_2291 = arith.constant 0 : i32
    %add3A_2292 = vector.broadcast %add3A_2291 : i32 to vector<16xi32>
    %add3A_2293 = arith.addi %iota3A_2290, %add3A_2292 : vector<16xi32>
    %gather3A_2294 = tpu.vector_load_idx %arg6[%broadcast_in_dim3A_2282, %broadcast_in_dim3A_2284, %add3A_2293, %broadcast_in_dim3A_2287] : memref<3x4x64x128xf32, #tpu.memory_space<vmem>>[vector<16xi32>, vector<16xi32>, vector<16xi32>, vector<16xi32>], vector<16xf32>,
    %swap3A_2295 = arith.constant 28 : i32
    %swap3A_2296 = arith.index_cast %swap3A_2295 : i32 to index
    %swap3A_2297 = arith.constant 0 : index
    %swap3A_2298 = tpu.vector_load %arg7[%swap3A_2296, %swap3A_2297] {strides = array<i32>} : memref<32x64xf32, #tpu.memory_space<vmem>>, vector<16xf32>,
    tpu.vector_store %arg7[%swap3A_2296, %swap3A_2297], %gather3A_2294 {strides = array<i32>} : memref<32x64xf32, #tpu.memory_space<vmem>>, vector<16xf32>,
    %iota3A_2299 = tpu.iota {dimensions = array<i32: 0>} : vector<16xi32>
    %add3A_2300 = arith.constant 16 : i32
    %add3A_2301 = vector.broadcast %add3A_2300 : i32 to vector<16xi32>
    %add3A_2302 = arith.addi %iota3A_2299, %add3A_2301 : vector<16xi32>
    %gather3A_2303 = tpu.vector_load_idx %arg6[%broadcast_in_dim3A_2282, %broadcast_in_dim3A_2284, %add3A_2302, %broadcast_in_dim3A_2287] : memref<3x4x64x128xf32, #tpu.memory_space<vmem>>[vector<16xi32>, vector<16xi32>, vector<16xi32>, vector<16xi32>], vector<16xf32>,
    %swap3A_2304 = arith.constant 28 : i32
    %swap3A_2305 = arith.index_cast %swap3A_2304 : i32 to index
    %swap3A_2306 = arith.constant 16 : index
    %swap3A_2307 = tpu.vector_load %arg7[%swap3A_2305, %swap3A_2306] {strides = array<i32>} : memref<32x64xf32, #tpu.memory_space<vmem>>, vector<16xf32>,
    tpu.vector_store %arg7[%swap3A_2305, %swap3A_2306], %gather3A_2303 {strides = array<i32>} : memref<32x64xf32, #tpu.memory_space<vmem>>, vector<16xf32>,
    %iota3A_2308 = tpu.iota {dimensions = array<i32: 0>} : vector<16xi32>
    %add3A_2309 = arith.constant 32 : i32
    %add3A_2310 = vector.broadcast %add3A_2309 : i32 to vector<16xi32>
    %add3A_2311 = arith.addi %iota3A_2308, %add3A_2310 : vector<16xi32>
    %gather3A_2312 = tpu.vector_load_idx %arg6[%broadcast_in_dim3A_2282, %broadcast_in_dim3A_2284, %add3A_2311, %broadcast_in_dim3A_2287] : memref<3x4x64x128xf32, #tpu.memory_space<vmem>>[vector<16xi32>, vector<16xi32>, vector<16xi32>, vector<16xi32>], vector<16xf32>,
    %swap3A_2313 = arith.constant 28 : i32
    %swap3A_2314 = arith.index_cast %swap3A_2313 : i32 to index
    %swap3A_2315 = arith.constant 32 : index
    %swap3A_2316 = tpu.vector_load %arg7[%swap3A_2314, %swap3A_2315] {strides = array<i32>} : memref<32x64xf32, #tpu.memory_space<vmem>>, vector<16xf32>,
    tpu.vector_store %arg7[%swap3A_2314, %swap3A_2315], %gather3A_2312 {strides = array<i32>} : memref<32x64xf32, #tpu.memory_space<vmem>>, vector<16xf32>,
    %iota3A_2317 = tpu.iota {dimensions = array<i32: 0>} : vector<16xi32>
    %add3A_2318 = arith.constant 48 : i32
    %add3A_2319 = vector.broadcast %add3A_2318 : i32 to vector<16xi32>
    %add3A_2320 = arith.addi %iota3A_2317, %add3A_2319 : vector<16xi32>
    %gather3A_2321 = tpu.vector_load_idx %arg6[%broadcast_in_dim3A_2282, %broadcast_in_dim3A_2284, %add3A_2320, %broadcast_in_dim3A_2287] : memref<3x4x64x128xf32, #tpu.memory_space<vmem>>[vector<16xi32>, vector<16xi32>, vector<16xi32>, vector<16xi32>], vector<16xf32>,
    %swap3A_2322 = arith.constant 28 : i32
    %swap3A_2323 = arith.index_cast %swap3A_2322 : i32 to index
    %swap3A_2324 = arith.constant 48 : index
    %swap3A_2325 = tpu.vector_load %arg7[%swap3A_2323, %swap3A_2324] {strides = array<i32>} : memref<32x64xf32, #tpu.memory_space<vmem>>, vector<16xf32>,
    tpu.vector_store %arg7[%swap3A_2323, %swap3A_2324], %gather3A_2321 {strides = array<i32>} : memref<32x64xf32, #tpu.memory_space<vmem>>, vector<16xf32>,
    %broadcast_in_dim3A_2326 = arith.constant 1 : i32
    %broadcast_in_dim3A_2327 = vector.broadcast %broadcast_in_dim3A_2326 : i32 to vector<16xi32>
    %slice3A_2328 = vector.extract_strided_slice %and3A_15 {offsets = [13], sizes = [1], strides = [1]} : vector<16xi32> to vector<1xi32>
    %squeeze3A_2329 = vector.extract %slice3A_2328[0] : i32 from vector<1xi32>
    %broadcast_in_dim3A_2330 = vector.broadcast %squeeze3A_2329 : i32 to vector<16xi32>
    %broadcast_in_dim3A_2331 = arith.constant 29 : i32
    %broadcast_in_dim3A_2332 = vector.broadcast %broadcast_in_dim3A_2331 : i32 to vector<16xi32>
    %iota3A_2333 = tpu.iota {dimensions = array<i32: 0>} : vector<16xi32>
    %add3A_2334 = arith.constant 0 : i32
    %add3A_2335 = vector.broadcast %add3A_2334 : i32 to vector<16xi32>
    %add3A_2336 = arith.addi %iota3A_2333, %add3A_2335 : vector<16xi32>
    %gather3A_2337 = tpu.vector_load_idx %arg6[%broadcast_in_dim3A_2282, %broadcast_in_dim3A_2327, %add3A_2336, %broadcast_in_dim3A_2330] : memref<3x4x64x128xf32, #tpu.memory_space<vmem>>[vector<16xi32>, vector<16xi32>, vector<16xi32>, vector<16xi32>], vector<16xf32>,
    %swap3A_2338 = arith.constant 29 : i32
    %swap3A_2339 = arith.index_cast %swap3A_2338 : i32 to index
    %swap3A_2340 = arith.constant 0 : index
    %swap3A_2341 = tpu.vector_load %arg7[%swap3A_2339, %swap3A_2340] {strides = array<i32>} : memref<32x64xf32, #tpu.memory_space<vmem>>, vector<16xf32>,
    tpu.vector_store %arg7[%swap3A_2339, %swap3A_2340], %gather3A_2337 {strides = array<i32>} : memref<32x64xf32, #tpu.memory_space<vmem>>, vector<16xf32>,
    %iota3A_2342 = tpu.iota {dimensions = array<i32: 0>} : vector<16xi32>
    %add3A_2343 = arith.constant 16 : i32
    %add3A_2344 = vector.broadcast %add3A_2343 : i32 to vector<16xi32>
    %add3A_2345 = arith.addi %iota3A_2342, %add3A_2344 : vector<16xi32>
    %gather3A_2346 = tpu.vector_load_idx %arg6[%broadcast_in_dim3A_2282, %broadcast_in_dim3A_2327, %add3A_2345, %broadcast_in_dim3A_2330] : memref<3x4x64x128xf32, #tpu.memory_space<vmem>>[vector<16xi32>, vector<16xi32>, vector<16xi32>, vector<16xi32>], vector<16xf32>,
    %swap3A_2347 = arith.constant 29 : i32
    %swap3A_2348 = arith.index_cast %swap3A_2347 : i32 to index
    %swap3A_2349 = arith.constant 16 : index
    %swap3A_2350 = tpu.vector_load %arg7[%swap3A_2348, %swap3A_2349] {strides = array<i32>} : memref<32x64xf32, #tpu.memory_space<vmem>>, vector<16xf32>,
    tpu.vector_store %arg7[%swap3A_2348, %swap3A_2349], %gather3A_2346 {strides = array<i32>} : memref<32x64xf32, #tpu.memory_space<vmem>>, vector<16xf32>,
    %iota3A_2351 = tpu.iota {dimensions = array<i32: 0>} : vector<16xi32>
    %add3A_2352 = arith.constant 32 : i32
    %add3A_2353 = vector.broadcast %add3A_2352 : i32 to vector<16xi32>
    %add3A_2354 = arith.addi %iota3A_2351, %add3A_2353 : vector<16xi32>
    %gather3A_2355 = tpu.vector_load_idx %arg6[%broadcast_in_dim3A_2282, %broadcast_in_dim3A_2327, %add3A_2354, %broadcast_in_dim3A_2330] : memref<3x4x64x128xf32, #tpu.memory_space<vmem>>[vector<16xi32>, vector<16xi32>, vector<16xi32>, vector<16xi32>], vector<16xf32>,
    %swap3A_2356 = arith.constant 29 : i32
    %swap3A_2357 = arith.index_cast %swap3A_2356 : i32 to index
    %swap3A_2358 = arith.constant 32 : index
    %swap3A_2359 = tpu.vector_load %arg7[%swap3A_2357, %swap3A_2358] {strides = array<i32>} : memref<32x64xf32, #tpu.memory_space<vmem>>, vector<16xf32>,
    tpu.vector_store %arg7[%swap3A_2357, %swap3A_2358], %gather3A_2355 {strides = array<i32>} : memref<32x64xf32, #tpu.memory_space<vmem>>, vector<16xf32>,
    %iota3A_2360 = tpu.iota {dimensions = array<i32: 0>} : vector<16xi32>
    %add3A_2361 = arith.constant 48 : i32
    %add3A_2362 = vector.broadcast %add3A_2361 : i32 to vector<16xi32>
    %add3A_2363 = arith.addi %iota3A_2360, %add3A_2362 : vector<16xi32>
    %gather3A_2364 = tpu.vector_load_idx %arg6[%broadcast_in_dim3A_2282, %broadcast_in_dim3A_2327, %add3A_2363, %broadcast_in_dim3A_2330] : memref<3x4x64x128xf32, #tpu.memory_space<vmem>>[vector<16xi32>, vector<16xi32>, vector<16xi32>, vector<16xi32>], vector<16xf32>,
    %swap3A_2365 = arith.constant 29 : i32
    %swap3A_2366 = arith.index_cast %swap3A_2365 : i32 to index
    %swap3A_2367 = arith.constant 48 : index
    %swap3A_2368 = tpu.vector_load %arg7[%swap3A_2366, %swap3A_2367] {strides = array<i32>} : memref<32x64xf32, #tpu.memory_space<vmem>>, vector<16xf32>,
    tpu.vector_store %arg7[%swap3A_2366, %swap3A_2367], %gather3A_2364 {strides = array<i32>} : memref<32x64xf32, #tpu.memory_space<vmem>>, vector<16xf32>,
    %broadcast_in_dim3A_2369 = arith.constant 2 : i32
    %broadcast_in_dim3A_2370 = vector.broadcast %broadcast_in_dim3A_2369 : i32 to vector<16xi32>
    %slice3A_2371 = vector.extract_strided_slice %and3A_15 {offsets = [14], sizes = [1], strides = [1]} : vector<16xi32> to vector<1xi32>
    %squeeze3A_2372 = vector.extract %slice3A_2371[0] : i32 from vector<1xi32>
    %broadcast_in_dim3A_2373 = vector.broadcast %squeeze3A_2372 : i32 to vector<16xi32>
    %broadcast_in_dim3A_2374 = arith.constant 30 : i32
    %broadcast_in_dim3A_2375 = vector.broadcast %broadcast_in_dim3A_2374 : i32 to vector<16xi32>
    %iota3A_2376 = tpu.iota {dimensions = array<i32: 0>} : vector<16xi32>
    %add3A_2377 = arith.constant 0 : i32
    %add3A_2378 = vector.broadcast %add3A_2377 : i32 to vector<16xi32>
    %add3A_2379 = arith.addi %iota3A_2376, %add3A_2378 : vector<16xi32>
    %gather3A_2380 = tpu.vector_load_idx %arg6[%broadcast_in_dim3A_2282, %broadcast_in_dim3A_2370, %add3A_2379, %broadcast_in_dim3A_2373] : memref<3x4x64x128xf32, #tpu.memory_space<vmem>>[vector<16xi32>, vector<16xi32>, vector<16xi32>, vector<16xi32>], vector<16xf32>,
    %swap3A_2381 = arith.constant 30 : i32
    %swap3A_2382 = arith.index_cast %swap3A_2381 : i32 to index
    %swap3A_2383 = arith.constant 0 : index
    %swap3A_2384 = tpu.vector_load %arg7[%swap3A_2382, %swap3A_2383] {strides = array<i32>} : memref<32x64xf32, #tpu.memory_space<vmem>>, vector<16xf32>,
    tpu.vector_store %arg7[%swap3A_2382, %swap3A_2383], %gather3A_2380 {strides = array<i32>} : memref<32x64xf32, #tpu.memory_space<vmem>>, vector<16xf32>,
    %iota3A_2385 = tpu.iota {dimensions = array<i32: 0>} : vector<16xi32>
    %add3A_2386 = arith.constant 16 : i32
    %add3A_2387 = vector.broadcast %add3A_2386 : i32 to vector<16xi32>
    %add3A_2388 = arith.addi %iota3A_2385, %add3A_2387 : vector<16xi32>
    %gather3A_2389 = tpu.vector_load_idx %arg6[%broadcast_in_dim3A_2282, %broadcast_in_dim3A_2370, %add3A_2388, %broadcast_in_dim3A_2373] : memref<3x4x64x128xf32, #tpu.memory_space<vmem>>[vector<16xi32>, vector<16xi32>, vector<16xi32>, vector<16xi32>], vector<16xf32>,
    %swap3A_2390 = arith.constant 30 : i32
    %swap3A_2391 = arith.index_cast %swap3A_2390 : i32 to index
    %swap3A_2392 = arith.constant 16 : index
    %swap3A_2393 = tpu.vector_load %arg7[%swap3A_2391, %swap3A_2392] {strides = array<i32>} : memref<32x64xf32, #tpu.memory_space<vmem>>, vector<16xf32>,
    tpu.vector_store %arg7[%swap3A_2391, %swap3A_2392], %gather3A_2389 {strides = array<i32>} : memref<32x64xf32, #tpu.memory_space<vmem>>, vector<16xf32>,
    %iota3A_2394 = tpu.iota {dimensions = array<i32: 0>} : vector<16xi32>
    %add3A_2395 = arith.constant 32 : i32
    %add3A_2396 = vector.broadcast %add3A_2395 : i32 to vector<16xi32>
    %add3A_2397 = arith.addi %iota3A_2394, %add3A_2396 : vector<16xi32>
    %gather3A_2398 = tpu.vector_load_idx %arg6[%broadcast_in_dim3A_2282, %broadcast_in_dim3A_2370, %add3A_2397, %broadcast_in_dim3A_2373] : memref<3x4x64x128xf32, #tpu.memory_space<vmem>>[vector<16xi32>, vector<16xi32>, vector<16xi32>, vector<16xi32>], vector<16xf32>,
    %swap3A_2399 = arith.constant 30 : i32
    %swap3A_2400 = arith.index_cast %swap3A_2399 : i32 to index
    %swap3A_2401 = arith.constant 32 : index
    %swap3A_2402 = tpu.vector_load %arg7[%swap3A_2400, %swap3A_2401] {strides = array<i32>} : memref<32x64xf32, #tpu.memory_space<vmem>>, vector<16xf32>,
    tpu.vector_store %arg7[%swap3A_2400, %swap3A_2401], %gather3A_2398 {strides = array<i32>} : memref<32x64xf32, #tpu.memory_space<vmem>>, vector<16xf32>,
    %iota3A_2403 = tpu.iota {dimensions = array<i32: 0>} : vector<16xi32>
    %add3A_2404 = arith.constant 48 : i32
    %add3A_2405 = vector.broadcast %add3A_2404 : i32 to vector<16xi32>
    %add3A_2406 = arith.addi %iota3A_2403, %add3A_2405 : vector<16xi32>
    %gather3A_2407 = tpu.vector_load_idx %arg6[%broadcast_in_dim3A_2282, %broadcast_in_dim3A_2370, %add3A_2406, %broadcast_in_dim3A_2373] : memref<3x4x64x128xf32, #tpu.memory_space<vmem>>[vector<16xi32>, vector<16xi32>, vector<16xi32>, vector<16xi32>], vector<16xf32>,
    %swap3A_2408 = arith.constant 30 : i32
    %swap3A_2409 = arith.index_cast %swap3A_2408 : i32 to index
    %swap3A_2410 = arith.constant 48 : index
    %swap3A_2411 = tpu.vector_load %arg7[%swap3A_2409, %swap3A_2410] {strides = array<i32>} : memref<32x64xf32, #tpu.memory_space<vmem>>, vector<16xf32>,
    tpu.vector_store %arg7[%swap3A_2409, %swap3A_2410], %gather3A_2407 {strides = array<i32>} : memref<32x64xf32, #tpu.memory_space<vmem>>, vector<16xf32>,
    %broadcast_in_dim3A_2412 = arith.constant 3 : i32
    %broadcast_in_dim3A_2413 = vector.broadcast %broadcast_in_dim3A_2412 : i32 to vector<16xi32>
    %slice3A_2414 = vector.extract_strided_slice %and3A_15 {offsets = [15], sizes = [1], strides = [1]} : vector<16xi32> to vector<1xi32>
    %squeeze3A_2415 = vector.extract %slice3A_2414[0] : i32 from vector<1xi32>
    %broadcast_in_dim3A_2416 = vector.broadcast %squeeze3A_2415 : i32 to vector<16xi32>
    %broadcast_in_dim3A_2417 = arith.constant 31 : i32
    %broadcast_in_dim3A_2418 = vector.broadcast %broadcast_in_dim3A_2417 : i32 to vector<16xi32>
    %iota3A_2419 = tpu.iota {dimensions = array<i32: 0>} : vector<16xi32>
    %add3A_2420 = arith.constant 0 : i32
    %add3A_2421 = vector.broadcast %add3A_2420 : i32 to vector<16xi32>
    %add3A_2422 = arith.addi %iota3A_2419, %add3A_2421 : vector<16xi32>
    %gather3A_2423 = tpu.vector_load_idx %arg6[%broadcast_in_dim3A_2282, %broadcast_in_dim3A_2413, %add3A_2422, %broadcast_in_dim3A_2416] : memref<3x4x64x128xf32, #tpu.memory_space<vmem>>[vector<16xi32>, vector<16xi32>, vector<16xi32>, vector<16xi32>], vector<16xf32>,
    %swap3A_2424 = arith.constant 31 : i32
    %swap3A_2425 = arith.index_cast %swap3A_2424 : i32 to index
    %swap3A_2426 = arith.constant 0 : index
    %swap3A_2427 = tpu.vector_load %arg7[%swap3A_2425, %swap3A_2426] {strides = array<i32>} : memref<32x64xf32, #tpu.memory_space<vmem>>, vector<16xf32>,
    tpu.vector_store %arg7[%swap3A_2425, %swap3A_2426], %gather3A_2423 {strides = array<i32>} : memref<32x64xf32, #tpu.memory_space<vmem>>, vector<16xf32>,
    %iota3A_2428 = tpu.iota {dimensions = array<i32: 0>} : vector<16xi32>
    %add3A_2429 = arith.constant 16 : i32
    %add3A_2430 = vector.broadcast %add3A_2429 : i32 to vector<16xi32>
    %add3A_2431 = arith.addi %iota3A_2428, %add3A_2430 : vector<16xi32>
    %gather3A_2432 = tpu.vector_load_idx %arg6[%broadcast_in_dim3A_2282, %broadcast_in_dim3A_2413, %add3A_2431, %broadcast_in_dim3A_2416] : memref<3x4x64x128xf32, #tpu.memory_space<vmem>>[vector<16xi32>, vector<16xi32>, vector<16xi32>, vector<16xi32>], vector<16xf32>,
    %swap3A_2433 = arith.constant 31 : i32
    %swap3A_2434 = arith.index_cast %swap3A_2433 : i32 to index
    %swap3A_2435 = arith.constant 16 : index
    %swap3A_2436 = tpu.vector_load %arg7[%swap3A_2434, %swap3A_2435] {strides = array<i32>} : memref<32x64xf32, #tpu.memory_space<vmem>>, vector<16xf32>,
    tpu.vector_store %arg7[%swap3A_2434, %swap3A_2435], %gather3A_2432 {strides = array<i32>} : memref<32x64xf32, #tpu.memory_space<vmem>>, vector<16xf32>,
    %iota3A_2437 = tpu.iota {dimensions = array<i32: 0>} : vector<16xi32>
    %add3A_2438 = arith.constant 32 : i32
    %add3A_2439 = vector.broadcast %add3A_2438 : i32 to vector<16xi32>
    %add3A_2440 = arith.addi %iota3A_2437, %add3A_2439 : vector<16xi32>
    %gather3A_2441 = tpu.vector_load_idx %arg6[%broadcast_in_dim3A_2282, %broadcast_in_dim3A_2413, %add3A_2440, %broadcast_in_dim3A_2416] : memref<3x4x64x128xf32, #tpu.memory_space<vmem>>[vector<16xi32>, vector<16xi32>, vector<16xi32>, vector<16xi32>], vector<16xf32>,
    %swap3A_2442 = arith.constant 31 : i32
    %swap3A_2443 = arith.index_cast %swap3A_2442 : i32 to index
    %swap3A_2444 = arith.constant 32 : index
    %swap3A_2445 = tpu.vector_load %arg7[%swap3A_2443, %swap3A_2444] {strides = array<i32>} : memref<32x64xf32, #tpu.memory_space<vmem>>, vector<16xf32>,
    tpu.vector_store %arg7[%swap3A_2443, %swap3A_2444], %gather3A_2441 {strides = array<i32>} : memref<32x64xf32, #tpu.memory_space<vmem>>, vector<16xf32>,
    %iota3A_2446 = tpu.iota {dimensions = array<i32: 0>} : vector<16xi32>
    %add3A_2447 = arith.constant 48 : i32
    %add3A_2448 = vector.broadcast %add3A_2447 : i32 to vector<16xi32>
    %add3A_2449 = arith.addi %iota3A_2446, %add3A_2448 : vector<16xi32>
    %gather3A_2450 = tpu.vector_load_idx %arg6[%broadcast_in_dim3A_2282, %broadcast_in_dim3A_2413, %add3A_2449, %broadcast_in_dim3A_2416] : memref<3x4x64x128xf32, #tpu.memory_space<vmem>>[vector<16xi32>, vector<16xi32>, vector<16xi32>, vector<16xi32>], vector<16xf32>,
    %swap3A_2451 = arith.constant 31 : i32
    %swap3A_2452 = arith.index_cast %swap3A_2451 : i32 to index
    %swap3A_2453 = arith.constant 48 : index
    %swap3A_2454 = tpu.vector_load %arg7[%swap3A_2452, %swap3A_2453] {strides = array<i32>} : memref<32x64xf32, #tpu.memory_space<vmem>>, vector<16xf32>,
    tpu.vector_store %arg7[%swap3A_2452, %swap3A_2453], %gather3A_2450 {strides = array<i32>} : memref<32x64xf32, #tpu.memory_space<vmem>>, vector<16xf32>,
    %dma_start3A_2455 = arith.constant 0 : i32
    %dma_start3A_2456 = tpu.memref_slice %arg4[%mul3A_2, %dma_start3A_2455] : memref<1024x64xf32, #tpu.memory_space<hbm>> -> memref<32x64xf32, #tpu.memory_space<hbm>>
    %dma_start3A_2457 = arith.constant 0 : i32
    %dma_start3A_2458 = tpu.memref_slice %arg4[%mul3A_2, %dma_start3A_2457] : memref<1024x64xf32, #tpu.memory_space<hbm>> -> memref<32x64xf32, #tpu.memory_space<hbm>>
    tpu.enqueue_dma source(%arg7 : memref<32x64xf32, #tpu.memory_space<vmem>>) target(%dma_start3A_2458 : memref<32x64xf32, #tpu.memory_space<hbm>>) target_semaphore(%arg9 : memref<!tpu.dma_semaphore, #tpu.memory_space<semaphore_mem>>)
    %dma_wait3A_2459 = arith.constant 0 : i32
    %dma_wait3A_2460 = tpu.memref_slice %arg4[%mul3A_2, %dma_wait3A_2459] : memref<1024x64xf32, #tpu.memory_space<hbm>> -> memref<32x64xf32, #tpu.memory_space<hbm>>
    %dma_wait3A_2461 = arith.constant 0 : i32
    %dma_wait3A_2462 = tpu.memref_slice %arg4[%mul3A_2, %dma_wait3A_2461] : memref<1024x64xf32, #tpu.memory_space<hbm>> -> memref<32x64xf32, #tpu.memory_space<hbm>>
    tpu.wait_dma2 semaphore(%arg9 : memref<!tpu.dma_semaphore, #tpu.memory_space<semaphore_mem>>) src(%arg7 : memref<32x64xf32, #tpu.memory_space<vmem>>) dst(%dma_wait3A_2462 : memref<32x64xf32, #tpu.memory_space<hbm>>)
    return
  }
}

module attributes {stable_mosaic.version = 14 : i64} {
  func.func @_matmul_body(%arg0: i32, %arg1: memref<64x4096xf32, #tpu.memory_space<vmem>>, %arg2: memref<1024x64xf32, #tpu.memory_space<vmem>>, %arg3: memref<4096xf32, #tpu.memory_space<vmem>>, %arg4: memref<4096x1024xf32, #tpu.memory_space<vmem>>) attributes {dimension_semantics = [#tpu.dimension_semantics<arbitrary>], iteration_bounds = array<i64: 25>, scalar_prefetch = 0 : i64, scratch_operands = 0 : i64, tpu.core_type = #tpu.core_type<tc>, window_params = [{transform_indices = @transform_0, window_bounds = array<i64: 64, 4096>}, {pipeline_mode = #tpu.pipeline_mode<synchronous>, transform_indices = @transform_1, window_bounds = array<i64: 1024, 64>}, {transform_indices = @transform_2, window_bounds = array<i64: 4096>}, {transform_indices = @transform_3, window_bounds = array<i64: 4096, 1024>}]} {
    %get3A = arith.constant 0 : index
    %get3A_0 = arith.constant 0 : index
    %get3A_1 = vector.load %arg1[%get3A, %get3A_0] : memref<64x4096xf32, #tpu.memory_space<vmem>>, vector<64x4096xf32>
    %get3A_2 = arith.constant 0 : index
    %get3A_3 = arith.constant 0 : index
    %get3A_4 = vector.load %arg2[%get3A_2, %get3A_3] : memref<1024x64xf32, #tpu.memory_space<vmem>>, vector<1024x64xf32>
    %dot_general3A = arith.constant dense<0.000000e+00> : vector<4096x1024xf32>
    %dot_general3A_5 = tpu.matmul %get3A_1, %get3A_4, %dot_general3A {dimension_numbers = #tpu.dot_dimension_numbers<[0], [1], [1], [0], [0, 1, 1, 0], [], []>, transpose_lhs_hint = false} : vector<64x4096xf32>, vector<1024x64xf32>, vector<4096x1024xf32> -> vector<4096x1024xf32>
    %get3A_6 = arith.constant 0 : index
    %get3A_7 = vector.load %arg3[%get3A_6] : memref<4096xf32, #tpu.memory_space<vmem>>, vector<4096xf32>
    %broadcast_in_dim3A = vector.shape_cast %get3A_7 : vector<4096xf32> to vector<4096x1xf32>
    %add3A = vector.broadcast %broadcast_in_dim3A : vector<4096x1xf32> to vector<4096x1024xf32>
    %add3A_8 = arith.addf %dot_general3A_5, %add3A : vector<4096x1024xf32>
    %swap3A = arith.constant 0 : index
    %swap3A_9 = arith.constant 0 : index
    %swap3A_10 = vector.load %arg4[%swap3A, %swap3A_9] : memref<4096x1024xf32, #tpu.memory_space<vmem>>, vector<4096x1024xf32>
    tpu.vector_store %arg4[%swap3A, %swap3A_9], %add3A_8 {strides = array<i32>} : memref<4096x1024xf32, #tpu.memory_space<vmem>>, vector<4096x1024xf32>,
    return
  }
  func.func @transform_0(%arg0: i32) -> (i32, i32) {
    %c0_i32 = arith.constant 0 : i32
    %c0_i32_0 = arith.constant 0 : i32
    return %c0_i32, %arg0 : i32, i32
  }
  func.func @transform_1(%arg0: i32) -> (i32, i32) {
    %c0_i32 = arith.constant 0 : i32
    %c0_i32_0 = arith.constant 0 : i32
    %c0_i32_1 = arith.constant 0 : i32
    return %c0_i32, %c0_i32_0 : i32, i32
  }
  func.func @transform_2(%arg0: i32) -> i32 {
    %c0_i32 = arith.constant 0 : i32
    return %arg0 : i32
  }
  func.func @transform_3(%arg0: i32) -> (i32, i32) {
    %c0_i32 = arith.constant 0 : i32
    %c0_i32_0 = arith.constant 0 : i32
    return %arg0, %c0_i32 : i32, i32
  }
}

</mosaic_0001>

<sc_bundles>
// kernel: kernel.4.cloned.1.call-start
scs
__scs_entry_jumppad:
0x0: {  	(pc) =	sbr.rel $0x88, $3  }
0x1: {  	(tag) =	ssettag $0x0;
	lr =	simm.s32 $0x1  }
0x2: {  	[smem:$0x3F9D] =	sst lr;
	_ =	strace $0xD0000000  }
0x3: {  	_ = 	snop  }
0x4: {  	_ = 	snop  }
0x5: {  	_ = 	snop  }
0x6: {  	_ = 	snop  }
0x7: {  	_ = 	snop  }
__scs_overlays_trampoline_lowered:
0x8: {  	[smem:$0x3FAC] =	sst s0  }
0x9: {  	[smem:$0x3FAD] =	sst s1  }
0xa: {  	[smem:$0x3FAE] =	sst s2  }
0xb: {  	[smem:$0x3FAF] =	sst s3  }
0xc: {  	[smem:$0x3FB0] =	sst s4  }
0xd: {  	[smem:$0x3FB1] =	sst s5  }
0xe: {  	[smem:$0x3FB2] =	sst s6  }
0xf: {  	[smem:$0x3FB3] =	sst s7  }
0x10: {  	[smem:$0x3FB4] =	sst s8  }
0x11: {  	[smem:$0x3FB5] =	sst s9;
	s0 =	simm.s32 @!p0 $0x0  }
0x12: {  	s1 =	sld [smem:$0x3F9B];
	s0 =	simm.s32 @p0 $0x1  }
0x13: {  	[smem:$0x3FB6] =	sst s0;
	s0 =	simm.s32 @!p1 $0x0  }
0x14: {  	s2 =	sld [smem:$0x3F9A];
	s0 =	simm.s32 @p1 $0x1  }
0x15: {  	[smem:$0x3FB7] =	sst s0;
	s0 =	simm.s32 @!p2 $0x0  }
0x16: {  	s3 =	sld [smem:$0x3FDB];
	s0 =	simm.s32 @p2 $0x1  }
0x17: {  	s4 =	simm.s32 $0x1BF5;
	[smem:$0x3FB9] =	sst s0  }
0x18: {  	s0 =	sld [smem:$0x3F9C];
	_ =	swait.ge [sflag:s4], $0x0  }
0x19: {  	s7 =	sld [smem:$0x3F9D]  }
0x1a: {  	s8 =	sadd.s32 $0xFFFFE003, lr  }
0x1b: {  	s9 =	sadd.s32 $0xFFFFFEF7, lr;
	s5 =	simm.s32 $0xFFFFFFFF;
	p2 =	slt.u32 s8, $0xFFFFF086  }
0x1c: {  	p1 =	slt.u32 s9, $0xF7A;
	s5 =	simm.s32 @!p2 $0x0  }
0x1d: {  	s5 =	simm.s32 @p1 $0x1;
	p0 =	seq.s32 s7, s2  }
0x1e: {  	s7 =	smul.u32 @!p0 $0xF7A, s2;
	p2 =	seq.s32 @!p0 s5, $0x0  }
0x1f: {  	s9 =	smul.u32 $0xF7A, s1;
	s8 =	simm.s32 @!p0 $0x1BF5;
	p2 =	por !p2, p0  }
0x20: {  	[sflag:s8] =	ssyncset.s32 @!p0 $0xFFFFF086;
	s6 =	sadd.s32 @!p0 s3, s7;
	s7 =	simm.s32 @!p0 $0x108  }
0x21: {  	s3 =	sadd.s32 s3, s9;
	s6 =	sadd.s32 @!p0 $0x88, s6;
	s7 =	simm.s32 @p2 $0x1082  }
0x22: {  	[simem:s7], [sflag:s8] =	dma.local @!p0 [hbm:s6], $0xF7A  }
0x23: {  	s9 =	sor.u32 $0xD0000000, s2;
	s6 =	simm.s32 $0x108;
	_ =	swait.ge @!p0 [sflag:s8], $0x0  }
0x24: {  	s3 =	sadd.s32 $0x88, s3;
	s6 =	simm.s32 @!p1 $0x1082;
	[sflag:s4] =	ssyncset.s32 $0xFFFFF086  }
0x25: {  	[simem:s6], [sflag:s4] =	dma.local [hbm:s3], $0xF7A  }
0x26: {  	[smem:$0x3F9D] =	sst s1;
	(tag) =	ssettag s2;
	_ =	strace s9  }
0x27: {  	s1 =	sld [smem:$0x3FAD]  }
0x28: {  	s2 =	sld [smem:$0x3FAE]  }
0x29: {  	s4 =	sld [smem:$0x3FB0]  }
0x2a: {  	p0 =	seq.s32 s5, $0x0;
	s5 =	sld [smem:$0x3FB1]  }
0x2b: {  	s6 =	sld [smem:$0x3FB2]  }
0x2c: {  	s7 =	sld [smem:$0x3FB3]  }
0x2d: {  	s3 =	simm.s32 $0x108;
	s8 =	sld [smem:$0x3FB4]  }
0x2e: {  	s3 =	simm.s32 @!p0 $0x1082;
	s9 =	sld [smem:$0x3FB5]  }
0x2f: {  	lr =	sadd.s32 s0, s3;
	s0 =	sld [smem:$0x3FAC]  }
0x30: {  	s3 =	sld [smem:$0x3FAF]  }
0x31: {  	[smem:$0x3FB8] =	sst s10  }
0x32: {  	s10 =	sld [smem:$0x3FB6];
	_ =	sdelay $0x3  }
0x33: {  	p0 =	seq.s32 s10, $0x1;
	s10 =	sld [smem:$0x3FB8];
	_ =	sdelay $0x3  }
0x34: {  	[smem:$0x3FB8] =	sst s10  }
0x35: {  	s10 =	sld [smem:$0x3FB7];
	_ =	sdelay $0x3  }
0x36: {  	p1 =	seq.s32 s10, $0x1;
	s10 =	sld [smem:$0x3FB8];
	_ =	sdelay $0x3  }
0x37: {  	[smem:$0x3FB8] =	sst s10  }
0x38: {  	s10 =	sld [smem:$0x3FB9]  }
0x39: {  	_ = 	snop;
	(pc) =	sbr.ind lr, $3  }
0x3a: {  	_ = 	snop  }
0x3b: {  	_ = 	snop  }
0x3c: {  	p2 =	seq.s32 s10, $0x1;
	s10 =	sld [smem:$0x3FB8]  }
0x3d: {  	_ =	shalt  }
0x3e: {  	_ =	shalt  }
0x3f: {  	_ =	shalt  }
0x40: {  	_ =	shalt  }
0x41: {  	_ =	shalt  }
0x42: {  	_ =	shalt  }
0x43: {  	_ =	shalt  }
0x44: {  	_ =	shalt  }
0x45: {  	_ =	shalt  }
0x46: {  	_ =	shalt  }
0x47: {  	_ =	shalt  }
0x48: {  	_ =	shalt  }
0x49: {  	_ =	shalt  }
0x4a: {  	_ =	shalt  }
0x4b: {  	_ =	shalt  }
0x4c: {  	_ =	shalt  }
0x4d: {  	_ =	shalt  }
0x4e: {  	_ =	shalt  }
0x4f: {  	_ =	shalt  }
0x50: {  	_ =	shalt  }
0x51: {  	_ =	shalt  }
0x52: {  	_ =	shalt  }
0x53: {  	_ =	shalt  }
0x54: {  	_ =	shalt  }
0x55: {  	_ =	shalt  }
0x56: {  	_ =	shalt  }
0x57: {  	_ =	shalt  }
0x58: {  	_ =	shalt  }
0x59: {  	_ =	shalt  }
0x5a: {  	_ =	shalt  }
0x5b: {  	_ =	shalt  }
0x5c: {  	_ =	shalt  }
0x5d: {  	_ =	shalt  }
0x5e: {  	_ =	shalt  }
0x5f: {  	_ =	shalt  }
0x60: {  	_ =	shalt  }
0x61: {  	_ =	shalt  }
0x62: {  	_ =	shalt  }
0x63: {  	_ =	shalt  }
0x64: {  	_ =	shalt  }
0x65: {  	_ =	shalt  }
0x66: {  	_ =	shalt  }
0x67: {  	_ =	shalt  }
0x68: {  	_ =	shalt  }
0x69: {  	_ =	shalt  }
0x6a: {  	_ =	shalt  }
0x6b: {  	_ =	shalt  }
0x6c: {  	_ =	shalt  }
0x6d: {  	_ =	shalt  }
0x6e: {  	_ =	shalt  }
0x6f: {  	_ =	shalt  }
0x70: {  	_ =	shalt  }
0x71: {  	_ =	shalt  }
0x72: {  	_ =	shalt  }
0x73: {  	_ =	shalt  }
0x74: {  	_ =	shalt  }
0x75: {  	_ =	shalt  }
0x76: {  	_ =	shalt  }
0x77: {  	_ =	shalt  }
0x78: {  	_ =	shalt  }
0x79: {  	_ =	shalt  }
0x7a: {  	_ =	shalt  }
0x7b: {  	_ =	shalt  }
0x7c: {  	_ =	shalt  }
0x7d: {  	_ =	shalt  }
0x7e: {  	_ =	shalt  }
0x7f: {  	_ =	shalt  }
0x80: {  	_ =	shalt  }
0x81: {  	_ =	shalt  }
0x82: {  	_ =	shalt  }
0x83: {  	_ =	shalt  }
0x84: {  	_ =	shalt  }
0x85: {  	_ =	shalt  }
0x86: {  	_ =	shalt  }
0x87: {  	_ =	shalt  }
.Lfunc_end0:
.L_simem_size_0:
called_computation_lowered:
.L_overlay_start_0:
0x88: {  	s2 =	sld [smem:$0x3FD9]  }
0x89: {  	s3 =	sld [smem:$0x3FFE];
	_ =	sdelay $0x1  }
0x8a: {  	s1 =	srdreg.scid  }
0x8b: {  	s0 =	sand.u32 $0x1, s1  }
0x8c: {  	s17 =	sshll.u32 s0, $0xA;
	s2 =	sadd.s32 s3, s2  }
0x8d: {  	s2 =	sadd.s32 s2, s17  }
0x8e: {  	[smem:$0x3FC4] =	sst s2  }
0x8f: {  	_ = 	snop  }
0x90: {  	s2 =	sld [smem:$0x3FC9]  }
0x91: {  	s18 =	sld [smem:$0x3FC8];
	(tm) =	ssettm $0x1  }
0x92: {  	s4 =	sld [smem:$0x3FFB];
	_ =	sdelay $0x3  }
0x93: {  	_ =	strace s4  }
0x94: {  	s4 =	sld [smem:$0x3FFC];
	_ =	sdelay $0x3  }
0x95: {  	_ =	strace s4  }
0x96: {  	s4 =	sld [smem:$0x3FFD];
	_ =	sdelay $0x3  }
0x97: {  	_ =	strace s4  }
0x98: {  	_ =	strace $0x8FFFFFFF  }
0x99: {  	s19 =	sld [smem:$0x3FDB];
	_ =	sdelay $0x1  }
0x9a: {  	s5 =	simm.s32 $_scs_section_size  }
0x9b: {  	s6 =	simm.s32 $_size__tile_overlayer_lowered;
	s7 =	simm.s32 $_tile_overlayer_lowered  }
0x9c: {  	s22 =	simm.s32 $0x1BFF;
	s21 =	sshll.u32 s7, $0x1;
	s4 =	sadd.s32 s5, s19  }
0x9d: {  	s8 =	simm.s32 $0x0;
	s20 =	sshll.u32 s6, $0x1;
	s6 =	sadd.s32 s21, s4  }
0x9e: {  	[timem:s8], [sflag:s22] =	dma.local [hbm:s6], s20  }
0x9f: {  	_ =	swait.ge [sflag:s22], s20  }
0xa0: {  	s5 =	ssub.s32 $0x0, s20;
	[sflag:s22] =	ssyncset.done $0x0  }
0xa1: {  	[sflag:s22] =	ssyncadd.s32 s5;
	_ =	sdelay $0x1  }
0xa2: {  	s23 =	simm.s32 $0x1B8B  }
0xa3: {  	_ =	swait.ge [sflag:s23], $0x1  }
0xa4: {  	[sflag:s23] =	ssyncset.done $0x0  }
0xa5: {  	s25 =	simm.s32 $0x1B8E;
	s24 =	sld [smem:$0x3FFE];
	[sflag:s23] =	ssyncadd.s32 $0xFFFFFFFF  }
0xa6: {  	s26 =	simm.s32 $execute0_lowered;
	[smem:$0x3FD2] =	sst s25  }
0xa7: {  	s6 =	sshll.u32 s26, $0x1;
	_ =	strace $0x80000046;
	[dreg:$0x1] =	wrdreg $0xFFFFFFFF  }
0xa8: {  	s28 =	simm.s32 $_size_execute0_lowered;
	s4 =	sadd.s32 s4, s6;
	[dreg:$0x0] =	wrdreg $0x0  }
0xa9: {  	s6 =	sshll.u32 s28, $0x1;
	[dreg:$0x2] =	wrdreg s4  }
0xaa: {  	[dreg:$0x3] =	wrdreg s6  }
0xab: {  	[dreg:$0x4] =	wrdreg $0xC0  }
0xac: {  	_ =	task [dreg:s8], $0x5FFFF  }
0xad: {  	[dreg:$0x1] =	wrdreg $0xFFFFFFFF  }
0xae: {  	[dreg:$0x0] =	wrdreg $0x60  }
0xaf: {  	[dreg:$0x2] =	wrdreg s18  }
0xb0: {  	[dreg:$0x3] =	wrdreg s2  }
0xb1: {  	[dreg:$0x4] =	wrdreg s24  }
0xb2: {  	[dreg:$0x5] =	wrdreg $0x9  }
0xb3: {  	_ =	task.clear_ibuf [dreg:s8], $0x6FFFF;
	_ =	strace $0x90000046  }
0xb4: {  	s29 =	simm.s32 $0x9;
	_ =	strace $0x80000048  }
0xb5: {  	_ =	swait.ge [sflag:s29], $0x1  }
0xb6: {  	[sflag:s29] =	ssyncadd.s32 $0xFFFFFFFF  }
0xb7: {  	_ =	strace $0x90000048  }
0xb8: {  	_ =	sfence  }
0xb9: {  	s30 =	sld [smem:$0x0];
	_ =	sdelay $0x2  }
0xba: {  	s31 =	sshll.u32 s1, $0xD;
	s1 =	sshrl.u32 s1, $0x2  }
0xbb: {  	s3 =	sand.u32 $0x4000, s31;
	s1 =	sadd.s32 s1, s30  }
0xbc: {  	s0 =	sor.u32 s3, s0;
	s1 =	sshll.u32 s1, $0x11  }
0xbd: {  	s0 =	sor.u32 s1, s0  }
0xbe: {  	s0 =	sadd.s32 $0x8F2B, s0  }
0xbf: {  	[sflag:s0] =	ssyncadd.remote.s32 $0x1  }
0xc0: {  	_ =	sfence.sel $0xFFFF  }
0xc1: {  	[dreg:$0x0] =	wrdreg $0xFFFFFFFF;
	(pc) =	sbr.abs _section_cstart, $3  }
0xc2: {  	[dreg:$0x1] =	wrdreg $0xFFFFFFFF  }
0xc3: {  	_ =	task.clear_ibuf [dreg:s8], $0x2FFFF;
	_ =	strace $0x9FFFFFFF  }
0xc4: {  	(tm) =	ssettm $0x7FFFFFFF  }
0xc5: {  	_ =	shalt  }
tec
execute0_lowered:
.L_overlay_start_1:
0x0: {  	(tag) =	ssettag $0x1  }
0x1: {  	v0 =	vlaneseq.u32  }
0x2: {  	v0 =	vmul.u32 $0x80, v0  }
0x3: {  	s0 =	rddreg [dreg:$0x0]  }
0x4: {  	s4 =	rddreg [dreg:$0x1];
	v1 =	vor.u32 $0x800, v0;
	v2 =	vor.u32 $0x1000, v0  }
0x5: {  	s5 =	rddreg [dreg:$0x2];
	v3 =	vor.u32 $0x1800, v0;
	v4 =	vor.u32 $0x2000, v0;
	v5 =	vor.u32 $0x2800, v0  }
0x6: {  	s1 =	rddreg [dreg:$0x3];
	v6 =	vor.u32 $0x3000, v0;
	v7 =	vor.u32 $0x3800, v0;
	v8 =	vor.u32 $0x4000, v0  }
0x7: {  	s6 =	srdreg.scid;
	s3 =	simm.s32 $0x0;
	s2 =	stileid.u32;
	v9 =	vor.u32 $0x4800, v0;
	v10 =	vor.u32 $0x5000, v0;
	v11 =	vor.u32 $0x5800, v0  }
0x8: {  	s9 =	simm.s32 $0x2080;
	s10 =	simm.s32 $0x4080;
	s11 =	simm.s32 $0x6080;
	v12 =	vor.u32 $0x6000, v0;
	v13 =	vor.u32 $0x6800, v0;
	v14 =	vor.u32 $0x7000, v0  }
0x9: {  	s12 =	simm.s32 $0x8080;
	s13 =	simm.s32 $0xA080;
	s14 =	simm.s32 $0xC080;
	v15 =	vor.u32 $0x7800, v0;
	v16 =	vor.u32 $0x8000, v0;
	v17 =	vor.u32 $0x8800, v0  }
0xa: {  	s15 =	simm.s32 $0xE080;
	s16 =	simm.s32 $0x10080;
	s17 =	simm.s32 $0x12080;
	v18 =	vor.u32 $0x9000, v0;
	v19 =	vor.u32 $0x9800, v0;
	v20 =	vor.u32 $0xA000, v0  }
0xb: {  	s18 =	simm.s32 $0x14080;
	s19 =	simm.s32 $0x16080;
	s21 =	simm.s32 $0x18080;
	v21 =	vor.u32 $0xA800, v0;
	v22 =	vor.u32 $0xB000, v0;
	v23 =	vor.u32 $0xB800, v0  }
0xc: {  	s20 =	simm.s32 $0x1;
	s6 =	sand.u32 $0x1, s6;
	[smem:$0x7FF] =	sst s3;
	v24 =	vor.u32 $0xC000, v0;
	v25 =	vor.u32 $0xC800, v0;
	v26 =	vor.u32 $0xD000, v0  }
0xd: {  	s7 =	sshll.u32 s2, $0x6;
	s8 =	sshll.u32 s6, $0x5;
	_ =	strace $0x80000047;
	v27 =	vor.u32 $0xD800, v0;
	v28 =	vor.u32 $0xE000, v0;
	v29 =	vor.u32 $0xE800, v0  }
0xe: {  	s6 =	ssub.s32 $0x2, s6;
	[dreg:$0x6] =	wrdreg s21;
	s7 =	sor.u32 s8, s7;
	v30 =	vor.u32 $0xF000, v0;
	v31 =	vor.u32 $0xF800, v0;
	v32 =	vor.u32 $0x10000, v0  }
0xf: {  	s21 =	simm.s32 $0x2;
	s30 =	sshrl.u32 s6, $0x1;
	v33 =	vor.u32 $0x10800, v0;
	v34 =	vor.u32 $0x11000, v0;
	v35 =	vor.u32 $0x11800, v0;
	s8 =	sshll.u32 s7, $0x4  }
0x10: {  	v36 =	vor.u32 $0x12000, v0;
	v37 =	vor.u32 $0x12800, v0;
	v38 =	vor.u32 $0x13000, v0;
	s7 =	sshrl.u32 s7, $0x3;
	s6 =	ssub.s32 s6, s30;
	s5 =	sadd.s32 s8, s5  }
0x11: {  	v39 =	vor.u32 $0x13800, v0;
	v40 =	vor.u32 $0x14000, v0;
	v41 =	vor.u32 $0x14800, v0;
	s4 =	sadd.s32 s4, s7;
	s7 =	simm.s32 $0xC3800;
	s8 =	simm.s32 $0x80  }
0x12: {  	v42 =	vor.u32 $0x15000, v0;
	v43 =	vor.u32 $0x15800, v0;
	v44 =	vor.u32 $0x16000, v0;
	[dreg:$0x4] =	wrdreg s4;
	s31 =	sadd.s32 $0x400, s5;
	s4 =	smax.u32 s6, $0x1  }
0x13: {  	v45 =	vor.u32 $0x16800, v0;
	v46 =	vor.u32 $0x17000, v0;
	v47 =	vor.u32 $0x17800, v0;
	s5 =	simm.s32 $0x3;
	s6 =	simm.s32 $0x400;
	[dreg:$0x5] =	wrdreg s31  }
.LBB2_1:
0x14: {  	s22 =	rddreg [dreg:$0x4]  }
0x15: {  	[tilespmem:s3], [sflag:$0x3] =	stream.linear.gather [hbm4b:s22+s3], $0x20, $0x38;
	[tilespmem:$0x19080] =	vst v63  }
0x16: {  	_ =	swait.ge [sflag:s5], $0x20  }
0x17: {  	[sflag:s5] =	ssyncset.done $0x0  }
0x18: {  	[sflag:s5] =	ssyncadd.s32 $0xFFFFFFE0  }
0x19: {  	v49 =	vld [tilespmem:$0x0];
	_ =	sdelay $0x4  }
0x1a: {  	v48 =	vshrl.u32 v49, $0x7  }
0x1b: {  	v50 =	vshll.u32 v48, $0x7  }
0x1c: {  	(v2sf) =	vpush v50, $0x0;
	_ =	sdelay $0x1  }
0x1d: {  	(v2sf) =	vpush v50, $0x1;
	_ =	sdelay $0x1  }
0x1e: {  	(v2sf) =	vpush v50, $0x2;
	_ =	sdelay $0x2  }
0x1f: {  	(v2sf) =	vpush v50, $0x3;
	_ =	sdelay $0x7  }
0x20: {  	s29 =	spop (v2sf);
	(v2sf) =	vpush v50, $0x4;
	_ =	sdelay $0x1  }
0x21: {  	s30 =	spop (v2sf);
	(v2sf) =	vpush v50, $0x5;
	_ =	sdelay $0x1  }
0x22: {  	s22 =	sand.u32 $0x1FFFFF80, s29;
	s31 =	spop (v2sf);
	(v2sf) =	vpush v50, $0x6  }
0x23: {  	s22 =	sadd.s32 s0, s22  }
0x24: {  	v48 =	vld [tilespmem:$0x10];
	[tilespmem:s8], [sflag:$0x1] =	stream.strided.gather [hbm4b:s22+s6], $0x2000, s7, s6, $0x38  }
0x25: {  	s23 =	spop (v2sf);
	(v2sf) =	vpush v50, $0x7  }
0x26: {  	s22 =	sand.u32 $0x1FFFFF80, s30  }
0x27: {  	s22 =	sadd.s32 s0, s22  }
0x28: {  	[tilespmem:s9], [sflag:$0x1] =	stream.strided.gather [hbm4b:s22+s6], $0x2000, s7, s6, $0x38;
	[tilespmem:$0x19080] =	vst v63  }
0x29: {  	s22 =	sand.u32 $0x1FFFFF80, s31  }
0x2a: {  	s22 =	sadd.s32 s0, s22  }
0x2b: {  	[tilespmem:s10], [sflag:$0x1] =	stream.strided.gather [hbm4b:s22+s6], $0x2000, s7, s6, $0x38;
	[tilespmem:$0x19080] =	vst v63  }
0x2c: {  	s22 =	sand.u32 $0x1FFFFF80, s23  }
0x2d: {  	s22 =	sadd.s32 s0, s22;
	s24 =	spop (v2sf);
	(v2sf) =	vpush v50, $0x8  }
0x2e: {  	[tilespmem:s11], [sflag:$0x1] =	stream.strided.gather [hbm4b:s22+s6], $0x2000, s7, s6, $0x38;
	[tilespmem:$0x19080] =	vst v63  }
0x2f: {  	s25 =	spop (v2sf);
	(v2sf) =	vpush v50, $0x9  }
0x30: {  	s22 =	sand.u32 $0x1FFFFF80, s24  }
0x31: {  	s22 =	sadd.s32 s0, s22;
	s26 =	spop (v2sf)  }
0x32: {  	(v2sf) =	vpush v50, $0xA;
	[tilespmem:s12], [sflag:$0x1] =	stream.strided.gather [hbm4b:s22+s6], $0x2000, s7, s6, $0x38;
	[tilespmem:$0x19080] =	vst v63  }
0x33: {  	s22 =	sand.u32 $0x1FFFFF80, s25  }
0x34: {  	s28 =	spop (v2sf);
	s22 =	sadd.s32 s0, s22  }
0x35: {  	(v2sf) =	vpush v50, $0xB;
	[tilespmem:s13], [sflag:$0x1] =	stream.strided.gather [hbm4b:s22+s6], $0x2000, s7, s6, $0x38;
	[tilespmem:$0x19080] =	vst v63  }
0x36: {  	s22 =	sand.u32 $0x1FFFFF80, s26  }
0x37: {  	s22 =	sadd.s32 s0, s22  }
0x38: {  	[tilespmem:s14], [sflag:$0x1] =	stream.strided.gather [hbm4b:s22+s6], $0x2000, s7, s6, $0x38;
	[tilespmem:$0x19080] =	vst v63  }
0x39: {  	s22 =	sand.u32 $0x1FFFFF80, s28  }
0x3a: {  	s22 =	sadd.s32 s0, s22  }
0x3b: {  	[tilespmem:s15], [sflag:$0x1] =	stream.strided.gather [hbm4b:s22+s6], $0x2000, s7, s6, $0x38;
	[tilespmem:$0x19080] =	vst v63  }
0x3c: {  	s29 =	spop (v2sf)  }
0x3d: {  	s22 =	sand.u32 $0x1FFFFF80, s29  }
0x3e: {  	s30 =	spop (v2sf);
	s22 =	sadd.s32 s0, s22  }
0x3f: {  	[tilespmem:s16], [sflag:$0x1] =	stream.strided.gather [hbm4b:s22+s6], $0x2000, s7, s6, $0x38;
	[tilespmem:$0x19080] =	vst v63  }
0x40: {  	s22 =	sand.u32 $0x1FFFFF80, s30  }
0x41: {  	s31 =	spop (v2sf);
	s22 =	sadd.s32 s0, s22  }
0x42: {  	[tilespmem:s17], [sflag:$0x1] =	stream.strided.gather [hbm4b:s22+s6], $0x2000, s7, s6, $0x38;
	[tilespmem:$0x19080] =	vst v63  }
0x43: {  	s22 =	sand.u32 $0x1FFFFF80, s31  }
0x44: {  	s23 =	spop (v2sf);
	s22 =	sadd.s32 s0, s22  }
0x45: {  	[tilespmem:s18], [sflag:$0x1] =	stream.strided.gather [hbm4b:s22+s6], $0x2000, s7, s6, $0x38;
	[tilespmem:$0x19080] =	vst v63  }
0x46: {  	s22 =	sand.u32 $0x1FFFFF80, s23  }
0x47: {  	s22 =	sadd.s32 s0, s22  }
0x48: {  	[tilespmem:s19], [sflag:$0x1] =	stream.strided.gather [hbm4b:s22+s6], $0x2000, s7, s6, $0x38;
	[tilespmem:$0x19080] =	vst v63  }
0x49: {  	_ =	swait.ge [sflag:s20], $0x2000  }
0x4a: {  	[sflag:s20] =	ssyncset.done $0x0  }
0x4b: {  	[sflag:s20] =	ssyncadd.s32 $0xFFFFE000  }
0x4c: {  	_ =	swait.ge [sflag:s20], $0x2000  }
0x4d: {  	v49 =	vand.u32 $0x7F, v49;
	[sflag:s20] =	ssyncset.done $0x0  }
0x4e: {  	v51 =	vbroadcast v49, $0x0;
	[sflag:s20] =	ssyncadd.s32 $0xFFFFE000  }
0x4f: {  	_ =	swait.ge [sflag:s20], $0x2000  }
0x50: {  	v52 =	vor.u32 v0, v51;
	[sflag:s20] =	ssyncset.done $0x0  }
0x51: {  	[sflag:s20] =	ssyncadd.s32 $0xFFFFE000  }
0x52: {  	_ =	swait.ge [sflag:s20], $0x2000  }
0x53: {  	[sflag:s20] =	ssyncset.done $0x0  }
0x54: {  	[sflag:s20] =	ssyncadd.s32 $0xFFFFE000  }
0x55: {  	v52 =	vld.idx.msk [tilespmem:v52+s8+$0x0], $0xffff  }
0x56: {  	v53 =	vor.u32 v1, v51;
	_ =	sdelay $0x3  }
0x57: {  	[tilespmem:$0x18080] =	vst v52  }
0x58: {  	v52 =	vld.idx.msk [tilespmem:v53+s8+$0x0], $0xffff  }
0x59: {  	v60 =	vor.u32 v2, v51;
	_ =	sdelay $0x3  }
0x5a: {  	[tilespmem:$0x18090] =	vst v52  }
0x5b: {  	v52 =	vld.idx.msk [tilespmem:v60+s8+$0x0], $0xffff  }
0x5c: {  	v51 =	vor.u32 v3, v51;
	_ =	sdelay $0x3  }
0x5d: {  	v61 =	vbroadcast v49, $0x1;
	[tilespmem:$0x180A0] =	vst v52  }
0x5e: {  	v51 =	vld.idx.msk [tilespmem:v51+s8+$0x0], $0xffff  }
0x5f: {  	v62 =	vor.u32 v4, v61;
	_ =	sdelay $0x3  }
0x60: {  	[tilespmem:$0x180B0] =	vst v51  }
0x61: {  	v51 =	vld.idx.msk [tilespmem:v62+s8+$0x0], $0xffff  }
0x62: {  	v63 =	vor.u32 v5, v61;
	_ =	sdelay $0x3  }
0x63: {  	[tilespmem:$0x18100] =	vst v51  }
0x64: {  	v51 =	vld.idx.msk [tilespmem:v63+s8+$0x0], $0xffff  }
0x65: {  	v56 =	vor.u32 v6, v61;
	_ =	sdelay $0x3  }
0x66: {  	[tilespmem:$0x18110] =	vst v51  }
0x67: {  	v51 =	vld.idx.msk [tilespmem:v56+s8+$0x0], $0xffff  }
0x68: {  	v52 =	vor.u32 v7, v61;
	_ =	sdelay $0x3  }
0x69: {  	v57 =	vbroadcast v49, $0x2;
	[tilespmem:$0x18120] =	vst v51  }
0x6a: {  	v52 =	vld.idx.msk [tilespmem:v52+s8+$0x0], $0xffff  }
0x6b: {  	v58 =	vor.u32 v8, v57;
	_ =	sdelay $0x3  }
0x6c: {  	[tilespmem:$0x18130] =	vst v52  }
0x6d: {  	v52 =	vld.idx.msk [tilespmem:v58+s8+$0x0], $0xffff  }
0x6e: {  	v59 =	vor.u32 v9, v57;
	_ =	sdelay $0x3  }
0x6f: {  	[tilespmem:$0x18180] =	vst v52  }
0x70: {  	v52 =	vld.idx.msk [tilespmem:v59+s8+$0x0], $0xffff  }
0x71: {  	v60 =	vor.u32 v10, v57;
	_ =	sdelay $0x3  }
0x72: {  	[tilespmem:$0x18190] =	vst v52  }
0x73: {  	v52 =	vld.idx.msk [tilespmem:v60+s8+$0x0], $0xffff  }
0x74: {  	v51 =	vor.u32 v11, v57;
	_ =	sdelay $0x3  }
0x75: {  	v61 =	vbroadcast v49, $0x3;
	[tilespmem:$0x181A0] =	vst v52  }
0x76: {  	v51 =	vld.idx.msk [tilespmem:v51+s8+$0x0], $0xffff  }
0x77: {  	v62 =	vor.u32 v12, v61;
	_ =	sdelay $0x3  }
0x78: {  	[tilespmem:$0x181B0] =	vst v51  }
0x79: {  	v51 =	vld.idx.msk [tilespmem:v62+s8+$0x0], $0xffff  }
0x7a: {  	v63 =	vor.u32 v13, v61;
	_ =	sdelay $0x3  }
0x7b: {  	[tilespmem:$0x18200] =	vst v51  }
0x7c: {  	(v2sf) =	vpush v50, $0xC;
	v51 =	vld.idx.msk [tilespmem:v63+s8+$0x0], $0xffff  }
0x7d: {  	v56 =	vor.u32 v14, v61  }
0x7e: {  	(v2sf) =	vpush v50, $0xD;
	_ =	sdelay $0x2  }
0x7f: {  	(v2sf) =	vpush v50, $0xE;
	[tilespmem:$0x18210] =	vst v51  }
0x80: {  	v51 =	vld.idx.msk [tilespmem:v56+s8+$0x0], $0xffff  }
0x81: {  	v52 =	vor.u32 v15, v61  }
0x82: {  	(v2sf) =	vpush v50, $0xF;
	_ =	sdelay $0x2  }
0x83: {  	[tilespmem:$0x18220] =	vst v51  }
0x84: {  	v51 =	vld.idx.msk [tilespmem:v52+s8+$0x0], $0xffff;
	_ =	sdelay $0x2  }
0x85: {  	s24 =	spop (v2sf)  }
0x86: {  	s22 =	sand.u32 $0x1FFFFF80, s24  }
0x87: {  	s25 =	spop (v2sf);
	s22 =	sadd.s32 s0, s22;
	[tilespmem:$0x18230] =	vst v51  }
0x88: {  	[tilespmem:s8], [sflag:$0x1] =	stream.strided.gather [hbm4b:s22+s6], $0x2000, s7, s6, $0x38;
	[tilespmem:$0x19080] =	vst v63  }
0x89: {  	s22 =	sand.u32 $0x1FFFFF80, s25  }
0x8a: {  	s26 =	spop (v2sf);
	s22 =	sadd.s32 s0, s22  }
0x8b: {  	[tilespmem:s9], [sflag:$0x1] =	stream.strided.gather [hbm4b:s22+s6], $0x2000, s7, s6, $0x38;
	[tilespmem:$0x19080] =	vst v63  }
0x8c: {  	s22 =	sand.u32 $0x1FFFFF80, s26  }
0x8d: {  	s28 =	spop (v2sf);
	s22 =	sadd.s32 s0, s22  }
0x8e: {  	[tilespmem:s10], [sflag:$0x1] =	stream.strided.gather [hbm4b:s22+s6], $0x2000, s7, s6, $0x38;
	[tilespmem:$0x19080] =	vst v63  }
0x8f: {  	s22 =	sand.u32 $0x1FFFFF80, s28  }
0x90: {  	s22 =	sadd.s32 s0, s22  }
0x91: {  	[tilespmem:s11], [sflag:$0x1] =	stream.strided.gather [hbm4b:s22+s6], $0x2000, s7, s6, $0x38;
	[tilespmem:$0x19080] =	vst v63  }
0x92: {  	_ =	swait.ge [sflag:s20], $0x2000  }
0x93: {  	[sflag:s20] =	ssyncset.done $0x0  }
0x94: {  	[sflag:s20] =	ssyncadd.s32 $0xFFFFE000  }
0x95: {  	_ =	swait.ge [sflag:s20], $0x2000  }
0x96: {  	[sflag:s20] =	ssyncset.done $0x0  }
0x97: {  	v57 =	vbroadcast v49, $0x4;
	[sflag:s20] =	ssyncadd.s32 $0xFFFFE000  }
0x98: {  	_ =	swait.ge [sflag:s20], $0x2000  }
0x99: {  	v58 =	vor.u32 v16, v57;
	[sflag:s20] =	ssyncset.done $0x0  }
0x9a: {  	[sflag:s20] =	ssyncadd.s32 $0xFFFFE000  }
0x9b: {  	_ =	swait.ge [sflag:s20], $0x2000  }
0x9c: {  	[sflag:s20] =	ssyncset.done $0x0  }
0x9d: {  	[sflag:s20] =	ssyncadd.s32 $0xFFFFE000  }
0x9e: {  	v51 =	vld.idx.msk [tilespmem:v58+s8+$0x0], $0xffff  }
0x9f: {  	v59 =	vor.u32 v17, v57;
	_ =	sdelay $0x3  }
0xa0: {  	[tilespmem:$0x18280] =	vst v51  }
0xa1: {  	v51 =	vld.idx.msk [tilespmem:v59+s8+$0x0], $0xffff  }
0xa2: {  	v60 =	vor.u32 v18, v57;
	_ =	sdelay $0x3  }
0xa3: {  	[tilespmem:$0x18290] =	vst v51  }
0xa4: {  	v51 =	vld.idx.msk [tilespmem:v60+s8+$0x0], $0xffff  }
0xa5: {  	v50 =	vor.u32 v19, v57;
	_ =	sdelay $0x3  }
0xa6: {  	v61 =	vbroadcast v49, $0x5;
	[tilespmem:$0x182A0] =	vst v51  }
0xa7: {  	v50 =	vld.idx.msk [tilespmem:v50+s8+$0x0], $0xffff  }
0xa8: {  	v62 =	vor.u32 v20, v61;
	_ =	sdelay $0x3  }
0xa9: {  	[tilespmem:$0x182B0] =	vst v50  }
0xaa: {  	v50 =	vld.idx.msk [tilespmem:v62+s8+$0x0], $0xffff  }
0xab: {  	v63 =	vor.u32 v21, v61;
	_ =	sdelay $0x3  }
0xac: {  	[tilespmem:$0x18300] =	vst v50  }
0xad: {  	v50 =	vld.idx.msk [tilespmem:v63+s8+$0x0], $0xffff  }
0xae: {  	v56 =	vor.u32 v22, v61;
	_ =	sdelay $0x3  }
0xaf: {  	[tilespmem:$0x18310] =	vst v50  }
0xb0: {  	v50 =	vld.idx.msk [tilespmem:v56+s8+$0x0], $0xffff  }
0xb1: {  	v51 =	vor.u32 v23, v61;
	_ =	sdelay $0x3  }
0xb2: {  	v57 =	vbroadcast v49, $0x6;
	[tilespmem:$0x18320] =	vst v50  }
0xb3: {  	v51 =	vld.idx.msk [tilespmem:v51+s8+$0x0], $0xffff  }
0xb4: {  	v58 =	vor.u32 v24, v57;
	_ =	sdelay $0x3  }
0xb5: {  	[tilespmem:$0x18330] =	vst v51  }
0xb6: {  	v51 =	vld.idx.msk [tilespmem:v58+s8+$0x0], $0xffff  }
0xb7: {  	v59 =	vor.u32 v25, v57;
	_ =	sdelay $0x3  }
0xb8: {  	[tilespmem:$0x18380] =	vst v51  }
0xb9: {  	v51 =	vld.idx.msk [tilespmem:v59+s8+$0x0], $0xffff  }
0xba: {  	v60 =	vor.u32 v26, v57;
	_ =	sdelay $0x3  }
0xbb: {  	[tilespmem:$0x18390] =	vst v51  }
0xbc: {  	v51 =	vld.idx.msk [tilespmem:v60+s8+$0x0], $0xffff  }
0xbd: {  	v50 =	vor.u32 v27, v57;
	_ =	sdelay $0x3  }
0xbe: {  	v61 =	vbroadcast v49, $0x7;
	[tilespmem:$0x183A0] =	vst v51  }
0xbf: {  	v50 =	vld.idx.msk [tilespmem:v50+s8+$0x0], $0xffff  }
0xc0: {  	v62 =	vor.u32 v28, v61;
	_ =	sdelay $0x3  }
0xc1: {  	[tilespmem:$0x183B0] =	vst v50  }
0xc2: {  	v50 =	vld.idx.msk [tilespmem:v62+s8+$0x0], $0xffff  }
0xc3: {  	v63 =	vor.u32 v29, v61;
	_ =	sdelay $0x2  }
0xc4: {  	v56 =	vshrl.u32 v48, $0x7  }
0xc5: {  	[tilespmem:$0x18400] =	vst v50;
	v50 =	vshll.u32 v56, $0x7  }
0xc6: {  	v52 =	vld.idx.msk [tilespmem:v63+s8+$0x0], $0xffff;
	(v2sf) =	vpush v50, $0x0  }
0xc7: {  	v57 =	vor.u32 v30, v61  }
0xc8: {  	(v2sf) =	vpush v50, $0x1;
	_ =	sdelay $0x2  }
0xc9: {  	(v2sf) =	vpush v50, $0x2;
	[tilespmem:$0x18410] =	vst v52  }
0xca: {  	v52 =	vld.idx.msk [tilespmem:v57+s8+$0x0], $0xffff  }
0xcb: {  	v51 =	vor.u32 v31, v61  }
0xcc: {  	(v2sf) =	vpush v50, $0x3;
	_ =	sdelay $0x2  }
0xcd: {  	[tilespmem:$0x18420] =	vst v52  }
0xce: {  	v51 =	vld.idx.msk [tilespmem:v51+s8+$0x0], $0xffff;
	_ =	sdelay $0x2  }
0xcf: {  	s29 =	spop (v2sf)  }
0xd0: {  	s22 =	sand.u32 $0x1FFFFF80, s29  }
0xd1: {  	s30 =	spop (v2sf);
	[tilespmem:$0x18430] =	vst v51;
	s22 =	sadd.s32 s0, s22  }
0xd2: {  	[tilespmem:s12], [sflag:$0x1] =	stream.strided.gather [hbm4b:s22+s6], $0x2000, s7, s6, $0x38;
	[tilespmem:$0x19080] =	vst v63  }
0xd3: {  	s22 =	sand.u32 $0x1FFFFF80, s30  }
0xd4: {  	s31 =	spop (v2sf);
	s22 =	sadd.s32 s0, s22  }
0xd5: {  	[tilespmem:s13], [sflag:$0x1] =	stream.strided.gather [hbm4b:s22+s6], $0x2000, s7, s6, $0x38;
	[tilespmem:$0x19080] =	vst v63  }
0xd6: {  	s22 =	sand.u32 $0x1FFFFF80, s31  }
0xd7: {  	s23 =	spop (v2sf);
	s22 =	sadd.s32 s0, s22  }
0xd8: {  	[tilespmem:s14], [sflag:$0x1] =	stream.strided.gather [hbm4b:s22+s6], $0x2000, s7, s6, $0x38;
	[tilespmem:$0x19080] =	vst v63  }
0xd9: {  	s22 =	sand.u32 $0x1FFFFF80, s23  }
0xda: {  	s22 =	sadd.s32 s0, s22  }
0xdb: {  	[tilespmem:s15], [sflag:$0x1] =	stream.strided.gather [hbm4b:s22+s6], $0x2000, s7, s6, $0x38;
	[tilespmem:$0x19080] =	vst v63  }
0xdc: {  	_ =	swait.ge [sflag:s20], $0x2000  }
0xdd: {  	[sflag:s20] =	ssyncset.done $0x0  }
0xde: {  	[sflag:s20] =	ssyncadd.s32 $0xFFFFE000  }
0xdf: {  	_ =	swait.ge [sflag:s20], $0x2000  }
0xe0: {  	[sflag:s20] =	ssyncset.done $0x0  }
0xe1: {  	v58 =	vbroadcast v49, $0x8;
	[sflag:s20] =	ssyncadd.s32 $0xFFFFE000  }
0xe2: {  	_ =	swait.ge [sflag:s20], $0x2000  }
0xe3: {  	v59 =	vor.u32 v32, v58;
	[sflag:s20] =	ssyncset.done $0x0  }
0xe4: {  	[sflag:s20] =	ssyncadd.s32 $0xFFFFE000  }
0xe5: {  	_ =	swait.ge [sflag:s20], $0x2000  }
0xe6: {  	[sflag:s20] =	ssyncset.done $0x0  }
0xe7: {  	[sflag:s20] =	ssyncadd.s32 $0xFFFFE000  }
0xe8: {  	v52 =	vld.idx.msk [tilespmem:v59+s8+$0x0], $0xffff  }
0xe9: {  	v60 =	vor.u32 v33, v58;
	_ =	sdelay $0x3  }
0xea: {  	[tilespmem:$0x18480] =	vst v52  }
0xeb: {  	v52 =	vld.idx.msk [tilespmem:v60+s8+$0x0], $0xffff  }
0xec: {  	v61 =	vor.u32 v34, v58;
	_ =	sdelay $0x3  }
0xed: {  	[tilespmem:$0x18490] =	vst v52  }
0xee: {  	v52 =	vld.idx.msk [tilespmem:v61+s8+$0x0], $0xffff  }
0xef: {  	v51 =	vor.u32 v35, v58;
	_ =	sdelay $0x3  }
0xf0: {  	v62 =	vbroadcast v49, $0x9;
	[tilespmem:$0x184A0] =	vst v52  }
0xf1: {  	v51 =	vld.idx.msk [tilespmem:v51+s8+$0x0], $0xffff  }
0xf2: {  	v63 =	vor.u32 v36, v62;
	_ =	sdelay $0x3  }
0xf3: {  	[tilespmem:$0x184B0] =	vst v51  }
0xf4: {  	v51 =	vld.idx.msk [tilespmem:v63+s8+$0x0], $0xffff  }
0xf5: {  	v56 =	vor.u32 v37, v62;
	_ =	sdelay $0x3  }
0xf6: {  	[tilespmem:$0x18500] =	vst v51  }
0xf7: {  	v51 =	vld.idx.msk [tilespmem:v56+s8+$0x0], $0xffff  }
0xf8: {  	v57 =	vor.u32 v38, v62;
	_ =	sdelay $0x3  }
0xf9: {  	[tilespmem:$0x18510] =	vst v51  }
0xfa: {  	v51 =	vld.idx.msk [tilespmem:v57+s8+$0x0], $0xffff  }
0xfb: {  	v52 =	vor.u32 v39, v62;
	_ =	sdelay $0x3  }
0xfc: {  	v58 =	vbroadcast v49, $0xA;
	[tilespmem:$0x18520] =	vst v51  }
0xfd: {  	v52 =	vld.idx.msk [tilespmem:v52+s8+$0x0], $0xffff  }
0xfe: {  	v59 =	vor.u32 v40, v58;
	_ =	sdelay $0x3  }
0xff: {  	[tilespmem:$0x18530] =	vst v52  }
0x100: {  	v52 =	vld.idx.msk [tilespmem:v59+s8+$0x0], $0xffff  }
0x101: {  	v60 =	vor.u32 v41, v58;
	_ =	sdelay $0x3  }
0x102: {  	[tilespmem:$0x18580] =	vst v52  }
0x103: {  	v52 =	vld.idx.msk [tilespmem:v60+s8+$0x0], $0xffff  }
0x104: {  	v61 =	vor.u32 v42, v58;
	_ =	sdelay $0x3  }
0x105: {  	[tilespmem:$0x18590] =	vst v52  }
0x106: {  	v52 =	vld.idx.msk [tilespmem:v61+s8+$0x0], $0xffff  }
0x107: {  	v51 =	vor.u32 v43, v58;
	_ =	sdelay $0x3  }
0x108: {  	v62 =	vbroadcast v49, $0xB;
	[tilespmem:$0x185A0] =	vst v52  }
0x109: {  	v51 =	vld.idx.msk [tilespmem:v51+s8+$0x0], $0xffff  }
0x10a: {  	v63 =	vor.u32 v44, v62;
	_ =	sdelay $0x3  }
0x10b: {  	[tilespmem:$0x185B0] =	vst v51  }
0x10c: {  	v51 =	vld.idx.msk [tilespmem:v63+s8+$0x0], $0xffff  }
0x10d: {  	v56 =	vor.u32 v45, v62;
	_ =	sdelay $0x3  }
0x10e: {  	[tilespmem:$0x18600] =	vst v51  }
0x10f: {  	(v2sf) =	vpush v50, $0x4;
	v51 =	vld.idx.msk [tilespmem:v56+s8+$0x0], $0xffff  }
0x110: {  	v57 =	vor.u32 v46, v62  }
0x111: {  	(v2sf) =	vpush v50, $0x5;
	_ =	sdelay $0x2  }
0x112: {  	(v2sf) =	vpush v50, $0x6;
	[tilespmem:$0x18610] =	vst v51  }
0x113: {  	v51 =	vld.idx.msk [tilespmem:v57+s8+$0x0], $0xffff  }
0x114: {  	v52 =	vor.u32 v47, v62  }
0x115: {  	(v2sf) =	vpush v50, $0x7;
	_ =	sdelay $0x2  }
0x116: {  	[tilespmem:$0x18620] =	vst v51  }
0x117: {  	v51 =	vld.idx.msk [tilespmem:v52+s8+$0x0], $0xffff;
	_ =	sdelay $0x2  }
0x118: {  	s24 =	spop (v2sf)  }
0x119: {  	s22 =	sand.u32 $0x1FFFFF80, s24  }
0x11a: {  	s25 =	spop (v2sf);
	s22 =	sadd.s32 s0, s22;
	[tilespmem:$0x18630] =	vst v51  }
0x11b: {  	[tilespmem:s16], [sflag:$0x1] =	stream.strided.gather [hbm4b:s22+s6], $0x2000, s7, s6, $0x38;
	[tilespmem:$0x19080] =	vst v63  }
0x11c: {  	s22 =	sand.u32 $0x1FFFFF80, s25  }
0x11d: {  	s26 =	spop (v2sf);
	s22 =	sadd.s32 s0, s22  }
0x11e: {  	[tilespmem:s17], [sflag:$0x1] =	stream.strided.gather [hbm4b:s22+s6], $0x2000, s7, s6, $0x38;
	[tilespmem:$0x19080] =	vst v63  }
0x11f: {  	s22 =	sand.u32 $0x1FFFFF80, s26  }
0x120: {  	s28 =	spop (v2sf);
	s22 =	sadd.s32 s0, s22  }
0x121: {  	[tilespmem:s18], [sflag:$0x1] =	stream.strided.gather [hbm4b:s22+s6], $0x2000, s7, s6, $0x38;
	[tilespmem:$0x19080] =	vst v63  }
0x122: {  	s22 =	sand.u32 $0x1FFFFF80, s28  }
0x123: {  	s22 =	sadd.s32 s0, s22  }
0x124: {  	[tilespmem:s19], [sflag:$0x1] =	stream.strided.gather [hbm4b:s22+s6], $0x2000, s7, s6, $0x38;
	[tilespmem:$0x19080] =	vst v63  }
0x125: {  	_ =	swait.ge [sflag:s20], $0x2000  }
0x126: {  	[sflag:s20] =	ssyncset.done $0x0  }
0x127: {  	[sflag:s20] =	ssyncadd.s32 $0xFFFFE000  }
0x128: {  	_ =	swait.ge [sflag:s20], $0x2000  }
0x129: {  	[sflag:s20] =	ssyncset.done $0x0  }
0x12a: {  	v58 =	vbroadcast v49, $0xC;
	[sflag:s20] =	ssyncadd.s32 $0xFFFFE000  }
0x12b: {  	_ =	swait.ge [sflag:s20], $0x2000  }
0x12c: {  	v59 =	vor.u32 v0, v58;
	[sflag:s20] =	ssyncset.done $0x0  }
0x12d: {  	[sflag:s20] =	ssyncadd.s32 $0xFFFFE000  }
0x12e: {  	_ =	swait.ge [sflag:s20], $0x2000  }
0x12f: {  	[sflag:s20] =	ssyncset.done $0x0  }
0x130: {  	[sflag:s20] =	ssyncadd.s32 $0xFFFFE000  }
0x131: {  	v52 =	vld.idx.msk [tilespmem:v59+s8+$0x0], $0xffff  }
0x132: {  	v60 =	vor.u32 v1, v58;
	_ =	sdelay $0x3  }
0x133: {  	[tilespmem:$0x18680] =	vst v52  }
0x134: {  	v52 =	vld.idx.msk [tilespmem:v60+s8+$0x0], $0xffff  }
0x135: {  	v61 =	vor.u32 v2, v58;
	_ =	sdelay $0x3  }
0x136: {  	[tilespmem:$0x18690] =	vst v52  }
0x137: {  	v52 =	vld.idx.msk [tilespmem:v61+s8+$0x0], $0xffff  }
0x138: {  	v51 =	vor.u32 v3, v58;
	_ =	sdelay $0x3  }
0x139: {  	v62 =	vbroadcast v49, $0xD;
	[tilespmem:$0x186A0] =	vst v52  }
0x13a: {  	v51 =	vld.idx.msk [tilespmem:v51+s8+$0x0], $0xffff  }
0x13b: {  	v63 =	vor.u32 v4, v62;
	_ =	sdelay $0x3  }
0x13c: {  	[tilespmem:$0x186B0] =	vst v51  }
0x13d: {  	v51 =	vld.idx.msk [tilespmem:v63+s8+$0x0], $0xffff  }
0x13e: {  	v56 =	vor.u32 v5, v62;
	_ =	sdelay $0x3  }
0x13f: {  	[tilespmem:$0x18700] =	vst v51  }
0x140: {  	v51 =	vld.idx.msk [tilespmem:v56+s8+$0x0], $0xffff  }
0x141: {  	v57 =	vor.u32 v6, v62;
	_ =	sdelay $0x3  }
0x142: {  	[tilespmem:$0x18710] =	vst v51  }
0x143: {  	v51 =	vld.idx.msk [tilespmem:v57+s8+$0x0], $0xffff  }
0x144: {  	v52 =	vor.u32 v7, v62;
	_ =	sdelay $0x3  }
0x145: {  	v58 =	vbroadcast v49, $0xE;
	[tilespmem:$0x18720] =	vst v51  }
0x146: {  	v52 =	vld.idx.msk [tilespmem:v52+s8+$0x0], $0xffff  }
0x147: {  	v59 =	vor.u32 v8, v58;
	_ =	sdelay $0x3  }
0x148: {  	[tilespmem:$0x18730] =	vst v52  }
0x149: {  	v52 =	vld.idx.msk [tilespmem:v59+s8+$0x0], $0xffff  }
0x14a: {  	v60 =	vor.u32 v9, v58;
	_ =	sdelay $0x3  }
0x14b: {  	[tilespmem:$0x18780] =	vst v52  }
0x14c: {  	v52 =	vld.idx.msk [tilespmem:v60+s8+$0x0], $0xffff  }
0x14d: {  	v61 =	vor.u32 v10, v58;
	_ =	sdelay $0x3  }
0x14e: {  	[tilespmem:$0x18790] =	vst v52  }
0x14f: {  	v52 =	vld.idx.msk [tilespmem:v61+s8+$0x0], $0xffff  }
0x150: {  	v51 =	vor.u32 v11, v58;
	_ =	sdelay $0x3  }
0x151: {  	v49 =	vbroadcast v49, $0xF;
	[tilespmem:$0x187A0] =	vst v52  }
0x152: {  	v51 =	vld.idx.msk [tilespmem:v51+s8+$0x0], $0xffff  }
0x153: {  	v62 =	vor.u32 v12, v49;
	_ =	sdelay $0x3  }
0x154: {  	[tilespmem:$0x187B0] =	vst v51  }
0x155: {  	v51 =	vld.idx.msk [tilespmem:v62+s8+$0x0], $0xffff  }
0x156: {  	v63 =	vor.u32 v13, v49;
	_ =	sdelay $0x3  }
0x157: {  	[tilespmem:$0x18800] =	vst v51  }
0x158: {  	(v2sf) =	vpush v50, $0x8;
	v51 =	vld.idx.msk [tilespmem:v63+s8+$0x0], $0xffff  }
0x159: {  	v56 =	vor.u32 v14, v49  }
0x15a: {  	(v2sf) =	vpush v50, $0x9;
	_ =	sdelay $0x2  }
0x15b: {  	(v2sf) =	vpush v50, $0xA;
	[tilespmem:$0x18810] =	vst v51  }
0x15c: {  	v51 =	vld.idx.msk [tilespmem:v56+s8+$0x0], $0xffff  }
0x15d: {  	v49 =	vor.u32 v15, v49  }
0x15e: {  	(v2sf) =	vpush v50, $0xB;
	_ =	sdelay $0x2  }
0x15f: {  	[tilespmem:$0x18820] =	vst v51  }
0x160: {  	v49 =	vld.idx.msk [tilespmem:v49+s8+$0x0], $0xffff;
	_ =	sdelay $0x2  }
0x161: {  	s29 =	spop (v2sf)  }
0x162: {  	s22 =	sand.u32 $0x1FFFFF80, s29  }
0x163: {  	s30 =	spop (v2sf);
	s22 =	sadd.s32 s0, s22;
	[tilespmem:$0x18830] =	vst v49  }
0x164: {  	[tilespmem:s8], [sflag:$0x1] =	stream.strided.gather [hbm4b:s22+s6], $0x2000, s7, s6, $0x38;
	[tilespmem:$0x19080] =	vst v63  }
0x165: {  	s22 =	sand.u32 $0x1FFFFF80, s30  }
0x166: {  	s31 =	spop (v2sf);
	s22 =	sadd.s32 s0, s22  }
0x167: {  	[tilespmem:s9], [sflag:$0x1] =	stream.strided.gather [hbm4b:s22+s6], $0x2000, s7, s6, $0x38;
	[tilespmem:$0x19080] =	vst v63  }
0x168: {  	s22 =	sand.u32 $0x1FFFFF80, s31  }
0x169: {  	s23 =	spop (v2sf);
	s22 =	sadd.s32 s0, s22  }
0x16a: {  	[tilespmem:s10], [sflag:$0x1] =	stream.strided.gather [hbm4b:s22+s6], $0x2000, s7, s6, $0x38;
	[tilespmem:$0x19080] =	vst v63  }
0x16b: {  	s22 =	sand.u32 $0x1FFFFF80, s23  }
0x16c: {  	s22 =	sadd.s32 s0, s22  }
0x16d: {  	[tilespmem:s11], [sflag:$0x1] =	stream.strided.gather [hbm4b:s22+s6], $0x2000, s7, s6, $0x38;
	[tilespmem:$0x19080] =	vst v63  }
0x16e: {  	_ =	swait.ge [sflag:s20], $0x2000  }
0x16f: {  	[sflag:s20] =	ssyncset.done $0x0  }
0x170: {  	[sflag:s20] =	ssyncadd.s32 $0xFFFFE000  }
0x171: {  	_ =	swait.ge [sflag:s20], $0x2000  }
0x172: {  	v48 =	vand.u32 $0x7F, v48;
	[sflag:s20] =	ssyncset.done $0x0  }
0x173: {  	v57 =	vbroadcast v48, $0x0;
	[sflag:s20] =	ssyncadd.s32 $0xFFFFE000  }
0x174: {  	_ =	swait.ge [sflag:s20], $0x2000  }
0x175: {  	v58 =	vor.u32 v16, v57;
	[sflag:s20] =	ssyncset.done $0x0  }
0x176: {  	[sflag:s20] =	ssyncadd.s32 $0xFFFFE000  }
0x177: {  	_ =	swait.ge [sflag:s20], $0x2000  }
0x178: {  	[sflag:s20] =	ssyncset.done $0x0  }
0x179: {  	[sflag:s20] =	ssyncadd.s32 $0xFFFFE000  }
0x17a: {  	v51 =	vld.idx.msk [tilespmem:v58+s8+$0x0], $0xffff  }
0x17b: {  	v59 =	vor.u32 v17, v57;
	_ =	sdelay $0x3  }
0x17c: {  	[tilespmem:$0x18880] =	vst v51  }
0x17d: {  	v51 =	vld.idx.msk [tilespmem:v59+s8+$0x0], $0xffff  }
0x17e: {  	v60 =	vor.u32 v18, v57;
	_ =	sdelay $0x3  }
0x17f: {  	[tilespmem:$0x18890] =	vst v51  }
0x180: {  	v51 =	vld.idx.msk [tilespmem:v60+s8+$0x0], $0xffff  }
0x181: {  	v49 =	vor.u32 v19, v57;
	_ =	sdelay $0x3  }
0x182: {  	v61 =	vbroadcast v48, $0x1;
	[tilespmem:$0x188A0] =	vst v51  }
0x183: {  	v49 =	vld.idx.msk [tilespmem:v49+s8+$0x0], $0xffff  }
0x184: {  	v62 =	vor.u32 v20, v61;
	_ =	sdelay $0x3  }
0x185: {  	[tilespmem:$0x188B0] =	vst v49  }
0x186: {  	v49 =	vld.idx.msk [tilespmem:v62+s8+$0x0], $0xffff  }
0x187: {  	v63 =	vor.u32 v21, v61;
	_ =	sdelay $0x3  }
0x188: {  	[tilespmem:$0x18900] =	vst v49  }
0x189: {  	v49 =	vld.idx.msk [tilespmem:v63+s8+$0x0], $0xffff  }
0x18a: {  	v56 =	vor.u32 v22, v61;
	_ =	sdelay $0x3  }
0x18b: {  	[tilespmem:$0x18910] =	vst v49  }
0x18c: {  	v49 =	vld.idx.msk [tilespmem:v56+s8+$0x0], $0xffff  }
0x18d: {  	v51 =	vor.u32 v23, v61;
	_ =	sdelay $0x3  }
0x18e: {  	v57 =	vbroadcast v48, $0x2;
	[tilespmem:$0x18920] =	vst v49  }
0x18f: {  	v51 =	vld.idx.msk [tilespmem:v51+s8+$0x0], $0xffff  }
0x190: {  	v58 =	vor.u32 v24, v57;
	_ =	sdelay $0x3  }
0x191: {  	[tilespmem:$0x18930] =	vst v51  }
0x192: {  	v51 =	vld.idx.msk [tilespmem:v58+s8+$0x0], $0xffff  }
0x193: {  	v59 =	vor.u32 v25, v57;
	_ =	sdelay $0x3  }
0x194: {  	[tilespmem:$0x18980] =	vst v51  }
0x195: {  	v51 =	vld.idx.msk [tilespmem:v59+s8+$0x0], $0xffff  }
0x196: {  	v60 =	vor.u32 v26, v57;
	_ =	sdelay $0x3  }
0x197: {  	[tilespmem:$0x18990] =	vst v51  }
0x198: {  	v51 =	vld.idx.msk [tilespmem:v60+s8+$0x0], $0xffff  }
0x199: {  	v49 =	vor.u32 v27, v57;
	_ =	sdelay $0x3  }
0x19a: {  	v61 =	vbroadcast v48, $0x3;
	[tilespmem:$0x189A0] =	vst v51  }
0x19b: {  	v49 =	vld.idx.msk [tilespmem:v49+s8+$0x0], $0xffff  }
0x19c: {  	v62 =	vor.u32 v28, v61;
	_ =	sdelay $0x3  }
0x19d: {  	[tilespmem:$0x189B0] =	vst v49  }
0x19e: {  	v49 =	vld.idx.msk [tilespmem:v62+s8+$0x0], $0xffff  }
0x19f: {  	v63 =	vor.u32 v29, v61;
	_ =	sdelay $0x3  }
0x1a0: {  	[tilespmem:$0x18A00] =	vst v49  }
0x1a1: {  	(v2sf) =	vpush v50, $0xC;
	v49 =	vld.idx.msk [tilespmem:v63+s8+$0x0], $0xffff  }
0x1a2: {  	(v2sf) =	vpush v50, $0xD;
	v56 =	vor.u32 v30, v61  }
0x1a3: {  	(v2sf) =	vpush v50, $0xE;
	_ =	sdelay $0x2  }
0x1a4: {  	[tilespmem:$0x18A10] =	vst v49  }
0x1a5: {  	(v2sf) =	vpush v50, $0xF;
	v49 =	vld.idx.msk [tilespmem:v56+s8+$0x0], $0xffff  }
0x1a6: {  	v51 =	vor.u32 v31, v61;
	_ =	sdelay $0x3  }
0x1a7: {  	[tilespmem:$0x18A20] =	vst v49  }
0x1a8: {  	v49 =	vld.idx.msk [tilespmem:v51+s8+$0x0], $0xffff;
	_ =	sdelay $0x2  }
0x1a9: {  	s24 =	spop (v2sf)  }
0x1aa: {  	s22 =	sand.u32 $0x1FFFFF80, s24;
	s23 =	spop (v2sf)  }
0x1ab: {  	s22 =	sadd.s32 s0, s22;
	s25 =	sand.u32 $0x1FFFFF80, s23;
	s26 =	spop (v2sf);
	[tilespmem:$0x18A30] =	vst v49  }
0x1ac: {  	[tilespmem:s12], [sflag:$0x1] =	stream.strided.gather [hbm4b:s22+s6], $0x2000, s7, s6, $0x38;
	[tilespmem:$0x19080] =	vst v63  }
0x1ad: {  	s28 =	sand.u32 $0x1FFFFF80, s26;
	s22 =	sadd.s32 s0, s25  }
0x1ae: {  	[tilespmem:s13], [sflag:$0x1] =	stream.strided.gather [hbm4b:s22+s6], $0x2000, s7, s6, $0x38;
	[tilespmem:$0x19080] =	vst v63  }
0x1af: {  	s29 =	spop (v2sf);
	s22 =	sadd.s32 s0, s28  }
0x1b0: {  	[tilespmem:s14], [sflag:$0x1] =	stream.strided.gather [hbm4b:s22+s6], $0x2000, s7, s6, $0x38;
	[tilespmem:$0x19080] =	vst v63  }
0x1b1: {  	s22 =	sand.u32 $0x1FFFFF80, s29  }
0x1b2: {  	s22 =	sadd.s32 s0, s22  }
0x1b3: {  	[tilespmem:s15], [sflag:$0x1] =	stream.strided.gather [hbm4b:s22+s6], $0x2000, s7, s6, $0x38;
	[tilespmem:$0x19080] =	vst v63  }
0x1b4: {  	_ =	swait.ge [sflag:s20], $0x2000  }
0x1b5: {  	[sflag:s20] =	ssyncset.done $0x0  }
0x1b6: {  	[sflag:s20] =	ssyncadd.s32 $0xFFFFE000  }
0x1b7: {  	_ =	swait.ge [sflag:s20], $0x2000  }
0x1b8: {  	[sflag:s20] =	ssyncset.done $0x0  }
0x1b9: {  	v57 =	vbroadcast v48, $0x4;
	[sflag:s20] =	ssyncadd.s32 $0xFFFFE000  }
0x1ba: {  	_ =	swait.ge [sflag:s20], $0x2000  }
0x1bb: {  	v58 =	vor.u32 v32, v57;
	[sflag:s20] =	ssyncset.done $0x0  }
0x1bc: {  	[sflag:s20] =	ssyncadd.s32 $0xFFFFE000  }
0x1bd: {  	_ =	swait.ge [sflag:s20], $0x2000  }
0x1be: {  	[sflag:s20] =	ssyncset.done $0x0  }
0x1bf: {  	[sflag:s20] =	ssyncadd.s32 $0xFFFFE000  }
0x1c0: {  	v50 =	vld.idx.msk [tilespmem:v58+s8+$0x0], $0xffff  }
0x1c1: {  	v59 =	vor.u32 v33, v57;
	_ =	sdelay $0x3  }
0x1c2: {  	[tilespmem:$0x18A80] =	vst v50  }
0x1c3: {  	v50 =	vld.idx.msk [tilespmem:v59+s8+$0x0], $0xffff  }
0x1c4: {  	v60 =	vor.u32 v34, v57;
	_ =	sdelay $0x3  }
0x1c5: {  	[tilespmem:$0x18A90] =	vst v50  }
0x1c6: {  	v50 =	vld.idx.msk [tilespmem:v60+s8+$0x0], $0xffff  }
0x1c7: {  	v49 =	vor.u32 v35, v57;
	_ =	sdelay $0x3  }
0x1c8: {  	v61 =	vbroadcast v48, $0x5;
	[tilespmem:$0x18AA0] =	vst v50  }
0x1c9: {  	v49 =	vld.idx.msk [tilespmem:v49+s8+$0x0], $0xffff  }
0x1ca: {  	v62 =	vor.u32 v36, v61;
	_ =	sdelay $0x3  }
0x1cb: {  	[tilespmem:$0x18AB0] =	vst v49  }
0x1cc: {  	v49 =	vld.idx.msk [tilespmem:v62+s8+$0x0], $0xffff  }
0x1cd: {  	v63 =	vor.u32 v37, v61;
	_ =	sdelay $0x3  }
0x1ce: {  	[tilespmem:$0x18B00] =	vst v49  }
0x1cf: {  	v49 =	vld.idx.msk [tilespmem:v63+s8+$0x0], $0xffff  }
0x1d0: {  	v54 =	vor.u32 v38, v61;
	_ =	sdelay $0x3  }
0x1d1: {  	[tilespmem:$0x18B10] =	vst v49  }
0x1d2: {  	v49 =	vld.idx.msk [tilespmem:v54+s8+$0x0], $0xffff  }
0x1d3: {  	v50 =	vor.u32 v39, v61;
	_ =	sdelay $0x3  }
0x1d4: {  	v55 =	vbroadcast v48, $0x6;
	[tilespmem:$0x18B20] =	vst v49  }
0x1d5: {  	v50 =	vld.idx.msk [tilespmem:v50+s8+$0x0], $0xffff  }
0x1d6: {  	v56 =	vor.u32 v40, v55;
	_ =	sdelay $0x3  }
0x1d7: {  	[tilespmem:$0x18B30] =	vst v50  }
0x1d8: {  	v50 =	vld.idx.msk [tilespmem:v56+s8+$0x0], $0xffff  }
0x1d9: {  	v57 =	vor.u32 v41, v55;
	_ =	sdelay $0x3  }
0x1da: {  	[tilespmem:$0x18B80] =	vst v50  }
0x1db: {  	v50 =	vld.idx.msk [tilespmem:v57+s8+$0x0], $0xffff  }
0x1dc: {  	v58 =	vor.u32 v42, v55;
	_ =	sdelay $0x3  }
0x1dd: {  	[tilespmem:$0x18B90] =	vst v50  }
0x1de: {  	v50 =	vld.idx.msk [tilespmem:v58+s8+$0x0], $0xffff  }
0x1df: {  	v49 =	vor.u32 v43, v55;
	_ =	sdelay $0x3  }
0x1e0: {  	v59 =	vbroadcast v48, $0x7;
	[tilespmem:$0x18BA0] =	vst v50  }
0x1e1: {  	v49 =	vld.idx.msk [tilespmem:v49+s8+$0x0], $0xffff  }
0x1e2: {  	v60 =	vor.u32 v44, v59;
	_ =	sdelay $0x3  }
0x1e3: {  	[tilespmem:$0x18BB0] =	vst v49  }
0x1e4: {  	v49 =	vld.idx.msk [tilespmem:v60+s8+$0x0], $0xffff  }
0x1e5: {  	v61 =	vor.u32 v45, v59;
	_ =	sdelay $0x3  }
0x1e6: {  	[tilespmem:$0x18C00] =	vst v49  }
0x1e7: {  	v49 =	vld.idx.msk [tilespmem:v61+s8+$0x0], $0xffff  }
0x1e8: {  	v62 =	vor.u32 v46, v59;
	_ =	sdelay $0x3  }
0x1e9: {  	[tilespmem:$0x18C10] =	vst v49  }
0x1ea: {  	v49 =	vld.idx.msk [tilespmem:v62+s8+$0x0], $0xffff  }
0x1eb: {  	v50 =	vor.u32 v47, v59;
	_ =	sdelay $0x3  }
0x1ec: {  	[tilespmem:$0x18C20] =	vst v49  }
0x1ed: {  	v49 =	vld.idx.msk [tilespmem:v50+s8+$0x0], $0xffff;
	_ =	sdelay $0x4  }
0x1ee: {  	[tilespmem:$0x18C30] =	vst v49  }
0x1ef: {  	_ =	swait.ge [sflag:s20], $0x2000  }
0x1f0: {  	[sflag:s20] =	ssyncset.done $0x0  }
0x1f1: {  	[sflag:s20] =	ssyncadd.s32 $0xFFFFE000  }
0x1f2: {  	_ =	swait.ge [sflag:s20], $0x2000  }
0x1f3: {  	[sflag:s20] =	ssyncset.done $0x0  }
0x1f4: {  	v63 =	vbroadcast v48, $0x8;
	[sflag:s20] =	ssyncadd.s32 $0xFFFFE000  }
0x1f5: {  	_ =	swait.ge [sflag:s20], $0x2000  }
0x1f6: {  	v54 =	vor.u32 v0, v63;
	[sflag:s20] =	ssyncset.done $0x0  }
0x1f7: {  	[sflag:s20] =	ssyncadd.s32 $0xFFFFE000  }
0x1f8: {  	_ =	swait.ge [sflag:s20], $0x2000  }
0x1f9: {  	[sflag:s20] =	ssyncset.done $0x0  }
0x1fa: {  	[sflag:s20] =	ssyncadd.s32 $0xFFFFE000  }
0x1fb: {  	v50 =	vld.idx.msk [tilespmem:v54+s8+$0x0], $0xffff  }
0x1fc: {  	v55 =	vor.u32 v1, v63;
	_ =	sdelay $0x3  }
0x1fd: {  	[tilespmem:$0x18C80] =	vst v50  }
0x1fe: {  	v50 =	vld.idx.msk [tilespmem:v55+s8+$0x0], $0xffff  }
0x1ff: {  	v56 =	vor.u32 v2, v63;
	_ =	sdelay $0x3  }
0x200: {  	[tilespmem:$0x18C90] =	vst v50  }
0x201: {  	v50 =	vld.idx.msk [tilespmem:v56+s8+$0x0], $0xffff  }
0x202: {  	v49 =	vor.u32 v3, v63;
	_ =	sdelay $0x3  }
0x203: {  	v57 =	vbroadcast v48, $0x9;
	[tilespmem:$0x18CA0] =	vst v50  }
0x204: {  	v49 =	vld.idx.msk [tilespmem:v49+s8+$0x0], $0xffff  }
0x205: {  	v58 =	vor.u32 v4, v57;
	_ =	sdelay $0x3  }
0x206: {  	[tilespmem:$0x18CB0] =	vst v49  }
0x207: {  	v49 =	vld.idx.msk [tilespmem:v58+s8+$0x0], $0xffff  }
0x208: {  	v59 =	vor.u32 v5, v57;
	_ =	sdelay $0x3  }
0x209: {  	[tilespmem:$0x18D00] =	vst v49  }
0x20a: {  	v49 =	vld.idx.msk [tilespmem:v59+s8+$0x0], $0xffff  }
0x20b: {  	v60 =	vor.u32 v6, v57;
	_ =	sdelay $0x3  }
0x20c: {  	[tilespmem:$0x18D10] =	vst v49  }
0x20d: {  	v49 =	vld.idx.msk [tilespmem:v60+s8+$0x0], $0xffff  }
0x20e: {  	v50 =	vor.u32 v7, v57;
	_ =	sdelay $0x3  }
0x20f: {  	v61 =	vbroadcast v48, $0xA;
	[tilespmem:$0x18D20] =	vst v49  }
0x210: {  	v50 =	vld.idx.msk [tilespmem:v50+s8+$0x0], $0xffff  }
0x211: {  	v62 =	vor.u32 v8, v61;
	_ =	sdelay $0x3  }
0x212: {  	[tilespmem:$0x18D30] =	vst v50  }
0x213: {  	v50 =	vld.idx.msk [tilespmem:v62+s8+$0x0], $0xffff  }
0x214: {  	v63 =	vor.u32 v9, v61;
	_ =	sdelay $0x3  }
0x215: {  	[tilespmem:$0x18D80] =	vst v50  }
0x216: {  	v50 =	vld.idx.msk [tilespmem:v63+s8+$0x0], $0xffff  }
0x217: {  	v54 =	vor.u32 v10, v61;
	_ =	sdelay $0x3  }
0x218: {  	[tilespmem:$0x18D90] =	vst v50  }
0x219: {  	v50 =	vld.idx.msk [tilespmem:v54+s8+$0x0], $0xffff  }
0x21a: {  	v49 =	vor.u32 v11, v61;
	_ =	sdelay $0x3  }
0x21b: {  	v55 =	vbroadcast v48, $0xB;
	[tilespmem:$0x18DA0] =	vst v50  }
0x21c: {  	v49 =	vld.idx.msk [tilespmem:v49+s8+$0x0], $0xffff  }
0x21d: {  	v56 =	vor.u32 v12, v55;
	_ =	sdelay $0x3  }
0x21e: {  	[tilespmem:$0x18DB0] =	vst v49  }
0x21f: {  	v49 =	vld.idx.msk [tilespmem:v56+s8+$0x0], $0xffff  }
0x220: {  	v57 =	vor.u32 v13, v55;
	_ =	sdelay $0x3  }
0x221: {  	[tilespmem:$0x18E00] =	vst v49  }
0x222: {  	v49 =	vld.idx.msk [tilespmem:v57+s8+$0x0], $0xffff  }
0x223: {  	v58 =	vor.u32 v14, v55;
	_ =	sdelay $0x3  }
0x224: {  	[tilespmem:$0x18E10] =	vst v49  }
0x225: {  	v49 =	vld.idx.msk [tilespmem:v58+s8+$0x0], $0xffff  }
0x226: {  	v50 =	vor.u32 v15, v55;
	_ =	sdelay $0x3  }
0x227: {  	[tilespmem:$0x18E20] =	vst v49  }
0x228: {  	v49 =	vld.idx.msk [tilespmem:v50+s8+$0x0], $0xffff;
	_ =	sdelay $0x4  }
0x229: {  	[tilespmem:$0x18E30] =	vst v49  }
0x22a: {  	_ =	swait.ge [sflag:s20], $0x2000  }
0x22b: {  	[sflag:s20] =	ssyncset.done $0x0  }
0x22c: {  	[sflag:s20] =	ssyncadd.s32 $0xFFFFE000  }
0x22d: {  	_ =	swait.ge [sflag:s20], $0x2000  }
0x22e: {  	[sflag:s20] =	ssyncset.done $0x0  }
0x22f: {  	v59 =	vbroadcast v48, $0xC;
	[sflag:s20] =	ssyncadd.s32 $0xFFFFE000  }
0x230: {  	_ =	swait.ge [sflag:s20], $0x2000  }
0x231: {  	v60 =	vor.u32 v16, v59;
	[sflag:s20] =	ssyncset.done $0x0  }
0x232: {  	[sflag:s20] =	ssyncadd.s32 $0xFFFFE000  }
0x233: {  	_ =	swait.ge [sflag:s20], $0x2000  }
0x234: {  	[sflag:s20] =	ssyncset.done $0x0  }
0x235: {  	[sflag:s20] =	ssyncadd.s32 $0xFFFFE000  }
0x236: {  	v50 =	vld.idx.msk [tilespmem:v60+s8+$0x0], $0xffff  }
0x237: {  	v61 =	vor.u32 v17, v59;
	_ =	sdelay $0x3  }
0x238: {  	[tilespmem:$0x18E80] =	vst v50  }
0x239: {  	v50 =	vld.idx.msk [tilespmem:v61+s8+$0x0], $0xffff  }
0x23a: {  	v62 =	vor.u32 v18, v59;
	_ =	sdelay $0x3  }
0x23b: {  	[tilespmem:$0x18E90] =	vst v50  }
0x23c: {  	v50 =	vld.idx.msk [tilespmem:v62+s8+$0x0], $0xffff  }
0x23d: {  	v49 =	vor.u32 v19, v59;
	_ =	sdelay $0x3  }
0x23e: {  	v63 =	vbroadcast v48, $0xD;
	[tilespmem:$0x18EA0] =	vst v50  }
0x23f: {  	v49 =	vld.idx.msk [tilespmem:v49+s8+$0x0], $0xffff  }
0x240: {  	v54 =	vor.u32 v20, v63;
	_ =	sdelay $0x3  }
0x241: {  	[tilespmem:$0x18EB0] =	vst v49  }
0x242: {  	v49 =	vld.idx.msk [tilespmem:v54+s8+$0x0], $0xffff  }
0x243: {  	v55 =	vor.u32 v21, v63;
	_ =	sdelay $0x3  }
0x244: {  	[tilespmem:$0x18F00] =	vst v49  }
0x245: {  	v49 =	vld.idx.msk [tilespmem:v55+s8+$0x0], $0xffff  }
0x246: {  	v56 =	vor.u32 v22, v63;
	_ =	sdelay $0x3  }
0x247: {  	[tilespmem:$0x18F10] =	vst v49  }
0x248: {  	v49 =	vld.idx.msk [tilespmem:v56+s8+$0x0], $0xffff  }
0x249: {  	v50 =	vor.u32 v23, v63;
	_ =	sdelay $0x3  }
0x24a: {  	v57 =	vbroadcast v48, $0xE;
	[tilespmem:$0x18F20] =	vst v49  }
0x24b: {  	v50 =	vld.idx.msk [tilespmem:v50+s8+$0x0], $0xffff  }
0x24c: {  	v58 =	vor.u32 v24, v57;
	_ =	sdelay $0x3  }
0x24d: {  	[tilespmem:$0x18F30] =	vst v50  }
0x24e: {  	v50 =	vld.idx.msk [tilespmem:v58+s8+$0x0], $0xffff  }
0x24f: {  	v59 =	vor.u32 v25, v57;
	_ =	sdelay $0x3  }
0x250: {  	[tilespmem:$0x18F80] =	vst v50  }
0x251: {  	v50 =	vld.idx.msk [tilespmem:v59+s8+$0x0], $0xffff  }
0x252: {  	v60 =	vor.u32 v26, v57;
	_ =	sdelay $0x3  }
0x253: {  	[tilespmem:$0x18F90] =	vst v50  }
0x254: {  	v50 =	vld.idx.msk [tilespmem:v60+s8+$0x0], $0xffff  }
0x255: {  	v49 =	vor.u32 v27, v57;
	_ =	sdelay $0x3  }
0x256: {  	v48 =	vbroadcast v48, $0xF;
	[tilespmem:$0x18FA0] =	vst v50  }
0x257: {  	v49 =	vld.idx.msk [tilespmem:v49+s8+$0x0], $0xffff  }
0x258: {  	v61 =	vor.u32 v28, v48;
	_ =	sdelay $0x3  }
0x259: {  	[tilespmem:$0x18FB0] =	vst v49  }
0x25a: {  	v49 =	vld.idx.msk [tilespmem:v61+s8+$0x0], $0xffff  }
0x25b: {  	v62 =	vor.u32 v29, v48;
	_ =	sdelay $0x3  }
0x25c: {  	[tilespmem:$0x19000] =	vst v49  }
0x25d: {  	v49 =	vld.idx.msk [tilespmem:v62+s8+$0x0], $0xffff  }
0x25e: {  	v63 =	vor.u32 v30, v48;
	_ =	sdelay $0x3  }
0x25f: {  	[tilespmem:$0x19010] =	vst v49  }
0x260: {  	v49 =	vld.idx.msk [tilespmem:v63+s8+$0x0], $0xffff  }
0x261: {  	v48 =	vor.u32 v31, v48;
	_ =	sdelay $0x3  }
0x262: {  	[tilespmem:$0x19020] =	vst v49  }
0x263: {  	v48 =	vld.idx.msk [tilespmem:v48+s8+$0x0], $0xffff;
	_ =	sdelay $0x3  }
0x264: {  	p0 =	sne.s32 s4, $0x1;
	s30 =	rddreg [dreg:$0x5]  }
.Ltmp0:
0x265: {  	s31 =	rddreg [dreg:$0x6];
	[tilespmem:$0x19030] =	vst v48;
	(pc) =	sbr.rel @p0 .LBB2_1-.Ltmp0, $4  }
0x266: {  	[hbm4b:s30+s3] =	stream.linear.scatter [tilespmem:s31], [sflag:$0x2], $0x1000, $0x38;
	[tilespmem:$0x19080] =	vst v63  }
0x267: {  	_ =	swait.ge [sflag:s21], $0x1000  }
0x268: {  	[sflag:s21] =	ssyncset.done $0x0  }
0x269: {  	s4 =	sadd.s32 $0xFFFFFFFF, s4;
	[sflag:s21] =	ssyncadd.s32 $0xFFFFF000  }
0x26a: {  	_ =	sfence.sel $0x180000  }
0x26b: {  	[bflag:$0x0] =	sbarrier.arrive $0xFFFF  }
0x26c: {  	p0 =	sne.s32 s2, $0x0;
	_ =	strace $0x90000047  }
0x26d: {  	s0 =	sadd.s32 @!p0 $0x100000, s1;
	[bflag:$0x2] =	sbarrier.arrive $0xFFFF  }
0x26e: {  	[sflag:s0] =	ssyncadd.tile.s32 @!p0 $0x1;
	_ =	shalt  }
.Lfunc_end2:
_tile_overlayer_lowered:
.L_overlay_start_2:
0x26f: {  	(tag) =	ssettag $0x2  }
0x270: {  	s0 =	rddreg [dreg:$0x0];
	s2 =	stileid.u32  }
0x271: {  	s1 =	rddreg [dreg:$0x1];
	p0 =	sne.s32 s2, $0x0  }
0x272: {  	s3 =	rddreg [dreg:$0x2];
	[bflag:$0x3] =	sbarrier.arrive $0xFFFF;
	s2 =	simm.s32 @!p0 $0x1C03  }
0x273: {  	[timem:s3], [sflag:s2] =	dma.local @!p0 [hbm:s0], s1  }
0x274: {  	s0 =	simm.s32 @!p0 $0x3  }
0x275: {  	_ =	swait.ge @!p0 [sflag:s0], s1  }
0x276: {  	s1 =	ssub.s32 @!p0 $0x0, s1;
	[sflag:s0] =	ssyncset.done @!p0 $0x0  }
0x277: {  	[sflag:s0] =	ssyncadd.s32 @!p0 s1  }
0x278: {  	[bflag:$0x3] =	sbarrier.arrive $0xFFFF  }
0x279: {  	_ =	shalt  }

</sc_bundles>
